<compile_context>
chip_gen: v7x
topology: tpu7x:2x2x1
jax: 0.10.2.dev20260603
libtpu: 0.0.44.dev20260713+nightly
codegen_flags: <defaults>
</compile_context>

<pallas_src>
import functools

import jax
import jax.numpy as jnp
from jax import lax
from jax.experimental import pallas as pl
from jax.experimental.pallas import tpu as pltpu
from jax.experimental.pallas import tpu_sc as plsc

D = 64
HOPS = 3
V = 100000
S = 50
B = 1024
SENT = 20
QLEN = 20

NCHUNK = 1
CB = B // NCHUNK

NC, NS, L = 2, 16, 16
NW = NC * NS
HALF = 500
HALF_PAD = 512
SENT_PER_HALF = HALF // SENT


def _pool_body(cb, story_hbm, query_hbm, emb_hbm, pooled_hbm, u0_hbm,
               idx_all, idxk_v, rows_v, pool_v, u0_v, sems, semw):
  b_per_w = cb // NW
  qw = b_per_w * QLEN
  qhb = b_per_w // 2
  units = b_per_w * (HOPS + 1) * 2

  cid = lax.axis_index("c")
  sid = lax.axis_index("s")
  wid = sid * NC + cid
  b0 = wid * b_per_w

  pltpu.sync_copy(story_hbm.at[pl.ds(b0, b_per_w)], idx_all)

  for h in range(2):
    pltpu.sync_copy(query_hbm.at[pl.ds(wid * qw + h * (qw // 2), qw // 2)],
                    idxk_v.at[0, pl.ds(0, qw // 2)])
    pltpu.async_copy(emb_hbm.at[idxk_v.at[0, pl.ds(0, qw // 2)]],
                     rows_v.at[0, pl.ds(0, qw // 2)], sems.at[0]).wait()

    def q_body(bi, _):
      base = bi * QLEN
      for c in range(D // L):
        acc = rows_v[0, base, pl.ds(c * L, L)]
        for j in range(1, QLEN):
          acc = acc + rows_v[0, base + j, pl.ds(c * L, L)]
        u0_v[bi, pl.ds(c * L, L)] = acc
      return _
    lax.fori_loop(0, qhb, q_body, None)
    pltpu.sync_copy(u0_v.at[pl.ds(0, qhb)],
                    u0_hbm.at[pl.ds(b0 + h * qhb, qhb)])

  def unit_body(n, _):
    par = lax.rem(n, 2)
    h = lax.rem(n, 2)
    k = lax.rem(n // 2, HOPS + 1)
    bi = n // (2 * (HOPS + 1))

    @pl.when(n < units)
    def _():
      off = (k * V).astype(jnp.int32)
      for p in range(2):
        @pl.when(par == p)
        def _():
          def addoff(i, c):
            idxk_v[p, pl.ds(i * L, L)] = idx_all[bi, h, pl.ds(i * L, L)] + off
            return c
          lax.fori_loop(0, HALF_PAD // L, addoff, None)
          pltpu.make_async_copy(emb_hbm.at[idxk_v.at[p]], rows_v.at[p],
                                sems.at[p]).start()

    @pl.when(n > 0)
    def _():
      m = n - 1
      mpar = lax.rem(m, 2)
      mh = lax.rem(m, 2)
      mk = lax.rem(m // 2, HOPS + 1)
      mbi = m // (2 * (HOPS + 1))
      q = lax.rem(m // 2, 2)
      for p in range(2):
        @pl.when(mpar == p)
        def _():
          pltpu.make_async_copy(emb_hbm.at[idxk_v.at[p]], rows_v.at[p],
                                sems.at[p]).wait()

          for pq in range(2):
            @pl.when((q == pq) & (mh == 0) & (m >= 4))
            def _():
              pltpu.make_async_copy(
                  pool_v.at[pq],
                  pooled_hbm.at[0, pl.ds(0, S // 2), pl.ds(0, 1)],
                  semw.at[pq]).wait()

          def sent_body(s, c):
            base = s * SENT
            g = mh * SENT_PER_HALF + s
            row = g // 2
            col0 = lax.rem(g, 2) * D
            for cc in range(D // L):
              acc = rows_v[p, base, pl.ds(cc * L, L)]
              for j in range(1, SENT):
                acc = acc + rows_v[p, base + j, pl.ds(cc * L, L)]
              pool_v[q, row, 0, pl.ds(col0 + cc * L, L)] = acc
            return c
          lax.fori_loop(0, SENT_PER_HALF, sent_body, None)

          @pl.when(mh == 1)
          def _():
            pltpu.make_async_copy(
                pool_v.at[q],
                pooled_hbm.at[mk, pl.ds(0, S // 2), pl.ds(b0 + mbi, 1)],
                semw.at[q]).start()
    return _

  lax.fori_loop(0, units + 1, unit_body, None)
  for pq in range(2):
    pltpu.make_async_copy(
        pool_v.at[pq], pooled_hbm.at[0, pl.ds(0, S // 2), pl.ds(0, 1)],
        semw.at[pq]).wait()


def _pool_call(story_idx, query_flat, emb_flat):
  cb = story_idx.shape[0]
  mesh = plsc.VectorSubcoreMesh(core_axis_name="c", subcore_axis_name="s",
                                num_cores=NC, num_subcores=NS)
  return pl.kernel(
      functools.partial(_pool_body, cb),
      out_type=(jax.ShapeDtypeStruct((HOPS + 1, S // 2, cb, 2 * D), jnp.float32),
                jax.ShapeDtypeStruct((cb, D), jnp.float32)),
      mesh=mesh,
      compiler_params=pltpu.CompilerParams(use_tc_tiling_on_sc=False),
      scratch_types=[
          pltpu.VMEM((cb // NW, 2, HALF_PAD), jnp.int32),
          pltpu.VMEM((2, HALF_PAD), jnp.int32),
          pltpu.VMEM((2, HALF_PAD, D), jnp.float32),
          pltpu.VMEM((2, S // 2, 1, 2 * D), jnp.float32),
          pltpu.VMEM((cb // NW, D), jnp.float32),
          pltpu.SemaphoreType.DMA((2,)),
          pltpu.SemaphoreType.DMA((2,)),
      ],
  )(story_idx, query_flat, emb_flat)


BT = 64


def _hops_body(pooled_ref, tp_ref, u0_ref, u_ref):
  u = u0_ref[...]
  for hop in range(HOPS):
    u2 = jnp.concatenate([u, u], axis=1)
    m = pooled_ref[hop] + tp_ref[hop][:, None, :]
    prod = m * u2[None, :, :]
    le = jnp.sum(prod[:, :, :D], axis=2)
    lo = jnp.sum(prod[:, :, D:], axis=2)
    mx = jnp.maximum(jnp.max(le, axis=0), jnp.max(lo, axis=0))
    ee = jnp.exp(le - mx[None, :])
    eo = jnp.exp(lo - mx[None, :])
    z = jnp.sum(ee, axis=0) + jnp.sum(eo, axis=0)
    pe = ee / z[None, :]
    po = eo / z[None, :]
    c = pooled_ref[hop + 1] + tp_ref[hop + 1][:, None, :]
    o = (jnp.sum(pe[:, :, None] * c[:, :, :D], axis=0)
         + jnp.sum(po[:, :, None] * c[:, :, D:], axis=0))
    u = u + o
  u_ref[...] = u


def _hops_call(pooled, t, u0):
  cb = u0.shape[0]
  return pl.pallas_call(
      _hops_body,
      grid=(cb // BT,),
      in_specs=[
          pl.BlockSpec((HOPS + 1, S // 2, BT, 2 * D), lambda i: (0, 0, i, 0)),
          pl.BlockSpec((HOPS + 1, S // 2, 2 * D), lambda i: (0, 0, 0)),
          pl.BlockSpec((BT, D), lambda i: (i, 0)),
      ],
      out_specs=pl.BlockSpec((BT, D), lambda i: (i, 0)),
      out_shape=jax.ShapeDtypeStruct((cb, D), jnp.float32),
  )(pooled, t, u0)


VT = 1024
NFULL = V // VT
TAIL = V - NFULL * VT
NVT = NFULL + 1


def _tile_logits(u_ref, w_ref):
  return lax.dot_general(u_ref[...], w_ref[0], (((1,), (1,)), ((), ())),
                         preferred_element_type=jnp.float32)


def _stats_body(u_ref, w_ref, wt_ref, l_ref, l_s):
  j = pl.program_id(0)

  def update(s):
    e = jnp.sum(jnp.exp(s), axis=1, keepdims=True)

    @pl.when(j == 0)
    def _():
      l_s[...] = e

    @pl.when(j > 0)
    def _():
      l_s[...] = l_s[...] + e

  @pl.when(j < NFULL)
  def _():
    update(_tile_logits(u_ref, w_ref))

  @pl.when(j == NFULL)
  def _():
    st = lax.dot_general(u_ref[...], wt_ref[...], (((1,), (1,)), ((), ())),
                         preferred_element_type=jnp.float32)
    update(st)
    l_ref[...] = l_s[...]


def _stats_call(u, emb, w_tail):
  cb = u.shape[0]
  return pl.pallas_call(
      _stats_body,
      grid=(NVT,),
      in_specs=[
          pl.BlockSpec((cb, D), lambda j: (0, 0)),
          pl.BlockSpec((1, VT, D), lambda j: (HOPS, jnp.minimum(j, NFULL - 1), 0)),
          pl.BlockSpec((TAIL, D), lambda j: (0, 0)),
      ],
      out_specs=pl.BlockSpec((cb, 1), lambda j: (0, 0)),
      out_shape=jax.ShapeDtypeStruct((cb, 1), jnp.float32),
      scratch_shapes=[pltpu.VMEM((cb, 1), jnp.float32)],
  )(u, emb, w_tail)


def _out_body(row0, cb, has_alias, *args):
  if has_alias:
    (_ahat_in, _soft_in, u_ref, w_ref, wt_ref, l_ref,
     ahat_hbm, soft_hbm, sa, ss, sat, sst, sem_a, sem_s, sem_t) = args
  else:
    (u_ref, w_ref, wt_ref, l_ref,
     ahat_hbm, soft_hbm, sa, ss, sat, sst, sem_a, sem_s, sem_t) = args
  j = pl.program_id(0)
  linv = 1.0 / l_ref[...]
  rows = pl.ds(row0, cb)

  @pl.when(j < NFULL)
  def _():
    s = _tile_logits(u_ref, w_ref)
    soft = jnp.exp(s) * linv
    for par in range(2):
      @pl.when(j % 2 == par)
      def _():
        @pl.when(j >= 2)
        def _():
          pltpu.make_async_copy(
              sa.at[par], ahat_hbm.at[rows, pl.ds((j - 2) * VT, VT)],
              sem_a.at[par]).wait()
          pltpu.make_async_copy(
              ss.at[par], soft_hbm.at[rows, pl.ds((j - 2) * VT, VT)],
              sem_s.at[par]).wait()
        sa[par] = s
        ss[par] = soft
        off = pl.multiple_of(j * VT, 128)
        pltpu.make_async_copy(
            sa.at[par], ahat_hbm.at[rows, pl.ds(off, VT)],
            sem_a.at[par]).start()
        pltpu.make_async_copy(
            ss.at[par], soft_hbm.at[rows, pl.ds(off, VT)],
            sem_s.at[par]).start()

  @pl.when(j == NFULL)
  def _():
    st = lax.dot_general(u_ref[...], wt_ref[...], (((1,), (1,)), ((), ())),
                         preferred_element_type=jnp.float32)
    sat[...] = st
    sst[...] = jnp.exp(st) * linv
    pltpu.make_async_copy(
        sat, ahat_hbm.at[rows, pl.ds(NFULL * VT, TAIL)], sem_t).start()
    pltpu.make_async_copy(
        sst, soft_hbm.at[rows, pl.ds(NFULL * VT, TAIL)], sem_t).start()
    for jj in (j - 2, j - 1):
      par = jj % 2
      pltpu.make_async_copy(
          sa.at[par], ahat_hbm.at[rows, pl.ds(jj * VT, VT)],
          sem_a.at[par]).wait()
      pltpu.make_async_copy(
          ss.at[par], soft_hbm.at[rows, pl.ds(jj * VT, VT)],
          sem_s.at[par]).wait()
    pltpu.make_async_copy(
        sat, ahat_hbm.at[rows, pl.ds(NFULL * VT, TAIL)], sem_t).wait()
    pltpu.make_async_copy(
        sst, soft_hbm.at[rows, pl.ds(NFULL * VT, TAIL)], sem_t).wait()


def _out_call(chunk, u, emb, w_tail, l, ahat_in=None, soft_in=None):
  cb = u.shape[0]
  row0 = chunk * cb
  has_alias = ahat_in is not None
  main_specs = [
      pl.BlockSpec((cb, D), lambda j: (0, 0)),
      pl.BlockSpec((1, VT, D), lambda j: (HOPS, jnp.minimum(j, NFULL - 1), 0)),
      pl.BlockSpec((TAIL, D), lambda j: (0, 0)),
      pl.BlockSpec((cb, 1), lambda j: (0, 0)),
  ]
  alias_specs = [pl.BlockSpec(memory_space=pl.ANY),
                 pl.BlockSpec(memory_space=pl.ANY)]
  in_specs = (alias_specs + main_specs) if has_alias else main_specs
  args = ([ahat_in, soft_in] if has_alias else []) + [u, emb, w_tail, l]
  return pl.pallas_call(
      functools.partial(_out_body, row0, cb, has_alias),
      grid=(NVT,),
      in_specs=in_specs,
      out_specs=[
          pl.BlockSpec(memory_space=pl.ANY),
          pl.BlockSpec(memory_space=pl.ANY),
      ],
      out_shape=[jax.ShapeDtypeStruct((B, V), jnp.float32),
                 jax.ShapeDtypeStruct((B, V), jnp.float32)],
      input_output_aliases={0: 0, 1: 1} if has_alias else {},
      scratch_shapes=[
          pltpu.VMEM((2, cb, VT), jnp.float32),
          pltpu.VMEM((2, cb, VT), jnp.float32),
          pltpu.VMEM((cb, TAIL), jnp.float32),
          pltpu.VMEM((cb, TAIL), jnp.float32),
          pltpu.SemaphoreType.DMA((2,)),
          pltpu.SemaphoreType.DMA((2,)),
          pltpu.SemaphoreType.DMA,
      ],
  )(*args)


def kernel(story, query, emb, T):
  flat = story.reshape(B, 2, HALF).astype(jnp.int32)
  story_idx = jnp.pad(flat, ((0, 0), (0, 0), (0, HALF_PAD - HALF)))
  query_flat = query.reshape(-1).astype(jnp.int32)
  emb_flat = emb.reshape((HOPS + 1) * V, D)
  w_tail = lax.slice(emb, (HOPS, NFULL * VT, 0), (HOPS + 1, V, D)).reshape(TAIL, D)

  pooled_u0 = []
  for c in range(NCHUNK):
    rows = slice(c * CB, (c + 1) * CB)
    pooled_u0.append(
        _pool_call(story_idx[rows],
                   query_flat[c * CB * QLEN:(c + 1) * CB * QLEN],
                   emb_flat))

  ahat = soft = None
  for c in range(NCHUNK):
    pooled_c, u0_c = pooled_u0[c]
    u_c = _hops_call(pooled_c, T.reshape(HOPS + 1, S // 2, 2 * D), u0_c)
    l_c = _stats_call(u_c, emb, w_tail)
    ahat, soft = _out_call(c, u_c, emb, w_tail, l_c, ahat, soft)
  return ahat, soft

# --- scband reference (transcript-rebuilt; emitter-appended) ---
"""Pipeline reference for scband-mem-n2-n-67791763800349 (READ-ONLY COPY).

The authoritative reference and input builder live on the scoring server;
editing this copy changes nothing except your own understanding.
"""

import jax, jax.numpy as jnp
import numpy as np

EMBED_DIM = 64
MAX_HOPS = 3
NUM_VOCAB = 100000
MAX_STORY_SIZE = 50
BATCH = 1024
SENT_LEN = 20
QUERY_LEN = 20


def setup_inputs(seed: int = 0) -> dict:
    key = jax.random.key(seed)
    k1, k2, k3, k4 = jax.random.split(key, 4)
    story = jax.random.randint(k1, (BATCH, MAX_STORY_SIZE, SENT_LEN), 0, NUM_VOCAB)
    query = jax.random.randint(k2, (BATCH, QUERY_LEN), 0, NUM_VOCAB)
    # max_hops + 1 embedding tables, each init normal(0, 0.1); stacked for convenience
    emb = 0.1 * jax.random.normal(k3, (MAX_HOPS + 1, NUM_VOCAB, EMBED_DIM), dtype=jnp.float32)
    # max_hops + 1 temporal encoding matrices, normal(0, 0.1)
    T = 0.1 * jax.random.normal(k4, (MAX_HOPS + 1, MAX_STORY_SIZE, EMBED_DIM), dtype=jnp.float32)
    return {"story": story, "query": query, "emb": emb, "T": T}


def reference(story, query, emb, T):
    # B = embeddings[0]; u1 = B(query); u = sum over words
    u = jnp.sum(emb[0][query], axis=1)  # [B, d]
    bsz = story.shape[0]
    flat = story.reshape(bsz, -1)  # [B, story*sent]
    for hop in range(MAX_HOPS):
        A = emb[hop]
        TA = T[hop]
        C = emb[hop + 1]
        TC = T[hop + 1]
        m = A[flat].reshape(story.shape + (EMBED_DIM,))  # [B, S, W, d]
        m = jnp.sum(m, axis=2) + TA  # [B, S, d]
        uTm = jnp.sum(m * u[:, None, :], axis=2)  # [B, S]
        proba = jax.nn.softmax(uTm, axis=1)  # legacy F.softmax on 2D -> dim=1
        c = C[flat].reshape(story.shape + (EMBED_DIM,))
        c = jnp.sum(c, axis=2) + TC  # [B, S, d]
        o = jnp.sum(proba[:, :, None] * c, axis=1)  # [B, d]
        u = u + o
    W = emb[MAX_HOPS]
    ahat = u @ W.T  # [B, vocab]
    return ahat, jax.nn.softmax(ahat, axis=1)

if __name__ == "__main__":
    import jax
    _d = setup_inputs()
    print(jax.jit(kernel)(*tuple(_d.values())))

</pallas_src>

<mosaic_0001>
#map = affine_map<(d0, d1) -> (0, 0, 0)>
#map1 = affine_map<(d0, d1) -> (0)>
#map2 = affine_map<(d0, d1) -> (0, 0)>
#map3 = affine_map<(d0, d1) -> (0, 0, 0, 0)>
module attributes {stable_mosaic.version = 14 : i64} {
  func.func @_pool_body(%arg0: i32, %arg1: i32, %arg2: memref<1024x2x512xi32, #tpu.memory_space<hbm>>, %arg3: memref<20480xi32, #tpu.memory_space<hbm>>, %arg4: memref<400000x64xf32, #tpu.memory_space<hbm>>, %arg5: memref<4x25x1024x128xf32, #tpu.memory_space<hbm>>, %arg6: memref<1024x64xf32, #tpu.memory_space<hbm>>, %arg7: memref<32x2x512xi32, #tpu.memory_space<vmem>>, %arg8: memref<2x512xi32, #tpu.memory_space<vmem>>, %arg9: memref<2x512x64xf32, #tpu.memory_space<vmem>>, %arg10: memref<2x25x1x128xf32, #tpu.memory_space<vmem>>, %arg11: memref<32x64xf32, #tpu.memory_space<vmem>>, %arg12: memref<2x!tpu.dma_semaphore, #tpu.memory_space<semaphore_mem>>, %arg13: memref<2x!tpu.dma_semaphore, #tpu.memory_space<semaphore_mem>>) attributes {dimension_semantics = [#tpu.dimension_semantics<core_parallel>, #tpu.dimension_semantics<subcore_parallel>], iteration_bounds = array<i64: 2, 16>, scalar_prefetch = 0 : i64, scratch_operands = 7 : i64, tpu.core_type = #tpu.core_type<sc_vector_subcore>, window_params = [{transform_indices = #map}, {transform_indices = #map1}, {transform_indices = #map2}, {transform_indices = #map3}, {transform_indices = #map2}]} {
    %mul3A = arith.constant 2 : i32
    %mul3A_0 = arith.muli %arg1, %mul3A : i32
    %add3A = arith.addi %mul3A_0, %arg0 : i32
    %mul3A_1 = arith.constant 32 : i32
    %mul3A_2 = arith.muli %add3A, %mul3A_1 : i32
    "tpu.region"() ({
      %run_scoped3A_138 = tpu.sem_alloc : memref<!tpu.dma_semaphore, #tpu.memory_space<semaphore_mem>>
      %dma_start3A_139 = arith.constant 0 : i32
      %dma_start3A_140 = arith.constant 0 : i32
      %dma_start3A_141 = tpu.memref_slice %arg2[%mul3A_2, %dma_start3A_139, %dma_start3A_140] : memref<1024x2x512xi32, #tpu.memory_space<hbm>> -> memref<32x2x512xi32, #tpu.memory_space<hbm>>
      %dma_start3A_142 = arith.constant 0 : i32
      %dma_start3A_143 = arith.constant 0 : i32
      %dma_start3A_144 = tpu.memref_slice %arg2[%mul3A_2, %dma_start3A_142, %dma_start3A_143] : memref<1024x2x512xi32, #tpu.memory_space<hbm>> -> memref<32x2x512xi32, #tpu.memory_space<hbm>>
      tpu.enqueue_dma source(%dma_start3A_144 : memref<32x2x512xi32, #tpu.memory_space<hbm>>) target(%arg7 : memref<32x2x512xi32, #tpu.memory_space<vmem>>) target_semaphore(%run_scoped3A_138 : memref<!tpu.dma_semaphore, #tpu.memory_space<semaphore_mem>>)
      %dma_wait3A_145 = arith.constant 0 : i32
      %dma_wait3A_146 = arith.constant 0 : i32
      %dma_wait3A_147 = tpu.memref_slice %arg2[%mul3A_2, %dma_wait3A_145, %dma_wait3A_146] : memref<1024x2x512xi32, #tpu.memory_space<hbm>> -> memref<32x2x512xi32, #tpu.memory_space<hbm>>
      %dma_wait3A_148 = arith.constant 0 : i32
      %dma_wait3A_149 = arith.constant 0 : i32
      %dma_wait3A_150 = tpu.memref_slice %arg2[%mul3A_2, %dma_wait3A_148, %dma_wait3A_149] : memref<1024x2x512xi32, #tpu.memory_space<hbm>> -> memref<32x2x512xi32, #tpu.memory_space<hbm>>
      tpu.wait_dma2 semaphore(%run_scoped3A_138 : memref<!tpu.dma_semaphore, #tpu.memory_space<semaphore_mem>>) src(%dma_wait3A_150 : memref<32x2x512xi32, #tpu.memory_space<hbm>>) dst(%arg7 : memref<32x2x512xi32, #tpu.memory_space<vmem>>)
      tpu.yield
    }) : () -> ()
    %mul3A_3 = arith.constant 640 : i32
    %mul3A_4 = arith.muli %add3A, %mul3A_3 : i32
    %add3A_5 = arith.constant 0 : i32
    %add3A_6 = arith.addi %mul3A_4, %add3A_5 : i32
    %run_scoped3A = arith.constant 0 : i32
    "tpu.region"() ({
      %run_scoped3A_138 = tpu.sem_alloc : memref<!tpu.dma_semaphore, #tpu.memory_space<semaphore_mem>>
      %dma_start3A_139 = arith.constant 0 : i32
      %dma_start3A_140 = tpu.memref_slice %arg8[%run_scoped3A, %dma_start3A_139] : memref<2x512xi32, #tpu.memory_space<vmem>> -> memref<1x320xi32, #tpu.memory_space<vmem>>
      %dma_start3A_141 = tpu.memref_squeeze %dma_start3A_140 : memref<1x320xi32, #tpu.memory_space<vmem>> -> memref<320xi32, #tpu.memory_space<vmem>>
      %dma_start3A_142 = tpu.memref_slice %arg3[%add3A_6] : memref<20480xi32, #tpu.memory_space<hbm>> -> memref<320xi32, #tpu.memory_space<hbm>>
      %dma_start3A_143 = arith.constant 0 : i32
      %dma_start3A_144 = tpu.memref_slice %arg8[%run_scoped3A, %dma_start3A_143] : memref<2x512xi32, #tpu.memory_space<vmem>> -> memref<1x320xi32, #tpu.memory_space<vmem>>
      %dma_start3A_145 = tpu.memref_squeeze %dma_start3A_144 : memref<1x320xi32, #tpu.memory_space<vmem>> -> memref<320xi32, #tpu.memory_space<vmem>>
      %dma_start3A_146 = tpu.memref_slice %arg3[%add3A_6] : memref<20480xi32, #tpu.memory_space<hbm>> -> memref<320xi32, #tpu.memory_space<hbm>>
      tpu.enqueue_dma source(%dma_start3A_146 : memref<320xi32, #tpu.memory_space<hbm>>) target(%dma_start3A_145 : memref<320xi32, #tpu.memory_space<vmem>>) target_semaphore(%run_scoped3A_138 : memref<!tpu.dma_semaphore, #tpu.memory_space<semaphore_mem>>)
      %dma_wait3A_147 = arith.constant 0 : i32
      %dma_wait3A_148 = tpu.memref_slice %arg8[%run_scoped3A, %dma_wait3A_147] : memref<2x512xi32, #tpu.memory_space<vmem>> -> memref<1x320xi32, #tpu.memory_space<vmem>>
      %dma_wait3A_149 = tpu.memref_squeeze %dma_wait3A_148 : memref<1x320xi32, #tpu.memory_space<vmem>> -> memref<320xi32, #tpu.memory_space<vmem>>
      %dma_wait3A_150 = tpu.memref_slice %arg3[%add3A_6] : memref<20480xi32, #tpu.memory_space<hbm>> -> memref<320xi32, #tpu.memory_space<hbm>>
      %dma_wait3A_151 = arith.constant 0 : i32
      %dma_wait3A_152 = tpu.memref_slice %arg8[%run_scoped3A, %dma_wait3A_151] : memref<2x512xi32, #tpu.memory_space<vmem>> -> memref<1x320xi32, #tpu.memory_space<vmem>>
      %dma_wait3A_153 = tpu.memref_squeeze %dma_wait3A_152 : memref<1x320xi32, #tpu.memory_space<vmem>> -> memref<320xi32, #tpu.memory_space<vmem>>
      %dma_wait3A_154 = tpu.memref_slice %arg3[%add3A_6] : memref<20480xi32, #tpu.memory_space<hbm>> -> memref<320xi32, #tpu.memory_space<hbm>>
      tpu.wait_dma2 semaphore(%run_scoped3A_138 : memref<!tpu.dma_semaphore, #tpu.memory_space<semaphore_mem>>) src(%dma_wait3A_154 : memref<320xi32, #tpu.memory_space<hbm>>) dst(%dma_wait3A_153 : memref<320xi32, #tpu.memory_space<vmem>>)
      tpu.yield
    }) : () -> ()
    %dma_start3A = arith.constant 0 : i32
    %dma_start3A_7 = arith.constant 0 : i32
    %dma_start3A_8 = arith.constant 0 : i32
    %dma_start3A_9 = arith.constant 0 : i32
    %dma_start3A_10 = arith.constant 0 : i32
    %dma_start3A_11 = tpu.memref_slice %arg9[%dma_start3A_7, %dma_start3A_9, %dma_start3A_10] : memref<2x512x64xf32, #tpu.memory_space<vmem>> -> memref<1x320x64xf32, #tpu.memory_space<vmem>>
    %dma_start3A_12 = tpu.memref_squeeze %dma_start3A_11 : memref<1x320x64xf32, #tpu.memory_space<vmem>> -> memref<320x64xf32, #tpu.memory_space<vmem>>
    %dma_start3A_13 = arith.constant 0 : i32
    %dma_start3A_14 = tpu.memref_slice %arg8[%dma_start3A, %dma_start3A_13] : memref<2x512xi32, #tpu.memory_space<vmem>> -> memref<1x320xi32, #tpu.memory_space<vmem>>
    %dma_start3A_15 = tpu.memref_squeeze %dma_start3A_14 : memref<1x320xi32, #tpu.memory_space<vmem>> -> memref<320xi32, #tpu.memory_space<vmem>>
    %dma_start3A_16 = arith.constant 0 : i32
    %dma_start3A_17 = arith.constant 0 : i32
    %dma_start3A_18 = tpu.memref_slice %arg4[%dma_start3A_16, %dma_start3A_17] : memref<400000x64xf32, #tpu.memory_space<hbm>> -> memref<400000x64xf32, #tpu.memory_space<hbm>>
    %dma_start3A_19 = tpu.memref_slice %arg12[%dma_start3A_8] : memref<2x!tpu.dma_semaphore, #tpu.memory_space<semaphore_mem>> -> memref<1x!tpu.dma_semaphore, #tpu.memory_space<semaphore_mem>>
    %dma_start3A_20 = tpu.memref_squeeze %dma_start3A_19 : memref<1x!tpu.dma_semaphore, #tpu.memory_space<semaphore_mem>> -> memref<!tpu.dma_semaphore, #tpu.memory_space<semaphore_mem>>
    tpu.enqueue_indirect_dma source(%dma_start3A_18 : memref<400000x64xf32, #tpu.memory_space<hbm>>) target(%dma_start3A_12 : memref<320x64xf32, #tpu.memory_space<vmem>>) offsets(%dma_start3A_15 : memref<320xi32, #tpu.memory_space<vmem>>) semaphore(%dma_start3A_20 : memref<!tpu.dma_semaphore, #tpu.memory_space<semaphore_mem>>)
    %dma_wait3A = arith.constant 0 : i32
    %dma_wait3A_21 = arith.constant 0 : i32
    %dma_wait3A_22 = arith.constant 0 : i32
    %dma_wait3A_23 = arith.constant 0 : i32
    %dma_wait3A_24 = arith.constant 0 : i32
    %dma_wait3A_25 = tpu.memref_slice %arg9[%dma_wait3A_21, %dma_wait3A_23, %dma_wait3A_24] : memref<2x512x64xf32, #tpu.memory_space<vmem>> -> memref<1x320x64xf32, #tpu.memory_space<vmem>>
    %dma_wait3A_26 = tpu.memref_squeeze %dma_wait3A_25 : memref<1x320x64xf32, #tpu.memory_space<vmem>> -> memref<320x64xf32, #tpu.memory_space<vmem>>
    %dma_wait3A_27 = arith.constant 0 : i32
    %dma_wait3A_28 = tpu.memref_slice %arg8[%dma_wait3A, %dma_wait3A_27] : memref<2x512xi32, #tpu.memory_space<vmem>> -> memref<1x320xi32, #tpu.memory_space<vmem>>
    %dma_wait3A_29 = tpu.memref_squeeze %dma_wait3A_28 : memref<1x320xi32, #tpu.memory_space<vmem>> -> memref<320xi32, #tpu.memory_space<vmem>>
    %dma_wait3A_30 = arith.constant 0 : i32
    %dma_wait3A_31 = arith.constant 0 : i32
    %dma_wait3A_32 = tpu.memref_slice %arg4[%dma_wait3A_30, %dma_wait3A_31] : memref<400000x64xf32, #tpu.memory_space<hbm>> -> memref<400000x64xf32, #tpu.memory_space<hbm>>
    %dma_wait3A_33 = tpu.memref_slice %arg12[%dma_wait3A_22] : memref<2x!tpu.dma_semaphore, #tpu.memory_space<semaphore_mem>> -> memref<1x!tpu.dma_semaphore, #tpu.memory_space<semaphore_mem>>
    %dma_wait3A_34 = tpu.memref_squeeze %dma_wait3A_33 : memref<1x!tpu.dma_semaphore, #tpu.memory_space<semaphore_mem>> -> memref<!tpu.dma_semaphore, #tpu.memory_space<semaphore_mem>>
    tpu.wait_indirect_dma semaphore(%dma_wait3A_34 : memref<!tpu.dma_semaphore, #tpu.memory_space<semaphore_mem>>) src(%dma_wait3A_32 : memref<400000x64xf32, #tpu.memory_space<hbm>>) dst(%dma_wait3A_26 : memref<320x64xf32, #tpu.memory_space<vmem>>)
    %scan3A = arith.constant 0 : i32
    %scan3A_35 = arith.constant 16 : i32
    %scan3A_36 = arith.addi %scan3A, %scan3A_35 : i32
    %scan3A_37 = arith.constant 1 : i32
    scf.for %scan3A_138 = %scan3A to %scan3A_36 step %scan3A_37  : i32 {
      %mul3A_139 = arith.constant 20 : i32
      %mul3A_140 = arith.muli %scan3A_138, %mul3A_139 : i32
      %get3A = arith.constant 0 : i32
      %get3A_141 = arith.index_cast %get3A : i32 to index
      %get3A_142 = arith.index_cast %mul3A_140 : i32 to index
      %get3A_143 = arith.constant 0 : index
      %get3A_144 = tpu.vector_load %arg9[%get3A_141, %get3A_142, %get3A_143] {strides = array<i32>} : memref<2x512x64xf32, #tpu.memory_space<vmem>>, vector<1x1x16xf32>,
      %get3A_145 = vector.shape_cast %get3A_144 : vector<1x1x16xf32> to vector<16xf32>
      %add3A_146 = arith.constant 1 : i32
      %add3A_147 = arith.addi %mul3A_140, %add3A_146 : i32
      %get3A_148 = arith.constant 0 : i32
      %get3A_149 = arith.index_cast %get3A_148 : i32 to index
      %get3A_150 = arith.index_cast %add3A_147 : i32 to index
      %get3A_151 = arith.constant 0 : index
      %get3A_152 = tpu.vector_load %arg9[%get3A_149, %get3A_150, %get3A_151] {strides = array<i32>} : memref<2x512x64xf32, #tpu.memory_space<vmem>>, vector<1x1x16xf32>,
      %get3A_153 = vector.shape_cast %get3A_152 : vector<1x1x16xf32> to vector<16xf32>
      %add3A_154 = arith.addf %get3A_145, %get3A_153 : vector<16xf32>
      %add3A_155 = arith.constant 2 : i32
      %add3A_156 = arith.addi %mul3A_140, %add3A_155 : i32
      %get3A_157 = arith.constant 0 : i32
      %get3A_158 = arith.index_cast %get3A_157 : i32 to index
      %get3A_159 = arith.index_cast %add3A_156 : i32 to index
      %get3A_160 = arith.constant 0 : index
      %get3A_161 = tpu.vector_load %arg9[%get3A_158, %get3A_159, %get3A_160] {strides = array<i32>} : memref<2x512x64xf32, #tpu.memory_space<vmem>>, vector<1x1x16xf32>,
      %get3A_162 = vector.shape_cast %get3A_161 : vector<1x1x16xf32> to vector<16xf32>
      %add3A_163 = arith.addf %add3A_154, %get3A_162 : vector<16xf32>
      %add3A_164 = arith.constant 3 : i32
      %add3A_165 = arith.addi %mul3A_140, %add3A_164 : i32
      %get3A_166 = arith.constant 0 : i32
      %get3A_167 = arith.index_cast %get3A_166 : i32 to index
      %get3A_168 = arith.index_cast %add3A_165 : i32 to index
      %get3A_169 = arith.constant 0 : index
      %get3A_170 = tpu.vector_load %arg9[%get3A_167, %get3A_168, %get3A_169] {strides = array<i32>} : memref<2x512x64xf32, #tpu.memory_space<vmem>>, vector<1x1x16xf32>,
      %get3A_171 = vector.shape_cast %get3A_170 : vector<1x1x16xf32> to vector<16xf32>
      %add3A_172 = arith.addf %add3A_163, %get3A_171 : vector<16xf32>
      %add3A_173 = arith.constant 4 : i32
      %add3A_174 = arith.addi %mul3A_140, %add3A_173 : i32
      %get3A_175 = arith.constant 0 : i32
      %get3A_176 = arith.index_cast %get3A_175 : i32 to index
      %get3A_177 = arith.index_cast %add3A_174 : i32 to index
      %get3A_178 = arith.constant 0 : index
      %get3A_179 = tpu.vector_load %arg9[%get3A_176, %get3A_177, %get3A_178] {strides = array<i32>} : memref<2x512x64xf32, #tpu.memory_space<vmem>>, vector<1x1x16xf32>,
      %get3A_180 = vector.shape_cast %get3A_179 : vector<1x1x16xf32> to vector<16xf32>
      %add3A_181 = arith.addf %add3A_172, %get3A_180 : vector<16xf32>
      %add3A_182 = arith.constant 5 : i32
      %add3A_183 = arith.addi %mul3A_140, %add3A_182 : i32
      %get3A_184 = arith.constant 0 : i32
      %get3A_185 = arith.index_cast %get3A_184 : i32 to index
      %get3A_186 = arith.index_cast %add3A_183 : i32 to index
      %get3A_187 = arith.constant 0 : index
      %get3A_188 = tpu.vector_load %arg9[%get3A_185, %get3A_186, %get3A_187] {strides = array<i32>} : memref<2x512x64xf32, #tpu.memory_space<vmem>>, vector<1x1x16xf32>,
      %get3A_189 = vector.shape_cast %get3A_188 : vector<1x1x16xf32> to vector<16xf32>
      %add3A_190 = arith.addf %add3A_181, %get3A_189 : vector<16xf32>
      %add3A_191 = arith.constant 6 : i32
      %add3A_192 = arith.addi %mul3A_140, %add3A_191 : i32
      %get3A_193 = arith.constant 0 : i32
      %get3A_194 = arith.index_cast %get3A_193 : i32 to index
      %get3A_195 = arith.index_cast %add3A_192 : i32 to index
      %get3A_196 = arith.constant 0 : index
      %get3A_197 = tpu.vector_load %arg9[%get3A_194, %get3A_195, %get3A_196] {strides = array<i32>} : memref<2x512x64xf32, #tpu.memory_space<vmem>>, vector<1x1x16xf32>,
      %get3A_198 = vector.shape_cast %get3A_197 : vector<1x1x16xf32> to vector<16xf32>
      %add3A_199 = arith.addf %add3A_190, %get3A_198 : vector<16xf32>
      %add3A_200 = arith.constant 7 : i32
      %add3A_201 = arith.addi %mul3A_140, %add3A_200 : i32
      %get3A_202 = arith.constant 0 : i32
      %get3A_203 = arith.index_cast %get3A_202 : i32 to index
      %get3A_204 = arith.index_cast %add3A_201 : i32 to index
      %get3A_205 = arith.constant 0 : index
      %get3A_206 = tpu.vector_load %arg9[%get3A_203, %get3A_204, %get3A_205] {strides = array<i32>} : memref<2x512x64xf32, #tpu.memory_space<vmem>>, vector<1x1x16xf32>,
      %get3A_207 = vector.shape_cast %get3A_206 : vector<1x1x16xf32> to vector<16xf32>
      %add3A_208 = arith.addf %add3A_199, %get3A_207 : vector<16xf32>
      %add3A_209 = arith.constant 8 : i32
      %add3A_210 = arith.addi %mul3A_140, %add3A_209 : i32
      %get3A_211 = arith.constant 0 : i32
      %get3A_212 = arith.index_cast %get3A_211 : i32 to index
      %get3A_213 = arith.index_cast %add3A_210 : i32 to index
      %get3A_214 = arith.constant 0 : index
      %get3A_215 = tpu.vector_load %arg9[%get3A_212, %get3A_213, %get3A_214] {strides = array<i32>} : memref<2x512x64xf32, #tpu.memory_space<vmem>>, vector<1x1x16xf32>,
      %get3A_216 = vector.shape_cast %get3A_215 : vector<1x1x16xf32> to vector<16xf32>
      %add3A_217 = arith.addf %add3A_208, %get3A_216 : vector<16xf32>
      %add3A_218 = arith.constant 9 : i32
      %add3A_219 = arith.addi %mul3A_140, %add3A_218 : i32
      %get3A_220 = arith.constant 0 : i32
      %get3A_221 = arith.index_cast %get3A_220 : i32 to index
      %get3A_222 = arith.index_cast %add3A_219 : i32 to index
      %get3A_223 = arith.constant 0 : index
      %get3A_224 = tpu.vector_load %arg9[%get3A_221, %get3A_222, %get3A_223] {strides = array<i32>} : memref<2x512x64xf32, #tpu.memory_space<vmem>>, vector<1x1x16xf32>,
      %get3A_225 = vector.shape_cast %get3A_224 : vector<1x1x16xf32> to vector<16xf32>
      %add3A_226 = arith.addf %add3A_217, %get3A_225 : vector<16xf32>
      %add3A_227 = arith.constant 10 : i32
      %add3A_228 = arith.addi %mul3A_140, %add3A_227 : i32
      %get3A_229 = arith.constant 0 : i32
      %get3A_230 = arith.index_cast %get3A_229 : i32 to index
      %get3A_231 = arith.index_cast %add3A_228 : i32 to index
      %get3A_232 = arith.constant 0 : index
      %get3A_233 = tpu.vector_load %arg9[%get3A_230, %get3A_231, %get3A_232] {strides = array<i32>} : memref<2x512x64xf32, #tpu.memory_space<vmem>>, vector<1x1x16xf32>,
      %get3A_234 = vector.shape_cast %get3A_233 : vector<1x1x16xf32> to vector<16xf32>
      %add3A_235 = arith.addf %add3A_226, %get3A_234 : vector<16xf32>
      %add3A_236 = arith.constant 11 : i32
      %add3A_237 = arith.addi %mul3A_140, %add3A_236 : i32
      %get3A_238 = arith.constant 0 : i32
      %get3A_239 = arith.index_cast %get3A_238 : i32 to index
      %get3A_240 = arith.index_cast %add3A_237 : i32 to index
      %get3A_241 = arith.constant 0 : index
      %get3A_242 = tpu.vector_load %arg9[%get3A_239, %get3A_240, %get3A_241] {strides = array<i32>} : memref<2x512x64xf32, #tpu.memory_space<vmem>>, vector<1x1x16xf32>,
      %get3A_243 = vector.shape_cast %get3A_242 : vector<1x1x16xf32> to vector<16xf32>
      %add3A_244 = arith.addf %add3A_235, %get3A_243 : vector<16xf32>
      %add3A_245 = arith.constant 12 : i32
      %add3A_246 = arith.addi %mul3A_140, %add3A_245 : i32
      %get3A_247 = arith.constant 0 : i32
      %get3A_248 = arith.index_cast %get3A_247 : i32 to index
      %get3A_249 = arith.index_cast %add3A_246 : i32 to index
      %get3A_250 = arith.constant 0 : index
      %get3A_251 = tpu.vector_load %arg9[%get3A_248, %get3A_249, %get3A_250] {strides = array<i32>} : memref<2x512x64xf32, #tpu.memory_space<vmem>>, vector<1x1x16xf32>,
      %get3A_252 = vector.shape_cast %get3A_251 : vector<1x1x16xf32> to vector<16xf32>
      %add3A_253 = arith.addf %add3A_244, %get3A_252 : vector<16xf32>
      %add3A_254 = arith.constant 13 : i32
      %add3A_255 = arith.addi %mul3A_140, %add3A_254 : i32
      %get3A_256 = arith.constant 0 : i32
      %get3A_257 = arith.index_cast %get3A_256 : i32 to index
      %get3A_258 = arith.index_cast %add3A_255 : i32 to index
      %get3A_259 = arith.constant 0 : index
      %get3A_260 = tpu.vector_load %arg9[%get3A_257, %get3A_258, %get3A_259] {strides = array<i32>} : memref<2x512x64xf32, #tpu.memory_space<vmem>>, vector<1x1x16xf32>,
      %get3A_261 = vector.shape_cast %get3A_260 : vector<1x1x16xf32> to vector<16xf32>
      %add3A_262 = arith.addf %add3A_253, %get3A_261 : vector<16xf32>
      %add3A_263 = arith.constant 14 : i32
      %add3A_264 = arith.addi %mul3A_140, %add3A_263 : i32
      %get3A_265 = arith.constant 0 : i32
      %get3A_266 = arith.index_cast %get3A_265 : i32 to index
      %get3A_267 = arith.index_cast %add3A_264 : i32 to index
      %get3A_268 = arith.constant 0 : index
      %get3A_269 = tpu.vector_load %arg9[%get3A_266, %get3A_267, %get3A_268] {strides = array<i32>} : memref<2x512x64xf32, #tpu.memory_space<vmem>>, vector<1x1x16xf32>,
      %get3A_270 = vector.shape_cast %get3A_269 : vector<1x1x16xf32> to vector<16xf32>
      %add3A_271 = arith.addf %add3A_262, %get3A_270 : vector<16xf32>
      %add3A_272 = arith.constant 15 : i32
      %add3A_273 = arith.addi %mul3A_140, %add3A_272 : i32
      %get3A_274 = arith.constant 0 : i32
      %get3A_275 = arith.index_cast %get3A_274 : i32 to index
      %get3A_276 = arith.index_cast %add3A_273 : i32 to index
      %get3A_277 = arith.constant 0 : index
      %get3A_278 = tpu.vector_load %arg9[%get3A_275, %get3A_276, %get3A_277] {strides = array<i32>} : memref<2x512x64xf32, #tpu.memory_space<vmem>>, vector<1x1x16xf32>,
      %get3A_279 = vector.shape_cast %get3A_278 : vector<1x1x16xf32> to vector<16xf32>
      %add3A_280 = arith.addf %add3A_271, %get3A_279 : vector<16xf32>
      %add3A_281 = arith.constant 16 : i32
      %add3A_282 = arith.addi %mul3A_140, %add3A_281 : i32
      %get3A_283 = arith.constant 0 : i32
      %get3A_284 = arith.index_cast %get3A_283 : i32 to index
      %get3A_285 = arith.index_cast %add3A_282 : i32 to index
      %get3A_286 = arith.constant 0 : index
      %get3A_287 = tpu.vector_load %arg9[%get3A_284, %get3A_285, %get3A_286] {strides = array<i32>} : memref<2x512x64xf32, #tpu.memory_space<vmem>>, vector<1x1x16xf32>,
      %get3A_288 = vector.shape_cast %get3A_287 : vector<1x1x16xf32> to vector<16xf32>
      %add3A_289 = arith.addf %add3A_280, %get3A_288 : vector<16xf32>
      %add3A_290 = arith.constant 17 : i32
      %add3A_291 = arith.addi %mul3A_140, %add3A_290 : i32
      %get3A_292 = arith.constant 0 : i32
      %get3A_293 = arith.index_cast %get3A_292 : i32 to index
      %get3A_294 = arith.index_cast %add3A_291 : i32 to index
      %get3A_295 = arith.constant 0 : index
      %get3A_296 = tpu.vector_load %arg9[%get3A_293, %get3A_294, %get3A_295] {strides = array<i32>} : memref<2x512x64xf32, #tpu.memory_space<vmem>>, vector<1x1x16xf32>,
      %get3A_297 = vector.shape_cast %get3A_296 : vector<1x1x16xf32> to vector<16xf32>
      %add3A_298 = arith.addf %add3A_289, %get3A_297 : vector<16xf32>
      %add3A_299 = arith.constant 18 : i32
      %add3A_300 = arith.addi %mul3A_140, %add3A_299 : i32
      %get3A_301 = arith.constant 0 : i32
      %get3A_302 = arith.index_cast %get3A_301 : i32 to index
      %get3A_303 = arith.index_cast %add3A_300 : i32 to index
      %get3A_304 = arith.constant 0 : index
      %get3A_305 = tpu.vector_load %arg9[%get3A_302, %get3A_303, %get3A_304] {strides = array<i32>} : memref<2x512x64xf32, #tpu.memory_space<vmem>>, vector<1x1x16xf32>,
      %get3A_306 = vector.shape_cast %get3A_305 : vector<1x1x16xf32> to vector<16xf32>
      %add3A_307 = arith.addf %add3A_298, %get3A_306 : vector<16xf32>
      %add3A_308 = arith.constant 19 : i32
      %add3A_309 = arith.addi %mul3A_140, %add3A_308 : i32
      %get3A_310 = arith.constant 0 : i32
      %get3A_311 = arith.index_cast %get3A_310 : i32 to index
      %get3A_312 = arith.index_cast %add3A_309 : i32 to index
      %get3A_313 = arith.constant 0 : index
      %get3A_314 = tpu.vector_load %arg9[%get3A_311, %get3A_312, %get3A_313] {strides = array<i32>} : memref<2x512x64xf32, #tpu.memory_space<vmem>>, vector<1x1x16xf32>,
      %get3A_315 = vector.shape_cast %get3A_314 : vector<1x1x16xf32> to vector<16xf32>
      %add3A_316 = arith.addf %add3A_307, %get3A_315 : vector<16xf32>
      %swap3A = arith.index_cast %scan3A_138 : i32 to index
      %swap3A_317 = arith.constant 0 : index
      %swap3A_318 = tpu.vector_load %arg11[%swap3A, %swap3A_317] {strides = array<i32>} : memref<32x64xf32, #tpu.memory_space<vmem>>, vector<1x16xf32>,
      %swap3A_319 = vector.shape_cast %swap3A_318 : vector<1x16xf32> to vector<16xf32>
      %swap3A_320 = vector.shape_cast %add3A_316 : vector<16xf32> to vector<1x16xf32>
      tpu.vector_store %arg11[%swap3A, %swap3A_317], %swap3A_320 {strides = array<i32>} : memref<32x64xf32, #tpu.memory_space<vmem>>, vector<1x16xf32>,
      %get3A_321 = arith.constant 0 : i32
      %get3A_322 = arith.index_cast %get3A_321 : i32 to index
      %get3A_323 = arith.index_cast %mul3A_140 : i32 to index
      %get3A_324 = arith.constant 16 : index
      %get3A_325 = tpu.vector_load %arg9[%get3A_322, %get3A_323, %get3A_324] {strides = array<i32>} : memref<2x512x64xf32, #tpu.memory_space<vmem>>, vector<1x1x16xf32>,
      %get3A_326 = vector.shape_cast %get3A_325 : vector<1x1x16xf32> to vector<16xf32>
      %add3A_327 = arith.constant 1 : i32
      %add3A_328 = arith.addi %mul3A_140, %add3A_327 : i32
      %get3A_329 = arith.constant 0 : i32
      %get3A_330 = arith.index_cast %get3A_329 : i32 to index
      %get3A_331 = arith.index_cast %add3A_328 : i32 to index
      %get3A_332 = arith.constant 16 : index
      %get3A_333 = tpu.vector_load %arg9[%get3A_330, %get3A_331, %get3A_332] {strides = array<i32>} : memref<2x512x64xf32, #tpu.memory_space<vmem>>, vector<1x1x16xf32>,
      %get3A_334 = vector.shape_cast %get3A_333 : vector<1x1x16xf32> to vector<16xf32>
      %add3A_335 = arith.addf %get3A_326, %get3A_334 : vector<16xf32>
      %add3A_336 = arith.constant 2 : i32
      %add3A_337 = arith.addi %mul3A_140, %add3A_336 : i32
      %get3A_338 = arith.constant 0 : i32
      %get3A_339 = arith.index_cast %get3A_338 : i32 to index
      %get3A_340 = arith.index_cast %add3A_337 : i32 to index
      %get3A_341 = arith.constant 16 : index
      %get3A_342 = tpu.vector_load %arg9[%get3A_339, %get3A_340, %get3A_341] {strides = array<i32>} : memref<2x512x64xf32, #tpu.memory_space<vmem>>, vector<1x1x16xf32>,
      %get3A_343 = vector.shape_cast %get3A_342 : vector<1x1x16xf32> to vector<16xf32>
      %add3A_344 = arith.addf %add3A_335, %get3A_343 : vector<16xf32>
      %add3A_345 = arith.constant 3 : i32
      %add3A_346 = arith.addi %mul3A_140, %add3A_345 : i32
      %get3A_347 = arith.constant 0 : i32
      %get3A_348 = arith.index_cast %get3A_347 : i32 to index
      %get3A_349 = arith.index_cast %add3A_346 : i32 to index
      %get3A_350 = arith.constant 16 : index
      %get3A_351 = tpu.vector_load %arg9[%get3A_348, %get3A_349, %get3A_350] {strides = array<i32>} : memref<2x512x64xf32, #tpu.memory_space<vmem>>, vector<1x1x16xf32>,
      %get3A_352 = vector.shape_cast %get3A_351 : vector<1x1x16xf32> to vector<16xf32>
      %add3A_353 = arith.addf %add3A_344, %get3A_352 : vector<16xf32>
      %add3A_354 = arith.constant 4 : i32
      %add3A_355 = arith.addi %mul3A_140, %add3A_354 : i32
      %get3A_356 = arith.constant 0 : i32
      %get3A_357 = arith.index_cast %get3A_356 : i32 to index
      %get3A_358 = arith.index_cast %add3A_355 : i32 to index
      %get3A_359 = arith.constant 16 : index
      %get3A_360 = tpu.vector_load %arg9[%get3A_357, %get3A_358, %get3A_359] {strides = array<i32>} : memref<2x512x64xf32, #tpu.memory_space<vmem>>, vector<1x1x16xf32>,
      %get3A_361 = vector.shape_cast %get3A_360 : vector<1x1x16xf32> to vector<16xf32>
      %add3A_362 = arith.addf %add3A_353, %get3A_361 : vector<16xf32>
      %add3A_363 = arith.constant 5 : i32
      %add3A_364 = arith.addi %mul3A_140, %add3A_363 : i32
      %get3A_365 = arith.constant 0 : i32
      %get3A_366 = arith.index_cast %get3A_365 : i32 to index
      %get3A_367 = arith.index_cast %add3A_364 : i32 to index
      %get3A_368 = arith.constant 16 : index
      %get3A_369 = tpu.vector_load %arg9[%get3A_366, %get3A_367, %get3A_368] {strides = array<i32>} : memref<2x512x64xf32, #tpu.memory_space<vmem>>, vector<1x1x16xf32>,
      %get3A_370 = vector.shape_cast %get3A_369 : vector<1x1x16xf32> to vector<16xf32>
      %add3A_371 = arith.addf %add3A_362, %get3A_370 : vector<16xf32>
      %add3A_372 = arith.constant 6 : i32
      %add3A_373 = arith.addi %mul3A_140, %add3A_372 : i32
      %get3A_374 = arith.constant 0 : i32
      %get3A_375 = arith.index_cast %get3A_374 : i32 to index
      %get3A_376 = arith.index_cast %add3A_373 : i32 to index
      %get3A_377 = arith.constant 16 : index
      %get3A_378 = tpu.vector_load %arg9[%get3A_375, %get3A_376, %get3A_377] {strides = array<i32>} : memref<2x512x64xf32, #tpu.memory_space<vmem>>, vector<1x1x16xf32>,
      %get3A_379 = vector.shape_cast %get3A_378 : vector<1x1x16xf32> to vector<16xf32>
      %add3A_380 = arith.addf %add3A_371, %get3A_379 : vector<16xf32>
      %add3A_381 = arith.constant 7 : i32
      %add3A_382 = arith.addi %mul3A_140, %add3A_381 : i32
      %get3A_383 = arith.constant 0 : i32
      %get3A_384 = arith.index_cast %get3A_383 : i32 to index
      %get3A_385 = arith.index_cast %add3A_382 : i32 to index
      %get3A_386 = arith.constant 16 : index
      %get3A_387 = tpu.vector_load %arg9[%get3A_384, %get3A_385, %get3A_386] {strides = array<i32>} : memref<2x512x64xf32, #tpu.memory_space<vmem>>, vector<1x1x16xf32>,
      %get3A_388 = vector.shape_cast %get3A_387 : vector<1x1x16xf32> to vector<16xf32>
      %add3A_389 = arith.addf %add3A_380, %get3A_388 : vector<16xf32>
      %add3A_390 = arith.constant 8 : i32
      %add3A_391 = arith.addi %mul3A_140, %add3A_390 : i32
      %get3A_392 = arith.constant 0 : i32
      %get3A_393 = arith.index_cast %get3A_392 : i32 to index
      %get3A_394 = arith.index_cast %add3A_391 : i32 to index
      %get3A_395 = arith.constant 16 : index
      %get3A_396 = tpu.vector_load %arg9[%get3A_393, %get3A_394, %get3A_395] {strides = array<i32>} : memref<2x512x64xf32, #tpu.memory_space<vmem>>, vector<1x1x16xf32>,
      %get3A_397 = vector.shape_cast %get3A_396 : vector<1x1x16xf32> to vector<16xf32>
      %add3A_398 = arith.addf %add3A_389, %get3A_397 : vector<16xf32>
      %add3A_399 = arith.constant 9 : i32
      %add3A_400 = arith.addi %mul3A_140, %add3A_399 : i32
      %get3A_401 = arith.constant 0 : i32
      %get3A_402 = arith.index_cast %get3A_401 : i32 to index
      %get3A_403 = arith.index_cast %add3A_400 : i32 to index
      %get3A_404 = arith.constant 16 : index
      %get3A_405 = tpu.vector_load %arg9[%get3A_402, %get3A_403, %get3A_404] {strides = array<i32>} : memref<2x512x64xf32, #tpu.memory_space<vmem>>, vector<1x1x16xf32>,
      %get3A_406 = vector.shape_cast %get3A_405 : vector<1x1x16xf32> to vector<16xf32>
      %add3A_407 = arith.addf %add3A_398, %get3A_406 : vector<16xf32>
      %add3A_408 = arith.constant 10 : i32
      %add3A_409 = arith.addi %mul3A_140, %add3A_408 : i32
      %get3A_410 = arith.constant 0 : i32
      %get3A_411 = arith.index_cast %get3A_410 : i32 to index
      %get3A_412 = arith.index_cast %add3A_409 : i32 to index
      %get3A_413 = arith.constant 16 : index
      %get3A_414 = tpu.vector_load %arg9[%get3A_411, %get3A_412, %get3A_413] {strides = array<i32>} : memref<2x512x64xf32, #tpu.memory_space<vmem>>, vector<1x1x16xf32>,
      %get3A_415 = vector.shape_cast %get3A_414 : vector<1x1x16xf32> to vector<16xf32>
      %add3A_416 = arith.addf %add3A_407, %get3A_415 : vector<16xf32>
      %add3A_417 = arith.constant 11 : i32
      %add3A_418 = arith.addi %mul3A_140, %add3A_417 : i32
      %get3A_419 = arith.constant 0 : i32
      %get3A_420 = arith.index_cast %get3A_419 : i32 to index
      %get3A_421 = arith.index_cast %add3A_418 : i32 to index
      %get3A_422 = arith.constant 16 : index
      %get3A_423 = tpu.vector_load %arg9[%get3A_420, %get3A_421, %get3A_422] {strides = array<i32>} : memref<2x512x64xf32, #tpu.memory_space<vmem>>, vector<1x1x16xf32>,
      %get3A_424 = vector.shape_cast %get3A_423 : vector<1x1x16xf32> to vector<16xf32>
      %add3A_425 = arith.addf %add3A_416, %get3A_424 : vector<16xf32>
      %add3A_426 = arith.constant 12 : i32
      %add3A_427 = arith.addi %mul3A_140, %add3A_426 : i32
      %get3A_428 = arith.constant 0 : i32
      %get3A_429 = arith.index_cast %get3A_428 : i32 to index
      %get3A_430 = arith.index_cast %add3A_427 : i32 to index
      %get3A_431 = arith.constant 16 : index
      %get3A_432 = tpu.vector_load %arg9[%get3A_429, %get3A_430, %get3A_431] {strides = array<i32>} : memref<2x512x64xf32, #tpu.memory_space<vmem>>, vector<1x1x16xf32>,
      %get3A_433 = vector.shape_cast %get3A_432 : vector<1x1x16xf32> to vector<16xf32>
      %add3A_434 = arith.addf %add3A_425, %get3A_433 : vector<16xf32>
      %add3A_435 = arith.constant 13 : i32
      %add3A_436 = arith.addi %mul3A_140, %add3A_435 : i32
      %get3A_437 = arith.constant 0 : i32
      %get3A_438 = arith.index_cast %get3A_437 : i32 to index
      %get3A_439 = arith.index_cast %add3A_436 : i32 to index
      %get3A_440 = arith.constant 16 : index
      %get3A_441 = tpu.vector_load %arg9[%get3A_438, %get3A_439, %get3A_440] {strides = array<i32>} : memref<2x512x64xf32, #tpu.memory_space<vmem>>, vector<1x1x16xf32>,
      %get3A_442 = vector.shape_cast %get3A_441 : vector<1x1x16xf32> to vector<16xf32>
      %add3A_443 = arith.addf %add3A_434, %get3A_442 : vector<16xf32>
      %add3A_444 = arith.constant 14 : i32
      %add3A_445 = arith.addi %mul3A_140, %add3A_444 : i32
      %get3A_446 = arith.constant 0 : i32
      %get3A_447 = arith.index_cast %get3A_446 : i32 to index
      %get3A_448 = arith.index_cast %add3A_445 : i32 to index
      %get3A_449 = arith.constant 16 : index
      %get3A_450 = tpu.vector_load %arg9[%get3A_447, %get3A_448, %get3A_449] {strides = array<i32>} : memref<2x512x64xf32, #tpu.memory_space<vmem>>, vector<1x1x16xf32>,
      %get3A_451 = vector.shape_cast %get3A_450 : vector<1x1x16xf32> to vector<16xf32>
      %add3A_452 = arith.addf %add3A_443, %get3A_451 : vector<16xf32>
      %add3A_453 = arith.constant 15 : i32
      %add3A_454 = arith.addi %mul3A_140, %add3A_453 : i32
      %get3A_455 = arith.constant 0 : i32
      %get3A_456 = arith.index_cast %get3A_455 : i32 to index
      %get3A_457 = arith.index_cast %add3A_454 : i32 to index
      %get3A_458 = arith.constant 16 : index
      %get3A_459 = tpu.vector_load %arg9[%get3A_456, %get3A_457, %get3A_458] {strides = array<i32>} : memref<2x512x64xf32, #tpu.memory_space<vmem>>, vector<1x1x16xf32>,
      %get3A_460 = vector.shape_cast %get3A_459 : vector<1x1x16xf32> to vector<16xf32>
      %add3A_461 = arith.addf %add3A_452, %get3A_460 : vector<16xf32>
      %add3A_462 = arith.constant 16 : i32
      %add3A_463 = arith.addi %mul3A_140, %add3A_462 : i32
      %get3A_464 = arith.constant 0 : i32
      %get3A_465 = arith.index_cast %get3A_464 : i32 to index
      %get3A_466 = arith.index_cast %add3A_463 : i32 to index
      %get3A_467 = arith.constant 16 : index
      %get3A_468 = tpu.vector_load %arg9[%get3A_465, %get3A_466, %get3A_467] {strides = array<i32>} : memref<2x512x64xf32, #tpu.memory_space<vmem>>, vector<1x1x16xf32>,
      %get3A_469 = vector.shape_cast %get3A_468 : vector<1x1x16xf32> to vector<16xf32>
      %add3A_470 = arith.addf %add3A_461, %get3A_469 : vector<16xf32>
      %add3A_471 = arith.constant 17 : i32
      %add3A_472 = arith.addi %mul3A_140, %add3A_471 : i32
      %get3A_473 = arith.constant 0 : i32
      %get3A_474 = arith.index_cast %get3A_473 : i32 to index
      %get3A_475 = arith.index_cast %add3A_472 : i32 to index
      %get3A_476 = arith.constant 16 : index
      %get3A_477 = tpu.vector_load %arg9[%get3A_474, %get3A_475, %get3A_476] {strides = array<i32>} : memref<2x512x64xf32, #tpu.memory_space<vmem>>, vector<1x1x16xf32>,
      %get3A_478 = vector.shape_cast %get3A_477 : vector<1x1x16xf32> to vector<16xf32>
      %add3A_479 = arith.addf %add3A_470, %get3A_478 : vector<16xf32>
      %add3A_480 = arith.constant 18 : i32
      %add3A_481 = arith.addi %mul3A_140, %add3A_480 : i32
      %get3A_482 = arith.constant 0 : i32
      %get3A_483 = arith.index_cast %get3A_482 : i32 to index
      %get3A_484 = arith.index_cast %add3A_481 : i32 to index
      %get3A_485 = arith.constant 16 : index
      %get3A_486 = tpu.vector_load %arg9[%get3A_483, %get3A_484, %get3A_485] {strides = array<i32>} : memref<2x512x64xf32, #tpu.memory_space<vmem>>, vector<1x1x16xf32>,
      %get3A_487 = vector.shape_cast %get3A_486 : vector<1x1x16xf32> to vector<16xf32>
      %add3A_488 = arith.addf %add3A_479, %get3A_487 : vector<16xf32>
      %add3A_489 = arith.constant 19 : i32
      %add3A_490 = arith.addi %mul3A_140, %add3A_489 : i32
      %get3A_491 = arith.constant 0 : i32
      %get3A_492 = arith.index_cast %get3A_491 : i32 to index
      %get3A_493 = arith.index_cast %add3A_490 : i32 to index
      %get3A_494 = arith.constant 16 : index
      %get3A_495 = tpu.vector_load %arg9[%get3A_492, %get3A_493, %get3A_494] {strides = array<i32>} : memref<2x512x64xf32, #tpu.memory_space<vmem>>, vector<1x1x16xf32>,
      %get3A_496 = vector.shape_cast %get3A_495 : vector<1x1x16xf32> to vector<16xf32>
      %add3A_497 = arith.addf %add3A_488, %get3A_496 : vector<16xf32>
      %swap3A_498 = arith.index_cast %scan3A_138 : i32 to index
      %swap3A_499 = arith.constant 16 : index
      %swap3A_500 = tpu.vector_load %arg11[%swap3A_498, %swap3A_499] {strides = array<i32>} : memref<32x64xf32, #tpu.memory_space<vmem>>, vector<1x16xf32>,
      %swap3A_501 = vector.shape_cast %swap3A_500 : vector<1x16xf32> to vector<16xf32>
      %swap3A_502 = vector.shape_cast %add3A_497 : vector<16xf32> to vector<1x16xf32>
      tpu.vector_store %arg11[%swap3A_498, %swap3A_499], %swap3A_502 {strides = array<i32>} : memref<32x64xf32, #tpu.memory_space<vmem>>, vector<1x16xf32>,
      %get3A_503 = arith.constant 0 : i32
      %get3A_504 = arith.index_cast %get3A_503 : i32 to index
      %get3A_505 = arith.index_cast %mul3A_140 : i32 to index
      %get3A_506 = arith.constant 32 : index
      %get3A_507 = tpu.vector_load %arg9[%get3A_504, %get3A_505, %get3A_506] {strides = array<i32>} : memref<2x512x64xf32, #tpu.memory_space<vmem>>, vector<1x1x16xf32>,
      %get3A_508 = vector.shape_cast %get3A_507 : vector<1x1x16xf32> to vector<16xf32>
      %add3A_509 = arith.constant 1 : i32
      %add3A_510 = arith.addi %mul3A_140, %add3A_509 : i32
      %get3A_511 = arith.constant 0 : i32
      %get3A_512 = arith.index_cast %get3A_511 : i32 to index
      %get3A_513 = arith.index_cast %add3A_510 : i32 to index
      %get3A_514 = arith.constant 32 : index
      %get3A_515 = tpu.vector_load %arg9[%get3A_512, %get3A_513, %get3A_514] {strides = array<i32>} : memref<2x512x64xf32, #tpu.memory_space<vmem>>, vector<1x1x16xf32>,
      %get3A_516 = vector.shape_cast %get3A_515 : vector<1x1x16xf32> to vector<16xf32>
      %add3A_517 = arith.addf %get3A_508, %get3A_516 : vector<16xf32>
      %add3A_518 = arith.constant 2 : i32
      %add3A_519 = arith.addi %mul3A_140, %add3A_518 : i32
      %get3A_520 = arith.constant 0 : i32
      %get3A_521 = arith.index_cast %get3A_520 : i32 to index
      %get3A_522 = arith.index_cast %add3A_519 : i32 to index
      %get3A_523 = arith.constant 32 : index
      %get3A_524 = tpu.vector_load %arg9[%get3A_521, %get3A_522, %get3A_523] {strides = array<i32>} : memref<2x512x64xf32, #tpu.memory_space<vmem>>, vector<1x1x16xf32>,
      %get3A_525 = vector.shape_cast %get3A_524 : vector<1x1x16xf32> to vector<16xf32>
      %add3A_526 = arith.addf %add3A_517, %get3A_525 : vector<16xf32>
      %add3A_527 = arith.constant 3 : i32
      %add3A_528 = arith.addi %mul3A_140, %add3A_527 : i32
      %get3A_529 = arith.constant 0 : i32
      %get3A_530 = arith.index_cast %get3A_529 : i32 to index
      %get3A_531 = arith.index_cast %add3A_528 : i32 to index
      %get3A_532 = arith.constant 32 : index
      %get3A_533 = tpu.vector_load %arg9[%get3A_530, %get3A_531, %get3A_532] {strides = array<i32>} : memref<2x512x64xf32, #tpu.memory_space<vmem>>, vector<1x1x16xf32>,
      %get3A_534 = vector.shape_cast %get3A_533 : vector<1x1x16xf32> to vector<16xf32>
      %add3A_535 = arith.addf %add3A_526, %get3A_534 : vector<16xf32>
      %add3A_536 = arith.constant 4 : i32
      %add3A_537 = arith.addi %mul3A_140, %add3A_536 : i32
      %get3A_538 = arith.constant 0 : i32
      %get3A_539 = arith.index_cast %get3A_538 : i32 to index
      %get3A_540 = arith.index_cast %add3A_537 : i32 to index
      %get3A_541 = arith.constant 32 : index
      %get3A_542 = tpu.vector_load %arg9[%get3A_539, %get3A_540, %get3A_541] {strides = array<i32>} : memref<2x512x64xf32, #tpu.memory_space<vmem>>, vector<1x1x16xf32>,
      %get3A_543 = vector.shape_cast %get3A_542 : vector<1x1x16xf32> to vector<16xf32>
      %add3A_544 = arith.addf %add3A_535, %get3A_543 : vector<16xf32>
      %add3A_545 = arith.constant 5 : i32
      %add3A_546 = arith.addi %mul3A_140, %add3A_545 : i32
      %get3A_547 = arith.constant 0 : i32
      %get3A_548 = arith.index_cast %get3A_547 : i32 to index
      %get3A_549 = arith.index_cast %add3A_546 : i32 to index
      %get3A_550 = arith.constant 32 : index
      %get3A_551 = tpu.vector_load %arg9[%get3A_548, %get3A_549, %get3A_550] {strides = array<i32>} : memref<2x512x64xf32, #tpu.memory_space<vmem>>, vector<1x1x16xf32>,
      %get3A_552 = vector.shape_cast %get3A_551 : vector<1x1x16xf32> to vector<16xf32>
      %add3A_553 = arith.addf %add3A_544, %get3A_552 : vector<16xf32>
      %add3A_554 = arith.constant 6 : i32
      %add3A_555 = arith.addi %mul3A_140, %add3A_554 : i32
      %get3A_556 = arith.constant 0 : i32
      %get3A_557 = arith.index_cast %get3A_556 : i32 to index
      %get3A_558 = arith.index_cast %add3A_555 : i32 to index
      %get3A_559 = arith.constant 32 : index
      %get3A_560 = tpu.vector_load %arg9[%get3A_557, %get3A_558, %get3A_559] {strides = array<i32>} : memref<2x512x64xf32, #tpu.memory_space<vmem>>, vector<1x1x16xf32>,
      %get3A_561 = vector.shape_cast %get3A_560 : vector<1x1x16xf32> to vector<16xf32>
      %add3A_562 = arith.addf %add3A_553, %get3A_561 : vector<16xf32>
      %add3A_563 = arith.constant 7 : i32
      %add3A_564 = arith.addi %mul3A_140, %add3A_563 : i32
      %get3A_565 = arith.constant 0 : i32
      %get3A_566 = arith.index_cast %get3A_565 : i32 to index
      %get3A_567 = arith.index_cast %add3A_564 : i32 to index
      %get3A_568 = arith.constant 32 : index
      %get3A_569 = tpu.vector_load %arg9[%get3A_566, %get3A_567, %get3A_568] {strides = array<i32>} : memref<2x512x64xf32, #tpu.memory_space<vmem>>, vector<1x1x16xf32>,
      %get3A_570 = vector.shape_cast %get3A_569 : vector<1x1x16xf32> to vector<16xf32>
      %add3A_571 = arith.addf %add3A_562, %get3A_570 : vector<16xf32>
      %add3A_572 = arith.constant 8 : i32
      %add3A_573 = arith.addi %mul3A_140, %add3A_572 : i32
      %get3A_574 = arith.constant 0 : i32
      %get3A_575 = arith.index_cast %get3A_574 : i32 to index
      %get3A_576 = arith.index_cast %add3A_573 : i32 to index
      %get3A_577 = arith.constant 32 : index
      %get3A_578 = tpu.vector_load %arg9[%get3A_575, %get3A_576, %get3A_577] {strides = array<i32>} : memref<2x512x64xf32, #tpu.memory_space<vmem>>, vector<1x1x16xf32>,
      %get3A_579 = vector.shape_cast %get3A_578 : vector<1x1x16xf32> to vector<16xf32>
      %add3A_580 = arith.addf %add3A_571, %get3A_579 : vector<16xf32>
      %add3A_581 = arith.constant 9 : i32
      %add3A_582 = arith.addi %mul3A_140, %add3A_581 : i32
      %get3A_583 = arith.constant 0 : i32
      %get3A_584 = arith.index_cast %get3A_583 : i32 to index
      %get3A_585 = arith.index_cast %add3A_582 : i32 to index
      %get3A_586 = arith.constant 32 : index
      %get3A_587 = tpu.vector_load %arg9[%get3A_584, %get3A_585, %get3A_586] {strides = array<i32>} : memref<2x512x64xf32, #tpu.memory_space<vmem>>, vector<1x1x16xf32>,
      %get3A_588 = vector.shape_cast %get3A_587 : vector<1x1x16xf32> to vector<16xf32>
      %add3A_589 = arith.addf %add3A_580, %get3A_588 : vector<16xf32>
      %add3A_590 = arith.constant 10 : i32
      %add3A_591 = arith.addi %mul3A_140, %add3A_590 : i32
      %get3A_592 = arith.constant 0 : i32
      %get3A_593 = arith.index_cast %get3A_592 : i32 to index
      %get3A_594 = arith.index_cast %add3A_591 : i32 to index
      %get3A_595 = arith.constant 32 : index
      %get3A_596 = tpu.vector_load %arg9[%get3A_593, %get3A_594, %get3A_595] {strides = array<i32>} : memref<2x512x64xf32, #tpu.memory_space<vmem>>, vector<1x1x16xf32>,
      %get3A_597 = vector.shape_cast %get3A_596 : vector<1x1x16xf32> to vector<16xf32>
      %add3A_598 = arith.addf %add3A_589, %get3A_597 : vector<16xf32>
      %add3A_599 = arith.constant 11 : i32
      %add3A_600 = arith.addi %mul3A_140, %add3A_599 : i32
      %get3A_601 = arith.constant 0 : i32
      %get3A_602 = arith.index_cast %get3A_601 : i32 to index
      %get3A_603 = arith.index_cast %add3A_600 : i32 to index
      %get3A_604 = arith.constant 32 : index
      %get3A_605 = tpu.vector_load %arg9[%get3A_602, %get3A_603, %get3A_604] {strides = array<i32>} : memref<2x512x64xf32, #tpu.memory_space<vmem>>, vector<1x1x16xf32>,
      %get3A_606 = vector.shape_cast %get3A_605 : vector<1x1x16xf32> to vector<16xf32>
      %add3A_607 = arith.addf %add3A_598, %get3A_606 : vector<16xf32>
      %add3A_608 = arith.constant 12 : i32
      %add3A_609 = arith.addi %mul3A_140, %add3A_608 : i32
      %get3A_610 = arith.constant 0 : i32
      %get3A_611 = arith.index_cast %get3A_610 : i32 to index
      %get3A_612 = arith.index_cast %add3A_609 : i32 to index
      %get3A_613 = arith.constant 32 : index
      %get3A_614 = tpu.vector_load %arg9[%get3A_611, %get3A_612, %get3A_613] {strides = array<i32>} : memref<2x512x64xf32, #tpu.memory_space<vmem>>, vector<1x1x16xf32>,
      %get3A_615 = vector.shape_cast %get3A_614 : vector<1x1x16xf32> to vector<16xf32>
      %add3A_616 = arith.addf %add3A_607, %get3A_615 : vector<16xf32>
      %add3A_617 = arith.constant 13 : i32
      %add3A_618 = arith.addi %mul3A_140, %add3A_617 : i32
      %get3A_619 = arith.constant 0 : i32
      %get3A_620 = arith.index_cast %get3A_619 : i32 to index
      %get3A_621 = arith.index_cast %add3A_618 : i32 to index
      %get3A_622 = arith.constant 32 : index
      %get3A_623 = tpu.vector_load %arg9[%get3A_620, %get3A_621, %get3A_622] {strides = array<i32>} : memref<2x512x64xf32, #tpu.memory_space<vmem>>, vector<1x1x16xf32>,
      %get3A_624 = vector.shape_cast %get3A_623 : vector<1x1x16xf32> to vector<16xf32>
      %add3A_625 = arith.addf %add3A_616, %get3A_624 : vector<16xf32>
      %add3A_626 = arith.constant 14 : i32
      %add3A_627 = arith.addi %mul3A_140, %add3A_626 : i32
      %get3A_628 = arith.constant 0 : i32
      %get3A_629 = arith.index_cast %get3A_628 : i32 to index
      %get3A_630 = arith.index_cast %add3A_627 : i32 to index
      %get3A_631 = arith.constant 32 : index
      %get3A_632 = tpu.vector_load %arg9[%get3A_629, %get3A_630, %get3A_631] {strides = array<i32>} : memref<2x512x64xf32, #tpu.memory_space<vmem>>, vector<1x1x16xf32>,
      %get3A_633 = vector.shape_cast %get3A_632 : vector<1x1x16xf32> to vector<16xf32>
      %add3A_634 = arith.addf %add3A_625, %get3A_633 : vector<16xf32>
      %add3A_635 = arith.constant 15 : i32
      %add3A_636 = arith.addi %mul3A_140, %add3A_635 : i32
      %get3A_637 = arith.constant 0 : i32
      %get3A_638 = arith.index_cast %get3A_637 : i32 to index
      %get3A_639 = arith.index_cast %add3A_636 : i32 to index
      %get3A_640 = arith.constant 32 : index
      %get3A_641 = tpu.vector_load %arg9[%get3A_638, %get3A_639, %get3A_640] {strides = array<i32>} : memref<2x512x64xf32, #tpu.memory_space<vmem>>, vector<1x1x16xf32>,
      %get3A_642 = vector.shape_cast %get3A_641 : vector<1x1x16xf32> to vector<16xf32>
      %add3A_643 = arith.addf %add3A_634, %get3A_642 : vector<16xf32>
      %add3A_644 = arith.constant 16 : i32
      %add3A_645 = arith.addi %mul3A_140, %add3A_644 : i32
      %get3A_646 = arith.constant 0 : i32
      %get3A_647 = arith.index_cast %get3A_646 : i32 to index
      %get3A_648 = arith.index_cast %add3A_645 : i32 to index
      %get3A_649 = arith.constant 32 : index
      %get3A_650 = tpu.vector_load %arg9[%get3A_647, %get3A_648, %get3A_649] {strides = array<i32>} : memref<2x512x64xf32, #tpu.memory_space<vmem>>, vector<1x1x16xf32>,
      %get3A_651 = vector.shape_cast %get3A_650 : vector<1x1x16xf32> to vector<16xf32>
      %add3A_652 = arith.addf %add3A_643, %get3A_651 : vector<16xf32>
      %add3A_653 = arith.constant 17 : i32
      %add3A_654 = arith.addi %mul3A_140, %add3A_653 : i32
      %get3A_655 = arith.constant 0 : i32
      %get3A_656 = arith.index_cast %get3A_655 : i32 to index
      %get3A_657 = arith.index_cast %add3A_654 : i32 to index
      %get3A_658 = arith.constant 32 : index
      %get3A_659 = tpu.vector_load %arg9[%get3A_656, %get3A_657, %get3A_658] {strides = array<i32>} : memref<2x512x64xf32, #tpu.memory_space<vmem>>, vector<1x1x16xf32>,
      %get3A_660 = vector.shape_cast %get3A_659 : vector<1x1x16xf32> to vector<16xf32>
      %add3A_661 = arith.addf %add3A_652, %get3A_660 : vector<16xf32>
      %add3A_662 = arith.constant 18 : i32
      %add3A_663 = arith.addi %mul3A_140, %add3A_662 : i32
      %get3A_664 = arith.constant 0 : i32
      %get3A_665 = arith.index_cast %get3A_664 : i32 to index
      %get3A_666 = arith.index_cast %add3A_663 : i32 to index
      %get3A_667 = arith.constant 32 : index
      %get3A_668 = tpu.vector_load %arg9[%get3A_665, %get3A_666, %get3A_667] {strides = array<i32>} : memref<2x512x64xf32, #tpu.memory_space<vmem>>, vector<1x1x16xf32>,
      %get3A_669 = vector.shape_cast %get3A_668 : vector<1x1x16xf32> to vector<16xf32>
      %add3A_670 = arith.addf %add3A_661, %get3A_669 : vector<16xf32>
      %add3A_671 = arith.constant 19 : i32
      %add3A_672 = arith.addi %mul3A_140, %add3A_671 : i32
      %get3A_673 = arith.constant 0 : i32
      %get3A_674 = arith.index_cast %get3A_673 : i32 to index
      %get3A_675 = arith.index_cast %add3A_672 : i32 to index
      %get3A_676 = arith.constant 32 : index
      %get3A_677 = tpu.vector_load %arg9[%get3A_674, %get3A_675, %get3A_676] {strides = array<i32>} : memref<2x512x64xf32, #tpu.memory_space<vmem>>, vector<1x1x16xf32>,
      %get3A_678 = vector.shape_cast %get3A_677 : vector<1x1x16xf32> to vector<16xf32>
      %add3A_679 = arith.addf %add3A_670, %get3A_678 : vector<16xf32>
      %swap3A_680 = arith.index_cast %scan3A_138 : i32 to index
      %swap3A_681 = arith.constant 32 : index
      %swap3A_682 = tpu.vector_load %arg11[%swap3A_680, %swap3A_681] {strides = array<i32>} : memref<32x64xf32, #tpu.memory_space<vmem>>, vector<1x16xf32>,
      %swap3A_683 = vector.shape_cast %swap3A_682 : vector<1x16xf32> to vector<16xf32>
      %swap3A_684 = vector.shape_cast %add3A_679 : vector<16xf32> to vector<1x16xf32>
      tpu.vector_store %arg11[%swap3A_680, %swap3A_681], %swap3A_684 {strides = array<i32>} : memref<32x64xf32, #tpu.memory_space<vmem>>, vector<1x16xf32>,
      %get3A_685 = arith.constant 0 : i32
      %get3A_686 = arith.index_cast %get3A_685 : i32 to index
      %get3A_687 = arith.index_cast %mul3A_140 : i32 to index
      %get3A_688 = arith.constant 48 : index
      %get3A_689 = tpu.vector_load %arg9[%get3A_686, %get3A_687, %get3A_688] {strides = array<i32>} : memref<2x512x64xf32, #tpu.memory_space<vmem>>, vector<1x1x16xf32>,
      %get3A_690 = vector.shape_cast %get3A_689 : vector<1x1x16xf32> to vector<16xf32>
      %add3A_691 = arith.constant 1 : i32
      %add3A_692 = arith.addi %mul3A_140, %add3A_691 : i32
      %get3A_693 = arith.constant 0 : i32
      %get3A_694 = arith.index_cast %get3A_693 : i32 to index
      %get3A_695 = arith.index_cast %add3A_692 : i32 to index
      %get3A_696 = arith.constant 48 : index
      %get3A_697 = tpu.vector_load %arg9[%get3A_694, %get3A_695, %get3A_696] {strides = array<i32>} : memref<2x512x64xf32, #tpu.memory_space<vmem>>, vector<1x1x16xf32>,
      %get3A_698 = vector.shape_cast %get3A_697 : vector<1x1x16xf32> to vector<16xf32>
      %add3A_699 = arith.addf %get3A_690, %get3A_698 : vector<16xf32>
      %add3A_700 = arith.constant 2 : i32
      %add3A_701 = arith.addi %mul3A_140, %add3A_700 : i32
      %get3A_702 = arith.constant 0 : i32
      %get3A_703 = arith.index_cast %get3A_702 : i32 to index
      %get3A_704 = arith.index_cast %add3A_701 : i32 to index
      %get3A_705 = arith.constant 48 : index
      %get3A_706 = tpu.vector_load %arg9[%get3A_703, %get3A_704, %get3A_705] {strides = array<i32>} : memref<2x512x64xf32, #tpu.memory_space<vmem>>, vector<1x1x16xf32>,
      %get3A_707 = vector.shape_cast %get3A_706 : vector<1x1x16xf32> to vector<16xf32>
      %add3A_708 = arith.addf %add3A_699, %get3A_707 : vector<16xf32>
      %add3A_709 = arith.constant 3 : i32
      %add3A_710 = arith.addi %mul3A_140, %add3A_709 : i32
      %get3A_711 = arith.constant 0 : i32
      %get3A_712 = arith.index_cast %get3A_711 : i32 to index
      %get3A_713 = arith.index_cast %add3A_710 : i32 to index
      %get3A_714 = arith.constant 48 : index
      %get3A_715 = tpu.vector_load %arg9[%get3A_712, %get3A_713, %get3A_714] {strides = array<i32>} : memref<2x512x64xf32, #tpu.memory_space<vmem>>, vector<1x1x16xf32>,
      %get3A_716 = vector.shape_cast %get3A_715 : vector<1x1x16xf32> to vector<16xf32>
      %add3A_717 = arith.addf %add3A_708, %get3A_716 : vector<16xf32>
      %add3A_718 = arith.constant 4 : i32
      %add3A_719 = arith.addi %mul3A_140, %add3A_718 : i32
      %get3A_720 = arith.constant 0 : i32
      %get3A_721 = arith.index_cast %get3A_720 : i32 to index
      %get3A_722 = arith.index_cast %add3A_719 : i32 to index
      %get3A_723 = arith.constant 48 : index
      %get3A_724 = tpu.vector_load %arg9[%get3A_721, %get3A_722, %get3A_723] {strides = array<i32>} : memref<2x512x64xf32, #tpu.memory_space<vmem>>, vector<1x1x16xf32>,
      %get3A_725 = vector.shape_cast %get3A_724 : vector<1x1x16xf32> to vector<16xf32>
      %add3A_726 = arith.addf %add3A_717, %get3A_725 : vector<16xf32>
      %add3A_727 = arith.constant 5 : i32
      %add3A_728 = arith.addi %mul3A_140, %add3A_727 : i32
      %get3A_729 = arith.constant 0 : i32
      %get3A_730 = arith.index_cast %get3A_729 : i32 to index
      %get3A_731 = arith.index_cast %add3A_728 : i32 to index
      %get3A_732 = arith.constant 48 : index
      %get3A_733 = tpu.vector_load %arg9[%get3A_730, %get3A_731, %get3A_732] {strides = array<i32>} : memref<2x512x64xf32, #tpu.memory_space<vmem>>, vector<1x1x16xf32>,
      %get3A_734 = vector.shape_cast %get3A_733 : vector<1x1x16xf32> to vector<16xf32>
      %add3A_735 = arith.addf %add3A_726, %get3A_734 : vector<16xf32>
      %add3A_736 = arith.constant 6 : i32
      %add3A_737 = arith.addi %mul3A_140, %add3A_736 : i32
      %get3A_738 = arith.constant 0 : i32
      %get3A_739 = arith.index_cast %get3A_738 : i32 to index
      %get3A_740 = arith.index_cast %add3A_737 : i32 to index
      %get3A_741 = arith.constant 48 : index
      %get3A_742 = tpu.vector_load %arg9[%get3A_739, %get3A_740, %get3A_741] {strides = array<i32>} : memref<2x512x64xf32, #tpu.memory_space<vmem>>, vector<1x1x16xf32>,
      %get3A_743 = vector.shape_cast %get3A_742 : vector<1x1x16xf32> to vector<16xf32>
      %add3A_744 = arith.addf %add3A_735, %get3A_743 : vector<16xf32>
      %add3A_745 = arith.constant 7 : i32
      %add3A_746 = arith.addi %mul3A_140, %add3A_745 : i32
      %get3A_747 = arith.constant 0 : i32
      %get3A_748 = arith.index_cast %get3A_747 : i32 to index
      %get3A_749 = arith.index_cast %add3A_746 : i32 to index
      %get3A_750 = arith.constant 48 : index
      %get3A_751 = tpu.vector_load %arg9[%get3A_748, %get3A_749, %get3A_750] {strides = array<i32>} : memref<2x512x64xf32, #tpu.memory_space<vmem>>, vector<1x1x16xf32>,
      %get3A_752 = vector.shape_cast %get3A_751 : vector<1x1x16xf32> to vector<16xf32>
      %add3A_753 = arith.addf %add3A_744, %get3A_752 : vector<16xf32>
      %add3A_754 = arith.constant 8 : i32
      %add3A_755 = arith.addi %mul3A_140, %add3A_754 : i32
      %get3A_756 = arith.constant 0 : i32
      %get3A_757 = arith.index_cast %get3A_756 : i32 to index
      %get3A_758 = arith.index_cast %add3A_755 : i32 to index
      %get3A_759 = arith.constant 48 : index
      %get3A_760 = tpu.vector_load %arg9[%get3A_757, %get3A_758, %get3A_759] {strides = array<i32>} : memref<2x512x64xf32, #tpu.memory_space<vmem>>, vector<1x1x16xf32>,
      %get3A_761 = vector.shape_cast %get3A_760 : vector<1x1x16xf32> to vector<16xf32>
      %add3A_762 = arith.addf %add3A_753, %get3A_761 : vector<16xf32>
      %add3A_763 = arith.constant 9 : i32
      %add3A_764 = arith.addi %mul3A_140, %add3A_763 : i32
      %get3A_765 = arith.constant 0 : i32
      %get3A_766 = arith.index_cast %get3A_765 : i32 to index
      %get3A_767 = arith.index_cast %add3A_764 : i32 to index
      %get3A_768 = arith.constant 48 : index
      %get3A_769 = tpu.vector_load %arg9[%get3A_766, %get3A_767, %get3A_768] {strides = array<i32>} : memref<2x512x64xf32, #tpu.memory_space<vmem>>, vector<1x1x16xf32>,
      %get3A_770 = vector.shape_cast %get3A_769 : vector<1x1x16xf32> to vector<16xf32>
      %add3A_771 = arith.addf %add3A_762, %get3A_770 : vector<16xf32>
      %add3A_772 = arith.constant 10 : i32
      %add3A_773 = arith.addi %mul3A_140, %add3A_772 : i32
      %get3A_774 = arith.constant 0 : i32
      %get3A_775 = arith.index_cast %get3A_774 : i32 to index
      %get3A_776 = arith.index_cast %add3A_773 : i32 to index
      %get3A_777 = arith.constant 48 : index
      %get3A_778 = tpu.vector_load %arg9[%get3A_775, %get3A_776, %get3A_777] {strides = array<i32>} : memref<2x512x64xf32, #tpu.memory_space<vmem>>, vector<1x1x16xf32>,
      %get3A_779 = vector.shape_cast %get3A_778 : vector<1x1x16xf32> to vector<16xf32>
      %add3A_780 = arith.addf %add3A_771, %get3A_779 : vector<16xf32>
      %add3A_781 = arith.constant 11 : i32
      %add3A_782 = arith.addi %mul3A_140, %add3A_781 : i32
      %get3A_783 = arith.constant 0 : i32
      %get3A_784 = arith.index_cast %get3A_783 : i32 to index
      %get3A_785 = arith.index_cast %add3A_782 : i32 to index
      %get3A_786 = arith.constant 48 : index
      %get3A_787 = tpu.vector_load %arg9[%get3A_784, %get3A_785, %get3A_786] {strides = array<i32>} : memref<2x512x64xf32, #tpu.memory_space<vmem>>, vector<1x1x16xf32>,
      %get3A_788 = vector.shape_cast %get3A_787 : vector<1x1x16xf32> to vector<16xf32>
      %add3A_789 = arith.addf %add3A_780, %get3A_788 : vector<16xf32>
      %add3A_790 = arith.constant 12 : i32
      %add3A_791 = arith.addi %mul3A_140, %add3A_790 : i32
      %get3A_792 = arith.constant 0 : i32
      %get3A_793 = arith.index_cast %get3A_792 : i32 to index
      %get3A_794 = arith.index_cast %add3A_791 : i32 to index
      %get3A_795 = arith.constant 48 : index
      %get3A_796 = tpu.vector_load %arg9[%get3A_793, %get3A_794, %get3A_795] {strides = array<i32>} : memref<2x512x64xf32, #tpu.memory_space<vmem>>, vector<1x1x16xf32>,
      %get3A_797 = vector.shape_cast %get3A_796 : vector<1x1x16xf32> to vector<16xf32>
      %add3A_798 = arith.addf %add3A_789, %get3A_797 : vector<16xf32>
      %add3A_799 = arith.constant 13 : i32
      %add3A_800 = arith.addi %mul3A_140, %add3A_799 : i32
      %get3A_801 = arith.constant 0 : i32
      %get3A_802 = arith.index_cast %get3A_801 : i32 to index
      %get3A_803 = arith.index_cast %add3A_800 : i32 to index
      %get3A_804 = arith.constant 48 : index
      %get3A_805 = tpu.vector_load %arg9[%get3A_802, %get3A_803, %get3A_804] {strides = array<i32>} : memref<2x512x64xf32, #tpu.memory_space<vmem>>, vector<1x1x16xf32>,
      %get3A_806 = vector.shape_cast %get3A_805 : vector<1x1x16xf32> to vector<16xf32>
      %add3A_807 = arith.addf %add3A_798, %get3A_806 : vector<16xf32>
      %add3A_808 = arith.constant 14 : i32
      %add3A_809 = arith.addi %mul3A_140, %add3A_808 : i32
      %get3A_810 = arith.constant 0 : i32
      %get3A_811 = arith.index_cast %get3A_810 : i32 to index
      %get3A_812 = arith.index_cast %add3A_809 : i32 to index
      %get3A_813 = arith.constant 48 : index
      %get3A_814 = tpu.vector_load %arg9[%get3A_811, %get3A_812, %get3A_813] {strides = array<i32>} : memref<2x512x64xf32, #tpu.memory_space<vmem>>, vector<1x1x16xf32>,
      %get3A_815 = vector.shape_cast %get3A_814 : vector<1x1x16xf32> to vector<16xf32>
      %add3A_816 = arith.addf %add3A_807, %get3A_815 : vector<16xf32>
      %add3A_817 = arith.constant 15 : i32
      %add3A_818 = arith.addi %mul3A_140, %add3A_817 : i32
      %get3A_819 = arith.constant 0 : i32
      %get3A_820 = arith.index_cast %get3A_819 : i32 to index
      %get3A_821 = arith.index_cast %add3A_818 : i32 to index
      %get3A_822 = arith.constant 48 : index
      %get3A_823 = tpu.vector_load %arg9[%get3A_820, %get3A_821, %get3A_822] {strides = array<i32>} : memref<2x512x64xf32, #tpu.memory_space<vmem>>, vector<1x1x16xf32>,
      %get3A_824 = vector.shape_cast %get3A_823 : vector<1x1x16xf32> to vector<16xf32>
      %add3A_825 = arith.addf %add3A_816, %get3A_824 : vector<16xf32>
      %add3A_826 = arith.constant 16 : i32
      %add3A_827 = arith.addi %mul3A_140, %add3A_826 : i32
      %get3A_828 = arith.constant 0 : i32
      %get3A_829 = arith.index_cast %get3A_828 : i32 to index
      %get3A_830 = arith.index_cast %add3A_827 : i32 to index
      %get3A_831 = arith.constant 48 : index
      %get3A_832 = tpu.vector_load %arg9[%get3A_829, %get3A_830, %get3A_831] {strides = array<i32>} : memref<2x512x64xf32, #tpu.memory_space<vmem>>, vector<1x1x16xf32>,
      %get3A_833 = vector.shape_cast %get3A_832 : vector<1x1x16xf32> to vector<16xf32>
      %add3A_834 = arith.addf %add3A_825, %get3A_833 : vector<16xf32>
      %add3A_835 = arith.constant 17 : i32
      %add3A_836 = arith.addi %mul3A_140, %add3A_835 : i32
      %get3A_837 = arith.constant 0 : i32
      %get3A_838 = arith.index_cast %get3A_837 : i32 to index
      %get3A_839 = arith.index_cast %add3A_836 : i32 to index
      %get3A_840 = arith.constant 48 : index
      %get3A_841 = tpu.vector_load %arg9[%get3A_838, %get3A_839, %get3A_840] {strides = array<i32>} : memref<2x512x64xf32, #tpu.memory_space<vmem>>, vector<1x1x16xf32>,
      %get3A_842 = vector.shape_cast %get3A_841 : vector<1x1x16xf32> to vector<16xf32>
      %add3A_843 = arith.addf %add3A_834, %get3A_842 : vector<16xf32>
      %add3A_844 = arith.constant 18 : i32
      %add3A_845 = arith.addi %mul3A_140, %add3A_844 : i32
      %get3A_846 = arith.constant 0 : i32
      %get3A_847 = arith.index_cast %get3A_846 : i32 to index
      %get3A_848 = arith.index_cast %add3A_845 : i32 to index
      %get3A_849 = arith.constant 48 : index
      %get3A_850 = tpu.vector_load %arg9[%get3A_847, %get3A_848, %get3A_849] {strides = array<i32>} : memref<2x512x64xf32, #tpu.memory_space<vmem>>, vector<1x1x16xf32>,
      %get3A_851 = vector.shape_cast %get3A_850 : vector<1x1x16xf32> to vector<16xf32>
      %add3A_852 = arith.addf %add3A_843, %get3A_851 : vector<16xf32>
      %add3A_853 = arith.constant 19 : i32
      %add3A_854 = arith.addi %mul3A_140, %add3A_853 : i32
      %get3A_855 = arith.constant 0 : i32
      %get3A_856 = arith.index_cast %get3A_855 : i32 to index
      %get3A_857 = arith.index_cast %add3A_854 : i32 to index
      %get3A_858 = arith.constant 48 : index
      %get3A_859 = tpu.vector_load %arg9[%get3A_856, %get3A_857, %get3A_858] {strides = array<i32>} : memref<2x512x64xf32, #tpu.memory_space<vmem>>, vector<1x1x16xf32>,
      %get3A_860 = vector.shape_cast %get3A_859 : vector<1x1x16xf32> to vector<16xf32>
      %add3A_861 = arith.addf %add3A_852, %get3A_860 : vector<16xf32>
      %swap3A_862 = arith.index_cast %scan3A_138 : i32 to index
      %swap3A_863 = arith.constant 48 : index
      %swap3A_864 = tpu.vector_load %arg11[%swap3A_862, %swap3A_863] {strides = array<i32>} : memref<32x64xf32, #tpu.memory_space<vmem>>, vector<1x16xf32>,
      %swap3A_865 = vector.shape_cast %swap3A_864 : vector<1x16xf32> to vector<16xf32>
      %swap3A_866 = vector.shape_cast %add3A_861 : vector<16xf32> to vector<1x16xf32>
      tpu.vector_store %arg11[%swap3A_862, %swap3A_863], %swap3A_866 {strides = array<i32>} : memref<32x64xf32, #tpu.memory_space<vmem>>, vector<1x16xf32>,
    }
    %scan3A_38 = arith.constant 16 : i32
    %add3A_39 = arith.constant 0 : i32
    %add3A_40 = arith.addi %mul3A_2, %add3A_39 : i32
    "tpu.region"() ({
      %run_scoped3A_138 = tpu.sem_alloc : memref<!tpu.dma_semaphore, #tpu.memory_space<semaphore_mem>>
      %dma_start3A_139 = arith.constant 0 : i32
      %dma_start3A_140 = arith.constant 0 : i32
      %dma_start3A_141 = tpu.memref_slice %arg11[%dma_start3A_139, %dma_start3A_140] : memref<32x64xf32, #tpu.memory_space<vmem>> -> memref<16x64xf32, #tpu.memory_space<vmem>>
      %dma_start3A_142 = arith.constant 0 : i32
      %dma_start3A_143 = tpu.memref_slice %arg6[%add3A_40, %dma_start3A_142] : memref<1024x64xf32, #tpu.memory_space<hbm>> -> memref<16x64xf32, #tpu.memory_space<hbm>>
      %dma_start3A_144 = arith.constant 0 : i32
      %dma_start3A_145 = tpu.memref_slice %arg6[%add3A_40, %dma_start3A_144] : memref<1024x64xf32, #tpu.memory_space<hbm>> -> memref<16x64xf32, #tpu.memory_space<hbm>>
      %dma_start3A_146 = arith.constant 0 : i32
      %dma_start3A_147 = arith.constant 0 : i32
      %dma_start3A_148 = tpu.memref_slice %arg11[%dma_start3A_146, %dma_start3A_147] : memref<32x64xf32, #tpu.memory_space<vmem>> -> memref<16x64xf32, #tpu.memory_space<vmem>>
      tpu.enqueue_dma source(%dma_start3A_148 : memref<16x64xf32, #tpu.memory_space<vmem>>) target(%dma_start3A_145 : memref<16x64xf32, #tpu.memory_space<hbm>>) target_semaphore(%run_scoped3A_138 : memref<!tpu.dma_semaphore, #tpu.memory_space<semaphore_mem>>)
      %dma_wait3A_149 = arith.constant 0 : i32
      %dma_wait3A_150 = arith.constant 0 : i32
      %dma_wait3A_151 = tpu.memref_slice %arg11[%dma_wait3A_149, %dma_wait3A_150] : memref<32x64xf32, #tpu.memory_space<vmem>> -> memref<16x64xf32, #tpu.memory_space<vmem>>
      %dma_wait3A_152 = arith.constant 0 : i32
      %dma_wait3A_153 = tpu.memref_slice %arg6[%add3A_40, %dma_wait3A_152] : memref<1024x64xf32, #tpu.memory_space<hbm>> -> memref<16x64xf32, #tpu.memory_space<hbm>>
      %dma_wait3A_154 = arith.constant 0 : i32
      %dma_wait3A_155 = tpu.memref_slice %arg6[%add3A_40, %dma_wait3A_154] : memref<1024x64xf32, #tpu.memory_space<hbm>> -> memref<16x64xf32, #tpu.memory_space<hbm>>
      %dma_wait3A_156 = arith.constant 0 : i32
      %dma_wait3A_157 = arith.constant 0 : i32
      %dma_wait3A_158 = tpu.memref_slice %arg11[%dma_wait3A_156, %dma_wait3A_157] : memref<32x64xf32, #tpu.memory_space<vmem>> -> memref<16x64xf32, #tpu.memory_space<vmem>>
      tpu.wait_dma2 semaphore(%run_scoped3A_138 : memref<!tpu.dma_semaphore, #tpu.memory_space<semaphore_mem>>) src(%dma_wait3A_158 : memref<16x64xf32, #tpu.memory_space<vmem>>) dst(%dma_wait3A_155 : memref<16x64xf32, #tpu.memory_space<hbm>>)
      tpu.yield
    }) : () -> ()
    %mul3A_41 = arith.constant 640 : i32
    %mul3A_42 = arith.muli %add3A, %mul3A_41 : i32
    %add3A_43 = arith.constant 320 : i32
    %add3A_44 = arith.addi %mul3A_42, %add3A_43 : i32
    %run_scoped3A_45 = arith.constant 0 : i32
    "tpu.region"() ({
      %run_scoped3A_138 = tpu.sem_alloc : memref<!tpu.dma_semaphore, #tpu.memory_space<semaphore_mem>>
      %dma_start3A_139 = arith.constant 0 : i32
      %dma_start3A_140 = tpu.memref_slice %arg8[%run_scoped3A_45, %dma_start3A_139] : memref<2x512xi32, #tpu.memory_space<vmem>> -> memref<1x320xi32, #tpu.memory_space<vmem>>
      %dma_start3A_141 = tpu.memref_squeeze %dma_start3A_140 : memref<1x320xi32, #tpu.memory_space<vmem>> -> memref<320xi32, #tpu.memory_space<vmem>>
      %dma_start3A_142 = tpu.memref_slice %arg3[%add3A_44] : memref<20480xi32, #tpu.memory_space<hbm>> -> memref<320xi32, #tpu.memory_space<hbm>>
      %dma_start3A_143 = arith.constant 0 : i32
      %dma_start3A_144 = tpu.memref_slice %arg8[%run_scoped3A_45, %dma_start3A_143] : memref<2x512xi32, #tpu.memory_space<vmem>> -> memref<1x320xi32, #tpu.memory_space<vmem>>
      %dma_start3A_145 = tpu.memref_squeeze %dma_start3A_144 : memref<1x320xi32, #tpu.memory_space<vmem>> -> memref<320xi32, #tpu.memory_space<vmem>>
      %dma_start3A_146 = tpu.memref_slice %arg3[%add3A_44] : memref<20480xi32, #tpu.memory_space<hbm>> -> memref<320xi32, #tpu.memory_space<hbm>>
      tpu.enqueue_dma source(%dma_start3A_146 : memref<320xi32, #tpu.memory_space<hbm>>) target(%dma_start3A_145 : memref<320xi32, #tpu.memory_space<vmem>>) target_semaphore(%run_scoped3A_138 : memref<!tpu.dma_semaphore, #tpu.memory_space<semaphore_mem>>)
      %dma_wait3A_147 = arith.constant 0 : i32
      %dma_wait3A_148 = tpu.memref_slice %arg8[%run_scoped3A_45, %dma_wait3A_147] : memref<2x512xi32, #tpu.memory_space<vmem>> -> memref<1x320xi32, #tpu.memory_space<vmem>>
      %dma_wait3A_149 = tpu.memref_squeeze %dma_wait3A_148 : memref<1x320xi32, #tpu.memory_space<vmem>> -> memref<320xi32, #tpu.memory_space<vmem>>
      %dma_wait3A_150 = tpu.memref_slice %arg3[%add3A_44] : memref<20480xi32, #tpu.memory_space<hbm>> -> memref<320xi32, #tpu.memory_space<hbm>>
      %dma_wait3A_151 = arith.constant 0 : i32
      %dma_wait3A_152 = tpu.memref_slice %arg8[%run_scoped3A_45, %dma_wait3A_151] : memref<2x512xi32, #tpu.memory_space<vmem>> -> memref<1x320xi32, #tpu.memory_space<vmem>>
      %dma_wait3A_153 = tpu.memref_squeeze %dma_wait3A_152 : memref<1x320xi32, #tpu.memory_space<vmem>> -> memref<320xi32, #tpu.memory_space<vmem>>
      %dma_wait3A_154 = tpu.memref_slice %arg3[%add3A_44] : memref<20480xi32, #tpu.memory_space<hbm>> -> memref<320xi32, #tpu.memory_space<hbm>>
      tpu.wait_dma2 semaphore(%run_scoped3A_138 : memref<!tpu.dma_semaphore, #tpu.memory_space<semaphore_mem>>) src(%dma_wait3A_154 : memref<320xi32, #tpu.memory_space<hbm>>) dst(%dma_wait3A_153 : memref<320xi32, #tpu.memory_space<vmem>>)
      tpu.yield
    }) : () -> ()
    %dma_start3A_46 = arith.constant 0 : i32
    %dma_start3A_47 = arith.constant 0 : i32
    %dma_start3A_48 = arith.constant 0 : i32
    %dma_start3A_49 = arith.constant 0 : i32
    %dma_start3A_50 = arith.constant 0 : i32
    %dma_start3A_51 = tpu.memref_slice %arg9[%dma_start3A_47, %dma_start3A_49, %dma_start3A_50] : memref<2x512x64xf32, #tpu.memory_space<vmem>> -> memref<1x320x64xf32, #tpu.memory_space<vmem>>
    %dma_start3A_52 = tpu.memref_squeeze %dma_start3A_51 : memref<1x320x64xf32, #tpu.memory_space<vmem>> -> memref<320x64xf32, #tpu.memory_space<vmem>>
    %dma_start3A_53 = arith.constant 0 : i32
    %dma_start3A_54 = tpu.memref_slice %arg8[%dma_start3A_46, %dma_start3A_53] : memref<2x512xi32, #tpu.memory_space<vmem>> -> memref<1x320xi32, #tpu.memory_space<vmem>>
    %dma_start3A_55 = tpu.memref_squeeze %dma_start3A_54 : memref<1x320xi32, #tpu.memory_space<vmem>> -> memref<320xi32, #tpu.memory_space<vmem>>
    %dma_start3A_56 = arith.constant 0 : i32
    %dma_start3A_57 = arith.constant 0 : i32
    %dma_start3A_58 = tpu.memref_slice %arg4[%dma_start3A_56, %dma_start3A_57] : memref<400000x64xf32, #tpu.memory_space<hbm>> -> memref<400000x64xf32, #tpu.memory_space<hbm>>
    %dma_start3A_59 = tpu.memref_slice %arg12[%dma_start3A_48] : memref<2x!tpu.dma_semaphore, #tpu.memory_space<semaphore_mem>> -> memref<1x!tpu.dma_semaphore, #tpu.memory_space<semaphore_mem>>
    %dma_start3A_60 = tpu.memref_squeeze %dma_start3A_59 : memref<1x!tpu.dma_semaphore, #tpu.memory_space<semaphore_mem>> -> memref<!tpu.dma_semaphore, #tpu.memory_space<semaphore_mem>>
    tpu.enqueue_indirect_dma source(%dma_start3A_58 : memref<400000x64xf32, #tpu.memory_space<hbm>>) target(%dma_start3A_52 : memref<320x64xf32, #tpu.memory_space<vmem>>) offsets(%dma_start3A_55 : memref<320xi32, #tpu.memory_space<vmem>>) semaphore(%dma_start3A_60 : memref<!tpu.dma_semaphore, #tpu.memory_space<semaphore_mem>>)
    %dma_wait3A_61 = arith.constant 0 : i32
    %dma_wait3A_62 = arith.constant 0 : i32
    %dma_wait3A_63 = arith.constant 0 : i32
    %dma_wait3A_64 = arith.constant 0 : i32
    %dma_wait3A_65 = arith.constant 0 : i32
    %dma_wait3A_66 = tpu.memref_slice %arg9[%dma_wait3A_62, %dma_wait3A_64, %dma_wait3A_65] : memref<2x512x64xf32, #tpu.memory_space<vmem>> -> memref<1x320x64xf32, #tpu.memory_space<vmem>>
    %dma_wait3A_67 = tpu.memref_squeeze %dma_wait3A_66 : memref<1x320x64xf32, #tpu.memory_space<vmem>> -> memref<320x64xf32, #tpu.memory_space<vmem>>
    %dma_wait3A_68 = arith.constant 0 : i32
    %dma_wait3A_69 = tpu.memref_slice %arg8[%dma_wait3A_61, %dma_wait3A_68] : memref<2x512xi32, #tpu.memory_space<vmem>> -> memref<1x320xi32, #tpu.memory_space<vmem>>
    %dma_wait3A_70 = tpu.memref_squeeze %dma_wait3A_69 : memref<1x320xi32, #tpu.memory_space<vmem>> -> memref<320xi32, #tpu.memory_space<vmem>>
    %dma_wait3A_71 = arith.constant 0 : i32
    %dma_wait3A_72 = arith.constant 0 : i32
    %dma_wait3A_73 = tpu.memref_slice %arg4[%dma_wait3A_71, %dma_wait3A_72] : memref<400000x64xf32, #tpu.memory_space<hbm>> -> memref<400000x64xf32, #tpu.memory_space<hbm>>
    %dma_wait3A_74 = tpu.memref_slice %arg12[%dma_wait3A_63] : memref<2x!tpu.dma_semaphore, #tpu.memory_space<semaphore_mem>> -> memref<1x!tpu.dma_semaphore, #tpu.memory_space<semaphore_mem>>
    %dma_wait3A_75 = tpu.memref_squeeze %dma_wait3A_74 : memref<1x!tpu.dma_semaphore, #tpu.memory_space<semaphore_mem>> -> memref<!tpu.dma_semaphore, #tpu.memory_space<semaphore_mem>>
    tpu.wait_indirect_dma semaphore(%dma_wait3A_75 : memref<!tpu.dma_semaphore, #tpu.memory_space<semaphore_mem>>) src(%dma_wait3A_73 : memref<400000x64xf32, #tpu.memory_space<hbm>>) dst(%dma_wait3A_67 : memref<320x64xf32, #tpu.memory_space<vmem>>)
    %scan3A_76 = arith.constant 0 : i32
    %scan3A_77 = arith.constant 16 : i32
    %scan3A_78 = arith.addi %scan3A_76, %scan3A_77 : i32
    %scan3A_79 = arith.constant 1 : i32
    scf.for %scan3A_138 = %scan3A_76 to %scan3A_78 step %scan3A_79  : i32 {
      %mul3A_139 = arith.constant 20 : i32
      %mul3A_140 = arith.muli %scan3A_138, %mul3A_139 : i32
      %get3A = arith.constant 0 : i32
      %get3A_141 = arith.index_cast %get3A : i32 to index
      %get3A_142 = arith.index_cast %mul3A_140 : i32 to index
      %get3A_143 = arith.constant 0 : index
      %get3A_144 = tpu.vector_load %arg9[%get3A_141, %get3A_142, %get3A_143] {strides = array<i32>} : memref<2x512x64xf32, #tpu.memory_space<vmem>>, vector<1x1x16xf32>,
      %get3A_145 = vector.shape_cast %get3A_144 : vector<1x1x16xf32> to vector<16xf32>
      %add3A_146 = arith.constant 1 : i32
      %add3A_147 = arith.addi %mul3A_140, %add3A_146 : i32
      %get3A_148 = arith.constant 0 : i32
      %get3A_149 = arith.index_cast %get3A_148 : i32 to index
      %get3A_150 = arith.index_cast %add3A_147 : i32 to index
      %get3A_151 = arith.constant 0 : index
      %get3A_152 = tpu.vector_load %arg9[%get3A_149, %get3A_150, %get3A_151] {strides = array<i32>} : memref<2x512x64xf32, #tpu.memory_space<vmem>>, vector<1x1x16xf32>,
      %get3A_153 = vector.shape_cast %get3A_152 : vector<1x1x16xf32> to vector<16xf32>
      %add3A_154 = arith.addf %get3A_145, %get3A_153 : vector<16xf32>
      %add3A_155 = arith.constant 2 : i32
      %add3A_156 = arith.addi %mul3A_140, %add3A_155 : i32
      %get3A_157 = arith.constant 0 : i32
      %get3A_158 = arith.index_cast %get3A_157 : i32 to index
      %get3A_159 = arith.index_cast %add3A_156 : i32 to index
      %get3A_160 = arith.constant 0 : index
      %get3A_161 = tpu.vector_load %arg9[%get3A_158, %get3A_159, %get3A_160] {strides = array<i32>} : memref<2x512x64xf32, #tpu.memory_space<vmem>>, vector<1x1x16xf32>,
      %get3A_162 = vector.shape_cast %get3A_161 : vector<1x1x16xf32> to vector<16xf32>
      %add3A_163 = arith.addf %add3A_154, %get3A_162 : vector<16xf32>
      %add3A_164 = arith.constant 3 : i32
      %add3A_165 = arith.addi %mul3A_140, %add3A_164 : i32
      %get3A_166 = arith.constant 0 : i32
      %get3A_167 = arith.index_cast %get3A_166 : i32 to index
      %get3A_168 = arith.index_cast %add3A_165 : i32 to index
      %get3A_169 = arith.constant 0 : index
      %get3A_170 = tpu.vector_load %arg9[%get3A_167, %get3A_168, %get3A_169] {strides = array<i32>} : memref<2x512x64xf32, #tpu.memory_space<vmem>>, vector<1x1x16xf32>,
      %get3A_171 = vector.shape_cast %get3A_170 : vector<1x1x16xf32> to vector<16xf32>
      %add3A_172 = arith.addf %add3A_163, %get3A_171 : vector<16xf32>
      %add3A_173 = arith.constant 4 : i32
      %add3A_174 = arith.addi %mul3A_140, %add3A_173 : i32
      %get3A_175 = arith.constant 0 : i32
      %get3A_176 = arith.index_cast %get3A_175 : i32 to index
      %get3A_177 = arith.index_cast %add3A_174 : i32 to index
      %get3A_178 = arith.constant 0 : index
      %get3A_179 = tpu.vector_load %arg9[%get3A_176, %get3A_177, %get3A_178] {strides = array<i32>} : memref<2x512x64xf32, #tpu.memory_space<vmem>>, vector<1x1x16xf32>,
      %get3A_180 = vector.shape_cast %get3A_179 : vector<1x1x16xf32> to vector<16xf32>
      %add3A_181 = arith.addf %add3A_172, %get3A_180 : vector<16xf32>
      %add3A_182 = arith.constant 5 : i32
      %add3A_183 = arith.addi %mul3A_140, %add3A_182 : i32
      %get3A_184 = arith.constant 0 : i32
      %get3A_185 = arith.index_cast %get3A_184 : i32 to index
      %get3A_186 = arith.index_cast %add3A_183 : i32 to index
      %get3A_187 = arith.constant 0 : index
      %get3A_188 = tpu.vector_load %arg9[%get3A_185, %get3A_186, %get3A_187] {strides = array<i32>} : memref<2x512x64xf32, #tpu.memory_space<vmem>>, vector<1x1x16xf32>,
      %get3A_189 = vector.shape_cast %get3A_188 : vector<1x1x16xf32> to vector<16xf32>
      %add3A_190 = arith.addf %add3A_181, %get3A_189 : vector<16xf32>
      %add3A_191 = arith.constant 6 : i32
      %add3A_192 = arith.addi %mul3A_140, %add3A_191 : i32
      %get3A_193 = arith.constant 0 : i32
      %get3A_194 = arith.index_cast %get3A_193 : i32 to index
      %get3A_195 = arith.index_cast %add3A_192 : i32 to index
      %get3A_196 = arith.constant 0 : index
      %get3A_197 = tpu.vector_load %arg9[%get3A_194, %get3A_195, %get3A_196] {strides = array<i32>} : memref<2x512x64xf32, #tpu.memory_space<vmem>>, vector<1x1x16xf32>,
      %get3A_198 = vector.shape_cast %get3A_197 : vector<1x1x16xf32> to vector<16xf32>
      %add3A_199 = arith.addf %add3A_190, %get3A_198 : vector<16xf32>
      %add3A_200 = arith.constant 7 : i32
      %add3A_201 = arith.addi %mul3A_140, %add3A_200 : i32
      %get3A_202 = arith.constant 0 : i32
      %get3A_203 = arith.index_cast %get3A_202 : i32 to index
      %get3A_204 = arith.index_cast %add3A_201 : i32 to index
      %get3A_205 = arith.constant 0 : index
      %get3A_206 = tpu.vector_load %arg9[%get3A_203, %get3A_204, %get3A_205] {strides = array<i32>} : memref<2x512x64xf32, #tpu.memory_space<vmem>>, vector<1x1x16xf32>,
      %get3A_207 = vector.shape_cast %get3A_206 : vector<1x1x16xf32> to vector<16xf32>
      %add3A_208 = arith.addf %add3A_199, %get3A_207 : vector<16xf32>
      %add3A_209 = arith.constant 8 : i32
      %add3A_210 = arith.addi %mul3A_140, %add3A_209 : i32
      %get3A_211 = arith.constant 0 : i32
      %get3A_212 = arith.index_cast %get3A_211 : i32 to index
      %get3A_213 = arith.index_cast %add3A_210 : i32 to index
      %get3A_214 = arith.constant 0 : index
      %get3A_215 = tpu.vector_load %arg9[%get3A_212, %get3A_213, %get3A_214] {strides = array<i32>} : memref<2x512x64xf32, #tpu.memory_space<vmem>>, vector<1x1x16xf32>,
      %get3A_216 = vector.shape_cast %get3A_215 : vector<1x1x16xf32> to vector<16xf32>
      %add3A_217 = arith.addf %add3A_208, %get3A_216 : vector<16xf32>
      %add3A_218 = arith.constant 9 : i32
      %add3A_219 = arith.addi %mul3A_140, %add3A_218 : i32
      %get3A_220 = arith.constant 0 : i32
      %get3A_221 = arith.index_cast %get3A_220 : i32 to index
      %get3A_222 = arith.index_cast %add3A_219 : i32 to index
      %get3A_223 = arith.constant 0 : index
      %get3A_224 = tpu.vector_load %arg9[%get3A_221, %get3A_222, %get3A_223] {strides = array<i32>} : memref<2x512x64xf32, #tpu.memory_space<vmem>>, vector<1x1x16xf32>,
      %get3A_225 = vector.shape_cast %get3A_224 : vector<1x1x16xf32> to vector<16xf32>
      %add3A_226 = arith.addf %add3A_217, %get3A_225 : vector<16xf32>
      %add3A_227 = arith.constant 10 : i32
      %add3A_228 = arith.addi %mul3A_140, %add3A_227 : i32
      %get3A_229 = arith.constant 0 : i32
      %get3A_230 = arith.index_cast %get3A_229 : i32 to index
      %get3A_231 = arith.index_cast %add3A_228 : i32 to index
      %get3A_232 = arith.constant 0 : index
      %get3A_233 = tpu.vector_load %arg9[%get3A_230, %get3A_231, %get3A_232] {strides = array<i32>} : memref<2x512x64xf32, #tpu.memory_space<vmem>>, vector<1x1x16xf32>,
      %get3A_234 = vector.shape_cast %get3A_233 : vector<1x1x16xf32> to vector<16xf32>
      %add3A_235 = arith.addf %add3A_226, %get3A_234 : vector<16xf32>
      %add3A_236 = arith.constant 11 : i32
      %add3A_237 = arith.addi %mul3A_140, %add3A_236 : i32
      %get3A_238 = arith.constant 0 : i32
      %get3A_239 = arith.index_cast %get3A_238 : i32 to index
      %get3A_240 = arith.index_cast %add3A_237 : i32 to index
      %get3A_241 = arith.constant 0 : index
      %get3A_242 = tpu.vector_load %arg9[%get3A_239, %get3A_240, %get3A_241] {strides = array<i32>} : memref<2x512x64xf32, #tpu.memory_space<vmem>>, vector<1x1x16xf32>,
      %get3A_243 = vector.shape_cast %get3A_242 : vector<1x1x16xf32> to vector<16xf32>
      %add3A_244 = arith.addf %add3A_235, %get3A_243 : vector<16xf32>
      %add3A_245 = arith.constant 12 : i32
      %add3A_246 = arith.addi %mul3A_140, %add3A_245 : i32
      %get3A_247 = arith.constant 0 : i32
      %get3A_248 = arith.index_cast %get3A_247 : i32 to index
      %get3A_249 = arith.index_cast %add3A_246 : i32 to index
      %get3A_250 = arith.constant 0 : index
      %get3A_251 = tpu.vector_load %arg9[%get3A_248, %get3A_249, %get3A_250] {strides = array<i32>} : memref<2x512x64xf32, #tpu.memory_space<vmem>>, vector<1x1x16xf32>,
      %get3A_252 = vector.shape_cast %get3A_251 : vector<1x1x16xf32> to vector<16xf32>
      %add3A_253 = arith.addf %add3A_244, %get3A_252 : vector<16xf32>
      %add3A_254 = arith.constant 13 : i32
      %add3A_255 = arith.addi %mul3A_140, %add3A_254 : i32
      %get3A_256 = arith.constant 0 : i32
      %get3A_257 = arith.index_cast %get3A_256 : i32 to index
      %get3A_258 = arith.index_cast %add3A_255 : i32 to index
      %get3A_259 = arith.constant 0 : index
      %get3A_260 = tpu.vector_load %arg9[%get3A_257, %get3A_258, %get3A_259] {strides = array<i32>} : memref<2x512x64xf32, #tpu.memory_space<vmem>>, vector<1x1x16xf32>,
      %get3A_261 = vector.shape_cast %get3A_260 : vector<1x1x16xf32> to vector<16xf32>
      %add3A_262 = arith.addf %add3A_253, %get3A_261 : vector<16xf32>
      %add3A_263 = arith.constant 14 : i32
      %add3A_264 = arith.addi %mul3A_140, %add3A_263 : i32
      %get3A_265 = arith.constant 0 : i32
      %get3A_266 = arith.index_cast %get3A_265 : i32 to index
      %get3A_267 = arith.index_cast %add3A_264 : i32 to index
      %get3A_268 = arith.constant 0 : index
      %get3A_269 = tpu.vector_load %arg9[%get3A_266, %get3A_267, %get3A_268] {strides = array<i32>} : memref<2x512x64xf32, #tpu.memory_space<vmem>>, vector<1x1x16xf32>,
      %get3A_270 = vector.shape_cast %get3A_269 : vector<1x1x16xf32> to vector<16xf32>
      %add3A_271 = arith.addf %add3A_262, %get3A_270 : vector<16xf32>
      %add3A_272 = arith.constant 15 : i32
      %add3A_273 = arith.addi %mul3A_140, %add3A_272 : i32
      %get3A_274 = arith.constant 0 : i32
      %get3A_275 = arith.index_cast %get3A_274 : i32 to index
      %get3A_276 = arith.index_cast %add3A_273 : i32 to index
      %get3A_277 = arith.constant 0 : index
      %get3A_278 = tpu.vector_load %arg9[%get3A_275, %get3A_276, %get3A_277] {strides = array<i32>} : memref<2x512x64xf32, #tpu.memory_space<vmem>>, vector<1x1x16xf32>,
      %get3A_279 = vector.shape_cast %get3A_278 : vector<1x1x16xf32> to vector<16xf32>
      %add3A_280 = arith.addf %add3A_271, %get3A_279 : vector<16xf32>
      %add3A_281 = arith.constant 16 : i32
      %add3A_282 = arith.addi %mul3A_140, %add3A_281 : i32
      %get3A_283 = arith.constant 0 : i32
      %get3A_284 = arith.index_cast %get3A_283 : i32 to index
      %get3A_285 = arith.index_cast %add3A_282 : i32 to index
      %get3A_286 = arith.constant 0 : index
      %get3A_287 = tpu.vector_load %arg9[%get3A_284, %get3A_285, %get3A_286] {strides = array<i32>} : memref<2x512x64xf32, #tpu.memory_space<vmem>>, vector<1x1x16xf32>,
      %get3A_288 = vector.shape_cast %get3A_287 : vector<1x1x16xf32> to vector<16xf32>
      %add3A_289 = arith.addf %add3A_280, %get3A_288 : vector<16xf32>
      %add3A_290 = arith.constant 17 : i32
      %add3A_291 = arith.addi %mul3A_140, %add3A_290 : i32
      %get3A_292 = arith.constant 0 : i32
      %get3A_293 = arith.index_cast %get3A_292 : i32 to index
      %get3A_294 = arith.index_cast %add3A_291 : i32 to index
      %get3A_295 = arith.constant 0 : index
      %get3A_296 = tpu.vector_load %arg9[%get3A_293, %get3A_294, %get3A_295] {strides = array<i32>} : memref<2x512x64xf32, #tpu.memory_space<vmem>>, vector<1x1x16xf32>,
      %get3A_297 = vector.shape_cast %get3A_296 : vector<1x1x16xf32> to vector<16xf32>
      %add3A_298 = arith.addf %add3A_289, %get3A_297 : vector<16xf32>
      %add3A_299 = arith.constant 18 : i32
      %add3A_300 = arith.addi %mul3A_140, %add3A_299 : i32
      %get3A_301 = arith.constant 0 : i32
      %get3A_302 = arith.index_cast %get3A_301 : i32 to index
      %get3A_303 = arith.index_cast %add3A_300 : i32 to index
      %get3A_304 = arith.constant 0 : index
      %get3A_305 = tpu.vector_load %arg9[%get3A_302, %get3A_303, %get3A_304] {strides = array<i32>} : memref<2x512x64xf32, #tpu.memory_space<vmem>>, vector<1x1x16xf32>,
      %get3A_306 = vector.shape_cast %get3A_305 : vector<1x1x16xf32> to vector<16xf32>
      %add3A_307 = arith.addf %add3A_298, %get3A_306 : vector<16xf32>
      %add3A_308 = arith.constant 19 : i32
      %add3A_309 = arith.addi %mul3A_140, %add3A_308 : i32
      %get3A_310 = arith.constant 0 : i32
      %get3A_311 = arith.index_cast %get3A_310 : i32 to index
      %get3A_312 = arith.index_cast %add3A_309 : i32 to index
      %get3A_313 = arith.constant 0 : index
      %get3A_314 = tpu.vector_load %arg9[%get3A_311, %get3A_312, %get3A_313] {strides = array<i32>} : memref<2x512x64xf32, #tpu.memory_space<vmem>>, vector<1x1x16xf32>,
      %get3A_315 = vector.shape_cast %get3A_314 : vector<1x1x16xf32> to vector<16xf32>
      %add3A_316 = arith.addf %add3A_307, %get3A_315 : vector<16xf32>
      %swap3A = arith.index_cast %scan3A_138 : i32 to index
      %swap3A_317 = arith.constant 0 : index
      %swap3A_318 = tpu.vector_load %arg11[%swap3A, %swap3A_317] {strides = array<i32>} : memref<32x64xf32, #tpu.memory_space<vmem>>, vector<1x16xf32>,
      %swap3A_319 = vector.shape_cast %swap3A_318 : vector<1x16xf32> to vector<16xf32>
      %swap3A_320 = vector.shape_cast %add3A_316 : vector<16xf32> to vector<1x16xf32>
      tpu.vector_store %arg11[%swap3A, %swap3A_317], %swap3A_320 {strides = array<i32>} : memref<32x64xf32, #tpu.memory_space<vmem>>, vector<1x16xf32>,
      %get3A_321 = arith.constant 0 : i32
      %get3A_322 = arith.index_cast %get3A_321 : i32 to index
      %get3A_323 = arith.index_cast %mul3A_140 : i32 to index
      %get3A_324 = arith.constant 16 : index
      %get3A_325 = tpu.vector_load %arg9[%get3A_322, %get3A_323, %get3A_324] {strides = array<i32>} : memref<2x512x64xf32, #tpu.memory_space<vmem>>, vector<1x1x16xf32>,
      %get3A_326 = vector.shape_cast %get3A_325 : vector<1x1x16xf32> to vector<16xf32>
      %add3A_327 = arith.constant 1 : i32
      %add3A_328 = arith.addi %mul3A_140, %add3A_327 : i32
      %get3A_329 = arith.constant 0 : i32
      %get3A_330 = arith.index_cast %get3A_329 : i32 to index
      %get3A_331 = arith.index_cast %add3A_328 : i32 to index
      %get3A_332 = arith.constant 16 : index
      %get3A_333 = tpu.vector_load %arg9[%get3A_330, %get3A_331, %get3A_332] {strides = array<i32>} : memref<2x512x64xf32, #tpu.memory_space<vmem>>, vector<1x1x16xf32>,
      %get3A_334 = vector.shape_cast %get3A_333 : vector<1x1x16xf32> to vector<16xf32>
      %add3A_335 = arith.addf %get3A_326, %get3A_334 : vector<16xf32>
      %add3A_336 = arith.constant 2 : i32
      %add3A_337 = arith.addi %mul3A_140, %add3A_336 : i32
      %get3A_338 = arith.constant 0 : i32
      %get3A_339 = arith.index_cast %get3A_338 : i32 to index
      %get3A_340 = arith.index_cast %add3A_337 : i32 to index
      %get3A_341 = arith.constant 16 : index
      %get3A_342 = tpu.vector_load %arg9[%get3A_339, %get3A_340, %get3A_341] {strides = array<i32>} : memref<2x512x64xf32, #tpu.memory_space<vmem>>, vector<1x1x16xf32>,
      %get3A_343 = vector.shape_cast %get3A_342 : vector<1x1x16xf32> to vector<16xf32>
      %add3A_344 = arith.addf %add3A_335, %get3A_343 : vector<16xf32>
      %add3A_345 = arith.constant 3 : i32
      %add3A_346 = arith.addi %mul3A_140, %add3A_345 : i32
      %get3A_347 = arith.constant 0 : i32
      %get3A_348 = arith.index_cast %get3A_347 : i32 to index
      %get3A_349 = arith.index_cast %add3A_346 : i32 to index
      %get3A_350 = arith.constant 16 : index
      %get3A_351 = tpu.vector_load %arg9[%get3A_348, %get3A_349, %get3A_350] {strides = array<i32>} : memref<2x512x64xf32, #tpu.memory_space<vmem>>, vector<1x1x16xf32>,
      %get3A_352 = vector.shape_cast %get3A_351 : vector<1x1x16xf32> to vector<16xf32>
      %add3A_353 = arith.addf %add3A_344, %get3A_352 : vector<16xf32>
      %add3A_354 = arith.constant 4 : i32
      %add3A_355 = arith.addi %mul3A_140, %add3A_354 : i32
      %get3A_356 = arith.constant 0 : i32
      %get3A_357 = arith.index_cast %get3A_356 : i32 to index
      %get3A_358 = arith.index_cast %add3A_355 : i32 to index
      %get3A_359 = arith.constant 16 : index
      %get3A_360 = tpu.vector_load %arg9[%get3A_357, %get3A_358, %get3A_359] {strides = array<i32>} : memref<2x512x64xf32, #tpu.memory_space<vmem>>, vector<1x1x16xf32>,
      %get3A_361 = vector.shape_cast %get3A_360 : vector<1x1x16xf32> to vector<16xf32>
      %add3A_362 = arith.addf %add3A_353, %get3A_361 : vector<16xf32>
      %add3A_363 = arith.constant 5 : i32
      %add3A_364 = arith.addi %mul3A_140, %add3A_363 : i32
      %get3A_365 = arith.constant 0 : i32
      %get3A_366 = arith.index_cast %get3A_365 : i32 to index
      %get3A_367 = arith.index_cast %add3A_364 : i32 to index
      %get3A_368 = arith.constant 16 : index
      %get3A_369 = tpu.vector_load %arg9[%get3A_366, %get3A_367, %get3A_368] {strides = array<i32>} : memref<2x512x64xf32, #tpu.memory_space<vmem>>, vector<1x1x16xf32>,
      %get3A_370 = vector.shape_cast %get3A_369 : vector<1x1x16xf32> to vector<16xf32>
      %add3A_371 = arith.addf %add3A_362, %get3A_370 : vector<16xf32>
      %add3A_372 = arith.constant 6 : i32
      %add3A_373 = arith.addi %mul3A_140, %add3A_372 : i32
      %get3A_374 = arith.constant 0 : i32
      %get3A_375 = arith.index_cast %get3A_374 : i32 to index
      %get3A_376 = arith.index_cast %add3A_373 : i32 to index
      %get3A_377 = arith.constant 16 : index
      %get3A_378 = tpu.vector_load %arg9[%get3A_375, %get3A_376, %get3A_377] {strides = array<i32>} : memref<2x512x64xf32, #tpu.memory_space<vmem>>, vector<1x1x16xf32>,
      %get3A_379 = vector.shape_cast %get3A_378 : vector<1x1x16xf32> to vector<16xf32>
      %add3A_380 = arith.addf %add3A_371, %get3A_379 : vector<16xf32>
      %add3A_381 = arith.constant 7 : i32
      %add3A_382 = arith.addi %mul3A_140, %add3A_381 : i32
      %get3A_383 = arith.constant 0 : i32
      %get3A_384 = arith.index_cast %get3A_383 : i32 to index
      %get3A_385 = arith.index_cast %add3A_382 : i32 to index
      %get3A_386 = arith.constant 16 : index
      %get3A_387 = tpu.vector_load %arg9[%get3A_384, %get3A_385, %get3A_386] {strides = array<i32>} : memref<2x512x64xf32, #tpu.memory_space<vmem>>, vector<1x1x16xf32>,
      %get3A_388 = vector.shape_cast %get3A_387 : vector<1x1x16xf32> to vector<16xf32>
      %add3A_389 = arith.addf %add3A_380, %get3A_388 : vector<16xf32>
      %add3A_390 = arith.constant 8 : i32
      %add3A_391 = arith.addi %mul3A_140, %add3A_390 : i32
      %get3A_392 = arith.constant 0 : i32
      %get3A_393 = arith.index_cast %get3A_392 : i32 to index
      %get3A_394 = arith.index_cast %add3A_391 : i32 to index
      %get3A_395 = arith.constant 16 : index
      %get3A_396 = tpu.vector_load %arg9[%get3A_393, %get3A_394, %get3A_395] {strides = array<i32>} : memref<2x512x64xf32, #tpu.memory_space<vmem>>, vector<1x1x16xf32>,
      %get3A_397 = vector.shape_cast %get3A_396 : vector<1x1x16xf32> to vector<16xf32>
      %add3A_398 = arith.addf %add3A_389, %get3A_397 : vector<16xf32>
      %add3A_399 = arith.constant 9 : i32
      %add3A_400 = arith.addi %mul3A_140, %add3A_399 : i32
      %get3A_401 = arith.constant 0 : i32
      %get3A_402 = arith.index_cast %get3A_401 : i32 to index
      %get3A_403 = arith.index_cast %add3A_400 : i32 to index
      %get3A_404 = arith.constant 16 : index
      %get3A_405 = tpu.vector_load %arg9[%get3A_402, %get3A_403, %get3A_404] {strides = array<i32>} : memref<2x512x64xf32, #tpu.memory_space<vmem>>, vector<1x1x16xf32>,
      %get3A_406 = vector.shape_cast %get3A_405 : vector<1x1x16xf32> to vector<16xf32>
      %add3A_407 = arith.addf %add3A_398, %get3A_406 : vector<16xf32>
      %add3A_408 = arith.constant 10 : i32
      %add3A_409 = arith.addi %mul3A_140, %add3A_408 : i32
      %get3A_410 = arith.constant 0 : i32
      %get3A_411 = arith.index_cast %get3A_410 : i32 to index
      %get3A_412 = arith.index_cast %add3A_409 : i32 to index
      %get3A_413 = arith.constant 16 : index
      %get3A_414 = tpu.vector_load %arg9[%get3A_411, %get3A_412, %get3A_413] {strides = array<i32>} : memref<2x512x64xf32, #tpu.memory_space<vmem>>, vector<1x1x16xf32>,
      %get3A_415 = vector.shape_cast %get3A_414 : vector<1x1x16xf32> to vector<16xf32>
      %add3A_416 = arith.addf %add3A_407, %get3A_415 : vector<16xf32>
      %add3A_417 = arith.constant 11 : i32
      %add3A_418 = arith.addi %mul3A_140, %add3A_417 : i32
      %get3A_419 = arith.constant 0 : i32
      %get3A_420 = arith.index_cast %get3A_419 : i32 to index
      %get3A_421 = arith.index_cast %add3A_418 : i32 to index
      %get3A_422 = arith.constant 16 : index
      %get3A_423 = tpu.vector_load %arg9[%get3A_420, %get3A_421, %get3A_422] {strides = array<i32>} : memref<2x512x64xf32, #tpu.memory_space<vmem>>, vector<1x1x16xf32>,
      %get3A_424 = vector.shape_cast %get3A_423 : vector<1x1x16xf32> to vector<16xf32>
      %add3A_425 = arith.addf %add3A_416, %get3A_424 : vector<16xf32>
      %add3A_426 = arith.constant 12 : i32
      %add3A_427 = arith.addi %mul3A_140, %add3A_426 : i32
      %get3A_428 = arith.constant 0 : i32
      %get3A_429 = arith.index_cast %get3A_428 : i32 to index
      %get3A_430 = arith.index_cast %add3A_427 : i32 to index
      %get3A_431 = arith.constant 16 : index
      %get3A_432 = tpu.vector_load %arg9[%get3A_429, %get3A_430, %get3A_431] {strides = array<i32>} : memref<2x512x64xf32, #tpu.memory_space<vmem>>, vector<1x1x16xf32>,
      %get3A_433 = vector.shape_cast %get3A_432 : vector<1x1x16xf32> to vector<16xf32>
      %add3A_434 = arith.addf %add3A_425, %get3A_433 : vector<16xf32>
      %add3A_435 = arith.constant 13 : i32
      %add3A_436 = arith.addi %mul3A_140, %add3A_435 : i32
      %get3A_437 = arith.constant 0 : i32
      %get3A_438 = arith.index_cast %get3A_437 : i32 to index
      %get3A_439 = arith.index_cast %add3A_436 : i32 to index
      %get3A_440 = arith.constant 16 : index
      %get3A_441 = tpu.vector_load %arg9[%get3A_438, %get3A_439, %get3A_440] {strides = array<i32>} : memref<2x512x64xf32, #tpu.memory_space<vmem>>, vector<1x1x16xf32>,
      %get3A_442 = vector.shape_cast %get3A_441 : vector<1x1x16xf32> to vector<16xf32>
      %add3A_443 = arith.addf %add3A_434, %get3A_442 : vector<16xf32>
      %add3A_444 = arith.constant 14 : i32
      %add3A_445 = arith.addi %mul3A_140, %add3A_444 : i32
      %get3A_446 = arith.constant 0 : i32
      %get3A_447 = arith.index_cast %get3A_446 : i32 to index
      %get3A_448 = arith.index_cast %add3A_445 : i32 to index
      %get3A_449 = arith.constant 16 : index
      %get3A_450 = tpu.vector_load %arg9[%get3A_447, %get3A_448, %get3A_449] {strides = array<i32>} : memref<2x512x64xf32, #tpu.memory_space<vmem>>, vector<1x1x16xf32>,
      %get3A_451 = vector.shape_cast %get3A_450 : vector<1x1x16xf32> to vector<16xf32>
      %add3A_452 = arith.addf %add3A_443, %get3A_451 : vector<16xf32>
      %add3A_453 = arith.constant 15 : i32
      %add3A_454 = arith.addi %mul3A_140, %add3A_453 : i32
      %get3A_455 = arith.constant 0 : i32
      %get3A_456 = arith.index_cast %get3A_455 : i32 to index
      %get3A_457 = arith.index_cast %add3A_454 : i32 to index
      %get3A_458 = arith.constant 16 : index
      %get3A_459 = tpu.vector_load %arg9[%get3A_456, %get3A_457, %get3A_458] {strides = array<i32>} : memref<2x512x64xf32, #tpu.memory_space<vmem>>, vector<1x1x16xf32>,
      %get3A_460 = vector.shape_cast %get3A_459 : vector<1x1x16xf32> to vector<16xf32>
      %add3A_461 = arith.addf %add3A_452, %get3A_460 : vector<16xf32>
      %add3A_462 = arith.constant 16 : i32
      %add3A_463 = arith.addi %mul3A_140, %add3A_462 : i32
      %get3A_464 = arith.constant 0 : i32
      %get3A_465 = arith.index_cast %get3A_464 : i32 to index
      %get3A_466 = arith.index_cast %add3A_463 : i32 to index
      %get3A_467 = arith.constant 16 : index
      %get3A_468 = tpu.vector_load %arg9[%get3A_465, %get3A_466, %get3A_467] {strides = array<i32>} : memref<2x512x64xf32, #tpu.memory_space<vmem>>, vector<1x1x16xf32>,
      %get3A_469 = vector.shape_cast %get3A_468 : vector<1x1x16xf32> to vector<16xf32>
      %add3A_470 = arith.addf %add3A_461, %get3A_469 : vector<16xf32>
      %add3A_471 = arith.constant 17 : i32
      %add3A_472 = arith.addi %mul3A_140, %add3A_471 : i32
      %get3A_473 = arith.constant 0 : i32
      %get3A_474 = arith.index_cast %get3A_473 : i32 to index
      %get3A_475 = arith.index_cast %add3A_472 : i32 to index
      %get3A_476 = arith.constant 16 : index
      %get3A_477 = tpu.vector_load %arg9[%get3A_474, %get3A_475, %get3A_476] {strides = array<i32>} : memref<2x512x64xf32, #tpu.memory_space<vmem>>, vector<1x1x16xf32>,
      %get3A_478 = vector.shape_cast %get3A_477 : vector<1x1x16xf32> to vector<16xf32>
      %add3A_479 = arith.addf %add3A_470, %get3A_478 : vector<16xf32>
      %add3A_480 = arith.constant 18 : i32
      %add3A_481 = arith.addi %mul3A_140, %add3A_480 : i32
      %get3A_482 = arith.constant 0 : i32
      %get3A_483 = arith.index_cast %get3A_482 : i32 to index
      %get3A_484 = arith.index_cast %add3A_481 : i32 to index
      %get3A_485 = arith.constant 16 : index
      %get3A_486 = tpu.vector_load %arg9[%get3A_483, %get3A_484, %get3A_485] {strides = array<i32>} : memref<2x512x64xf32, #tpu.memory_space<vmem>>, vector<1x1x16xf32>,
      %get3A_487 = vector.shape_cast %get3A_486 : vector<1x1x16xf32> to vector<16xf32>
      %add3A_488 = arith.addf %add3A_479, %get3A_487 : vector<16xf32>
      %add3A_489 = arith.constant 19 : i32
      %add3A_490 = arith.addi %mul3A_140, %add3A_489 : i32
      %get3A_491 = arith.constant 0 : i32
      %get3A_492 = arith.index_cast %get3A_491 : i32 to index
      %get3A_493 = arith.index_cast %add3A_490 : i32 to index
      %get3A_494 = arith.constant 16 : index
      %get3A_495 = tpu.vector_load %arg9[%get3A_492, %get3A_493, %get3A_494] {strides = array<i32>} : memref<2x512x64xf32, #tpu.memory_space<vmem>>, vector<1x1x16xf32>,
      %get3A_496 = vector.shape_cast %get3A_495 : vector<1x1x16xf32> to vector<16xf32>
      %add3A_497 = arith.addf %add3A_488, %get3A_496 : vector<16xf32>
      %swap3A_498 = arith.index_cast %scan3A_138 : i32 to index
      %swap3A_499 = arith.constant 16 : index
      %swap3A_500 = tpu.vector_load %arg11[%swap3A_498, %swap3A_499] {strides = array<i32>} : memref<32x64xf32, #tpu.memory_space<vmem>>, vector<1x16xf32>,
      %swap3A_501 = vector.shape_cast %swap3A_500 : vector<1x16xf32> to vector<16xf32>
      %swap3A_502 = vector.shape_cast %add3A_497 : vector<16xf32> to vector<1x16xf32>
      tpu.vector_store %arg11[%swap3A_498, %swap3A_499], %swap3A_502 {strides = array<i32>} : memref<32x64xf32, #tpu.memory_space<vmem>>, vector<1x16xf32>,
      %get3A_503 = arith.constant 0 : i32
      %get3A_504 = arith.index_cast %get3A_503 : i32 to index
      %get3A_505 = arith.index_cast %mul3A_140 : i32 to index
      %get3A_506 = arith.constant 32 : index
      %get3A_507 = tpu.vector_load %arg9[%get3A_504, %get3A_505, %get3A_506] {strides = array<i32>} : memref<2x512x64xf32, #tpu.memory_space<vmem>>, vector<1x1x16xf32>,
      %get3A_508 = vector.shape_cast %get3A_507 : vector<1x1x16xf32> to vector<16xf32>
      %add3A_509 = arith.constant 1 : i32
      %add3A_510 = arith.addi %mul3A_140, %add3A_509 : i32
      %get3A_511 = arith.constant 0 : i32
      %get3A_512 = arith.index_cast %get3A_511 : i32 to index
      %get3A_513 = arith.index_cast %add3A_510 : i32 to index
      %get3A_514 = arith.constant 32 : index
      %get3A_515 = tpu.vector_load %arg9[%get3A_512, %get3A_513, %get3A_514] {strides = array<i32>} : memref<2x512x64xf32, #tpu.memory_space<vmem>>, vector<1x1x16xf32>,
      %get3A_516 = vector.shape_cast %get3A_515 : vector<1x1x16xf32> to vector<16xf32>
      %add3A_517 = arith.addf %get3A_508, %get3A_516 : vector<16xf32>
      %add3A_518 = arith.constant 2 : i32
      %add3A_519 = arith.addi %mul3A_140, %add3A_518 : i32
      %get3A_520 = arith.constant 0 : i32
      %get3A_521 = arith.index_cast %get3A_520 : i32 to index
      %get3A_522 = arith.index_cast %add3A_519 : i32 to index
      %get3A_523 = arith.constant 32 : index
      %get3A_524 = tpu.vector_load %arg9[%get3A_521, %get3A_522, %get3A_523] {strides = array<i32>} : memref<2x512x64xf32, #tpu.memory_space<vmem>>, vector<1x1x16xf32>,
      %get3A_525 = vector.shape_cast %get3A_524 : vector<1x1x16xf32> to vector<16xf32>
      %add3A_526 = arith.addf %add3A_517, %get3A_525 : vector<16xf32>
      %add3A_527 = arith.constant 3 : i32
      %add3A_528 = arith.addi %mul3A_140, %add3A_527 : i32
      %get3A_529 = arith.constant 0 : i32
      %get3A_530 = arith.index_cast %get3A_529 : i32 to index
      %get3A_531 = arith.index_cast %add3A_528 : i32 to index
      %get3A_532 = arith.constant 32 : index
      %get3A_533 = tpu.vector_load %arg9[%get3A_530, %get3A_531, %get3A_532] {strides = array<i32>} : memref<2x512x64xf32, #tpu.memory_space<vmem>>, vector<1x1x16xf32>,
      %get3A_534 = vector.shape_cast %get3A_533 : vector<1x1x16xf32> to vector<16xf32>
      %add3A_535 = arith.addf %add3A_526, %get3A_534 : vector<16xf32>
      %add3A_536 = arith.constant 4 : i32
      %add3A_537 = arith.addi %mul3A_140, %add3A_536 : i32
      %get3A_538 = arith.constant 0 : i32
      %get3A_539 = arith.index_cast %get3A_538 : i32 to index
      %get3A_540 = arith.index_cast %add3A_537 : i32 to index
      %get3A_541 = arith.constant 32 : index
      %get3A_542 = tpu.vector_load %arg9[%get3A_539, %get3A_540, %get3A_541] {strides = array<i32>} : memref<2x512x64xf32, #tpu.memory_space<vmem>>, vector<1x1x16xf32>,
      %get3A_543 = vector.shape_cast %get3A_542 : vector<1x1x16xf32> to vector<16xf32>
      %add3A_544 = arith.addf %add3A_535, %get3A_543 : vector<16xf32>
      %add3A_545 = arith.constant 5 : i32
      %add3A_546 = arith.addi %mul3A_140, %add3A_545 : i32
      %get3A_547 = arith.constant 0 : i32
      %get3A_548 = arith.index_cast %get3A_547 : i32 to index
      %get3A_549 = arith.index_cast %add3A_546 : i32 to index
      %get3A_550 = arith.constant 32 : index
      %get3A_551 = tpu.vector_load %arg9[%get3A_548, %get3A_549, %get3A_550] {strides = array<i32>} : memref<2x512x64xf32, #tpu.memory_space<vmem>>, vector<1x1x16xf32>,
      %get3A_552 = vector.shape_cast %get3A_551 : vector<1x1x16xf32> to vector<16xf32>
      %add3A_553 = arith.addf %add3A_544, %get3A_552 : vector<16xf32>
      %add3A_554 = arith.constant 6 : i32
      %add3A_555 = arith.addi %mul3A_140, %add3A_554 : i32
      %get3A_556 = arith.constant 0 : i32
      %get3A_557 = arith.index_cast %get3A_556 : i32 to index
      %get3A_558 = arith.index_cast %add3A_555 : i32 to index
      %get3A_559 = arith.constant 32 : index
      %get3A_560 = tpu.vector_load %arg9[%get3A_557, %get3A_558, %get3A_559] {strides = array<i32>} : memref<2x512x64xf32, #tpu.memory_space<vmem>>, vector<1x1x16xf32>,
      %get3A_561 = vector.shape_cast %get3A_560 : vector<1x1x16xf32> to vector<16xf32>
      %add3A_562 = arith.addf %add3A_553, %get3A_561 : vector<16xf32>
      %add3A_563 = arith.constant 7 : i32
      %add3A_564 = arith.addi %mul3A_140, %add3A_563 : i32
      %get3A_565 = arith.constant 0 : i32
      %get3A_566 = arith.index_cast %get3A_565 : i32 to index
      %get3A_567 = arith.index_cast %add3A_564 : i32 to index
      %get3A_568 = arith.constant 32 : index
      %get3A_569 = tpu.vector_load %arg9[%get3A_566, %get3A_567, %get3A_568] {strides = array<i32>} : memref<2x512x64xf32, #tpu.memory_space<vmem>>, vector<1x1x16xf32>,
      %get3A_570 = vector.shape_cast %get3A_569 : vector<1x1x16xf32> to vector<16xf32>
      %add3A_571 = arith.addf %add3A_562, %get3A_570 : vector<16xf32>
      %add3A_572 = arith.constant 8 : i32
      %add3A_573 = arith.addi %mul3A_140, %add3A_572 : i32
      %get3A_574 = arith.constant 0 : i32
      %get3A_575 = arith.index_cast %get3A_574 : i32 to index
      %get3A_576 = arith.index_cast %add3A_573 : i32 to index
      %get3A_577 = arith.constant 32 : index
      %get3A_578 = tpu.vector_load %arg9[%get3A_575, %get3A_576, %get3A_577] {strides = array<i32>} : memref<2x512x64xf32, #tpu.memory_space<vmem>>, vector<1x1x16xf32>,
      %get3A_579 = vector.shape_cast %get3A_578 : vector<1x1x16xf32> to vector<16xf32>
      %add3A_580 = arith.addf %add3A_571, %get3A_579 : vector<16xf32>
      %add3A_581 = arith.constant 9 : i32
      %add3A_582 = arith.addi %mul3A_140, %add3A_581 : i32
      %get3A_583 = arith.constant 0 : i32
      %get3A_584 = arith.index_cast %get3A_583 : i32 to index
      %get3A_585 = arith.index_cast %add3A_582 : i32 to index
      %get3A_586 = arith.constant 32 : index
      %get3A_587 = tpu.vector_load %arg9[%get3A_584, %get3A_585, %get3A_586] {strides = array<i32>} : memref<2x512x64xf32, #tpu.memory_space<vmem>>, vector<1x1x16xf32>,
      %get3A_588 = vector.shape_cast %get3A_587 : vector<1x1x16xf32> to vector<16xf32>
      %add3A_589 = arith.addf %add3A_580, %get3A_588 : vector<16xf32>
      %add3A_590 = arith.constant 10 : i32
      %add3A_591 = arith.addi %mul3A_140, %add3A_590 : i32
      %get3A_592 = arith.constant 0 : i32
      %get3A_593 = arith.index_cast %get3A_592 : i32 to index
      %get3A_594 = arith.index_cast %add3A_591 : i32 to index
      %get3A_595 = arith.constant 32 : index
      %get3A_596 = tpu.vector_load %arg9[%get3A_593, %get3A_594, %get3A_595] {strides = array<i32>} : memref<2x512x64xf32, #tpu.memory_space<vmem>>, vector<1x1x16xf32>,
      %get3A_597 = vector.shape_cast %get3A_596 : vector<1x1x16xf32> to vector<16xf32>
      %add3A_598 = arith.addf %add3A_589, %get3A_597 : vector<16xf32>
      %add3A_599 = arith.constant 11 : i32
      %add3A_600 = arith.addi %mul3A_140, %add3A_599 : i32
      %get3A_601 = arith.constant 0 : i32
      %get3A_602 = arith.index_cast %get3A_601 : i32 to index
      %get3A_603 = arith.index_cast %add3A_600 : i32 to index
      %get3A_604 = arith.constant 32 : index
      %get3A_605 = tpu.vector_load %arg9[%get3A_602, %get3A_603, %get3A_604] {strides = array<i32>} : memref<2x512x64xf32, #tpu.memory_space<vmem>>, vector<1x1x16xf32>,
      %get3A_606 = vector.shape_cast %get3A_605 : vector<1x1x16xf32> to vector<16xf32>
      %add3A_607 = arith.addf %add3A_598, %get3A_606 : vector<16xf32>
      %add3A_608 = arith.constant 12 : i32
      %add3A_609 = arith.addi %mul3A_140, %add3A_608 : i32
      %get3A_610 = arith.constant 0 : i32
      %get3A_611 = arith.index_cast %get3A_610 : i32 to index
      %get3A_612 = arith.index_cast %add3A_609 : i32 to index
      %get3A_613 = arith.constant 32 : index
      %get3A_614 = tpu.vector_load %arg9[%get3A_611, %get3A_612, %get3A_613] {strides = array<i32>} : memref<2x512x64xf32, #tpu.memory_space<vmem>>, vector<1x1x16xf32>,
      %get3A_615 = vector.shape_cast %get3A_614 : vector<1x1x16xf32> to vector<16xf32>
      %add3A_616 = arith.addf %add3A_607, %get3A_615 : vector<16xf32>
      %add3A_617 = arith.constant 13 : i32
      %add3A_618 = arith.addi %mul3A_140, %add3A_617 : i32
      %get3A_619 = arith.constant 0 : i32
      %get3A_620 = arith.index_cast %get3A_619 : i32 to index
      %get3A_621 = arith.index_cast %add3A_618 : i32 to index
      %get3A_622 = arith.constant 32 : index
      %get3A_623 = tpu.vector_load %arg9[%get3A_620, %get3A_621, %get3A_622] {strides = array<i32>} : memref<2x512x64xf32, #tpu.memory_space<vmem>>, vector<1x1x16xf32>,
      %get3A_624 = vector.shape_cast %get3A_623 : vector<1x1x16xf32> to vector<16xf32>
      %add3A_625 = arith.addf %add3A_616, %get3A_624 : vector<16xf32>
      %add3A_626 = arith.constant 14 : i32
      %add3A_627 = arith.addi %mul3A_140, %add3A_626 : i32
      %get3A_628 = arith.constant 0 : i32
      %get3A_629 = arith.index_cast %get3A_628 : i32 to index
      %get3A_630 = arith.index_cast %add3A_627 : i32 to index
      %get3A_631 = arith.constant 32 : index
      %get3A_632 = tpu.vector_load %arg9[%get3A_629, %get3A_630, %get3A_631] {strides = array<i32>} : memref<2x512x64xf32, #tpu.memory_space<vmem>>, vector<1x1x16xf32>,
      %get3A_633 = vector.shape_cast %get3A_632 : vector<1x1x16xf32> to vector<16xf32>
      %add3A_634 = arith.addf %add3A_625, %get3A_633 : vector<16xf32>
      %add3A_635 = arith.constant 15 : i32
      %add3A_636 = arith.addi %mul3A_140, %add3A_635 : i32
      %get3A_637 = arith.constant 0 : i32
      %get3A_638 = arith.index_cast %get3A_637 : i32 to index
      %get3A_639 = arith.index_cast %add3A_636 : i32 to index
      %get3A_640 = arith.constant 32 : index
      %get3A_641 = tpu.vector_load %arg9[%get3A_638, %get3A_639, %get3A_640] {strides = array<i32>} : memref<2x512x64xf32, #tpu.memory_space<vmem>>, vector<1x1x16xf32>,
      %get3A_642 = vector.shape_cast %get3A_641 : vector<1x1x16xf32> to vector<16xf32>
      %add3A_643 = arith.addf %add3A_634, %get3A_642 : vector<16xf32>
      %add3A_644 = arith.constant 16 : i32
      %add3A_645 = arith.addi %mul3A_140, %add3A_644 : i32
      %get3A_646 = arith.constant 0 : i32
      %get3A_647 = arith.index_cast %get3A_646 : i32 to index
      %get3A_648 = arith.index_cast %add3A_645 : i32 to index
      %get3A_649 = arith.constant 32 : index
      %get3A_650 = tpu.vector_load %arg9[%get3A_647, %get3A_648, %get3A_649] {strides = array<i32>} : memref<2x512x64xf32, #tpu.memory_space<vmem>>, vector<1x1x16xf32>,
      %get3A_651 = vector.shape_cast %get3A_650 : vector<1x1x16xf32> to vector<16xf32>
      %add3A_652 = arith.addf %add3A_643, %get3A_651 : vector<16xf32>
      %add3A_653 = arith.constant 17 : i32
      %add3A_654 = arith.addi %mul3A_140, %add3A_653 : i32
      %get3A_655 = arith.constant 0 : i32
      %get3A_656 = arith.index_cast %get3A_655 : i32 to index
      %get3A_657 = arith.index_cast %add3A_654 : i32 to index
      %get3A_658 = arith.constant 32 : index
      %get3A_659 = tpu.vector_load %arg9[%get3A_656, %get3A_657, %get3A_658] {strides = array<i32>} : memref<2x512x64xf32, #tpu.memory_space<vmem>>, vector<1x1x16xf32>,
      %get3A_660 = vector.shape_cast %get3A_659 : vector<1x1x16xf32> to vector<16xf32>
      %add3A_661 = arith.addf %add3A_652, %get3A_660 : vector<16xf32>
      %add3A_662 = arith.constant 18 : i32
      %add3A_663 = arith.addi %mul3A_140, %add3A_662 : i32
      %get3A_664 = arith.constant 0 : i32
      %get3A_665 = arith.index_cast %get3A_664 : i32 to index
      %get3A_666 = arith.index_cast %add3A_663 : i32 to index
      %get3A_667 = arith.constant 32 : index
      %get3A_668 = tpu.vector_load %arg9[%get3A_665, %get3A_666, %get3A_667] {strides = array<i32>} : memref<2x512x64xf32, #tpu.memory_space<vmem>>, vector<1x1x16xf32>,
      %get3A_669 = vector.shape_cast %get3A_668 : vector<1x1x16xf32> to vector<16xf32>
      %add3A_670 = arith.addf %add3A_661, %get3A_669 : vector<16xf32>
      %add3A_671 = arith.constant 19 : i32
      %add3A_672 = arith.addi %mul3A_140, %add3A_671 : i32
      %get3A_673 = arith.constant 0 : i32
      %get3A_674 = arith.index_cast %get3A_673 : i32 to index
      %get3A_675 = arith.index_cast %add3A_672 : i32 to index
      %get3A_676 = arith.constant 32 : index
      %get3A_677 = tpu.vector_load %arg9[%get3A_674, %get3A_675, %get3A_676] {strides = array<i32>} : memref<2x512x64xf32, #tpu.memory_space<vmem>>, vector<1x1x16xf32>,
      %get3A_678 = vector.shape_cast %get3A_677 : vector<1x1x16xf32> to vector<16xf32>
      %add3A_679 = arith.addf %add3A_670, %get3A_678 : vector<16xf32>
      %swap3A_680 = arith.index_cast %scan3A_138 : i32 to index
      %swap3A_681 = arith.constant 32 : index
      %swap3A_682 = tpu.vector_load %arg11[%swap3A_680, %swap3A_681] {strides = array<i32>} : memref<32x64xf32, #tpu.memory_space<vmem>>, vector<1x16xf32>,
      %swap3A_683 = vector.shape_cast %swap3A_682 : vector<1x16xf32> to vector<16xf32>
      %swap3A_684 = vector.shape_cast %add3A_679 : vector<16xf32> to vector<1x16xf32>
      tpu.vector_store %arg11[%swap3A_680, %swap3A_681], %swap3A_684 {strides = array<i32>} : memref<32x64xf32, #tpu.memory_space<vmem>>, vector<1x16xf32>,
      %get3A_685 = arith.constant 0 : i32
      %get3A_686 = arith.index_cast %get3A_685 : i32 to index
      %get3A_687 = arith.index_cast %mul3A_140 : i32 to index
      %get3A_688 = arith.constant 48 : index
      %get3A_689 = tpu.vector_load %arg9[%get3A_686, %get3A_687, %get3A_688] {strides = array<i32>} : memref<2x512x64xf32, #tpu.memory_space<vmem>>, vector<1x1x16xf32>,
      %get3A_690 = vector.shape_cast %get3A_689 : vector<1x1x16xf32> to vector<16xf32>
      %add3A_691 = arith.constant 1 : i32
      %add3A_692 = arith.addi %mul3A_140, %add3A_691 : i32
      %get3A_693 = arith.constant 0 : i32
      %get3A_694 = arith.index_cast %get3A_693 : i32 to index
      %get3A_695 = arith.index_cast %add3A_692 : i32 to index
      %get3A_696 = arith.constant 48 : index
      %get3A_697 = tpu.vector_load %arg9[%get3A_694, %get3A_695, %get3A_696] {strides = array<i32>} : memref<2x512x64xf32, #tpu.memory_space<vmem>>, vector<1x1x16xf32>,
      %get3A_698 = vector.shape_cast %get3A_697 : vector<1x1x16xf32> to vector<16xf32>
      %add3A_699 = arith.addf %get3A_690, %get3A_698 : vector<16xf32>
      %add3A_700 = arith.constant 2 : i32
      %add3A_701 = arith.addi %mul3A_140, %add3A_700 : i32
      %get3A_702 = arith.constant 0 : i32
      %get3A_703 = arith.index_cast %get3A_702 : i32 to index
      %get3A_704 = arith.index_cast %add3A_701 : i32 to index
      %get3A_705 = arith.constant 48 : index
      %get3A_706 = tpu.vector_load %arg9[%get3A_703, %get3A_704, %get3A_705] {strides = array<i32>} : memref<2x512x64xf32, #tpu.memory_space<vmem>>, vector<1x1x16xf32>,
      %get3A_707 = vector.shape_cast %get3A_706 : vector<1x1x16xf32> to vector<16xf32>
      %add3A_708 = arith.addf %add3A_699, %get3A_707 : vector<16xf32>
      %add3A_709 = arith.constant 3 : i32
      %add3A_710 = arith.addi %mul3A_140, %add3A_709 : i32
      %get3A_711 = arith.constant 0 : i32
      %get3A_712 = arith.index_cast %get3A_711 : i32 to index
      %get3A_713 = arith.index_cast %add3A_710 : i32 to index
      %get3A_714 = arith.constant 48 : index
      %get3A_715 = tpu.vector_load %arg9[%get3A_712, %get3A_713, %get3A_714] {strides = array<i32>} : memref<2x512x64xf32, #tpu.memory_space<vmem>>, vector<1x1x16xf32>,
      %get3A_716 = vector.shape_cast %get3A_715 : vector<1x1x16xf32> to vector<16xf32>
      %add3A_717 = arith.addf %add3A_708, %get3A_716 : vector<16xf32>
      %add3A_718 = arith.constant 4 : i32
      %add3A_719 = arith.addi %mul3A_140, %add3A_718 : i32
      %get3A_720 = arith.constant 0 : i32
      %get3A_721 = arith.index_cast %get3A_720 : i32 to index
      %get3A_722 = arith.index_cast %add3A_719 : i32 to index
      %get3A_723 = arith.constant 48 : index
      %get3A_724 = tpu.vector_load %arg9[%get3A_721, %get3A_722, %get3A_723] {strides = array<i32>} : memref<2x512x64xf32, #tpu.memory_space<vmem>>, vector<1x1x16xf32>,
      %get3A_725 = vector.shape_cast %get3A_724 : vector<1x1x16xf32> to vector<16xf32>
      %add3A_726 = arith.addf %add3A_717, %get3A_725 : vector<16xf32>
      %add3A_727 = arith.constant 5 : i32
      %add3A_728 = arith.addi %mul3A_140, %add3A_727 : i32
      %get3A_729 = arith.constant 0 : i32
      %get3A_730 = arith.index_cast %get3A_729 : i32 to index
      %get3A_731 = arith.index_cast %add3A_728 : i32 to index
      %get3A_732 = arith.constant 48 : index
      %get3A_733 = tpu.vector_load %arg9[%get3A_730, %get3A_731, %get3A_732] {strides = array<i32>} : memref<2x512x64xf32, #tpu.memory_space<vmem>>, vector<1x1x16xf32>,
      %get3A_734 = vector.shape_cast %get3A_733 : vector<1x1x16xf32> to vector<16xf32>
      %add3A_735 = arith.addf %add3A_726, %get3A_734 : vector<16xf32>
      %add3A_736 = arith.constant 6 : i32
      %add3A_737 = arith.addi %mul3A_140, %add3A_736 : i32
      %get3A_738 = arith.constant 0 : i32
      %get3A_739 = arith.index_cast %get3A_738 : i32 to index
      %get3A_740 = arith.index_cast %add3A_737 : i32 to index
      %get3A_741 = arith.constant 48 : index
      %get3A_742 = tpu.vector_load %arg9[%get3A_739, %get3A_740, %get3A_741] {strides = array<i32>} : memref<2x512x64xf32, #tpu.memory_space<vmem>>, vector<1x1x16xf32>,
      %get3A_743 = vector.shape_cast %get3A_742 : vector<1x1x16xf32> to vector<16xf32>
      %add3A_744 = arith.addf %add3A_735, %get3A_743 : vector<16xf32>
      %add3A_745 = arith.constant 7 : i32
      %add3A_746 = arith.addi %mul3A_140, %add3A_745 : i32
      %get3A_747 = arith.constant 0 : i32
      %get3A_748 = arith.index_cast %get3A_747 : i32 to index
      %get3A_749 = arith.index_cast %add3A_746 : i32 to index
      %get3A_750 = arith.constant 48 : index
      %get3A_751 = tpu.vector_load %arg9[%get3A_748, %get3A_749, %get3A_750] {strides = array<i32>} : memref<2x512x64xf32, #tpu.memory_space<vmem>>, vector<1x1x16xf32>,
      %get3A_752 = vector.shape_cast %get3A_751 : vector<1x1x16xf32> to vector<16xf32>
      %add3A_753 = arith.addf %add3A_744, %get3A_752 : vector<16xf32>
      %add3A_754 = arith.constant 8 : i32
      %add3A_755 = arith.addi %mul3A_140, %add3A_754 : i32
      %get3A_756 = arith.constant 0 : i32
      %get3A_757 = arith.index_cast %get3A_756 : i32 to index
      %get3A_758 = arith.index_cast %add3A_755 : i32 to index
      %get3A_759 = arith.constant 48 : index
      %get3A_760 = tpu.vector_load %arg9[%get3A_757, %get3A_758, %get3A_759] {strides = array<i32>} : memref<2x512x64xf32, #tpu.memory_space<vmem>>, vector<1x1x16xf32>,
      %get3A_761 = vector.shape_cast %get3A_760 : vector<1x1x16xf32> to vector<16xf32>
      %add3A_762 = arith.addf %add3A_753, %get3A_761 : vector<16xf32>
      %add3A_763 = arith.constant 9 : i32
      %add3A_764 = arith.addi %mul3A_140, %add3A_763 : i32
      %get3A_765 = arith.constant 0 : i32
      %get3A_766 = arith.index_cast %get3A_765 : i32 to index
      %get3A_767 = arith.index_cast %add3A_764 : i32 to index
      %get3A_768 = arith.constant 48 : index
      %get3A_769 = tpu.vector_load %arg9[%get3A_766, %get3A_767, %get3A_768] {strides = array<i32>} : memref<2x512x64xf32, #tpu.memory_space<vmem>>, vector<1x1x16xf32>,
      %get3A_770 = vector.shape_cast %get3A_769 : vector<1x1x16xf32> to vector<16xf32>
      %add3A_771 = arith.addf %add3A_762, %get3A_770 : vector<16xf32>
      %add3A_772 = arith.constant 10 : i32
      %add3A_773 = arith.addi %mul3A_140, %add3A_772 : i32
      %get3A_774 = arith.constant 0 : i32
      %get3A_775 = arith.index_cast %get3A_774 : i32 to index
      %get3A_776 = arith.index_cast %add3A_773 : i32 to index
      %get3A_777 = arith.constant 48 : index
      %get3A_778 = tpu.vector_load %arg9[%get3A_775, %get3A_776, %get3A_777] {strides = array<i32>} : memref<2x512x64xf32, #tpu.memory_space<vmem>>, vector<1x1x16xf32>,
      %get3A_779 = vector.shape_cast %get3A_778 : vector<1x1x16xf32> to vector<16xf32>
      %add3A_780 = arith.addf %add3A_771, %get3A_779 : vector<16xf32>
      %add3A_781 = arith.constant 11 : i32
      %add3A_782 = arith.addi %mul3A_140, %add3A_781 : i32
      %get3A_783 = arith.constant 0 : i32
      %get3A_784 = arith.index_cast %get3A_783 : i32 to index
      %get3A_785 = arith.index_cast %add3A_782 : i32 to index
      %get3A_786 = arith.constant 48 : index
      %get3A_787 = tpu.vector_load %arg9[%get3A_784, %get3A_785, %get3A_786] {strides = array<i32>} : memref<2x512x64xf32, #tpu.memory_space<vmem>>, vector<1x1x16xf32>,
      %get3A_788 = vector.shape_cast %get3A_787 : vector<1x1x16xf32> to vector<16xf32>
      %add3A_789 = arith.addf %add3A_780, %get3A_788 : vector<16xf32>
      %add3A_790 = arith.constant 12 : i32
      %add3A_791 = arith.addi %mul3A_140, %add3A_790 : i32
      %get3A_792 = arith.constant 0 : i32
      %get3A_793 = arith.index_cast %get3A_792 : i32 to index
      %get3A_794 = arith.index_cast %add3A_791 : i32 to index
      %get3A_795 = arith.constant 48 : index
      %get3A_796 = tpu.vector_load %arg9[%get3A_793, %get3A_794, %get3A_795] {strides = array<i32>} : memref<2x512x64xf32, #tpu.memory_space<vmem>>, vector<1x1x16xf32>,
      %get3A_797 = vector.shape_cast %get3A_796 : vector<1x1x16xf32> to vector<16xf32>
      %add3A_798 = arith.addf %add3A_789, %get3A_797 : vector<16xf32>
      %add3A_799 = arith.constant 13 : i32
      %add3A_800 = arith.addi %mul3A_140, %add3A_799 : i32
      %get3A_801 = arith.constant 0 : i32
      %get3A_802 = arith.index_cast %get3A_801 : i32 to index
      %get3A_803 = arith.index_cast %add3A_800 : i32 to index
      %get3A_804 = arith.constant 48 : index
      %get3A_805 = tpu.vector_load %arg9[%get3A_802, %get3A_803, %get3A_804] {strides = array<i32>} : memref<2x512x64xf32, #tpu.memory_space<vmem>>, vector<1x1x16xf32>,
      %get3A_806 = vector.shape_cast %get3A_805 : vector<1x1x16xf32> to vector<16xf32>
      %add3A_807 = arith.addf %add3A_798, %get3A_806 : vector<16xf32>
      %add3A_808 = arith.constant 14 : i32
      %add3A_809 = arith.addi %mul3A_140, %add3A_808 : i32
      %get3A_810 = arith.constant 0 : i32
      %get3A_811 = arith.index_cast %get3A_810 : i32 to index
      %get3A_812 = arith.index_cast %add3A_809 : i32 to index
      %get3A_813 = arith.constant 48 : index
      %get3A_814 = tpu.vector_load %arg9[%get3A_811, %get3A_812, %get3A_813] {strides = array<i32>} : memref<2x512x64xf32, #tpu.memory_space<vmem>>, vector<1x1x16xf32>,
      %get3A_815 = vector.shape_cast %get3A_814 : vector<1x1x16xf32> to vector<16xf32>
      %add3A_816 = arith.addf %add3A_807, %get3A_815 : vector<16xf32>
      %add3A_817 = arith.constant 15 : i32
      %add3A_818 = arith.addi %mul3A_140, %add3A_817 : i32
      %get3A_819 = arith.constant 0 : i32
      %get3A_820 = arith.index_cast %get3A_819 : i32 to index
      %get3A_821 = arith.index_cast %add3A_818 : i32 to index
      %get3A_822 = arith.constant 48 : index
      %get3A_823 = tpu.vector_load %arg9[%get3A_820, %get3A_821, %get3A_822] {strides = array<i32>} : memref<2x512x64xf32, #tpu.memory_space<vmem>>, vector<1x1x16xf32>,
      %get3A_824 = vector.shape_cast %get3A_823 : vector<1x1x16xf32> to vector<16xf32>
      %add3A_825 = arith.addf %add3A_816, %get3A_824 : vector<16xf32>
      %add3A_826 = arith.constant 16 : i32
      %add3A_827 = arith.addi %mul3A_140, %add3A_826 : i32
      %get3A_828 = arith.constant 0 : i32
      %get3A_829 = arith.index_cast %get3A_828 : i32 to index
      %get3A_830 = arith.index_cast %add3A_827 : i32 to index
      %get3A_831 = arith.constant 48 : index
      %get3A_832 = tpu.vector_load %arg9[%get3A_829, %get3A_830, %get3A_831] {strides = array<i32>} : memref<2x512x64xf32, #tpu.memory_space<vmem>>, vector<1x1x16xf32>,
      %get3A_833 = vector.shape_cast %get3A_832 : vector<1x1x16xf32> to vector<16xf32>
      %add3A_834 = arith.addf %add3A_825, %get3A_833 : vector<16xf32>
      %add3A_835 = arith.constant 17 : i32
      %add3A_836 = arith.addi %mul3A_140, %add3A_835 : i32
      %get3A_837 = arith.constant 0 : i32
      %get3A_838 = arith.index_cast %get3A_837 : i32 to index
      %get3A_839 = arith.index_cast %add3A_836 : i32 to index
      %get3A_840 = arith.constant 48 : index
      %get3A_841 = tpu.vector_load %arg9[%get3A_838, %get3A_839, %get3A_840] {strides = array<i32>} : memref<2x512x64xf32, #tpu.memory_space<vmem>>, vector<1x1x16xf32>,
      %get3A_842 = vector.shape_cast %get3A_841 : vector<1x1x16xf32> to vector<16xf32>
      %add3A_843 = arith.addf %add3A_834, %get3A_842 : vector<16xf32>
      %add3A_844 = arith.constant 18 : i32
      %add3A_845 = arith.addi %mul3A_140, %add3A_844 : i32
      %get3A_846 = arith.constant 0 : i32
      %get3A_847 = arith.index_cast %get3A_846 : i32 to index
      %get3A_848 = arith.index_cast %add3A_845 : i32 to index
      %get3A_849 = arith.constant 48 : index
      %get3A_850 = tpu.vector_load %arg9[%get3A_847, %get3A_848, %get3A_849] {strides = array<i32>} : memref<2x512x64xf32, #tpu.memory_space<vmem>>, vector<1x1x16xf32>,
      %get3A_851 = vector.shape_cast %get3A_850 : vector<1x1x16xf32> to vector<16xf32>
      %add3A_852 = arith.addf %add3A_843, %get3A_851 : vector<16xf32>
      %add3A_853 = arith.constant 19 : i32
      %add3A_854 = arith.addi %mul3A_140, %add3A_853 : i32
      %get3A_855 = arith.constant 0 : i32
      %get3A_856 = arith.index_cast %get3A_855 : i32 to index
      %get3A_857 = arith.index_cast %add3A_854 : i32 to index
      %get3A_858 = arith.constant 48 : index
      %get3A_859 = tpu.vector_load %arg9[%get3A_856, %get3A_857, %get3A_858] {strides = array<i32>} : memref<2x512x64xf32, #tpu.memory_space<vmem>>, vector<1x1x16xf32>,
      %get3A_860 = vector.shape_cast %get3A_859 : vector<1x1x16xf32> to vector<16xf32>
      %add3A_861 = arith.addf %add3A_852, %get3A_860 : vector<16xf32>
      %swap3A_862 = arith.index_cast %scan3A_138 : i32 to index
      %swap3A_863 = arith.constant 48 : index
      %swap3A_864 = tpu.vector_load %arg11[%swap3A_862, %swap3A_863] {strides = array<i32>} : memref<32x64xf32, #tpu.memory_space<vmem>>, vector<1x16xf32>,
      %swap3A_865 = vector.shape_cast %swap3A_864 : vector<1x16xf32> to vector<16xf32>
      %swap3A_866 = vector.shape_cast %add3A_861 : vector<16xf32> to vector<1x16xf32>
      tpu.vector_store %arg11[%swap3A_862, %swap3A_863], %swap3A_866 {strides = array<i32>} : memref<32x64xf32, #tpu.memory_space<vmem>>, vector<1x16xf32>,
    }
    %scan3A_80 = arith.constant 16 : i32
    %add3A_81 = arith.constant 16 : i32
    %add3A_82 = arith.addi %mul3A_2, %add3A_81 : i32
    "tpu.region"() ({
      %run_scoped3A_138 = tpu.sem_alloc : memref<!tpu.dma_semaphore, #tpu.memory_space<semaphore_mem>>
      %dma_start3A_139 = arith.constant 0 : i32
      %dma_start3A_140 = arith.constant 0 : i32
      %dma_start3A_141 = tpu.memref_slice %arg11[%dma_start3A_139, %dma_start3A_140] : memref<32x64xf32, #tpu.memory_space<vmem>> -> memref<16x64xf32, #tpu.memory_space<vmem>>
      %dma_start3A_142 = arith.constant 0 : i32
      %dma_start3A_143 = tpu.memref_slice %arg6[%add3A_82, %dma_start3A_142] : memref<1024x64xf32, #tpu.memory_space<hbm>> -> memref<16x64xf32, #tpu.memory_space<hbm>>
      %dma_start3A_144 = arith.constant 0 : i32
      %dma_start3A_145 = tpu.memref_slice %arg6[%add3A_82, %dma_start3A_144] : memref<1024x64xf32, #tpu.memory_space<hbm>> -> memref<16x64xf32, #tpu.memory_space<hbm>>
      %dma_start3A_146 = arith.constant 0 : i32
      %dma_start3A_147 = arith.constant 0 : i32
      %dma_start3A_148 = tpu.memref_slice %arg11[%dma_start3A_146, %dma_start3A_147] : memref<32x64xf32, #tpu.memory_space<vmem>> -> memref<16x64xf32, #tpu.memory_space<vmem>>
      tpu.enqueue_dma source(%dma_start3A_148 : memref<16x64xf32, #tpu.memory_space<vmem>>) target(%dma_start3A_145 : memref<16x64xf32, #tpu.memory_space<hbm>>) target_semaphore(%run_scoped3A_138 : memref<!tpu.dma_semaphore, #tpu.memory_space<semaphore_mem>>)
      %dma_wait3A_149 = arith.constant 0 : i32
      %dma_wait3A_150 = arith.constant 0 : i32
      %dma_wait3A_151 = tpu.memref_slice %arg11[%dma_wait3A_149, %dma_wait3A_150] : memref<32x64xf32, #tpu.memory_space<vmem>> -> memref<16x64xf32, #tpu.memory_space<vmem>>
      %dma_wait3A_152 = arith.constant 0 : i32
      %dma_wait3A_153 = tpu.memref_slice %arg6[%add3A_82, %dma_wait3A_152] : memref<1024x64xf32, #tpu.memory_space<hbm>> -> memref<16x64xf32, #tpu.memory_space<hbm>>
      %dma_wait3A_154 = arith.constant 0 : i32
      %dma_wait3A_155 = tpu.memref_slice %arg6[%add3A_82, %dma_wait3A_154] : memref<1024x64xf32, #tpu.memory_space<hbm>> -> memref<16x64xf32, #tpu.memory_space<hbm>>
      %dma_wait3A_156 = arith.constant 0 : i32
      %dma_wait3A_157 = arith.constant 0 : i32
      %dma_wait3A_158 = tpu.memref_slice %arg11[%dma_wait3A_156, %dma_wait3A_157] : memref<32x64xf32, #tpu.memory_space<vmem>> -> memref<16x64xf32, #tpu.memory_space<vmem>>
      tpu.wait_dma2 semaphore(%run_scoped3A_138 : memref<!tpu.dma_semaphore, #tpu.memory_space<semaphore_mem>>) src(%dma_wait3A_158 : memref<16x64xf32, #tpu.memory_space<vmem>>) dst(%dma_wait3A_155 : memref<16x64xf32, #tpu.memory_space<hbm>>)
      tpu.yield
    }) : () -> ()
    %scan3A_83 = arith.constant 0 : i32
    %scan3A_84 = arith.constant 257 : i32
    %scan3A_85 = arith.addi %scan3A_83, %scan3A_84 : i32
    %scan3A_86 = arith.constant 1 : i32
    scf.for %scan3A_138 = %scan3A_83 to %scan3A_85 step %scan3A_86  : i32 {
      %rem3A = arith.constant 2 : i32
      %rem3A_139 = arith.remsi %scan3A_138, %rem3A : i32
      %rem3A_140 = arith.constant 2 : i32
      %rem3A_141 = arith.remsi %scan3A_138, %rem3A_140 : i32
      %jit3A = arith.constant 2 : i32
      %div3A = arith.divsi %scan3A_138, %jit3A : i32
      %sign3A = arith.constant 0 : i32
      %sign3A_142 = arith.cmpi sgt, %scan3A_138, %sign3A : i32
      %sign3A_143 = arith.extui %sign3A_142 : i1 to i32
      %sign3A_144 = arith.constant 0 : i32
      %sign3A_145 = arith.cmpi slt, %scan3A_138, %sign3A_144 : i32
      %sign3A_146 = arith.extui %sign3A_145 : i1 to i32
      %sign3A_147 = arith.subi %sign3A_143, %sign3A_146 : i32
      %sign3A_148 = arith.constant 0 : i32
      %sign3A_149 = arith.cmpi sgt, %jit3A, %sign3A_148 : i32
      %sign3A_150 = arith.extui %sign3A_149 : i1 to i32
      %sign3A_151 = arith.constant 0 : i32
      %sign3A_152 = arith.cmpi slt, %jit3A, %sign3A_151 : i32
      %sign3A_153 = arith.extui %sign3A_152 : i1 to i32
      %sign3A_154 = arith.subi %sign3A_150, %sign3A_153 : i32
      %ne3A = arith.cmpi ne, %sign3A_147, %sign3A_154 : i32
      %rem3A_155 = arith.remsi %scan3A_138, %jit3A : i32
      %ne3A_156 = arith.constant 0 : i32
      %ne3A_157 = arith.cmpi ne, %rem3A_155, %ne3A_156 : i32
      %and3A = arith.andi %ne3A, %ne3A_157 : i1
      %sub3A = arith.constant 1 : i32
      %sub3A_158 = arith.subi %div3A, %sub3A : i32
      %select_n3A = arith.select %and3A, %sub3A_158, %div3A : i32
      %rem3A_159 = arith.constant 4 : i32
      %rem3A_160 = arith.remsi %select_n3A, %rem3A_159 : i32
      %jit3A_161 = arith.constant 8 : i32
      %div3A_162 = arith.divsi %scan3A_138, %jit3A_161 : i32
      %sign3A_163 = arith.constant 0 : i32
      %sign3A_164 = arith.cmpi sgt, %scan3A_138, %sign3A_163 : i32
      %sign3A_165 = arith.extui %sign3A_164 : i1 to i32
      %sign3A_166 = arith.constant 0 : i32
      %sign3A_167 = arith.cmpi slt, %scan3A_138, %sign3A_166 : i32
      %sign3A_168 = arith.extui %sign3A_167 : i1 to i32
      %sign3A_169 = arith.subi %sign3A_165, %sign3A_168 : i32
      %sign3A_170 = arith.constant 0 : i32
      %sign3A_171 = arith.cmpi sgt, %jit3A_161, %sign3A_170 : i32
      %sign3A_172 = arith.extui %sign3A_171 : i1 to i32
      %sign3A_173 = arith.constant 0 : i32
      %sign3A_174 = arith.cmpi slt, %jit3A_161, %sign3A_173 : i32
      %sign3A_175 = arith.extui %sign3A_174 : i1 to i32
      %sign3A_176 = arith.subi %sign3A_172, %sign3A_175 : i32
      %ne3A_177 = arith.cmpi ne, %sign3A_169, %sign3A_176 : i32
      %rem3A_178 = arith.remsi %scan3A_138, %jit3A_161 : i32
      %ne3A_179 = arith.constant 0 : i32
      %ne3A_180 = arith.cmpi ne, %rem3A_178, %ne3A_179 : i32
      %and3A_181 = arith.andi %ne3A_177, %ne3A_180 : i1
      %sub3A_182 = arith.constant 1 : i32
      %sub3A_183 = arith.subi %div3A_162, %sub3A_182 : i32
      %select_n3A_184 = arith.select %and3A_181, %sub3A_183, %div3A_162 : i32
      %lt3A = arith.constant 256 : i32
      %lt3A_185 = arith.cmpi slt, %scan3A_138, %lt3A : i32
      %convert_element_type3A = arith.extui %lt3A_185 : i1 to i32
      %cond3A = arith.constant 0 : i32
      %cond3A_186 = arith.cmpi ne, %convert_element_type3A, %cond3A : i32
      scf.if %cond3A_186 {
        %mul3A_191 = arith.constant 100000 : i32
        %mul3A_192 = arith.muli %rem3A_160, %mul3A_191 : i32
        %eq3A = arith.constant 0 : i32
        %eq3A_193 = arith.cmpi eq, %rem3A_139, %eq3A : i32
        %convert_element_type3A_194 = arith.extui %eq3A_193 : i1 to i32
        %cond3A_195 = arith.constant 0 : i32
        %cond3A_196 = arith.cmpi ne, %convert_element_type3A_194, %cond3A_195 : i32
        scf.if %cond3A_196 {
          %scan3A_202 = arith.constant 0 : i32
          %scan3A_203 = arith.constant 32 : i32
          %scan3A_204 = arith.addi %scan3A_202, %scan3A_203 : i32
          %scan3A_205 = arith.constant 1 : i32
          scf.for %scan3A_222 = %scan3A_202 to %scan3A_204 step %scan3A_205  : i32 {
            %mul3A_223 = arith.constant 16 : i32
            %mul3A_224 = arith.muli %scan3A_222, %mul3A_223 : i32
            %get3A = arith.index_cast %select_n3A_184 : i32 to index
            %get3A_225 = arith.index_cast %rem3A_141 : i32 to index
            %get3A_226 = arith.index_cast %mul3A_224 : i32 to index
            %get3A_227 = tpu.vector_load %arg7[%get3A, %get3A_225, %get3A_226] {strides = array<i32>} : memref<32x2x512xi32, #tpu.memory_space<vmem>>, vector<1x1x16xi32>,
            %get3A_228 = vector.shape_cast %get3A_227 : vector<1x1x16xi32> to vector<16xi32>
            %add3A_229 = vector.broadcast %mul3A_192 : i32 to vector<16xi32>
            %add3A_230 = arith.addi %get3A_228, %add3A_229 : vector<16xi32>
            %mul3A_231 = arith.constant 16 : i32
            %mul3A_232 = arith.muli %scan3A_222, %mul3A_231 : i32
            %swap3A = arith.constant 0 : i32
            %swap3A_233 = arith.index_cast %swap3A : i32 to index
            %swap3A_234 = arith.index_cast %mul3A_232 : i32 to index
            %swap3A_235 = tpu.vector_load %arg8[%swap3A_233, %swap3A_234] {strides = array<i32>} : memref<2x512xi32, #tpu.memory_space<vmem>>, vector<1x16xi32>,
            %swap3A_236 = vector.shape_cast %swap3A_235 : vector<1x16xi32> to vector<16xi32>
            %swap3A_237 = vector.shape_cast %add3A_230 : vector<16xi32> to vector<1x16xi32>
            tpu.vector_store %arg8[%swap3A_233, %swap3A_234], %swap3A_237 {strides = array<i32>} : memref<2x512xi32, #tpu.memory_space<vmem>>, vector<1x16xi32>,
          }
          %scan3A_206 = arith.constant 32 : i32
          %dma_start3A_207 = arith.constant 0 : i32
          %dma_start3A_208 = arith.constant 0 : i32
          %dma_start3A_209 = arith.constant 0 : i32
          %dma_start3A_210 = arith.constant 0 : i32
          %dma_start3A_211 = arith.constant 0 : i32
          %dma_start3A_212 = tpu.memref_slice %arg9[%dma_start3A_208, %dma_start3A_210, %dma_start3A_211] : memref<2x512x64xf32, #tpu.memory_space<vmem>> -> memref<1x512x64xf32, #tpu.memory_space<vmem>>
          %dma_start3A_213 = tpu.memref_squeeze %dma_start3A_212 : memref<1x512x64xf32, #tpu.memory_space<vmem>> -> memref<512x64xf32, #tpu.memory_space<vmem>>
          %dma_start3A_214 = arith.constant 0 : i32
          %dma_start3A_215 = tpu.memref_slice %arg8[%dma_start3A_207, %dma_start3A_214] : memref<2x512xi32, #tpu.memory_space<vmem>> -> memref<1x512xi32, #tpu.memory_space<vmem>>
          %dma_start3A_216 = tpu.memref_squeeze %dma_start3A_215 : memref<1x512xi32, #tpu.memory_space<vmem>> -> memref<512xi32, #tpu.memory_space<vmem>>
          %dma_start3A_217 = arith.constant 0 : i32
          %dma_start3A_218 = arith.constant 0 : i32
          %dma_start3A_219 = tpu.memref_slice %arg4[%dma_start3A_217, %dma_start3A_218] : memref<400000x64xf32, #tpu.memory_space<hbm>> -> memref<400000x64xf32, #tpu.memory_space<hbm>>
          %dma_start3A_220 = tpu.memref_slice %arg12[%dma_start3A_209] : memref<2x!tpu.dma_semaphore, #tpu.memory_space<semaphore_mem>> -> memref<1x!tpu.dma_semaphore, #tpu.memory_space<semaphore_mem>>
          %dma_start3A_221 = tpu.memref_squeeze %dma_start3A_220 : memref<1x!tpu.dma_semaphore, #tpu.memory_space<semaphore_mem>> -> memref<!tpu.dma_semaphore, #tpu.memory_space<semaphore_mem>>
          tpu.enqueue_indirect_dma source(%dma_start3A_219 : memref<400000x64xf32, #tpu.memory_space<hbm>>) target(%dma_start3A_213 : memref<512x64xf32, #tpu.memory_space<vmem>>) offsets(%dma_start3A_216 : memref<512xi32, #tpu.memory_space<vmem>>) semaphore(%dma_start3A_221 : memref<!tpu.dma_semaphore, #tpu.memory_space<semaphore_mem>>)
        } else {
        }
        %eq3A_197 = arith.constant 1 : i32
        %eq3A_198 = arith.cmpi eq, %rem3A_139, %eq3A_197 : i32
        %convert_element_type3A_199 = arith.extui %eq3A_198 : i1 to i32
        %cond3A_200 = arith.constant 0 : i32
        %cond3A_201 = arith.cmpi ne, %convert_element_type3A_199, %cond3A_200 : i32
        scf.if %cond3A_201 {
          %scan3A_202 = arith.constant 0 : i32
          %scan3A_203 = arith.constant 32 : i32
          %scan3A_204 = arith.addi %scan3A_202, %scan3A_203 : i32
          %scan3A_205 = arith.constant 1 : i32
          scf.for %scan3A_222 = %scan3A_202 to %scan3A_204 step %scan3A_205  : i32 {
            %mul3A_223 = arith.constant 16 : i32
            %mul3A_224 = arith.muli %scan3A_222, %mul3A_223 : i32
            %get3A = arith.index_cast %select_n3A_184 : i32 to index
            %get3A_225 = arith.index_cast %rem3A_141 : i32 to index
            %get3A_226 = arith.index_cast %mul3A_224 : i32 to index
            %get3A_227 = tpu.vector_load %arg7[%get3A, %get3A_225, %get3A_226] {strides = array<i32>} : memref<32x2x512xi32, #tpu.memory_space<vmem>>, vector<1x1x16xi32>,
            %get3A_228 = vector.shape_cast %get3A_227 : vector<1x1x16xi32> to vector<16xi32>
            %add3A_229 = vector.broadcast %mul3A_192 : i32 to vector<16xi32>
            %add3A_230 = arith.addi %get3A_228, %add3A_229 : vector<16xi32>
            %mul3A_231 = arith.constant 16 : i32
            %mul3A_232 = arith.muli %scan3A_222, %mul3A_231 : i32
            %swap3A = arith.constant 1 : i32
            %swap3A_233 = arith.index_cast %swap3A : i32 to index
            %swap3A_234 = arith.index_cast %mul3A_232 : i32 to index
            %swap3A_235 = tpu.vector_load %arg8[%swap3A_233, %swap3A_234] {strides = array<i32>} : memref<2x512xi32, #tpu.memory_space<vmem>>, vector<1x16xi32>,
            %swap3A_236 = vector.shape_cast %swap3A_235 : vector<1x16xi32> to vector<16xi32>
            %swap3A_237 = vector.shape_cast %add3A_230 : vector<16xi32> to vector<1x16xi32>
            tpu.vector_store %arg8[%swap3A_233, %swap3A_234], %swap3A_237 {strides = array<i32>} : memref<2x512xi32, #tpu.memory_space<vmem>>, vector<1x16xi32>,
          }
          %scan3A_206 = arith.constant 32 : i32
          %dma_start3A_207 = arith.constant 1 : i32
          %dma_start3A_208 = arith.constant 1 : i32
          %dma_start3A_209 = arith.constant 1 : i32
          %dma_start3A_210 = arith.constant 0 : i32
          %dma_start3A_211 = arith.constant 0 : i32
          %dma_start3A_212 = tpu.memref_slice %arg9[%dma_start3A_208, %dma_start3A_210, %dma_start3A_211] : memref<2x512x64xf32, #tpu.memory_space<vmem>> -> memref<1x512x64xf32, #tpu.memory_space<vmem>>
          %dma_start3A_213 = tpu.memref_squeeze %dma_start3A_212 : memref<1x512x64xf32, #tpu.memory_space<vmem>> -> memref<512x64xf32, #tpu.memory_space<vmem>>
          %dma_start3A_214 = arith.constant 0 : i32
          %dma_start3A_215 = tpu.memref_slice %arg8[%dma_start3A_207, %dma_start3A_214] : memref<2x512xi32, #tpu.memory_space<vmem>> -> memref<1x512xi32, #tpu.memory_space<vmem>>
          %dma_start3A_216 = tpu.memref_squeeze %dma_start3A_215 : memref<1x512xi32, #tpu.memory_space<vmem>> -> memref<512xi32, #tpu.memory_space<vmem>>
          %dma_start3A_217 = arith.constant 0 : i32
          %dma_start3A_218 = arith.constant 0 : i32
          %dma_start3A_219 = tpu.memref_slice %arg4[%dma_start3A_217, %dma_start3A_218] : memref<400000x64xf32, #tpu.memory_space<hbm>> -> memref<400000x64xf32, #tpu.memory_space<hbm>>
          %dma_start3A_220 = tpu.memref_slice %arg12[%dma_start3A_209] : memref<2x!tpu.dma_semaphore, #tpu.memory_space<semaphore_mem>> -> memref<1x!tpu.dma_semaphore, #tpu.memory_space<semaphore_mem>>
          %dma_start3A_221 = tpu.memref_squeeze %dma_start3A_220 : memref<1x!tpu.dma_semaphore, #tpu.memory_space<semaphore_mem>> -> memref<!tpu.dma_semaphore, #tpu.memory_space<semaphore_mem>>
          tpu.enqueue_indirect_dma source(%dma_start3A_219 : memref<400000x64xf32, #tpu.memory_space<hbm>>) target(%dma_start3A_213 : memref<512x64xf32, #tpu.memory_space<vmem>>) offsets(%dma_start3A_216 : memref<512xi32, #tpu.memory_space<vmem>>) semaphore(%dma_start3A_221 : memref<!tpu.dma_semaphore, #tpu.memory_space<semaphore_mem>>)
        } else {
        }
      } else {
      }
      %gt3A = arith.constant 0 : i32
      %gt3A_187 = arith.cmpi sgt, %scan3A_138, %gt3A : i32
      %convert_element_type3A_188 = arith.extui %gt3A_187 : i1 to i32
      %cond3A_189 = arith.constant 0 : i32
      %cond3A_190 = arith.cmpi ne, %convert_element_type3A_188, %cond3A_189 : i32
      scf.if %cond3A_190 {
        %sub3A_191 = arith.constant 1 : i32
        %sub3A_192 = arith.subi %scan3A_138, %sub3A_191 : i32
        %rem3A_193 = arith.constant 2 : i32
        %rem3A_194 = arith.remsi %sub3A_192, %rem3A_193 : i32
        %rem3A_195 = arith.constant 2 : i32
        %rem3A_196 = arith.remsi %sub3A_192, %rem3A_195 : i32
        %jit3A_197 = arith.constant 2 : i32
        %div3A_198 = arith.divsi %sub3A_192, %jit3A_197 : i32
        %sign3A_199 = arith.constant 0 : i32
        %sign3A_200 = arith.cmpi sgt, %sub3A_192, %sign3A_199 : i32
        %sign3A_201 = arith.extui %sign3A_200 : i1 to i32
        %sign3A_202 = arith.constant 0 : i32
        %sign3A_203 = arith.cmpi slt, %sub3A_192, %sign3A_202 : i32
        %sign3A_204 = arith.extui %sign3A_203 : i1 to i32
        %sign3A_205 = arith.subi %sign3A_201, %sign3A_204 : i32
        %sign3A_206 = arith.constant 0 : i32
        %sign3A_207 = arith.cmpi sgt, %jit3A_197, %sign3A_206 : i32
        %sign3A_208 = arith.extui %sign3A_207 : i1 to i32
        %sign3A_209 = arith.constant 0 : i32
        %sign3A_210 = arith.cmpi slt, %jit3A_197, %sign3A_209 : i32
        %sign3A_211 = arith.extui %sign3A_210 : i1 to i32
        %sign3A_212 = arith.subi %sign3A_208, %sign3A_211 : i32
        %ne3A_213 = arith.cmpi ne, %sign3A_205, %sign3A_212 : i32
        %rem3A_214 = arith.remsi %sub3A_192, %jit3A_197 : i32
        %ne3A_215 = arith.constant 0 : i32
        %ne3A_216 = arith.cmpi ne, %rem3A_214, %ne3A_215 : i32
        %and3A_217 = arith.andi %ne3A_213, %ne3A_216 : i1
        %sub3A_218 = arith.constant 1 : i32
        %sub3A_219 = arith.subi %div3A_198, %sub3A_218 : i32
        %select_n3A_220 = arith.select %and3A_217, %sub3A_219, %div3A_198 : i32
        %rem3A_221 = arith.constant 4 : i32
        %rem3A_222 = arith.remsi %select_n3A_220, %rem3A_221 : i32
        %jit3A_223 = arith.constant 8 : i32
        %div3A_224 = arith.divsi %sub3A_192, %jit3A_223 : i32
        %sign3A_225 = arith.constant 0 : i32
        %sign3A_226 = arith.cmpi sgt, %sub3A_192, %sign3A_225 : i32
        %sign3A_227 = arith.extui %sign3A_226 : i1 to i32
        %sign3A_228 = arith.constant 0 : i32
        %sign3A_229 = arith.cmpi slt, %sub3A_192, %sign3A_228 : i32
        %sign3A_230 = arith.extui %sign3A_229 : i1 to i32
        %sign3A_231 = arith.subi %sign3A_227, %sign3A_230 : i32
        %sign3A_232 = arith.constant 0 : i32
        %sign3A_233 = arith.cmpi sgt, %jit3A_223, %sign3A_232 : i32
        %sign3A_234 = arith.extui %sign3A_233 : i1 to i32
        %sign3A_235 = arith.constant 0 : i32
        %sign3A_236 = arith.cmpi slt, %jit3A_223, %sign3A_235 : i32
        %sign3A_237 = arith.extui %sign3A_236 : i1 to i32
        %sign3A_238 = arith.subi %sign3A_234, %sign3A_237 : i32
        %ne3A_239 = arith.cmpi ne, %sign3A_231, %sign3A_238 : i32
        %rem3A_240 = arith.remsi %sub3A_192, %jit3A_223 : i32
        %ne3A_241 = arith.constant 0 : i32
        %ne3A_242 = arith.cmpi ne, %rem3A_240, %ne3A_241 : i32
        %and3A_243 = arith.andi %ne3A_239, %ne3A_242 : i1
        %sub3A_244 = arith.constant 1 : i32
        %sub3A_245 = arith.subi %div3A_224, %sub3A_244 : i32
        %select_n3A_246 = arith.select %and3A_243, %sub3A_245, %div3A_224 : i32
        %jit3A_247 = arith.constant 2 : i32
        %div3A_248 = arith.divsi %sub3A_192, %jit3A_247 : i32
        %sign3A_249 = arith.constant 0 : i32
        %sign3A_250 = arith.cmpi sgt, %sub3A_192, %sign3A_249 : i32
        %sign3A_251 = arith.extui %sign3A_250 : i1 to i32
        %sign3A_252 = arith.constant 0 : i32
        %sign3A_253 = arith.cmpi slt, %sub3A_192, %sign3A_252 : i32
        %sign3A_254 = arith.extui %sign3A_253 : i1 to i32
        %sign3A_255 = arith.subi %sign3A_251, %sign3A_254 : i32
        %sign3A_256 = arith.constant 0 : i32
        %sign3A_257 = arith.cmpi sgt, %jit3A_247, %sign3A_256 : i32
        %sign3A_258 = arith.extui %sign3A_257 : i1 to i32
        %sign3A_259 = arith.constant 0 : i32
        %sign3A_260 = arith.cmpi slt, %jit3A_247, %sign3A_259 : i32
        %sign3A_261 = arith.extui %sign3A_260 : i1 to i32
        %sign3A_262 = arith.subi %sign3A_258, %sign3A_261 : i32
        %ne3A_263 = arith.cmpi ne, %sign3A_255, %sign3A_262 : i32
        %rem3A_264 = arith.remsi %sub3A_192, %jit3A_247 : i32
        %ne3A_265 = arith.constant 0 : i32
        %ne3A_266 = arith.cmpi ne, %rem3A_264, %ne3A_265 : i32
        %and3A_267 = arith.andi %ne3A_263, %ne3A_266 : i1
        %sub3A_268 = arith.constant 1 : i32
        %sub3A_269 = arith.subi %div3A_248, %sub3A_268 : i32
        %select_n3A_270 = arith.select %and3A_267, %sub3A_269, %div3A_248 : i32
        %rem3A_271 = arith.constant 2 : i32
        %rem3A_272 = arith.remsi %select_n3A_270, %rem3A_271 : i32
        %eq3A = arith.constant 0 : i32
        %eq3A_273 = arith.cmpi eq, %rem3A_194, %eq3A : i32
        %convert_element_type3A_274 = arith.extui %eq3A_273 : i1 to i32
        %cond3A_275 = arith.constant 0 : i32
        %cond3A_276 = arith.cmpi ne, %convert_element_type3A_274, %cond3A_275 : i32
        scf.if %cond3A_276 {
          %dma_wait3A_282 = arith.constant 0 : i32
          %dma_wait3A_283 = arith.constant 0 : i32
          %dma_wait3A_284 = arith.constant 0 : i32
          %dma_wait3A_285 = arith.constant 0 : i32
          %dma_wait3A_286 = arith.constant 0 : i32
          %dma_wait3A_287 = tpu.memref_slice %arg9[%dma_wait3A_283, %dma_wait3A_285, %dma_wait3A_286] : memref<2x512x64xf32, #tpu.memory_space<vmem>> -> memref<1x512x64xf32, #tpu.memory_space<vmem>>
          %dma_wait3A_288 = tpu.memref_squeeze %dma_wait3A_287 : memref<1x512x64xf32, #tpu.memory_space<vmem>> -> memref<512x64xf32, #tpu.memory_space<vmem>>
          %dma_wait3A_289 = arith.constant 0 : i32
          %dma_wait3A_290 = tpu.memref_slice %arg8[%dma_wait3A_282, %dma_wait3A_289] : memref<2x512xi32, #tpu.memory_space<vmem>> -> memref<1x512xi32, #tpu.memory_space<vmem>>
          %dma_wait3A_291 = tpu.memref_squeeze %dma_wait3A_290 : memref<1x512xi32, #tpu.memory_space<vmem>> -> memref<512xi32, #tpu.memory_space<vmem>>
          %dma_wait3A_292 = arith.constant 0 : i32
          %dma_wait3A_293 = arith.constant 0 : i32
          %dma_wait3A_294 = tpu.memref_slice %arg4[%dma_wait3A_292, %dma_wait3A_293] : memref<400000x64xf32, #tpu.memory_space<hbm>> -> memref<400000x64xf32, #tpu.memory_space<hbm>>
          %dma_wait3A_295 = tpu.memref_slice %arg12[%dma_wait3A_284] : memref<2x!tpu.dma_semaphore, #tpu.memory_space<semaphore_mem>> -> memref<1x!tpu.dma_semaphore, #tpu.memory_space<semaphore_mem>>
          %dma_wait3A_296 = tpu.memref_squeeze %dma_wait3A_295 : memref<1x!tpu.dma_semaphore, #tpu.memory_space<semaphore_mem>> -> memref<!tpu.dma_semaphore, #tpu.memory_space<semaphore_mem>>
          tpu.wait_indirect_dma semaphore(%dma_wait3A_296 : memref<!tpu.dma_semaphore, #tpu.memory_space<semaphore_mem>>) src(%dma_wait3A_294 : memref<400000x64xf32, #tpu.memory_space<hbm>>) dst(%dma_wait3A_288 : memref<512x64xf32, #tpu.memory_space<vmem>>)
          %eq3A_297 = arith.constant 0 : i32
          %eq3A_298 = arith.cmpi eq, %rem3A_272, %eq3A_297 : i32
          %eq3A_299 = arith.constant 0 : i32
          %eq3A_300 = arith.cmpi eq, %rem3A_196, %eq3A_299 : i32
          %and3A_301 = arith.andi %eq3A_298, %eq3A_300 : i1
          %ge3A = arith.constant 4 : i32
          %ge3A_302 = arith.cmpi sge, %sub3A_192, %ge3A : i32
          %and3A_303 = arith.andi %and3A_301, %ge3A_302 : i1
          %convert_element_type3A_304 = arith.extui %and3A_303 : i1 to i32
          %cond3A_305 = arith.constant 0 : i32
          %cond3A_306 = arith.cmpi ne, %convert_element_type3A_304, %cond3A_305 : i32
          scf.if %cond3A_306 {
            %dma_wait3A_328 = arith.constant 0 : i32
            %dma_wait3A_329 = arith.constant 0 : i32
            %dma_wait3A_330 = arith.constant 0 : i32
            %dma_wait3A_331 = arith.constant 0 : i32
            %dma_wait3A_332 = arith.constant 0 : i32
            %dma_wait3A_333 = arith.constant 0 : i32
            %dma_wait3A_334 = tpu.memref_slice %arg10[%dma_wait3A_328, %dma_wait3A_331, %dma_wait3A_332, %dma_wait3A_333] : memref<2x25x1x128xf32, #tpu.memory_space<vmem>> -> memref<1x25x1x128xf32, #tpu.memory_space<vmem>>
            %dma_wait3A_335 = tpu.memref_squeeze %dma_wait3A_334 : memref<1x25x1x128xf32, #tpu.memory_space<vmem>> -> memref<25x1x128xf32, #tpu.memory_space<vmem>>
            %dma_wait3A_336 = arith.constant 0 : i32
            %dma_wait3A_337 = arith.constant 0 : i32
            %dma_wait3A_338 = arith.constant 0 : i32
            %dma_wait3A_339 = tpu.memref_slice %arg5[%dma_wait3A_329, %dma_wait3A_336, %dma_wait3A_337, %dma_wait3A_338] : memref<4x25x1024x128xf32, #tpu.memory_space<hbm>> -> memref<1x25x1x128xf32, #tpu.memory_space<hbm>>
            %dma_wait3A_340 = tpu.memref_squeeze %dma_wait3A_339 : memref<1x25x1x128xf32, #tpu.memory_space<hbm>> -> memref<25x1x128xf32, #tpu.memory_space<hbm>>
            %dma_wait3A_341 = tpu.memref_slice %arg13[%dma_wait3A_330] : memref<2x!tpu.dma_semaphore, #tpu.memory_space<semaphore_mem>> -> memref<1x!tpu.dma_semaphore, #tpu.memory_space<semaphore_mem>>
            %dma_wait3A_342 = tpu.memref_squeeze %dma_wait3A_341 : memref<1x!tpu.dma_semaphore, #tpu.memory_space<semaphore_mem>> -> memref<!tpu.dma_semaphore, #tpu.memory_space<semaphore_mem>>
            %dma_wait3A_343 = arith.constant 0 : i32
            %dma_wait3A_344 = arith.constant 0 : i32
            %dma_wait3A_345 = arith.constant 0 : i32
            %dma_wait3A_346 = tpu.memref_slice %arg5[%dma_wait3A_329, %dma_wait3A_343, %dma_wait3A_344, %dma_wait3A_345] : memref<4x25x1024x128xf32, #tpu.memory_space<hbm>> -> memref<1x25x1x128xf32, #tpu.memory_space<hbm>>
            %dma_wait3A_347 = tpu.memref_squeeze %dma_wait3A_346 : memref<1x25x1x128xf32, #tpu.memory_space<hbm>> -> memref<25x1x128xf32, #tpu.memory_space<hbm>>
            %dma_wait3A_348 = arith.constant 0 : i32
            %dma_wait3A_349 = arith.constant 0 : i32
            %dma_wait3A_350 = arith.constant 0 : i32
            %dma_wait3A_351 = tpu.memref_slice %arg10[%dma_wait3A_328, %dma_wait3A_348, %dma_wait3A_349, %dma_wait3A_350] : memref<2x25x1x128xf32, #tpu.memory_space<vmem>> -> memref<1x25x1x128xf32, #tpu.memory_space<vmem>>
            %dma_wait3A_352 = tpu.memref_squeeze %dma_wait3A_351 : memref<1x25x1x128xf32, #tpu.memory_space<vmem>> -> memref<25x1x128xf32, #tpu.memory_space<vmem>>
            tpu.wait_dma2 semaphore(%dma_wait3A_342 : memref<!tpu.dma_semaphore, #tpu.memory_space<semaphore_mem>>) src(%dma_wait3A_352 : memref<25x1x128xf32, #tpu.memory_space<vmem>>) dst(%dma_wait3A_347 : memref<25x1x128xf32, #tpu.memory_space<hbm>>)
          } else {
          }
          %eq3A_307 = arith.constant 1 : i32
          %eq3A_308 = arith.cmpi eq, %rem3A_272, %eq3A_307 : i32
          %eq3A_309 = arith.constant 0 : i32
          %eq3A_310 = arith.cmpi eq, %rem3A_196, %eq3A_309 : i32
          %and3A_311 = arith.andi %eq3A_308, %eq3A_310 : i1
          %ge3A_312 = arith.constant 4 : i32
          %ge3A_313 = arith.cmpi sge, %sub3A_192, %ge3A_312 : i32
          %and3A_314 = arith.andi %and3A_311, %ge3A_313 : i1
          %convert_element_type3A_315 = arith.extui %and3A_314 : i1 to i32
          %cond3A_316 = arith.constant 0 : i32
          %cond3A_317 = arith.cmpi ne, %convert_element_type3A_315, %cond3A_316 : i32
          scf.if %cond3A_317 {
            %dma_wait3A_328 = arith.constant 1 : i32
            %dma_wait3A_329 = arith.constant 0 : i32
            %dma_wait3A_330 = arith.constant 1 : i32
            %dma_wait3A_331 = arith.constant 0 : i32
            %dma_wait3A_332 = arith.constant 0 : i32
            %dma_wait3A_333 = arith.constant 0 : i32
            %dma_wait3A_334 = tpu.memref_slice %arg10[%dma_wait3A_328, %dma_wait3A_331, %dma_wait3A_332, %dma_wait3A_333] : memref<2x25x1x128xf32, #tpu.memory_space<vmem>> -> memref<1x25x1x128xf32, #tpu.memory_space<vmem>>
            %dma_wait3A_335 = tpu.memref_squeeze %dma_wait3A_334 : memref<1x25x1x128xf32, #tpu.memory_space<vmem>> -> memref<25x1x128xf32, #tpu.memory_space<vmem>>
            %dma_wait3A_336 = arith.constant 0 : i32
            %dma_wait3A_337 = arith.constant 0 : i32
            %dma_wait3A_338 = arith.constant 0 : i32
            %dma_wait3A_339 = tpu.memref_slice %arg5[%dma_wait3A_329, %dma_wait3A_336, %dma_wait3A_337, %dma_wait3A_338] : memref<4x25x1024x128xf32, #tpu.memory_space<hbm>> -> memref<1x25x1x128xf32, #tpu.memory_space<hbm>>
            %dma_wait3A_340 = tpu.memref_squeeze %dma_wait3A_339 : memref<1x25x1x128xf32, #tpu.memory_space<hbm>> -> memref<25x1x128xf32, #tpu.memory_space<hbm>>
            %dma_wait3A_341 = tpu.memref_slice %arg13[%dma_wait3A_330] : memref<2x!tpu.dma_semaphore, #tpu.memory_space<semaphore_mem>> -> memref<1x!tpu.dma_semaphore, #tpu.memory_space<semaphore_mem>>
            %dma_wait3A_342 = tpu.memref_squeeze %dma_wait3A_341 : memref<1x!tpu.dma_semaphore, #tpu.memory_space<semaphore_mem>> -> memref<!tpu.dma_semaphore, #tpu.memory_space<semaphore_mem>>
            %dma_wait3A_343 = arith.constant 0 : i32
            %dma_wait3A_344 = arith.constant 0 : i32
            %dma_wait3A_345 = arith.constant 0 : i32
            %dma_wait3A_346 = tpu.memref_slice %arg5[%dma_wait3A_329, %dma_wait3A_343, %dma_wait3A_344, %dma_wait3A_345] : memref<4x25x1024x128xf32, #tpu.memory_space<hbm>> -> memref<1x25x1x128xf32, #tpu.memory_space<hbm>>
            %dma_wait3A_347 = tpu.memref_squeeze %dma_wait3A_346 : memref<1x25x1x128xf32, #tpu.memory_space<hbm>> -> memref<25x1x128xf32, #tpu.memory_space<hbm>>
            %dma_wait3A_348 = arith.constant 0 : i32
            %dma_wait3A_349 = arith.constant 0 : i32
            %dma_wait3A_350 = arith.constant 0 : i32
            %dma_wait3A_351 = tpu.memref_slice %arg10[%dma_wait3A_328, %dma_wait3A_348, %dma_wait3A_349, %dma_wait3A_350] : memref<2x25x1x128xf32, #tpu.memory_space<vmem>> -> memref<1x25x1x128xf32, #tpu.memory_space<vmem>>
            %dma_wait3A_352 = tpu.memref_squeeze %dma_wait3A_351 : memref<1x25x1x128xf32, #tpu.memory_space<vmem>> -> memref<25x1x128xf32, #tpu.memory_space<vmem>>
            tpu.wait_dma2 semaphore(%dma_wait3A_342 : memref<!tpu.dma_semaphore, #tpu.memory_space<semaphore_mem>>) src(%dma_wait3A_352 : memref<25x1x128xf32, #tpu.memory_space<vmem>>) dst(%dma_wait3A_347 : memref<25x1x128xf32, #tpu.memory_space<hbm>>)
          } else {
          }
          %scan3A_318 = arith.constant 0 : i32
          %scan3A_319 = arith.constant 25 : i32
          %scan3A_320 = arith.addi %scan3A_318, %scan3A_319 : i32
          %scan3A_321 = arith.constant 1 : i32
          scf.for %scan3A_328 = %scan3A_318 to %scan3A_320 step %scan3A_321  : i32 {
            %mul3A_329 = arith.constant 20 : i32
            %mul3A_330 = arith.muli %scan3A_328, %mul3A_329 : i32
            %mul3A_331 = arith.constant 25 : i32
            %mul3A_332 = arith.muli %rem3A_196, %mul3A_331 : i32
            %add3A_333 = arith.addi %mul3A_332, %scan3A_328 : i32
            %jit3A_334 = arith.constant 2 : i32
            %div3A_335 = arith.divsi %add3A_333, %jit3A_334 : i32
            %sign3A_336 = arith.constant 0 : i32
            %sign3A_337 = arith.cmpi sgt, %add3A_333, %sign3A_336 : i32
            %sign3A_338 = arith.extui %sign3A_337 : i1 to i32
            %sign3A_339 = arith.constant 0 : i32
            %sign3A_340 = arith.cmpi slt, %add3A_333, %sign3A_339 : i32
            %sign3A_341 = arith.extui %sign3A_340 : i1 to i32
            %sign3A_342 = arith.subi %sign3A_338, %sign3A_341 : i32
            %sign3A_343 = arith.constant 0 : i32
            %sign3A_344 = arith.cmpi sgt, %jit3A_334, %sign3A_343 : i32
            %sign3A_345 = arith.extui %sign3A_344 : i1 to i32
            %sign3A_346 = arith.constant 0 : i32
            %sign3A_347 = arith.cmpi slt, %jit3A_334, %sign3A_346 : i32
            %sign3A_348 = arith.extui %sign3A_347 : i1 to i32
            %sign3A_349 = arith.subi %sign3A_345, %sign3A_348 : i32
            %ne3A_350 = arith.cmpi ne, %sign3A_342, %sign3A_349 : i32
            %rem3A_351 = arith.remsi %add3A_333, %jit3A_334 : i32
            %ne3A_352 = arith.constant 0 : i32
            %ne3A_353 = arith.cmpi ne, %rem3A_351, %ne3A_352 : i32
            %and3A_354 = arith.andi %ne3A_350, %ne3A_353 : i1
            %sub3A_355 = arith.constant 1 : i32
            %sub3A_356 = arith.subi %div3A_335, %sub3A_355 : i32
            %select_n3A_357 = arith.select %and3A_354, %sub3A_356, %div3A_335 : i32
            %rem3A_358 = arith.constant 2 : i32
            %rem3A_359 = arith.remsi %add3A_333, %rem3A_358 : i32
            %mul3A_360 = arith.constant 64 : i32
            %mul3A_361 = arith.muli %rem3A_359, %mul3A_360 : i32
            %get3A = arith.constant 0 : i32
            %get3A_362 = arith.index_cast %get3A : i32 to index
            %get3A_363 = arith.index_cast %mul3A_330 : i32 to index
            %get3A_364 = arith.constant 0 : index
            %get3A_365 = tpu.vector_load %arg9[%get3A_362, %get3A_363, %get3A_364] {strides = array<i32>} : memref<2x512x64xf32, #tpu.memory_space<vmem>>, vector<1x1x16xf32>,
            %get3A_366 = vector.shape_cast %get3A_365 : vector<1x1x16xf32> to vector<16xf32>
            %add3A_367 = arith.constant 1 : i32
            %add3A_368 = arith.addi %mul3A_330, %add3A_367 : i32
            %get3A_369 = arith.constant 0 : i32
            %get3A_370 = arith.index_cast %get3A_369 : i32 to index
            %get3A_371 = arith.index_cast %add3A_368 : i32 to index
            %get3A_372 = arith.constant 0 : index
            %get3A_373 = tpu.vector_load %arg9[%get3A_370, %get3A_371, %get3A_372] {strides = array<i32>} : memref<2x512x64xf32, #tpu.memory_space<vmem>>, vector<1x1x16xf32>,
            %get3A_374 = vector.shape_cast %get3A_373 : vector<1x1x16xf32> to vector<16xf32>
            %add3A_375 = arith.addf %get3A_366, %get3A_374 : vector<16xf32>
            %add3A_376 = arith.constant 2 : i32
            %add3A_377 = arith.addi %mul3A_330, %add3A_376 : i32
            %get3A_378 = arith.constant 0 : i32
            %get3A_379 = arith.index_cast %get3A_378 : i32 to index
            %get3A_380 = arith.index_cast %add3A_377 : i32 to index
            %get3A_381 = arith.constant 0 : index
            %get3A_382 = tpu.vector_load %arg9[%get3A_379, %get3A_380, %get3A_381] {strides = array<i32>} : memref<2x512x64xf32, #tpu.memory_space<vmem>>, vector<1x1x16xf32>,
            %get3A_383 = vector.shape_cast %get3A_382 : vector<1x1x16xf32> to vector<16xf32>
            %add3A_384 = arith.addf %add3A_375, %get3A_383 : vector<16xf32>
            %add3A_385 = arith.constant 3 : i32
            %add3A_386 = arith.addi %mul3A_330, %add3A_385 : i32
            %get3A_387 = arith.constant 0 : i32
            %get3A_388 = arith.index_cast %get3A_387 : i32 to index
            %get3A_389 = arith.index_cast %add3A_386 : i32 to index
            %get3A_390 = arith.constant 0 : index
            %get3A_391 = tpu.vector_load %arg9[%get3A_388, %get3A_389, %get3A_390] {strides = array<i32>} : memref<2x512x64xf32, #tpu.memory_space<vmem>>, vector<1x1x16xf32>,
            %get3A_392 = vector.shape_cast %get3A_391 : vector<1x1x16xf32> to vector<16xf32>
            %add3A_393 = arith.addf %add3A_384, %get3A_392 : vector<16xf32>
            %add3A_394 = arith.constant 4 : i32
            %add3A_395 = arith.addi %mul3A_330, %add3A_394 : i32
            %get3A_396 = arith.constant 0 : i32
            %get3A_397 = arith.index_cast %get3A_396 : i32 to index
            %get3A_398 = arith.index_cast %add3A_395 : i32 to index
            %get3A_399 = arith.constant 0 : index
            %get3A_400 = tpu.vector_load %arg9[%get3A_397, %get3A_398, %get3A_399] {strides = array<i32>} : memref<2x512x64xf32, #tpu.memory_space<vmem>>, vector<1x1x16xf32>,
            %get3A_401 = vector.shape_cast %get3A_400 : vector<1x1x16xf32> to vector<16xf32>
            %add3A_402 = arith.addf %add3A_393, %get3A_401 : vector<16xf32>
            %add3A_403 = arith.constant 5 : i32
            %add3A_404 = arith.addi %mul3A_330, %add3A_403 : i32
            %get3A_405 = arith.constant 0 : i32
            %get3A_406 = arith.index_cast %get3A_405 : i32 to index
            %get3A_407 = arith.index_cast %add3A_404 : i32 to index
            %get3A_408 = arith.constant 0 : index
            %get3A_409 = tpu.vector_load %arg9[%get3A_406, %get3A_407, %get3A_408] {strides = array<i32>} : memref<2x512x64xf32, #tpu.memory_space<vmem>>, vector<1x1x16xf32>,
            %get3A_410 = vector.shape_cast %get3A_409 : vector<1x1x16xf32> to vector<16xf32>
            %add3A_411 = arith.addf %add3A_402, %get3A_410 : vector<16xf32>
            %add3A_412 = arith.constant 6 : i32
            %add3A_413 = arith.addi %mul3A_330, %add3A_412 : i32
            %get3A_414 = arith.constant 0 : i32
            %get3A_415 = arith.index_cast %get3A_414 : i32 to index
            %get3A_416 = arith.index_cast %add3A_413 : i32 to index
            %get3A_417 = arith.constant 0 : index
            %get3A_418 = tpu.vector_load %arg9[%get3A_415, %get3A_416, %get3A_417] {strides = array<i32>} : memref<2x512x64xf32, #tpu.memory_space<vmem>>, vector<1x1x16xf32>,
            %get3A_419 = vector.shape_cast %get3A_418 : vector<1x1x16xf32> to vector<16xf32>
            %add3A_420 = arith.addf %add3A_411, %get3A_419 : vector<16xf32>
            %add3A_421 = arith.constant 7 : i32
            %add3A_422 = arith.addi %mul3A_330, %add3A_421 : i32
            %get3A_423 = arith.constant 0 : i32
            %get3A_424 = arith.index_cast %get3A_423 : i32 to index
            %get3A_425 = arith.index_cast %add3A_422 : i32 to index
            %get3A_426 = arith.constant 0 : index
            %get3A_427 = tpu.vector_load %arg9[%get3A_424, %get3A_425, %get3A_426] {strides = array<i32>} : memref<2x512x64xf32, #tpu.memory_space<vmem>>, vector<1x1x16xf32>,
            %get3A_428 = vector.shape_cast %get3A_427 : vector<1x1x16xf32> to vector<16xf32>
            %add3A_429 = arith.addf %add3A_420, %get3A_428 : vector<16xf32>
            %add3A_430 = arith.constant 8 : i32
            %add3A_431 = arith.addi %mul3A_330, %add3A_430 : i32
            %get3A_432 = arith.constant 0 : i32
            %get3A_433 = arith.index_cast %get3A_432 : i32 to index
            %get3A_434 = arith.index_cast %add3A_431 : i32 to index
            %get3A_435 = arith.constant 0 : index
            %get3A_436 = tpu.vector_load %arg9[%get3A_433, %get3A_434, %get3A_435] {strides = array<i32>} : memref<2x512x64xf32, #tpu.memory_space<vmem>>, vector<1x1x16xf32>,
            %get3A_437 = vector.shape_cast %get3A_436 : vector<1x1x16xf32> to vector<16xf32>
            %add3A_438 = arith.addf %add3A_429, %get3A_437 : vector<16xf32>
            %add3A_439 = arith.constant 9 : i32
            %add3A_440 = arith.addi %mul3A_330, %add3A_439 : i32
            %get3A_441 = arith.constant 0 : i32
            %get3A_442 = arith.index_cast %get3A_441 : i32 to index
            %get3A_443 = arith.index_cast %add3A_440 : i32 to index
            %get3A_444 = arith.constant 0 : index
            %get3A_445 = tpu.vector_load %arg9[%get3A_442, %get3A_443, %get3A_444] {strides = array<i32>} : memref<2x512x64xf32, #tpu.memory_space<vmem>>, vector<1x1x16xf32>,
            %get3A_446 = vector.shape_cast %get3A_445 : vector<1x1x16xf32> to vector<16xf32>
            %add3A_447 = arith.addf %add3A_438, %get3A_446 : vector<16xf32>
            %add3A_448 = arith.constant 10 : i32
            %add3A_449 = arith.addi %mul3A_330, %add3A_448 : i32
            %get3A_450 = arith.constant 0 : i32
            %get3A_451 = arith.index_cast %get3A_450 : i32 to index
            %get3A_452 = arith.index_cast %add3A_449 : i32 to index
            %get3A_453 = arith.constant 0 : index
            %get3A_454 = tpu.vector_load %arg9[%get3A_451, %get3A_452, %get3A_453] {strides = array<i32>} : memref<2x512x64xf32, #tpu.memory_space<vmem>>, vector<1x1x16xf32>,
            %get3A_455 = vector.shape_cast %get3A_454 : vector<1x1x16xf32> to vector<16xf32>
            %add3A_456 = arith.addf %add3A_447, %get3A_455 : vector<16xf32>
            %add3A_457 = arith.constant 11 : i32
            %add3A_458 = arith.addi %mul3A_330, %add3A_457 : i32
            %get3A_459 = arith.constant 0 : i32
            %get3A_460 = arith.index_cast %get3A_459 : i32 to index
            %get3A_461 = arith.index_cast %add3A_458 : i32 to index
            %get3A_462 = arith.constant 0 : index
            %get3A_463 = tpu.vector_load %arg9[%get3A_460, %get3A_461, %get3A_462] {strides = array<i32>} : memref<2x512x64xf32, #tpu.memory_space<vmem>>, vector<1x1x16xf32>,
            %get3A_464 = vector.shape_cast %get3A_463 : vector<1x1x16xf32> to vector<16xf32>
            %add3A_465 = arith.addf %add3A_456, %get3A_464 : vector<16xf32>
            %add3A_466 = arith.constant 12 : i32
            %add3A_467 = arith.addi %mul3A_330, %add3A_466 : i32
            %get3A_468 = arith.constant 0 : i32
            %get3A_469 = arith.index_cast %get3A_468 : i32 to index
            %get3A_470 = arith.index_cast %add3A_467 : i32 to index
            %get3A_471 = arith.constant 0 : index
            %get3A_472 = tpu.vector_load %arg9[%get3A_469, %get3A_470, %get3A_471] {strides = array<i32>} : memref<2x512x64xf32, #tpu.memory_space<vmem>>, vector<1x1x16xf32>,
            %get3A_473 = vector.shape_cast %get3A_472 : vector<1x1x16xf32> to vector<16xf32>
            %add3A_474 = arith.addf %add3A_465, %get3A_473 : vector<16xf32>
            %add3A_475 = arith.constant 13 : i32
            %add3A_476 = arith.addi %mul3A_330, %add3A_475 : i32
            %get3A_477 = arith.constant 0 : i32
            %get3A_478 = arith.index_cast %get3A_477 : i32 to index
            %get3A_479 = arith.index_cast %add3A_476 : i32 to index
            %get3A_480 = arith.constant 0 : index
            %get3A_481 = tpu.vector_load %arg9[%get3A_478, %get3A_479, %get3A_480] {strides = array<i32>} : memref<2x512x64xf32, #tpu.memory_space<vmem>>, vector<1x1x16xf32>,
            %get3A_482 = vector.shape_cast %get3A_481 : vector<1x1x16xf32> to vector<16xf32>
            %add3A_483 = arith.addf %add3A_474, %get3A_482 : vector<16xf32>
            %add3A_484 = arith.constant 14 : i32
            %add3A_485 = arith.addi %mul3A_330, %add3A_484 : i32
            %get3A_486 = arith.constant 0 : i32
            %get3A_487 = arith.index_cast %get3A_486 : i32 to index
            %get3A_488 = arith.index_cast %add3A_485 : i32 to index
            %get3A_489 = arith.constant 0 : index
            %get3A_490 = tpu.vector_load %arg9[%get3A_487, %get3A_488, %get3A_489] {strides = array<i32>} : memref<2x512x64xf32, #tpu.memory_space<vmem>>, vector<1x1x16xf32>,
            %get3A_491 = vector.shape_cast %get3A_490 : vector<1x1x16xf32> to vector<16xf32>
            %add3A_492 = arith.addf %add3A_483, %get3A_491 : vector<16xf32>
            %add3A_493 = arith.constant 15 : i32
            %add3A_494 = arith.addi %mul3A_330, %add3A_493 : i32
            %get3A_495 = arith.constant 0 : i32
            %get3A_496 = arith.index_cast %get3A_495 : i32 to index
            %get3A_497 = arith.index_cast %add3A_494 : i32 to index
            %get3A_498 = arith.constant 0 : index
            %get3A_499 = tpu.vector_load %arg9[%get3A_496, %get3A_497, %get3A_498] {strides = array<i32>} : memref<2x512x64xf32, #tpu.memory_space<vmem>>, vector<1x1x16xf32>,
            %get3A_500 = vector.shape_cast %get3A_499 : vector<1x1x16xf32> to vector<16xf32>
            %add3A_501 = arith.addf %add3A_492, %get3A_500 : vector<16xf32>
            %add3A_502 = arith.constant 16 : i32
            %add3A_503 = arith.addi %mul3A_330, %add3A_502 : i32
            %get3A_504 = arith.constant 0 : i32
            %get3A_505 = arith.index_cast %get3A_504 : i32 to index
            %get3A_506 = arith.index_cast %add3A_503 : i32 to index
            %get3A_507 = arith.constant 0 : index
            %get3A_508 = tpu.vector_load %arg9[%get3A_505, %get3A_506, %get3A_507] {strides = array<i32>} : memref<2x512x64xf32, #tpu.memory_space<vmem>>, vector<1x1x16xf32>,
            %get3A_509 = vector.shape_cast %get3A_508 : vector<1x1x16xf32> to vector<16xf32>
            %add3A_510 = arith.addf %add3A_501, %get3A_509 : vector<16xf32>
            %add3A_511 = arith.constant 17 : i32
            %add3A_512 = arith.addi %mul3A_330, %add3A_511 : i32
            %get3A_513 = arith.constant 0 : i32
            %get3A_514 = arith.index_cast %get3A_513 : i32 to index
            %get3A_515 = arith.index_cast %add3A_512 : i32 to index
            %get3A_516 = arith.constant 0 : index
            %get3A_517 = tpu.vector_load %arg9[%get3A_514, %get3A_515, %get3A_516] {strides = array<i32>} : memref<2x512x64xf32, #tpu.memory_space<vmem>>, vector<1x1x16xf32>,
            %get3A_518 = vector.shape_cast %get3A_517 : vector<1x1x16xf32> to vector<16xf32>
            %add3A_519 = arith.addf %add3A_510, %get3A_518 : vector<16xf32>
            %add3A_520 = arith.constant 18 : i32
            %add3A_521 = arith.addi %mul3A_330, %add3A_520 : i32
            %get3A_522 = arith.constant 0 : i32
            %get3A_523 = arith.index_cast %get3A_522 : i32 to index
            %get3A_524 = arith.index_cast %add3A_521 : i32 to index
            %get3A_525 = arith.constant 0 : index
            %get3A_526 = tpu.vector_load %arg9[%get3A_523, %get3A_524, %get3A_525] {strides = array<i32>} : memref<2x512x64xf32, #tpu.memory_space<vmem>>, vector<1x1x16xf32>,
            %get3A_527 = vector.shape_cast %get3A_526 : vector<1x1x16xf32> to vector<16xf32>
            %add3A_528 = arith.addf %add3A_519, %get3A_527 : vector<16xf32>
            %add3A_529 = arith.constant 19 : i32
            %add3A_530 = arith.addi %mul3A_330, %add3A_529 : i32
            %get3A_531 = arith.constant 0 : i32
            %get3A_532 = arith.index_cast %get3A_531 : i32 to index
            %get3A_533 = arith.index_cast %add3A_530 : i32 to index
            %get3A_534 = arith.constant 0 : index
            %get3A_535 = tpu.vector_load %arg9[%get3A_532, %get3A_533, %get3A_534] {strides = array<i32>} : memref<2x512x64xf32, #tpu.memory_space<vmem>>, vector<1x1x16xf32>,
            %get3A_536 = vector.shape_cast %get3A_535 : vector<1x1x16xf32> to vector<16xf32>
            %add3A_537 = arith.addf %add3A_528, %get3A_536 : vector<16xf32>
            %add3A_538 = arith.constant 0 : i32
            %add3A_539 = arith.addi %mul3A_361, %add3A_538 : i32
            %swap3A = arith.constant 0 : i32
            %swap3A_540 = arith.index_cast %rem3A_272 : i32 to index
            %swap3A_541 = arith.index_cast %select_n3A_357 : i32 to index
            %swap3A_542 = arith.index_cast %swap3A : i32 to index
            %swap3A_543 = arith.index_cast %add3A_539 : i32 to index
            %swap3A_544 = tpu.vector_load %arg10[%swap3A_540, %swap3A_541, %swap3A_542, %swap3A_543] {strides = array<i32>} : memref<2x25x1x128xf32, #tpu.memory_space<vmem>>, vector<1x1x1x16xf32>,
            %swap3A_545 = vector.shape_cast %swap3A_544 : vector<1x1x1x16xf32> to vector<16xf32>
            %swap3A_546 = vector.shape_cast %add3A_537 : vector<16xf32> to vector<1x1x1x16xf32>
            tpu.vector_store %arg10[%swap3A_540, %swap3A_541, %swap3A_542, %swap3A_543], %swap3A_546 {strides = array<i32>} : memref<2x25x1x128xf32, #tpu.memory_space<vmem>>, vector<1x1x1x16xf32>,
            %get3A_547 = arith.constant 0 : i32
            %get3A_548 = arith.index_cast %get3A_547 : i32 to index
            %get3A_549 = arith.index_cast %mul3A_330 : i32 to index
            %get3A_550 = arith.constant 16 : index
            %get3A_551 = tpu.vector_load %arg9[%get3A_548, %get3A_549, %get3A_550] {strides = array<i32>} : memref<2x512x64xf32, #tpu.memory_space<vmem>>, vector<1x1x16xf32>,
            %get3A_552 = vector.shape_cast %get3A_551 : vector<1x1x16xf32> to vector<16xf32>
            %add3A_553 = arith.constant 1 : i32
            %add3A_554 = arith.addi %mul3A_330, %add3A_553 : i32
            %get3A_555 = arith.constant 0 : i32
            %get3A_556 = arith.index_cast %get3A_555 : i32 to index
            %get3A_557 = arith.index_cast %add3A_554 : i32 to index
            %get3A_558 = arith.constant 16 : index
            %get3A_559 = tpu.vector_load %arg9[%get3A_556, %get3A_557, %get3A_558] {strides = array<i32>} : memref<2x512x64xf32, #tpu.memory_space<vmem>>, vector<1x1x16xf32>,
            %get3A_560 = vector.shape_cast %get3A_559 : vector<1x1x16xf32> to vector<16xf32>
            %add3A_561 = arith.addf %get3A_552, %get3A_560 : vector<16xf32>
            %add3A_562 = arith.constant 2 : i32
            %add3A_563 = arith.addi %mul3A_330, %add3A_562 : i32
            %get3A_564 = arith.constant 0 : i32
            %get3A_565 = arith.index_cast %get3A_564 : i32 to index
            %get3A_566 = arith.index_cast %add3A_563 : i32 to index
            %get3A_567 = arith.constant 16 : index
            %get3A_568 = tpu.vector_load %arg9[%get3A_565, %get3A_566, %get3A_567] {strides = array<i32>} : memref<2x512x64xf32, #tpu.memory_space<vmem>>, vector<1x1x16xf32>,
            %get3A_569 = vector.shape_cast %get3A_568 : vector<1x1x16xf32> to vector<16xf32>
            %add3A_570 = arith.addf %add3A_561, %get3A_569 : vector<16xf32>
            %add3A_571 = arith.constant 3 : i32
            %add3A_572 = arith.addi %mul3A_330, %add3A_571 : i32
            %get3A_573 = arith.constant 0 : i32
            %get3A_574 = arith.index_cast %get3A_573 : i32 to index
            %get3A_575 = arith.index_cast %add3A_572 : i32 to index
            %get3A_576 = arith.constant 16 : index
            %get3A_577 = tpu.vector_load %arg9[%get3A_574, %get3A_575, %get3A_576] {strides = array<i32>} : memref<2x512x64xf32, #tpu.memory_space<vmem>>, vector<1x1x16xf32>,
            %get3A_578 = vector.shape_cast %get3A_577 : vector<1x1x16xf32> to vector<16xf32>
            %add3A_579 = arith.addf %add3A_570, %get3A_578 : vector<16xf32>
            %add3A_580 = arith.constant 4 : i32
            %add3A_581 = arith.addi %mul3A_330, %add3A_580 : i32
            %get3A_582 = arith.constant 0 : i32
            %get3A_583 = arith.index_cast %get3A_582 : i32 to index
            %get3A_584 = arith.index_cast %add3A_581 : i32 to index
            %get3A_585 = arith.constant 16 : index
            %get3A_586 = tpu.vector_load %arg9[%get3A_583, %get3A_584, %get3A_585] {strides = array<i32>} : memref<2x512x64xf32, #tpu.memory_space<vmem>>, vector<1x1x16xf32>,
            %get3A_587 = vector.shape_cast %get3A_586 : vector<1x1x16xf32> to vector<16xf32>
            %add3A_588 = arith.addf %add3A_579, %get3A_587 : vector<16xf32>
            %add3A_589 = arith.constant 5 : i32
            %add3A_590 = arith.addi %mul3A_330, %add3A_589 : i32
            %get3A_591 = arith.constant 0 : i32
            %get3A_592 = arith.index_cast %get3A_591 : i32 to index
            %get3A_593 = arith.index_cast %add3A_590 : i32 to index
            %get3A_594 = arith.constant 16 : index
            %get3A_595 = tpu.vector_load %arg9[%get3A_592, %get3A_593, %get3A_594] {strides = array<i32>} : memref<2x512x64xf32, #tpu.memory_space<vmem>>, vector<1x1x16xf32>,
            %get3A_596 = vector.shape_cast %get3A_595 : vector<1x1x16xf32> to vector<16xf32>
            %add3A_597 = arith.addf %add3A_588, %get3A_596 : vector<16xf32>
            %add3A_598 = arith.constant 6 : i32
            %add3A_599 = arith.addi %mul3A_330, %add3A_598 : i32
            %get3A_600 = arith.constant 0 : i32
            %get3A_601 = arith.index_cast %get3A_600 : i32 to index
            %get3A_602 = arith.index_cast %add3A_599 : i32 to index
            %get3A_603 = arith.constant 16 : index
            %get3A_604 = tpu.vector_load %arg9[%get3A_601, %get3A_602, %get3A_603] {strides = array<i32>} : memref<2x512x64xf32, #tpu.memory_space<vmem>>, vector<1x1x16xf32>,
            %get3A_605 = vector.shape_cast %get3A_604 : vector<1x1x16xf32> to vector<16xf32>
            %add3A_606 = arith.addf %add3A_597, %get3A_605 : vector<16xf32>
            %add3A_607 = arith.constant 7 : i32
            %add3A_608 = arith.addi %mul3A_330, %add3A_607 : i32
            %get3A_609 = arith.constant 0 : i32
            %get3A_610 = arith.index_cast %get3A_609 : i32 to index
            %get3A_611 = arith.index_cast %add3A_608 : i32 to index
            %get3A_612 = arith.constant 16 : index
            %get3A_613 = tpu.vector_load %arg9[%get3A_610, %get3A_611, %get3A_612] {strides = array<i32>} : memref<2x512x64xf32, #tpu.memory_space<vmem>>, vector<1x1x16xf32>,
            %get3A_614 = vector.shape_cast %get3A_613 : vector<1x1x16xf32> to vector<16xf32>
            %add3A_615 = arith.addf %add3A_606, %get3A_614 : vector<16xf32>
            %add3A_616 = arith.constant 8 : i32
            %add3A_617 = arith.addi %mul3A_330, %add3A_616 : i32
            %get3A_618 = arith.constant 0 : i32
            %get3A_619 = arith.index_cast %get3A_618 : i32 to index
            %get3A_620 = arith.index_cast %add3A_617 : i32 to index
            %get3A_621 = arith.constant 16 : index
            %get3A_622 = tpu.vector_load %arg9[%get3A_619, %get3A_620, %get3A_621] {strides = array<i32>} : memref<2x512x64xf32, #tpu.memory_space<vmem>>, vector<1x1x16xf32>,
            %get3A_623 = vector.shape_cast %get3A_622 : vector<1x1x16xf32> to vector<16xf32>
            %add3A_624 = arith.addf %add3A_615, %get3A_623 : vector<16xf32>
            %add3A_625 = arith.constant 9 : i32
            %add3A_626 = arith.addi %mul3A_330, %add3A_625 : i32
            %get3A_627 = arith.constant 0 : i32
            %get3A_628 = arith.index_cast %get3A_627 : i32 to index
            %get3A_629 = arith.index_cast %add3A_626 : i32 to index
            %get3A_630 = arith.constant 16 : index
            %get3A_631 = tpu.vector_load %arg9[%get3A_628, %get3A_629, %get3A_630] {strides = array<i32>} : memref<2x512x64xf32, #tpu.memory_space<vmem>>, vector<1x1x16xf32>,
            %get3A_632 = vector.shape_cast %get3A_631 : vector<1x1x16xf32> to vector<16xf32>
            %add3A_633 = arith.addf %add3A_624, %get3A_632 : vector<16xf32>
            %add3A_634 = arith.constant 10 : i32
            %add3A_635 = arith.addi %mul3A_330, %add3A_634 : i32
            %get3A_636 = arith.constant 0 : i32
            %get3A_637 = arith.index_cast %get3A_636 : i32 to index
            %get3A_638 = arith.index_cast %add3A_635 : i32 to index
            %get3A_639 = arith.constant 16 : index
            %get3A_640 = tpu.vector_load %arg9[%get3A_637, %get3A_638, %get3A_639] {strides = array<i32>} : memref<2x512x64xf32, #tpu.memory_space<vmem>>, vector<1x1x16xf32>,
            %get3A_641 = vector.shape_cast %get3A_640 : vector<1x1x16xf32> to vector<16xf32>
            %add3A_642 = arith.addf %add3A_633, %get3A_641 : vector<16xf32>
            %add3A_643 = arith.constant 11 : i32
            %add3A_644 = arith.addi %mul3A_330, %add3A_643 : i32
            %get3A_645 = arith.constant 0 : i32
            %get3A_646 = arith.index_cast %get3A_645 : i32 to index
            %get3A_647 = arith.index_cast %add3A_644 : i32 to index
            %get3A_648 = arith.constant 16 : index
            %get3A_649 = tpu.vector_load %arg9[%get3A_646, %get3A_647, %get3A_648] {strides = array<i32>} : memref<2x512x64xf32, #tpu.memory_space<vmem>>, vector<1x1x16xf32>,
            %get3A_650 = vector.shape_cast %get3A_649 : vector<1x1x16xf32> to vector<16xf32>
            %add3A_651 = arith.addf %add3A_642, %get3A_650 : vector<16xf32>
            %add3A_652 = arith.constant 12 : i32
            %add3A_653 = arith.addi %mul3A_330, %add3A_652 : i32
            %get3A_654 = arith.constant 0 : i32
            %get3A_655 = arith.index_cast %get3A_654 : i32 to index
            %get3A_656 = arith.index_cast %add3A_653 : i32 to index
            %get3A_657 = arith.constant 16 : index
            %get3A_658 = tpu.vector_load %arg9[%get3A_655, %get3A_656, %get3A_657] {strides = array<i32>} : memref<2x512x64xf32, #tpu.memory_space<vmem>>, vector<1x1x16xf32>,
            %get3A_659 = vector.shape_cast %get3A_658 : vector<1x1x16xf32> to vector<16xf32>
            %add3A_660 = arith.addf %add3A_651, %get3A_659 : vector<16xf32>
            %add3A_661 = arith.constant 13 : i32
            %add3A_662 = arith.addi %mul3A_330, %add3A_661 : i32
            %get3A_663 = arith.constant 0 : i32
            %get3A_664 = arith.index_cast %get3A_663 : i32 to index
            %get3A_665 = arith.index_cast %add3A_662 : i32 to index
            %get3A_666 = arith.constant 16 : index
            %get3A_667 = tpu.vector_load %arg9[%get3A_664, %get3A_665, %get3A_666] {strides = array<i32>} : memref<2x512x64xf32, #tpu.memory_space<vmem>>, vector<1x1x16xf32>,
            %get3A_668 = vector.shape_cast %get3A_667 : vector<1x1x16xf32> to vector<16xf32>
            %add3A_669 = arith.addf %add3A_660, %get3A_668 : vector<16xf32>
            %add3A_670 = arith.constant 14 : i32
            %add3A_671 = arith.addi %mul3A_330, %add3A_670 : i32
            %get3A_672 = arith.constant 0 : i32
            %get3A_673 = arith.index_cast %get3A_672 : i32 to index
            %get3A_674 = arith.index_cast %add3A_671 : i32 to index
            %get3A_675 = arith.constant 16 : index
            %get3A_676 = tpu.vector_load %arg9[%get3A_673, %get3A_674, %get3A_675] {strides = array<i32>} : memref<2x512x64xf32, #tpu.memory_space<vmem>>, vector<1x1x16xf32>,
            %get3A_677 = vector.shape_cast %get3A_676 : vector<1x1x16xf32> to vector<16xf32>
            %add3A_678 = arith.addf %add3A_669, %get3A_677 : vector<16xf32>
            %add3A_679 = arith.constant 15 : i32
            %add3A_680 = arith.addi %mul3A_330, %add3A_679 : i32
            %get3A_681 = arith.constant 0 : i32
            %get3A_682 = arith.index_cast %get3A_681 : i32 to index
            %get3A_683 = arith.index_cast %add3A_680 : i32 to index
            %get3A_684 = arith.constant 16 : index
            %get3A_685 = tpu.vector_load %arg9[%get3A_682, %get3A_683, %get3A_684] {strides = array<i32>} : memref<2x512x64xf32, #tpu.memory_space<vmem>>, vector<1x1x16xf32>,
            %get3A_686 = vector.shape_cast %get3A_685 : vector<1x1x16xf32> to vector<16xf32>
            %add3A_687 = arith.addf %add3A_678, %get3A_686 : vector<16xf32>
            %add3A_688 = arith.constant 16 : i32
            %add3A_689 = arith.addi %mul3A_330, %add3A_688 : i32
            %get3A_690 = arith.constant 0 : i32
            %get3A_691 = arith.index_cast %get3A_690 : i32 to index
            %get3A_692 = arith.index_cast %add3A_689 : i32 to index
            %get3A_693 = arith.constant 16 : index
            %get3A_694 = tpu.vector_load %arg9[%get3A_691, %get3A_692, %get3A_693] {strides = array<i32>} : memref<2x512x64xf32, #tpu.memory_space<vmem>>, vector<1x1x16xf32>,
            %get3A_695 = vector.shape_cast %get3A_694 : vector<1x1x16xf32> to vector<16xf32>
            %add3A_696 = arith.addf %add3A_687, %get3A_695 : vector<16xf32>
            %add3A_697 = arith.constant 17 : i32
            %add3A_698 = arith.addi %mul3A_330, %add3A_697 : i32
            %get3A_699 = arith.constant 0 : i32
            %get3A_700 = arith.index_cast %get3A_699 : i32 to index
            %get3A_701 = arith.index_cast %add3A_698 : i32 to index
            %get3A_702 = arith.constant 16 : index
            %get3A_703 = tpu.vector_load %arg9[%get3A_700, %get3A_701, %get3A_702] {strides = array<i32>} : memref<2x512x64xf32, #tpu.memory_space<vmem>>, vector<1x1x16xf32>,
            %get3A_704 = vector.shape_cast %get3A_703 : vector<1x1x16xf32> to vector<16xf32>
            %add3A_705 = arith.addf %add3A_696, %get3A_704 : vector<16xf32>
            %add3A_706 = arith.constant 18 : i32
            %add3A_707 = arith.addi %mul3A_330, %add3A_706 : i32
            %get3A_708 = arith.constant 0 : i32
            %get3A_709 = arith.index_cast %get3A_708 : i32 to index
            %get3A_710 = arith.index_cast %add3A_707 : i32 to index
            %get3A_711 = arith.constant 16 : index
            %get3A_712 = tpu.vector_load %arg9[%get3A_709, %get3A_710, %get3A_711] {strides = array<i32>} : memref<2x512x64xf32, #tpu.memory_space<vmem>>, vector<1x1x16xf32>,
            %get3A_713 = vector.shape_cast %get3A_712 : vector<1x1x16xf32> to vector<16xf32>
            %add3A_714 = arith.addf %add3A_705, %get3A_713 : vector<16xf32>
            %add3A_715 = arith.constant 19 : i32
            %add3A_716 = arith.addi %mul3A_330, %add3A_715 : i32
            %get3A_717 = arith.constant 0 : i32
            %get3A_718 = arith.index_cast %get3A_717 : i32 to index
            %get3A_719 = arith.index_cast %add3A_716 : i32 to index
            %get3A_720 = arith.constant 16 : index
            %get3A_721 = tpu.vector_load %arg9[%get3A_718, %get3A_719, %get3A_720] {strides = array<i32>} : memref<2x512x64xf32, #tpu.memory_space<vmem>>, vector<1x1x16xf32>,
            %get3A_722 = vector.shape_cast %get3A_721 : vector<1x1x16xf32> to vector<16xf32>
            %add3A_723 = arith.addf %add3A_714, %get3A_722 : vector<16xf32>
            %add3A_724 = arith.constant 16 : i32
            %add3A_725 = arith.addi %mul3A_361, %add3A_724 : i32
            %swap3A_726 = arith.constant 0 : i32
            %swap3A_727 = arith.index_cast %rem3A_272 : i32 to index
            %swap3A_728 = arith.index_cast %select_n3A_357 : i32 to index
            %swap3A_729 = arith.index_cast %swap3A_726 : i32 to index
            %swap3A_730 = arith.index_cast %add3A_725 : i32 to index
            %swap3A_731 = tpu.vector_load %arg10[%swap3A_727, %swap3A_728, %swap3A_729, %swap3A_730] {strides = array<i32>} : memref<2x25x1x128xf32, #tpu.memory_space<vmem>>, vector<1x1x1x16xf32>,
            %swap3A_732 = vector.shape_cast %swap3A_731 : vector<1x1x1x16xf32> to vector<16xf32>
            %swap3A_733 = vector.shape_cast %add3A_723 : vector<16xf32> to vector<1x1x1x16xf32>
            tpu.vector_store %arg10[%swap3A_727, %swap3A_728, %swap3A_729, %swap3A_730], %swap3A_733 {strides = array<i32>} : memref<2x25x1x128xf32, #tpu.memory_space<vmem>>, vector<1x1x1x16xf32>,
            %get3A_734 = arith.constant 0 : i32
            %get3A_735 = arith.index_cast %get3A_734 : i32 to index
            %get3A_736 = arith.index_cast %mul3A_330 : i32 to index
            %get3A_737 = arith.constant 32 : index
            %get3A_738 = tpu.vector_load %arg9[%get3A_735, %get3A_736, %get3A_737] {strides = array<i32>} : memref<2x512x64xf32, #tpu.memory_space<vmem>>, vector<1x1x16xf32>,
            %get3A_739 = vector.shape_cast %get3A_738 : vector<1x1x16xf32> to vector<16xf32>
            %add3A_740 = arith.constant 1 : i32
            %add3A_741 = arith.addi %mul3A_330, %add3A_740 : i32
            %get3A_742 = arith.constant 0 : i32
            %get3A_743 = arith.index_cast %get3A_742 : i32 to index
            %get3A_744 = arith.index_cast %add3A_741 : i32 to index
            %get3A_745 = arith.constant 32 : index
            %get3A_746 = tpu.vector_load %arg9[%get3A_743, %get3A_744, %get3A_745] {strides = array<i32>} : memref<2x512x64xf32, #tpu.memory_space<vmem>>, vector<1x1x16xf32>,
            %get3A_747 = vector.shape_cast %get3A_746 : vector<1x1x16xf32> to vector<16xf32>
            %add3A_748 = arith.addf %get3A_739, %get3A_747 : vector<16xf32>
            %add3A_749 = arith.constant 2 : i32
            %add3A_750 = arith.addi %mul3A_330, %add3A_749 : i32
            %get3A_751 = arith.constant 0 : i32
            %get3A_752 = arith.index_cast %get3A_751 : i32 to index
            %get3A_753 = arith.index_cast %add3A_750 : i32 to index
            %get3A_754 = arith.constant 32 : index
            %get3A_755 = tpu.vector_load %arg9[%get3A_752, %get3A_753, %get3A_754] {strides = array<i32>} : memref<2x512x64xf32, #tpu.memory_space<vmem>>, vector<1x1x16xf32>,
            %get3A_756 = vector.shape_cast %get3A_755 : vector<1x1x16xf32> to vector<16xf32>
            %add3A_757 = arith.addf %add3A_748, %get3A_756 : vector<16xf32>
            %add3A_758 = arith.constant 3 : i32
            %add3A_759 = arith.addi %mul3A_330, %add3A_758 : i32
            %get3A_760 = arith.constant 0 : i32
            %get3A_761 = arith.index_cast %get3A_760 : i32 to index
            %get3A_762 = arith.index_cast %add3A_759 : i32 to index
            %get3A_763 = arith.constant 32 : index
            %get3A_764 = tpu.vector_load %arg9[%get3A_761, %get3A_762, %get3A_763] {strides = array<i32>} : memref<2x512x64xf32, #tpu.memory_space<vmem>>, vector<1x1x16xf32>,
            %get3A_765 = vector.shape_cast %get3A_764 : vector<1x1x16xf32> to vector<16xf32>
            %add3A_766 = arith.addf %add3A_757, %get3A_765 : vector<16xf32>
            %add3A_767 = arith.constant 4 : i32
            %add3A_768 = arith.addi %mul3A_330, %add3A_767 : i32
            %get3A_769 = arith.constant 0 : i32
            %get3A_770 = arith.index_cast %get3A_769 : i32 to index
            %get3A_771 = arith.index_cast %add3A_768 : i32 to index
            %get3A_772 = arith.constant 32 : index
            %get3A_773 = tpu.vector_load %arg9[%get3A_770, %get3A_771, %get3A_772] {strides = array<i32>} : memref<2x512x64xf32, #tpu.memory_space<vmem>>, vector<1x1x16xf32>,
            %get3A_774 = vector.shape_cast %get3A_773 : vector<1x1x16xf32> to vector<16xf32>
            %add3A_775 = arith.addf %add3A_766, %get3A_774 : vector<16xf32>
            %add3A_776 = arith.constant 5 : i32
            %add3A_777 = arith.addi %mul3A_330, %add3A_776 : i32
            %get3A_778 = arith.constant 0 : i32
            %get3A_779 = arith.index_cast %get3A_778 : i32 to index
            %get3A_780 = arith.index_cast %add3A_777 : i32 to index
            %get3A_781 = arith.constant 32 : index
            %get3A_782 = tpu.vector_load %arg9[%get3A_779, %get3A_780, %get3A_781] {strides = array<i32>} : memref<2x512x64xf32, #tpu.memory_space<vmem>>, vector<1x1x16xf32>,
            %get3A_783 = vector.shape_cast %get3A_782 : vector<1x1x16xf32> to vector<16xf32>
            %add3A_784 = arith.addf %add3A_775, %get3A_783 : vector<16xf32>
            %add3A_785 = arith.constant 6 : i32
            %add3A_786 = arith.addi %mul3A_330, %add3A_785 : i32
            %get3A_787 = arith.constant 0 : i32
            %get3A_788 = arith.index_cast %get3A_787 : i32 to index
            %get3A_789 = arith.index_cast %add3A_786 : i32 to index
            %get3A_790 = arith.constant 32 : index
            %get3A_791 = tpu.vector_load %arg9[%get3A_788, %get3A_789, %get3A_790] {strides = array<i32>} : memref<2x512x64xf32, #tpu.memory_space<vmem>>, vector<1x1x16xf32>,
            %get3A_792 = vector.shape_cast %get3A_791 : vector<1x1x16xf32> to vector<16xf32>
            %add3A_793 = arith.addf %add3A_784, %get3A_792 : vector<16xf32>
            %add3A_794 = arith.constant 7 : i32
            %add3A_795 = arith.addi %mul3A_330, %add3A_794 : i32
            %get3A_796 = arith.constant 0 : i32
            %get3A_797 = arith.index_cast %get3A_796 : i32 to index
            %get3A_798 = arith.index_cast %add3A_795 : i32 to index
            %get3A_799 = arith.constant 32 : index
            %get3A_800 = tpu.vector_load %arg9[%get3A_797, %get3A_798, %get3A_799] {strides = array<i32>} : memref<2x512x64xf32, #tpu.memory_space<vmem>>, vector<1x1x16xf32>,
            %get3A_801 = vector.shape_cast %get3A_800 : vector<1x1x16xf32> to vector<16xf32>
            %add3A_802 = arith.addf %add3A_793, %get3A_801 : vector<16xf32>
            %add3A_803 = arith.constant 8 : i32
            %add3A_804 = arith.addi %mul3A_330, %add3A_803 : i32
            %get3A_805 = arith.constant 0 : i32
            %get3A_806 = arith.index_cast %get3A_805 : i32 to index
            %get3A_807 = arith.index_cast %add3A_804 : i32 to index
            %get3A_808 = arith.constant 32 : index
            %get3A_809 = tpu.vector_load %arg9[%get3A_806, %get3A_807, %get3A_808] {strides = array<i32>} : memref<2x512x64xf32, #tpu.memory_space<vmem>>, vector<1x1x16xf32>,
            %get3A_810 = vector.shape_cast %get3A_809 : vector<1x1x16xf32> to vector<16xf32>
            %add3A_811 = arith.addf %add3A_802, %get3A_810 : vector<16xf32>
            %add3A_812 = arith.constant 9 : i32
            %add3A_813 = arith.addi %mul3A_330, %add3A_812 : i32
            %get3A_814 = arith.constant 0 : i32
            %get3A_815 = arith.index_cast %get3A_814 : i32 to index
            %get3A_816 = arith.index_cast %add3A_813 : i32 to index
            %get3A_817 = arith.constant 32 : index
            %get3A_818 = tpu.vector_load %arg9[%get3A_815, %get3A_816, %get3A_817] {strides = array<i32>} : memref<2x512x64xf32, #tpu.memory_space<vmem>>, vector<1x1x16xf32>,
            %get3A_819 = vector.shape_cast %get3A_818 : vector<1x1x16xf32> to vector<16xf32>
            %add3A_820 = arith.addf %add3A_811, %get3A_819 : vector<16xf32>
            %add3A_821 = arith.constant 10 : i32
            %add3A_822 = arith.addi %mul3A_330, %add3A_821 : i32
            %get3A_823 = arith.constant 0 : i32
            %get3A_824 = arith.index_cast %get3A_823 : i32 to index
            %get3A_825 = arith.index_cast %add3A_822 : i32 to index
            %get3A_826 = arith.constant 32 : index
            %get3A_827 = tpu.vector_load %arg9[%get3A_824, %get3A_825, %get3A_826] {strides = array<i32>} : memref<2x512x64xf32, #tpu.memory_space<vmem>>, vector<1x1x16xf32>,
            %get3A_828 = vector.shape_cast %get3A_827 : vector<1x1x16xf32> to vector<16xf32>
            %add3A_829 = arith.addf %add3A_820, %get3A_828 : vector<16xf32>
            %add3A_830 = arith.constant 11 : i32
            %add3A_831 = arith.addi %mul3A_330, %add3A_830 : i32
            %get3A_832 = arith.constant 0 : i32
            %get3A_833 = arith.index_cast %get3A_832 : i32 to index
            %get3A_834 = arith.index_cast %add3A_831 : i32 to index
            %get3A_835 = arith.constant 32 : index
            %get3A_836 = tpu.vector_load %arg9[%get3A_833, %get3A_834, %get3A_835] {strides = array<i32>} : memref<2x512x64xf32, #tpu.memory_space<vmem>>, vector<1x1x16xf32>,
            %get3A_837 = vector.shape_cast %get3A_836 : vector<1x1x16xf32> to vector<16xf32>
            %add3A_838 = arith.addf %add3A_829, %get3A_837 : vector<16xf32>
            %add3A_839 = arith.constant 12 : i32
            %add3A_840 = arith.addi %mul3A_330, %add3A_839 : i32
            %get3A_841 = arith.constant 0 : i32
            %get3A_842 = arith.index_cast %get3A_841 : i32 to index
            %get3A_843 = arith.index_cast %add3A_840 : i32 to index
            %get3A_844 = arith.constant 32 : index
            %get3A_845 = tpu.vector_load %arg9[%get3A_842, %get3A_843, %get3A_844] {strides = array<i32>} : memref<2x512x64xf32, #tpu.memory_space<vmem>>, vector<1x1x16xf32>,
            %get3A_846 = vector.shape_cast %get3A_845 : vector<1x1x16xf32> to vector<16xf32>
            %add3A_847 = arith.addf %add3A_838, %get3A_846 : vector<16xf32>
            %add3A_848 = arith.constant 13 : i32
            %add3A_849 = arith.addi %mul3A_330, %add3A_848 : i32
            %get3A_850 = arith.constant 0 : i32
            %get3A_851 = arith.index_cast %get3A_850 : i32 to index
            %get3A_852 = arith.index_cast %add3A_849 : i32 to index
            %get3A_853 = arith.constant 32 : index
            %get3A_854 = tpu.vector_load %arg9[%get3A_851, %get3A_852, %get3A_853] {strides = array<i32>} : memref<2x512x64xf32, #tpu.memory_space<vmem>>, vector<1x1x16xf32>,
            %get3A_855 = vector.shape_cast %get3A_854 : vector<1x1x16xf32> to vector<16xf32>
            %add3A_856 = arith.addf %add3A_847, %get3A_855 : vector<16xf32>
            %add3A_857 = arith.constant 14 : i32
            %add3A_858 = arith.addi %mul3A_330, %add3A_857 : i32
            %get3A_859 = arith.constant 0 : i32
            %get3A_860 = arith.index_cast %get3A_859 : i32 to index
            %get3A_861 = arith.index_cast %add3A_858 : i32 to index
            %get3A_862 = arith.constant 32 : index
            %get3A_863 = tpu.vector_load %arg9[%get3A_860, %get3A_861, %get3A_862] {strides = array<i32>} : memref<2x512x64xf32, #tpu.memory_space<vmem>>, vector<1x1x16xf32>,
            %get3A_864 = vector.shape_cast %get3A_863 : vector<1x1x16xf32> to vector<16xf32>
            %add3A_865 = arith.addf %add3A_856, %get3A_864 : vector<16xf32>
            %add3A_866 = arith.constant 15 : i32
            %add3A_867 = arith.addi %mul3A_330, %add3A_866 : i32
            %get3A_868 = arith.constant 0 : i32
            %get3A_869 = arith.index_cast %get3A_868 : i32 to index
            %get3A_870 = arith.index_cast %add3A_867 : i32 to index
            %get3A_871 = arith.constant 32 : index
            %get3A_872 = tpu.vector_load %arg9[%get3A_869, %get3A_870, %get3A_871] {strides = array<i32>} : memref<2x512x64xf32, #tpu.memory_space<vmem>>, vector<1x1x16xf32>,
            %get3A_873 = vector.shape_cast %get3A_872 : vector<1x1x16xf32> to vector<16xf32>
            %add3A_874 = arith.addf %add3A_865, %get3A_873 : vector<16xf32>
            %add3A_875 = arith.constant 16 : i32
            %add3A_876 = arith.addi %mul3A_330, %add3A_875 : i32
            %get3A_877 = arith.constant 0 : i32
            %get3A_878 = arith.index_cast %get3A_877 : i32 to index
            %get3A_879 = arith.index_cast %add3A_876 : i32 to index
            %get3A_880 = arith.constant 32 : index
            %get3A_881 = tpu.vector_load %arg9[%get3A_878, %get3A_879, %get3A_880] {strides = array<i32>} : memref<2x512x64xf32, #tpu.memory_space<vmem>>, vector<1x1x16xf32>,
            %get3A_882 = vector.shape_cast %get3A_881 : vector<1x1x16xf32> to vector<16xf32>
            %add3A_883 = arith.addf %add3A_874, %get3A_882 : vector<16xf32>
            %add3A_884 = arith.constant 17 : i32
            %add3A_885 = arith.addi %mul3A_330, %add3A_884 : i32
            %get3A_886 = arith.constant 0 : i32
            %get3A_887 = arith.index_cast %get3A_886 : i32 to index
            %get3A_888 = arith.index_cast %add3A_885 : i32 to index
            %get3A_889 = arith.constant 32 : index
            %get3A_890 = tpu.vector_load %arg9[%get3A_887, %get3A_888, %get3A_889] {strides = array<i32>} : memref<2x512x64xf32, #tpu.memory_space<vmem>>, vector<1x1x16xf32>,
            %get3A_891 = vector.shape_cast %get3A_890 : vector<1x1x16xf32> to vector<16xf32>
            %add3A_892 = arith.addf %add3A_883, %get3A_891 : vector<16xf32>
            %add3A_893 = arith.constant 18 : i32
            %add3A_894 = arith.addi %mul3A_330, %add3A_893 : i32
            %get3A_895 = arith.constant 0 : i32
            %get3A_896 = arith.index_cast %get3A_895 : i32 to index
            %get3A_897 = arith.index_cast %add3A_894 : i32 to index
            %get3A_898 = arith.constant 32 : index
            %get3A_899 = tpu.vector_load %arg9[%get3A_896, %get3A_897, %get3A_898] {strides = array<i32>} : memref<2x512x64xf32, #tpu.memory_space<vmem>>, vector<1x1x16xf32>,
            %get3A_900 = vector.shape_cast %get3A_899 : vector<1x1x16xf32> to vector<16xf32>
            %add3A_901 = arith.addf %add3A_892, %get3A_900 : vector<16xf32>
            %add3A_902 = arith.constant 19 : i32
            %add3A_903 = arith.addi %mul3A_330, %add3A_902 : i32
            %get3A_904 = arith.constant 0 : i32
            %get3A_905 = arith.index_cast %get3A_904 : i32 to index
            %get3A_906 = arith.index_cast %add3A_903 : i32 to index
            %get3A_907 = arith.constant 32 : index
            %get3A_908 = tpu.vector_load %arg9[%get3A_905, %get3A_906, %get3A_907] {strides = array<i32>} : memref<2x512x64xf32, #tpu.memory_space<vmem>>, vector<1x1x16xf32>,
            %get3A_909 = vector.shape_cast %get3A_908 : vector<1x1x16xf32> to vector<16xf32>
            %add3A_910 = arith.addf %add3A_901, %get3A_909 : vector<16xf32>
            %add3A_911 = arith.constant 32 : i32
            %add3A_912 = arith.addi %mul3A_361, %add3A_911 : i32
            %swap3A_913 = arith.constant 0 : i32
            %swap3A_914 = arith.index_cast %rem3A_272 : i32 to index
            %swap3A_915 = arith.index_cast %select_n3A_357 : i32 to index
            %swap3A_916 = arith.index_cast %swap3A_913 : i32 to index
            %swap3A_917 = arith.index_cast %add3A_912 : i32 to index
            %swap3A_918 = tpu.vector_load %arg10[%swap3A_914, %swap3A_915, %swap3A_916, %swap3A_917] {strides = array<i32>} : memref<2x25x1x128xf32, #tpu.memory_space<vmem>>, vector<1x1x1x16xf32>,
            %swap3A_919 = vector.shape_cast %swap3A_918 : vector<1x1x1x16xf32> to vector<16xf32>
            %swap3A_920 = vector.shape_cast %add3A_910 : vector<16xf32> to vector<1x1x1x16xf32>
            tpu.vector_store %arg10[%swap3A_914, %swap3A_915, %swap3A_916, %swap3A_917], %swap3A_920 {strides = array<i32>} : memref<2x25x1x128xf32, #tpu.memory_space<vmem>>, vector<1x1x1x16xf32>,
            %get3A_921 = arith.constant 0 : i32
            %get3A_922 = arith.index_cast %get3A_921 : i32 to index
            %get3A_923 = arith.index_cast %mul3A_330 : i32 to index
            %get3A_924 = arith.constant 48 : index
            %get3A_925 = tpu.vector_load %arg9[%get3A_922, %get3A_923, %get3A_924] {strides = array<i32>} : memref<2x512x64xf32, #tpu.memory_space<vmem>>, vector<1x1x16xf32>,
            %get3A_926 = vector.shape_cast %get3A_925 : vector<1x1x16xf32> to vector<16xf32>
            %add3A_927 = arith.constant 1 : i32
            %add3A_928 = arith.addi %mul3A_330, %add3A_927 : i32
            %get3A_929 = arith.constant 0 : i32
            %get3A_930 = arith.index_cast %get3A_929 : i32 to index
            %get3A_931 = arith.index_cast %add3A_928 : i32 to index
            %get3A_932 = arith.constant 48 : index
            %get3A_933 = tpu.vector_load %arg9[%get3A_930, %get3A_931, %get3A_932] {strides = array<i32>} : memref<2x512x64xf32, #tpu.memory_space<vmem>>, vector<1x1x16xf32>,
            %get3A_934 = vector.shape_cast %get3A_933 : vector<1x1x16xf32> to vector<16xf32>
            %add3A_935 = arith.addf %get3A_926, %get3A_934 : vector<16xf32>
            %add3A_936 = arith.constant 2 : i32
            %add3A_937 = arith.addi %mul3A_330, %add3A_936 : i32
            %get3A_938 = arith.constant 0 : i32
            %get3A_939 = arith.index_cast %get3A_938 : i32 to index
            %get3A_940 = arith.index_cast %add3A_937 : i32 to index
            %get3A_941 = arith.constant 48 : index
            %get3A_942 = tpu.vector_load %arg9[%get3A_939, %get3A_940, %get3A_941] {strides = array<i32>} : memref<2x512x64xf32, #tpu.memory_space<vmem>>, vector<1x1x16xf32>,
            %get3A_943 = vector.shape_cast %get3A_942 : vector<1x1x16xf32> to vector<16xf32>
            %add3A_944 = arith.addf %add3A_935, %get3A_943 : vector<16xf32>
            %add3A_945 = arith.constant 3 : i32
            %add3A_946 = arith.addi %mul3A_330, %add3A_945 : i32
            %get3A_947 = arith.constant 0 : i32
            %get3A_948 = arith.index_cast %get3A_947 : i32 to index
            %get3A_949 = arith.index_cast %add3A_946 : i32 to index
            %get3A_950 = arith.constant 48 : index
            %get3A_951 = tpu.vector_load %arg9[%get3A_948, %get3A_949, %get3A_950] {strides = array<i32>} : memref<2x512x64xf32, #tpu.memory_space<vmem>>, vector<1x1x16xf32>,
            %get3A_952 = vector.shape_cast %get3A_951 : vector<1x1x16xf32> to vector<16xf32>
            %add3A_953 = arith.addf %add3A_944, %get3A_952 : vector<16xf32>
            %add3A_954 = arith.constant 4 : i32
            %add3A_955 = arith.addi %mul3A_330, %add3A_954 : i32
            %get3A_956 = arith.constant 0 : i32
            %get3A_957 = arith.index_cast %get3A_956 : i32 to index
            %get3A_958 = arith.index_cast %add3A_955 : i32 to index
            %get3A_959 = arith.constant 48 : index
            %get3A_960 = tpu.vector_load %arg9[%get3A_957, %get3A_958, %get3A_959] {strides = array<i32>} : memref<2x512x64xf32, #tpu.memory_space<vmem>>, vector<1x1x16xf32>,
            %get3A_961 = vector.shape_cast %get3A_960 : vector<1x1x16xf32> to vector<16xf32>
            %add3A_962 = arith.addf %add3A_953, %get3A_961 : vector<16xf32>
            %add3A_963 = arith.constant 5 : i32
            %add3A_964 = arith.addi %mul3A_330, %add3A_963 : i32
            %get3A_965 = arith.constant 0 : i32
            %get3A_966 = arith.index_cast %get3A_965 : i32 to index
            %get3A_967 = arith.index_cast %add3A_964 : i32 to index
            %get3A_968 = arith.constant 48 : index
            %get3A_969 = tpu.vector_load %arg9[%get3A_966, %get3A_967, %get3A_968] {strides = array<i32>} : memref<2x512x64xf32, #tpu.memory_space<vmem>>, vector<1x1x16xf32>,
            %get3A_970 = vector.shape_cast %get3A_969 : vector<1x1x16xf32> to vector<16xf32>
            %add3A_971 = arith.addf %add3A_962, %get3A_970 : vector<16xf32>
            %add3A_972 = arith.constant 6 : i32
            %add3A_973 = arith.addi %mul3A_330, %add3A_972 : i32
            %get3A_974 = arith.constant 0 : i32
            %get3A_975 = arith.index_cast %get3A_974 : i32 to index
            %get3A_976 = arith.index_cast %add3A_973 : i32 to index
            %get3A_977 = arith.constant 48 : index
            %get3A_978 = tpu.vector_load %arg9[%get3A_975, %get3A_976, %get3A_977] {strides = array<i32>} : memref<2x512x64xf32, #tpu.memory_space<vmem>>, vector<1x1x16xf32>,
            %get3A_979 = vector.shape_cast %get3A_978 : vector<1x1x16xf32> to vector<16xf32>
            %add3A_980 = arith.addf %add3A_971, %get3A_979 : vector<16xf32>
            %add3A_981 = arith.constant 7 : i32
            %add3A_982 = arith.addi %mul3A_330, %add3A_981 : i32
            %get3A_983 = arith.constant 0 : i32
            %get3A_984 = arith.index_cast %get3A_983 : i32 to index
            %get3A_985 = arith.index_cast %add3A_982 : i32 to index
            %get3A_986 = arith.constant 48 : index
            %get3A_987 = tpu.vector_load %arg9[%get3A_984, %get3A_985, %get3A_986] {strides = array<i32>} : memref<2x512x64xf32, #tpu.memory_space<vmem>>, vector<1x1x16xf32>,
            %get3A_988 = vector.shape_cast %get3A_987 : vector<1x1x16xf32> to vector<16xf32>
            %add3A_989 = arith.addf %add3A_980, %get3A_988 : vector<16xf32>
            %add3A_990 = arith.constant 8 : i32
            %add3A_991 = arith.addi %mul3A_330, %add3A_990 : i32
            %get3A_992 = arith.constant 0 : i32
            %get3A_993 = arith.index_cast %get3A_992 : i32 to index
            %get3A_994 = arith.index_cast %add3A_991 : i32 to index
            %get3A_995 = arith.constant 48 : index
            %get3A_996 = tpu.vector_load %arg9[%get3A_993, %get3A_994, %get3A_995] {strides = array<i32>} : memref<2x512x64xf32, #tpu.memory_space<vmem>>, vector<1x1x16xf32>,
            %get3A_997 = vector.shape_cast %get3A_996 : vector<1x1x16xf32> to vector<16xf32>
            %add3A_998 = arith.addf %add3A_989, %get3A_997 : vector<16xf32>
            %add3A_999 = arith.constant 9 : i32
            %add3A_1000 = arith.addi %mul3A_330, %add3A_999 : i32
            %get3A_1001 = arith.constant 0 : i32
            %get3A_1002 = arith.index_cast %get3A_1001 : i32 to index
            %get3A_1003 = arith.index_cast %add3A_1000 : i32 to index
            %get3A_1004 = arith.constant 48 : index
            %get3A_1005 = tpu.vector_load %arg9[%get3A_1002, %get3A_1003, %get3A_1004] {strides = array<i32>} : memref<2x512x64xf32, #tpu.memory_space<vmem>>, vector<1x1x16xf32>,
            %get3A_1006 = vector.shape_cast %get3A_1005 : vector<1x1x16xf32> to vector<16xf32>
            %add3A_1007 = arith.addf %add3A_998, %get3A_1006 : vector<16xf32>
            %add3A_1008 = arith.constant 10 : i32
            %add3A_1009 = arith.addi %mul3A_330, %add3A_1008 : i32
            %get3A_1010 = arith.constant 0 : i32
            %get3A_1011 = arith.index_cast %get3A_1010 : i32 to index
            %get3A_1012 = arith.index_cast %add3A_1009 : i32 to index
            %get3A_1013 = arith.constant 48 : index
            %get3A_1014 = tpu.vector_load %arg9[%get3A_1011, %get3A_1012, %get3A_1013] {strides = array<i32>} : memref<2x512x64xf32, #tpu.memory_space<vmem>>, vector<1x1x16xf32>,
            %get3A_1015 = vector.shape_cast %get3A_1014 : vector<1x1x16xf32> to vector<16xf32>
            %add3A_1016 = arith.addf %add3A_1007, %get3A_1015 : vector<16xf32>
            %add3A_1017 = arith.constant 11 : i32
            %add3A_1018 = arith.addi %mul3A_330, %add3A_1017 : i32
            %get3A_1019 = arith.constant 0 : i32
            %get3A_1020 = arith.index_cast %get3A_1019 : i32 to index
            %get3A_1021 = arith.index_cast %add3A_1018 : i32 to index
            %get3A_1022 = arith.constant 48 : index
            %get3A_1023 = tpu.vector_load %arg9[%get3A_1020, %get3A_1021, %get3A_1022] {strides = array<i32>} : memref<2x512x64xf32, #tpu.memory_space<vmem>>, vector<1x1x16xf32>,
            %get3A_1024 = vector.shape_cast %get3A_1023 : vector<1x1x16xf32> to vector<16xf32>
            %add3A_1025 = arith.addf %add3A_1016, %get3A_1024 : vector<16xf32>
            %add3A_1026 = arith.constant 12 : i32
            %add3A_1027 = arith.addi %mul3A_330, %add3A_1026 : i32
            %get3A_1028 = arith.constant 0 : i32
            %get3A_1029 = arith.index_cast %get3A_1028 : i32 to index
            %get3A_1030 = arith.index_cast %add3A_1027 : i32 to index
            %get3A_1031 = arith.constant 48 : index
            %get3A_1032 = tpu.vector_load %arg9[%get3A_1029, %get3A_1030, %get3A_1031] {strides = array<i32>} : memref<2x512x64xf32, #tpu.memory_space<vmem>>, vector<1x1x16xf32>,
            %get3A_1033 = vector.shape_cast %get3A_1032 : vector<1x1x16xf32> to vector<16xf32>
            %add3A_1034 = arith.addf %add3A_1025, %get3A_1033 : vector<16xf32>
            %add3A_1035 = arith.constant 13 : i32
            %add3A_1036 = arith.addi %mul3A_330, %add3A_1035 : i32
            %get3A_1037 = arith.constant 0 : i32
            %get3A_1038 = arith.index_cast %get3A_1037 : i32 to index
            %get3A_1039 = arith.index_cast %add3A_1036 : i32 to index
            %get3A_1040 = arith.constant 48 : index
            %get3A_1041 = tpu.vector_load %arg9[%get3A_1038, %get3A_1039, %get3A_1040] {strides = array<i32>} : memref<2x512x64xf32, #tpu.memory_space<vmem>>, vector<1x1x16xf32>,
            %get3A_1042 = vector.shape_cast %get3A_1041 : vector<1x1x16xf32> to vector<16xf32>
            %add3A_1043 = arith.addf %add3A_1034, %get3A_1042 : vector<16xf32>
            %add3A_1044 = arith.constant 14 : i32
            %add3A_1045 = arith.addi %mul3A_330, %add3A_1044 : i32
            %get3A_1046 = arith.constant 0 : i32
            %get3A_1047 = arith.index_cast %get3A_1046 : i32 to index
            %get3A_1048 = arith.index_cast %add3A_1045 : i32 to index
            %get3A_1049 = arith.constant 48 : index
            %get3A_1050 = tpu.vector_load %arg9[%get3A_1047, %get3A_1048, %get3A_1049] {strides = array<i32>} : memref<2x512x64xf32, #tpu.memory_space<vmem>>, vector<1x1x16xf32>,
            %get3A_1051 = vector.shape_cast %get3A_1050 : vector<1x1x16xf32> to vector<16xf32>
            %add3A_1052 = arith.addf %add3A_1043, %get3A_1051 : vector<16xf32>
            %add3A_1053 = arith.constant 15 : i32
            %add3A_1054 = arith.addi %mul3A_330, %add3A_1053 : i32
            %get3A_1055 = arith.constant 0 : i32
            %get3A_1056 = arith.index_cast %get3A_1055 : i32 to index
            %get3A_1057 = arith.index_cast %add3A_1054 : i32 to index
            %get3A_1058 = arith.constant 48 : index
            %get3A_1059 = tpu.vector_load %arg9[%get3A_1056, %get3A_1057, %get3A_1058] {strides = array<i32>} : memref<2x512x64xf32, #tpu.memory_space<vmem>>, vector<1x1x16xf32>,
            %get3A_1060 = vector.shape_cast %get3A_1059 : vector<1x1x16xf32> to vector<16xf32>
            %add3A_1061 = arith.addf %add3A_1052, %get3A_1060 : vector<16xf32>
            %add3A_1062 = arith.constant 16 : i32
            %add3A_1063 = arith.addi %mul3A_330, %add3A_1062 : i32
            %get3A_1064 = arith.constant 0 : i32
            %get3A_1065 = arith.index_cast %get3A_1064 : i32 to index
            %get3A_1066 = arith.index_cast %add3A_1063 : i32 to index
            %get3A_1067 = arith.constant 48 : index
            %get3A_1068 = tpu.vector_load %arg9[%get3A_1065, %get3A_1066, %get3A_1067] {strides = array<i32>} : memref<2x512x64xf32, #tpu.memory_space<vmem>>, vector<1x1x16xf32>,
            %get3A_1069 = vector.shape_cast %get3A_1068 : vector<1x1x16xf32> to vector<16xf32>
            %add3A_1070 = arith.addf %add3A_1061, %get3A_1069 : vector<16xf32>
            %add3A_1071 = arith.constant 17 : i32
            %add3A_1072 = arith.addi %mul3A_330, %add3A_1071 : i32
            %get3A_1073 = arith.constant 0 : i32
            %get3A_1074 = arith.index_cast %get3A_1073 : i32 to index
            %get3A_1075 = arith.index_cast %add3A_1072 : i32 to index
            %get3A_1076 = arith.constant 48 : index
            %get3A_1077 = tpu.vector_load %arg9[%get3A_1074, %get3A_1075, %get3A_1076] {strides = array<i32>} : memref<2x512x64xf32, #tpu.memory_space<vmem>>, vector<1x1x16xf32>,
            %get3A_1078 = vector.shape_cast %get3A_1077 : vector<1x1x16xf32> to vector<16xf32>
            %add3A_1079 = arith.addf %add3A_1070, %get3A_1078 : vector<16xf32>
            %add3A_1080 = arith.constant 18 : i32
            %add3A_1081 = arith.addi %mul3A_330, %add3A_1080 : i32
            %get3A_1082 = arith.constant 0 : i32
            %get3A_1083 = arith.index_cast %get3A_1082 : i32 to index
            %get3A_1084 = arith.index_cast %add3A_1081 : i32 to index
            %get3A_1085 = arith.constant 48 : index
            %get3A_1086 = tpu.vector_load %arg9[%get3A_1083, %get3A_1084, %get3A_1085] {strides = array<i32>} : memref<2x512x64xf32, #tpu.memory_space<vmem>>, vector<1x1x16xf32>,
            %get3A_1087 = vector.shape_cast %get3A_1086 : vector<1x1x16xf32> to vector<16xf32>
            %add3A_1088 = arith.addf %add3A_1079, %get3A_1087 : vector<16xf32>
            %add3A_1089 = arith.constant 19 : i32
            %add3A_1090 = arith.addi %mul3A_330, %add3A_1089 : i32
            %get3A_1091 = arith.constant 0 : i32
            %get3A_1092 = arith.index_cast %get3A_1091 : i32 to index
            %get3A_1093 = arith.index_cast %add3A_1090 : i32 to index
            %get3A_1094 = arith.constant 48 : index
            %get3A_1095 = tpu.vector_load %arg9[%get3A_1092, %get3A_1093, %get3A_1094] {strides = array<i32>} : memref<2x512x64xf32, #tpu.memory_space<vmem>>, vector<1x1x16xf32>,
            %get3A_1096 = vector.shape_cast %get3A_1095 : vector<1x1x16xf32> to vector<16xf32>
            %add3A_1097 = arith.addf %add3A_1088, %get3A_1096 : vector<16xf32>
            %add3A_1098 = arith.constant 48 : i32
            %add3A_1099 = arith.addi %mul3A_361, %add3A_1098 : i32
            %swap3A_1100 = arith.constant 0 : i32
            %swap3A_1101 = arith.index_cast %rem3A_272 : i32 to index
            %swap3A_1102 = arith.index_cast %select_n3A_357 : i32 to index
            %swap3A_1103 = arith.index_cast %swap3A_1100 : i32 to index
            %swap3A_1104 = arith.index_cast %add3A_1099 : i32 to index
            %swap3A_1105 = tpu.vector_load %arg10[%swap3A_1101, %swap3A_1102, %swap3A_1103, %swap3A_1104] {strides = array<i32>} : memref<2x25x1x128xf32, #tpu.memory_space<vmem>>, vector<1x1x1x16xf32>,
            %swap3A_1106 = vector.shape_cast %swap3A_1105 : vector<1x1x1x16xf32> to vector<16xf32>
            %swap3A_1107 = vector.shape_cast %add3A_1097 : vector<16xf32> to vector<1x1x1x16xf32>
            tpu.vector_store %arg10[%swap3A_1101, %swap3A_1102, %swap3A_1103, %swap3A_1104], %swap3A_1107 {strides = array<i32>} : memref<2x25x1x128xf32, #tpu.memory_space<vmem>>, vector<1x1x1x16xf32>,
          }
          %scan3A_322 = arith.constant 25 : i32
          %eq3A_323 = arith.constant 1 : i32
          %eq3A_324 = arith.cmpi eq, %rem3A_196, %eq3A_323 : i32
          %convert_element_type3A_325 = arith.extui %eq3A_324 : i1 to i32
          %cond3A_326 = arith.constant 0 : i32
          %cond3A_327 = arith.cmpi ne, %convert_element_type3A_325, %cond3A_326 : i32
          scf.if %cond3A_327 {
            %add3A_328 = arith.addi %mul3A_2, %select_n3A_246 : i32
            %dma_start3A_329 = arith.constant 0 : i32
            %dma_start3A_330 = arith.constant 0 : i32
            %dma_start3A_331 = arith.constant 0 : i32
            %dma_start3A_332 = tpu.memref_slice %arg10[%rem3A_272, %dma_start3A_329, %dma_start3A_330, %dma_start3A_331] : memref<2x25x1x128xf32, #tpu.memory_space<vmem>> -> memref<1x25x1x128xf32, #tpu.memory_space<vmem>>
            %dma_start3A_333 = tpu.memref_squeeze %dma_start3A_332 : memref<1x25x1x128xf32, #tpu.memory_space<vmem>> -> memref<25x1x128xf32, #tpu.memory_space<vmem>>
            %dma_start3A_334 = arith.constant 0 : i32
            %dma_start3A_335 = arith.constant 0 : i32
            %dma_start3A_336 = tpu.memref_slice %arg5[%rem3A_222, %dma_start3A_334, %add3A_328, %dma_start3A_335] : memref<4x25x1024x128xf32, #tpu.memory_space<hbm>> -> memref<1x25x1x128xf32, #tpu.memory_space<hbm>>
            %dma_start3A_337 = tpu.memref_squeeze %dma_start3A_336 : memref<1x25x1x128xf32, #tpu.memory_space<hbm>> -> memref<25x1x128xf32, #tpu.memory_space<hbm>>
            %dma_start3A_338 = tpu.memref_slice %arg13[%rem3A_272] : memref<2x!tpu.dma_semaphore, #tpu.memory_space<semaphore_mem>> -> memref<1x!tpu.dma_semaphore, #tpu.memory_space<semaphore_mem>>
            %dma_start3A_339 = tpu.memref_squeeze %dma_start3A_338 : memref<1x!tpu.dma_semaphore, #tpu.memory_space<semaphore_mem>> -> memref<!tpu.dma_semaphore, #tpu.memory_space<semaphore_mem>>
            %dma_start3A_340 = arith.constant 0 : i32
            %dma_start3A_341 = arith.constant 0 : i32
            %dma_start3A_342 = tpu.memref_slice %arg5[%rem3A_222, %dma_start3A_340, %add3A_328, %dma_start3A_341] : memref<4x25x1024x128xf32, #tpu.memory_space<hbm>> -> memref<1x25x1x128xf32, #tpu.memory_space<hbm>>
            %dma_start3A_343 = tpu.memref_squeeze %dma_start3A_342 : memref<1x25x1x128xf32, #tpu.memory_space<hbm>> -> memref<25x1x128xf32, #tpu.memory_space<hbm>>
            %dma_start3A_344 = arith.constant 0 : i32
            %dma_start3A_345 = arith.constant 0 : i32
            %dma_start3A_346 = arith.constant 0 : i32
            %dma_start3A_347 = tpu.memref_slice %arg10[%rem3A_272, %dma_start3A_344, %dma_start3A_345, %dma_start3A_346] : memref<2x25x1x128xf32, #tpu.memory_space<vmem>> -> memref<1x25x1x128xf32, #tpu.memory_space<vmem>>
            %dma_start3A_348 = tpu.memref_squeeze %dma_start3A_347 : memref<1x25x1x128xf32, #tpu.memory_space<vmem>> -> memref<25x1x128xf32, #tpu.memory_space<vmem>>
            tpu.enqueue_dma source(%dma_start3A_348 : memref<25x1x128xf32, #tpu.memory_space<vmem>>) target(%dma_start3A_343 : memref<25x1x128xf32, #tpu.memory_space<hbm>>) target_semaphore(%dma_start3A_339 : memref<!tpu.dma_semaphore, #tpu.memory_space<semaphore_mem>>)
          } else {
          }
        } else {
        }
        %eq3A_277 = arith.constant 1 : i32
        %eq3A_278 = arith.cmpi eq, %rem3A_194, %eq3A_277 : i32
        %convert_element_type3A_279 = arith.extui %eq3A_278 : i1 to i32
        %cond3A_280 = arith.constant 0 : i32
        %cond3A_281 = arith.cmpi ne, %convert_element_type3A_279, %cond3A_280 : i32
        scf.if %cond3A_281 {
          %dma_wait3A_282 = arith.constant 1 : i32
          %dma_wait3A_283 = arith.constant 1 : i32
          %dma_wait3A_284 = arith.constant 1 : i32
          %dma_wait3A_285 = arith.constant 0 : i32
          %dma_wait3A_286 = arith.constant 0 : i32
          %dma_wait3A_287 = tpu.memref_slice %arg9[%dma_wait3A_283, %dma_wait3A_285, %dma_wait3A_286] : memref<2x512x64xf32, #tpu.memory_space<vmem>> -> memref<1x512x64xf32, #tpu.memory_space<vmem>>
          %dma_wait3A_288 = tpu.memref_squeeze %dma_wait3A_287 : memref<1x512x64xf32, #tpu.memory_space<vmem>> -> memref<512x64xf32, #tpu.memory_space<vmem>>
          %dma_wait3A_289 = arith.constant 0 : i32
          %dma_wait3A_290 = tpu.memref_slice %arg8[%dma_wait3A_282, %dma_wait3A_289] : memref<2x512xi32, #tpu.memory_space<vmem>> -> memref<1x512xi32, #tpu.memory_space<vmem>>
          %dma_wait3A_291 = tpu.memref_squeeze %dma_wait3A_290 : memref<1x512xi32, #tpu.memory_space<vmem>> -> memref<512xi32, #tpu.memory_space<vmem>>
          %dma_wait3A_292 = arith.constant 0 : i32
          %dma_wait3A_293 = arith.constant 0 : i32
          %dma_wait3A_294 = tpu.memref_slice %arg4[%dma_wait3A_292, %dma_wait3A_293] : memref<400000x64xf32, #tpu.memory_space<hbm>> -> memref<400000x64xf32, #tpu.memory_space<hbm>>
          %dma_wait3A_295 = tpu.memref_slice %arg12[%dma_wait3A_284] : memref<2x!tpu.dma_semaphore, #tpu.memory_space<semaphore_mem>> -> memref<1x!tpu.dma_semaphore, #tpu.memory_space<semaphore_mem>>
          %dma_wait3A_296 = tpu.memref_squeeze %dma_wait3A_295 : memref<1x!tpu.dma_semaphore, #tpu.memory_space<semaphore_mem>> -> memref<!tpu.dma_semaphore, #tpu.memory_space<semaphore_mem>>
          tpu.wait_indirect_dma semaphore(%dma_wait3A_296 : memref<!tpu.dma_semaphore, #tpu.memory_space<semaphore_mem>>) src(%dma_wait3A_294 : memref<400000x64xf32, #tpu.memory_space<hbm>>) dst(%dma_wait3A_288 : memref<512x64xf32, #tpu.memory_space<vmem>>)
          %eq3A_297 = arith.constant 0 : i32
          %eq3A_298 = arith.cmpi eq, %rem3A_272, %eq3A_297 : i32
          %eq3A_299 = arith.constant 0 : i32
          %eq3A_300 = arith.cmpi eq, %rem3A_196, %eq3A_299 : i32
          %and3A_301 = arith.andi %eq3A_298, %eq3A_300 : i1
          %ge3A = arith.constant 4 : i32
          %ge3A_302 = arith.cmpi sge, %sub3A_192, %ge3A : i32
          %and3A_303 = arith.andi %and3A_301, %ge3A_302 : i1
          %convert_element_type3A_304 = arith.extui %and3A_303 : i1 to i32
          %cond3A_305 = arith.constant 0 : i32
          %cond3A_306 = arith.cmpi ne, %convert_element_type3A_304, %cond3A_305 : i32
          scf.if %cond3A_306 {
            %dma_wait3A_328 = arith.constant 0 : i32
            %dma_wait3A_329 = arith.constant 0 : i32
            %dma_wait3A_330 = arith.constant 0 : i32
            %dma_wait3A_331 = arith.constant 0 : i32
            %dma_wait3A_332 = arith.constant 0 : i32
            %dma_wait3A_333 = arith.constant 0 : i32
            %dma_wait3A_334 = tpu.memref_slice %arg10[%dma_wait3A_328, %dma_wait3A_331, %dma_wait3A_332, %dma_wait3A_333] : memref<2x25x1x128xf32, #tpu.memory_space<vmem>> -> memref<1x25x1x128xf32, #tpu.memory_space<vmem>>
            %dma_wait3A_335 = tpu.memref_squeeze %dma_wait3A_334 : memref<1x25x1x128xf32, #tpu.memory_space<vmem>> -> memref<25x1x128xf32, #tpu.memory_space<vmem>>
            %dma_wait3A_336 = arith.constant 0 : i32
            %dma_wait3A_337 = arith.constant 0 : i32
            %dma_wait3A_338 = arith.constant 0 : i32
            %dma_wait3A_339 = tpu.memref_slice %arg5[%dma_wait3A_329, %dma_wait3A_336, %dma_wait3A_337, %dma_wait3A_338] : memref<4x25x1024x128xf32, #tpu.memory_space<hbm>> -> memref<1x25x1x128xf32, #tpu.memory_space<hbm>>
            %dma_wait3A_340 = tpu.memref_squeeze %dma_wait3A_339 : memref<1x25x1x128xf32, #tpu.memory_space<hbm>> -> memref<25x1x128xf32, #tpu.memory_space<hbm>>
            %dma_wait3A_341 = tpu.memref_slice %arg13[%dma_wait3A_330] : memref<2x!tpu.dma_semaphore, #tpu.memory_space<semaphore_mem>> -> memref<1x!tpu.dma_semaphore, #tpu.memory_space<semaphore_mem>>
            %dma_wait3A_342 = tpu.memref_squeeze %dma_wait3A_341 : memref<1x!tpu.dma_semaphore, #tpu.memory_space<semaphore_mem>> -> memref<!tpu.dma_semaphore, #tpu.memory_space<semaphore_mem>>
            %dma_wait3A_343 = arith.constant 0 : i32
            %dma_wait3A_344 = arith.constant 0 : i32
            %dma_wait3A_345 = arith.constant 0 : i32
            %dma_wait3A_346 = tpu.memref_slice %arg5[%dma_wait3A_329, %dma_wait3A_343, %dma_wait3A_344, %dma_wait3A_345] : memref<4x25x1024x128xf32, #tpu.memory_space<hbm>> -> memref<1x25x1x128xf32, #tpu.memory_space<hbm>>
            %dma_wait3A_347 = tpu.memref_squeeze %dma_wait3A_346 : memref<1x25x1x128xf32, #tpu.memory_space<hbm>> -> memref<25x1x128xf32, #tpu.memory_space<hbm>>
            %dma_wait3A_348 = arith.constant 0 : i32
            %dma_wait3A_349 = arith.constant 0 : i32
            %dma_wait3A_350 = arith.constant 0 : i32
            %dma_wait3A_351 = tpu.memref_slice %arg10[%dma_wait3A_328, %dma_wait3A_348, %dma_wait3A_349, %dma_wait3A_350] : memref<2x25x1x128xf32, #tpu.memory_space<vmem>> -> memref<1x25x1x128xf32, #tpu.memory_space<vmem>>
            %dma_wait3A_352 = tpu.memref_squeeze %dma_wait3A_351 : memref<1x25x1x128xf32, #tpu.memory_space<vmem>> -> memref<25x1x128xf32, #tpu.memory_space<vmem>>
            tpu.wait_dma2 semaphore(%dma_wait3A_342 : memref<!tpu.dma_semaphore, #tpu.memory_space<semaphore_mem>>) src(%dma_wait3A_352 : memref<25x1x128xf32, #tpu.memory_space<vmem>>) dst(%dma_wait3A_347 : memref<25x1x128xf32, #tpu.memory_space<hbm>>)
          } else {
          }
          %eq3A_307 = arith.constant 1 : i32
          %eq3A_308 = arith.cmpi eq, %rem3A_272, %eq3A_307 : i32
          %eq3A_309 = arith.constant 0 : i32
          %eq3A_310 = arith.cmpi eq, %rem3A_196, %eq3A_309 : i32
          %and3A_311 = arith.andi %eq3A_308, %eq3A_310 : i1
          %ge3A_312 = arith.constant 4 : i32
          %ge3A_313 = arith.cmpi sge, %sub3A_192, %ge3A_312 : i32
          %and3A_314 = arith.andi %and3A_311, %ge3A_313 : i1
          %convert_element_type3A_315 = arith.extui %and3A_314 : i1 to i32
          %cond3A_316 = arith.constant 0 : i32
          %cond3A_317 = arith.cmpi ne, %convert_element_type3A_315, %cond3A_316 : i32
          scf.if %cond3A_317 {
            %dma_wait3A_328 = arith.constant 1 : i32
            %dma_wait3A_329 = arith.constant 0 : i32
            %dma_wait3A_330 = arith.constant 1 : i32
            %dma_wait3A_331 = arith.constant 0 : i32
            %dma_wait3A_332 = arith.constant 0 : i32
            %dma_wait3A_333 = arith.constant 0 : i32
            %dma_wait3A_334 = tpu.memref_slice %arg10[%dma_wait3A_328, %dma_wait3A_331, %dma_wait3A_332, %dma_wait3A_333] : memref<2x25x1x128xf32, #tpu.memory_space<vmem>> -> memref<1x25x1x128xf32, #tpu.memory_space<vmem>>
            %dma_wait3A_335 = tpu.memref_squeeze %dma_wait3A_334 : memref<1x25x1x128xf32, #tpu.memory_space<vmem>> -> memref<25x1x128xf32, #tpu.memory_space<vmem>>
            %dma_wait3A_336 = arith.constant 0 : i32
            %dma_wait3A_337 = arith.constant 0 : i32
            %dma_wait3A_338 = arith.constant 0 : i32
            %dma_wait3A_339 = tpu.memref_slice %arg5[%dma_wait3A_329, %dma_wait3A_336, %dma_wait3A_337, %dma_wait3A_338] : memref<4x25x1024x128xf32, #tpu.memory_space<hbm>> -> memref<1x25x1x128xf32, #tpu.memory_space<hbm>>
            %dma_wait3A_340 = tpu.memref_squeeze %dma_wait3A_339 : memref<1x25x1x128xf32, #tpu.memory_space<hbm>> -> memref<25x1x128xf32, #tpu.memory_space<hbm>>
            %dma_wait3A_341 = tpu.memref_slice %arg13[%dma_wait3A_330] : memref<2x!tpu.dma_semaphore, #tpu.memory_space<semaphore_mem>> -> memref<1x!tpu.dma_semaphore, #tpu.memory_space<semaphore_mem>>
            %dma_wait3A_342 = tpu.memref_squeeze %dma_wait3A_341 : memref<1x!tpu.dma_semaphore, #tpu.memory_space<semaphore_mem>> -> memref<!tpu.dma_semaphore, #tpu.memory_space<semaphore_mem>>
            %dma_wait3A_343 = arith.constant 0 : i32
            %dma_wait3A_344 = arith.constant 0 : i32
            %dma_wait3A_345 = arith.constant 0 : i32
            %dma_wait3A_346 = tpu.memref_slice %arg5[%dma_wait3A_329, %dma_wait3A_343, %dma_wait3A_344, %dma_wait3A_345] : memref<4x25x1024x128xf32, #tpu.memory_space<hbm>> -> memref<1x25x1x128xf32, #tpu.memory_space<hbm>>
            %dma_wait3A_347 = tpu.memref_squeeze %dma_wait3A_346 : memref<1x25x1x128xf32, #tpu.memory_space<hbm>> -> memref<25x1x128xf32, #tpu.memory_space<hbm>>
            %dma_wait3A_348 = arith.constant 0 : i32
            %dma_wait3A_349 = arith.constant 0 : i32
            %dma_wait3A_350 = arith.constant 0 : i32
            %dma_wait3A_351 = tpu.memref_slice %arg10[%dma_wait3A_328, %dma_wait3A_348, %dma_wait3A_349, %dma_wait3A_350] : memref<2x25x1x128xf32, #tpu.memory_space<vmem>> -> memref<1x25x1x128xf32, #tpu.memory_space<vmem>>
            %dma_wait3A_352 = tpu.memref_squeeze %dma_wait3A_351 : memref<1x25x1x128xf32, #tpu.memory_space<vmem>> -> memref<25x1x128xf32, #tpu.memory_space<vmem>>
            tpu.wait_dma2 semaphore(%dma_wait3A_342 : memref<!tpu.dma_semaphore, #tpu.memory_space<semaphore_mem>>) src(%dma_wait3A_352 : memref<25x1x128xf32, #tpu.memory_space<vmem>>) dst(%dma_wait3A_347 : memref<25x1x128xf32, #tpu.memory_space<hbm>>)
          } else {
          }
          %scan3A_318 = arith.constant 0 : i32
          %scan3A_319 = arith.constant 25 : i32
          %scan3A_320 = arith.addi %scan3A_318, %scan3A_319 : i32
          %scan3A_321 = arith.constant 1 : i32
          scf.for %scan3A_328 = %scan3A_318 to %scan3A_320 step %scan3A_321  : i32 {
            %mul3A_329 = arith.constant 20 : i32
            %mul3A_330 = arith.muli %scan3A_328, %mul3A_329 : i32
            %mul3A_331 = arith.constant 25 : i32
            %mul3A_332 = arith.muli %rem3A_196, %mul3A_331 : i32
            %add3A_333 = arith.addi %mul3A_332, %scan3A_328 : i32
            %jit3A_334 = arith.constant 2 : i32
            %div3A_335 = arith.divsi %add3A_333, %jit3A_334 : i32
            %sign3A_336 = arith.constant 0 : i32
            %sign3A_337 = arith.cmpi sgt, %add3A_333, %sign3A_336 : i32
            %sign3A_338 = arith.extui %sign3A_337 : i1 to i32
            %sign3A_339 = arith.constant 0 : i32
            %sign3A_340 = arith.cmpi slt, %add3A_333, %sign3A_339 : i32
            %sign3A_341 = arith.extui %sign3A_340 : i1 to i32
            %sign3A_342 = arith.subi %sign3A_338, %sign3A_341 : i32
            %sign3A_343 = arith.constant 0 : i32
            %sign3A_344 = arith.cmpi sgt, %jit3A_334, %sign3A_343 : i32
            %sign3A_345 = arith.extui %sign3A_344 : i1 to i32
            %sign3A_346 = arith.constant 0 : i32
            %sign3A_347 = arith.cmpi slt, %jit3A_334, %sign3A_346 : i32
            %sign3A_348 = arith.extui %sign3A_347 : i1 to i32
            %sign3A_349 = arith.subi %sign3A_345, %sign3A_348 : i32
            %ne3A_350 = arith.cmpi ne, %sign3A_342, %sign3A_349 : i32
            %rem3A_351 = arith.remsi %add3A_333, %jit3A_334 : i32
            %ne3A_352 = arith.constant 0 : i32
            %ne3A_353 = arith.cmpi ne, %rem3A_351, %ne3A_352 : i32
            %and3A_354 = arith.andi %ne3A_350, %ne3A_353 : i1
            %sub3A_355 = arith.constant 1 : i32
            %sub3A_356 = arith.subi %div3A_335, %sub3A_355 : i32
            %select_n3A_357 = arith.select %and3A_354, %sub3A_356, %div3A_335 : i32
            %rem3A_358 = arith.constant 2 : i32
            %rem3A_359 = arith.remsi %add3A_333, %rem3A_358 : i32
            %mul3A_360 = arith.constant 64 : i32
            %mul3A_361 = arith.muli %rem3A_359, %mul3A_360 : i32
            %get3A = arith.constant 1 : i32
            %get3A_362 = arith.index_cast %get3A : i32 to index
            %get3A_363 = arith.index_cast %mul3A_330 : i32 to index
            %get3A_364 = arith.constant 0 : index
            %get3A_365 = tpu.vector_load %arg9[%get3A_362, %get3A_363, %get3A_364] {strides = array<i32>} : memref<2x512x64xf32, #tpu.memory_space<vmem>>, vector<1x1x16xf32>,
            %get3A_366 = vector.shape_cast %get3A_365 : vector<1x1x16xf32> to vector<16xf32>
            %add3A_367 = arith.constant 1 : i32
            %add3A_368 = arith.addi %mul3A_330, %add3A_367 : i32
            %get3A_369 = arith.constant 1 : i32
            %get3A_370 = arith.index_cast %get3A_369 : i32 to index
            %get3A_371 = arith.index_cast %add3A_368 : i32 to index
            %get3A_372 = arith.constant 0 : index
            %get3A_373 = tpu.vector_load %arg9[%get3A_370, %get3A_371, %get3A_372] {strides = array<i32>} : memref<2x512x64xf32, #tpu.memory_space<vmem>>, vector<1x1x16xf32>,
            %get3A_374 = vector.shape_cast %get3A_373 : vector<1x1x16xf32> to vector<16xf32>
            %add3A_375 = arith.addf %get3A_366, %get3A_374 : vector<16xf32>
            %add3A_376 = arith.constant 2 : i32
            %add3A_377 = arith.addi %mul3A_330, %add3A_376 : i32
            %get3A_378 = arith.constant 1 : i32
            %get3A_379 = arith.index_cast %get3A_378 : i32 to index
            %get3A_380 = arith.index_cast %add3A_377 : i32 to index
            %get3A_381 = arith.constant 0 : index
            %get3A_382 = tpu.vector_load %arg9[%get3A_379, %get3A_380, %get3A_381] {strides = array<i32>} : memref<2x512x64xf32, #tpu.memory_space<vmem>>, vector<1x1x16xf32>,
            %get3A_383 = vector.shape_cast %get3A_382 : vector<1x1x16xf32> to vector<16xf32>
            %add3A_384 = arith.addf %add3A_375, %get3A_383 : vector<16xf32>
            %add3A_385 = arith.constant 3 : i32
            %add3A_386 = arith.addi %mul3A_330, %add3A_385 : i32
            %get3A_387 = arith.constant 1 : i32
            %get3A_388 = arith.index_cast %get3A_387 : i32 to index
            %get3A_389 = arith.index_cast %add3A_386 : i32 to index
            %get3A_390 = arith.constant 0 : index
            %get3A_391 = tpu.vector_load %arg9[%get3A_388, %get3A_389, %get3A_390] {strides = array<i32>} : memref<2x512x64xf32, #tpu.memory_space<vmem>>, vector<1x1x16xf32>,
            %get3A_392 = vector.shape_cast %get3A_391 : vector<1x1x16xf32> to vector<16xf32>
            %add3A_393 = arith.addf %add3A_384, %get3A_392 : vector<16xf32>
            %add3A_394 = arith.constant 4 : i32
            %add3A_395 = arith.addi %mul3A_330, %add3A_394 : i32
            %get3A_396 = arith.constant 1 : i32
            %get3A_397 = arith.index_cast %get3A_396 : i32 to index
            %get3A_398 = arith.index_cast %add3A_395 : i32 to index
            %get3A_399 = arith.constant 0 : index
            %get3A_400 = tpu.vector_load %arg9[%get3A_397, %get3A_398, %get3A_399] {strides = array<i32>} : memref<2x512x64xf32, #tpu.memory_space<vmem>>, vector<1x1x16xf32>,
            %get3A_401 = vector.shape_cast %get3A_400 : vector<1x1x16xf32> to vector<16xf32>
            %add3A_402 = arith.addf %add3A_393, %get3A_401 : vector<16xf32>
            %add3A_403 = arith.constant 5 : i32
            %add3A_404 = arith.addi %mul3A_330, %add3A_403 : i32
            %get3A_405 = arith.constant 1 : i32
            %get3A_406 = arith.index_cast %get3A_405 : i32 to index
            %get3A_407 = arith.index_cast %add3A_404 : i32 to index
            %get3A_408 = arith.constant 0 : index
            %get3A_409 = tpu.vector_load %arg9[%get3A_406, %get3A_407, %get3A_408] {strides = array<i32>} : memref<2x512x64xf32, #tpu.memory_space<vmem>>, vector<1x1x16xf32>,
            %get3A_410 = vector.shape_cast %get3A_409 : vector<1x1x16xf32> to vector<16xf32>
            %add3A_411 = arith.addf %add3A_402, %get3A_410 : vector<16xf32>
            %add3A_412 = arith.constant 6 : i32
            %add3A_413 = arith.addi %mul3A_330, %add3A_412 : i32
            %get3A_414 = arith.constant 1 : i32
            %get3A_415 = arith.index_cast %get3A_414 : i32 to index
            %get3A_416 = arith.index_cast %add3A_413 : i32 to index
            %get3A_417 = arith.constant 0 : index
            %get3A_418 = tpu.vector_load %arg9[%get3A_415, %get3A_416, %get3A_417] {strides = array<i32>} : memref<2x512x64xf32, #tpu.memory_space<vmem>>, vector<1x1x16xf32>,
            %get3A_419 = vector.shape_cast %get3A_418 : vector<1x1x16xf32> to vector<16xf32>
            %add3A_420 = arith.addf %add3A_411, %get3A_419 : vector<16xf32>
            %add3A_421 = arith.constant 7 : i32
            %add3A_422 = arith.addi %mul3A_330, %add3A_421 : i32
            %get3A_423 = arith.constant 1 : i32
            %get3A_424 = arith.index_cast %get3A_423 : i32 to index
            %get3A_425 = arith.index_cast %add3A_422 : i32 to index
            %get3A_426 = arith.constant 0 : index
            %get3A_427 = tpu.vector_load %arg9[%get3A_424, %get3A_425, %get3A_426] {strides = array<i32>} : memref<2x512x64xf32, #tpu.memory_space<vmem>>, vector<1x1x16xf32>,
            %get3A_428 = vector.shape_cast %get3A_427 : vector<1x1x16xf32> to vector<16xf32>
            %add3A_429 = arith.addf %add3A_420, %get3A_428 : vector<16xf32>
            %add3A_430 = arith.constant 8 : i32
            %add3A_431 = arith.addi %mul3A_330, %add3A_430 : i32
            %get3A_432 = arith.constant 1 : i32
            %get3A_433 = arith.index_cast %get3A_432 : i32 to index
            %get3A_434 = arith.index_cast %add3A_431 : i32 to index
            %get3A_435 = arith.constant 0 : index
            %get3A_436 = tpu.vector_load %arg9[%get3A_433, %get3A_434, %get3A_435] {strides = array<i32>} : memref<2x512x64xf32, #tpu.memory_space<vmem>>, vector<1x1x16xf32>,
            %get3A_437 = vector.shape_cast %get3A_436 : vector<1x1x16xf32> to vector<16xf32>
            %add3A_438 = arith.addf %add3A_429, %get3A_437 : vector<16xf32>
            %add3A_439 = arith.constant 9 : i32
            %add3A_440 = arith.addi %mul3A_330, %add3A_439 : i32
            %get3A_441 = arith.constant 1 : i32
            %get3A_442 = arith.index_cast %get3A_441 : i32 to index
            %get3A_443 = arith.index_cast %add3A_440 : i32 to index
            %get3A_444 = arith.constant 0 : index
            %get3A_445 = tpu.vector_load %arg9[%get3A_442, %get3A_443, %get3A_444] {strides = array<i32>} : memref<2x512x64xf32, #tpu.memory_space<vmem>>, vector<1x1x16xf32>,
            %get3A_446 = vector.shape_cast %get3A_445 : vector<1x1x16xf32> to vector<16xf32>
            %add3A_447 = arith.addf %add3A_438, %get3A_446 : vector<16xf32>
            %add3A_448 = arith.constant 10 : i32
            %add3A_449 = arith.addi %mul3A_330, %add3A_448 : i32
            %get3A_450 = arith.constant 1 : i32
            %get3A_451 = arith.index_cast %get3A_450 : i32 to index
            %get3A_452 = arith.index_cast %add3A_449 : i32 to index
            %get3A_453 = arith.constant 0 : index
            %get3A_454 = tpu.vector_load %arg9[%get3A_451, %get3A_452, %get3A_453] {strides = array<i32>} : memref<2x512x64xf32, #tpu.memory_space<vmem>>, vector<1x1x16xf32>,
            %get3A_455 = vector.shape_cast %get3A_454 : vector<1x1x16xf32> to vector<16xf32>
            %add3A_456 = arith.addf %add3A_447, %get3A_455 : vector<16xf32>
            %add3A_457 = arith.constant 11 : i32
            %add3A_458 = arith.addi %mul3A_330, %add3A_457 : i32
            %get3A_459 = arith.constant 1 : i32
            %get3A_460 = arith.index_cast %get3A_459 : i32 to index
            %get3A_461 = arith.index_cast %add3A_458 : i32 to index
            %get3A_462 = arith.constant 0 : index
            %get3A_463 = tpu.vector_load %arg9[%get3A_460, %get3A_461, %get3A_462] {strides = array<i32>} : memref<2x512x64xf32, #tpu.memory_space<vmem>>, vector<1x1x16xf32>,
            %get3A_464 = vector.shape_cast %get3A_463 : vector<1x1x16xf32> to vector<16xf32>
            %add3A_465 = arith.addf %add3A_456, %get3A_464 : vector<16xf32>
            %add3A_466 = arith.constant 12 : i32
            %add3A_467 = arith.addi %mul3A_330, %add3A_466 : i32
            %get3A_468 = arith.constant 1 : i32
            %get3A_469 = arith.index_cast %get3A_468 : i32 to index
            %get3A_470 = arith.index_cast %add3A_467 : i32 to index
            %get3A_471 = arith.constant 0 : index
            %get3A_472 = tpu.vector_load %arg9[%get3A_469, %get3A_470, %get3A_471] {strides = array<i32>} : memref<2x512x64xf32, #tpu.memory_space<vmem>>, vector<1x1x16xf32>,
            %get3A_473 = vector.shape_cast %get3A_472 : vector<1x1x16xf32> to vector<16xf32>
            %add3A_474 = arith.addf %add3A_465, %get3A_473 : vector<16xf32>
            %add3A_475 = arith.constant 13 : i32
            %add3A_476 = arith.addi %mul3A_330, %add3A_475 : i32
            %get3A_477 = arith.constant 1 : i32
            %get3A_478 = arith.index_cast %get3A_477 : i32 to index
            %get3A_479 = arith.index_cast %add3A_476 : i32 to index
            %get3A_480 = arith.constant 0 : index
            %get3A_481 = tpu.vector_load %arg9[%get3A_478, %get3A_479, %get3A_480] {strides = array<i32>} : memref<2x512x64xf32, #tpu.memory_space<vmem>>, vector<1x1x16xf32>,
            %get3A_482 = vector.shape_cast %get3A_481 : vector<1x1x16xf32> to vector<16xf32>
            %add3A_483 = arith.addf %add3A_474, %get3A_482 : vector<16xf32>
            %add3A_484 = arith.constant 14 : i32
            %add3A_485 = arith.addi %mul3A_330, %add3A_484 : i32
            %get3A_486 = arith.constant 1 : i32
            %get3A_487 = arith.index_cast %get3A_486 : i32 to index
            %get3A_488 = arith.index_cast %add3A_485 : i32 to index
            %get3A_489 = arith.constant 0 : index
            %get3A_490 = tpu.vector_load %arg9[%get3A_487, %get3A_488, %get3A_489] {strides = array<i32>} : memref<2x512x64xf32, #tpu.memory_space<vmem>>, vector<1x1x16xf32>,
            %get3A_491 = vector.shape_cast %get3A_490 : vector<1x1x16xf32> to vector<16xf32>
            %add3A_492 = arith.addf %add3A_483, %get3A_491 : vector<16xf32>
            %add3A_493 = arith.constant 15 : i32
            %add3A_494 = arith.addi %mul3A_330, %add3A_493 : i32
            %get3A_495 = arith.constant 1 : i32
            %get3A_496 = arith.index_cast %get3A_495 : i32 to index
            %get3A_497 = arith.index_cast %add3A_494 : i32 to index
            %get3A_498 = arith.constant 0 : index
            %get3A_499 = tpu.vector_load %arg9[%get3A_496, %get3A_497, %get3A_498] {strides = array<i32>} : memref<2x512x64xf32, #tpu.memory_space<vmem>>, vector<1x1x16xf32>,
            %get3A_500 = vector.shape_cast %get3A_499 : vector<1x1x16xf32> to vector<16xf32>
            %add3A_501 = arith.addf %add3A_492, %get3A_500 : vector<16xf32>
            %add3A_502 = arith.constant 16 : i32
            %add3A_503 = arith.addi %mul3A_330, %add3A_502 : i32
            %get3A_504 = arith.constant 1 : i32
            %get3A_505 = arith.index_cast %get3A_504 : i32 to index
            %get3A_506 = arith.index_cast %add3A_503 : i32 to index
            %get3A_507 = arith.constant 0 : index
            %get3A_508 = tpu.vector_load %arg9[%get3A_505, %get3A_506, %get3A_507] {strides = array<i32>} : memref<2x512x64xf32, #tpu.memory_space<vmem>>, vector<1x1x16xf32>,
            %get3A_509 = vector.shape_cast %get3A_508 : vector<1x1x16xf32> to vector<16xf32>
            %add3A_510 = arith.addf %add3A_501, %get3A_509 : vector<16xf32>
            %add3A_511 = arith.constant 17 : i32
            %add3A_512 = arith.addi %mul3A_330, %add3A_511 : i32
            %get3A_513 = arith.constant 1 : i32
            %get3A_514 = arith.index_cast %get3A_513 : i32 to index
            %get3A_515 = arith.index_cast %add3A_512 : i32 to index
            %get3A_516 = arith.constant 0 : index
            %get3A_517 = tpu.vector_load %arg9[%get3A_514, %get3A_515, %get3A_516] {strides = array<i32>} : memref<2x512x64xf32, #tpu.memory_space<vmem>>, vector<1x1x16xf32>,
            %get3A_518 = vector.shape_cast %get3A_517 : vector<1x1x16xf32> to vector<16xf32>
            %add3A_519 = arith.addf %add3A_510, %get3A_518 : vector<16xf32>
            %add3A_520 = arith.constant 18 : i32
            %add3A_521 = arith.addi %mul3A_330, %add3A_520 : i32
            %get3A_522 = arith.constant 1 : i32
            %get3A_523 = arith.index_cast %get3A_522 : i32 to index
            %get3A_524 = arith.index_cast %add3A_521 : i32 to index
            %get3A_525 = arith.constant 0 : index
            %get3A_526 = tpu.vector_load %arg9[%get3A_523, %get3A_524, %get3A_525] {strides = array<i32>} : memref<2x512x64xf32, #tpu.memory_space<vmem>>, vector<1x1x16xf32>,
            %get3A_527 = vector.shape_cast %get3A_526 : vector<1x1x16xf32> to vector<16xf32>
            %add3A_528 = arith.addf %add3A_519, %get3A_527 : vector<16xf32>
            %add3A_529 = arith.constant 19 : i32
            %add3A_530 = arith.addi %mul3A_330, %add3A_529 : i32
            %get3A_531 = arith.constant 1 : i32
            %get3A_532 = arith.index_cast %get3A_531 : i32 to index
            %get3A_533 = arith.index_cast %add3A_530 : i32 to index
            %get3A_534 = arith.constant 0 : index
            %get3A_535 = tpu.vector_load %arg9[%get3A_532, %get3A_533, %get3A_534] {strides = array<i32>} : memref<2x512x64xf32, #tpu.memory_space<vmem>>, vector<1x1x16xf32>,
            %get3A_536 = vector.shape_cast %get3A_535 : vector<1x1x16xf32> to vector<16xf32>
            %add3A_537 = arith.addf %add3A_528, %get3A_536 : vector<16xf32>
            %add3A_538 = arith.constant 0 : i32
            %add3A_539 = arith.addi %mul3A_361, %add3A_538 : i32
            %swap3A = arith.constant 0 : i32
            %swap3A_540 = arith.index_cast %rem3A_272 : i32 to index
            %swap3A_541 = arith.index_cast %select_n3A_357 : i32 to index
            %swap3A_542 = arith.index_cast %swap3A : i32 to index
            %swap3A_543 = arith.index_cast %add3A_539 : i32 to index
            %swap3A_544 = tpu.vector_load %arg10[%swap3A_540, %swap3A_541, %swap3A_542, %swap3A_543] {strides = array<i32>} : memref<2x25x1x128xf32, #tpu.memory_space<vmem>>, vector<1x1x1x16xf32>,
            %swap3A_545 = vector.shape_cast %swap3A_544 : vector<1x1x1x16xf32> to vector<16xf32>
            %swap3A_546 = vector.shape_cast %add3A_537 : vector<16xf32> to vector<1x1x1x16xf32>
            tpu.vector_store %arg10[%swap3A_540, %swap3A_541, %swap3A_542, %swap3A_543], %swap3A_546 {strides = array<i32>} : memref<2x25x1x128xf32, #tpu.memory_space<vmem>>, vector<1x1x1x16xf32>,
            %get3A_547 = arith.constant 1 : i32
            %get3A_548 = arith.index_cast %get3A_547 : i32 to index
            %get3A_549 = arith.index_cast %mul3A_330 : i32 to index
            %get3A_550 = arith.constant 16 : index
            %get3A_551 = tpu.vector_load %arg9[%get3A_548, %get3A_549, %get3A_550] {strides = array<i32>} : memref<2x512x64xf32, #tpu.memory_space<vmem>>, vector<1x1x16xf32>,
            %get3A_552 = vector.shape_cast %get3A_551 : vector<1x1x16xf32> to vector<16xf32>
            %add3A_553 = arith.constant 1 : i32
            %add3A_554 = arith.addi %mul3A_330, %add3A_553 : i32
            %get3A_555 = arith.constant 1 : i32
            %get3A_556 = arith.index_cast %get3A_555 : i32 to index
            %get3A_557 = arith.index_cast %add3A_554 : i32 to index
            %get3A_558 = arith.constant 16 : index
            %get3A_559 = tpu.vector_load %arg9[%get3A_556, %get3A_557, %get3A_558] {strides = array<i32>} : memref<2x512x64xf32, #tpu.memory_space<vmem>>, vector<1x1x16xf32>,
            %get3A_560 = vector.shape_cast %get3A_559 : vector<1x1x16xf32> to vector<16xf32>
            %add3A_561 = arith.addf %get3A_552, %get3A_560 : vector<16xf32>
            %add3A_562 = arith.constant 2 : i32
            %add3A_563 = arith.addi %mul3A_330, %add3A_562 : i32
            %get3A_564 = arith.constant 1 : i32
            %get3A_565 = arith.index_cast %get3A_564 : i32 to index
            %get3A_566 = arith.index_cast %add3A_563 : i32 to index
            %get3A_567 = arith.constant 16 : index
            %get3A_568 = tpu.vector_load %arg9[%get3A_565, %get3A_566, %get3A_567] {strides = array<i32>} : memref<2x512x64xf32, #tpu.memory_space<vmem>>, vector<1x1x16xf32>,
            %get3A_569 = vector.shape_cast %get3A_568 : vector<1x1x16xf32> to vector<16xf32>
            %add3A_570 = arith.addf %add3A_561, %get3A_569 : vector<16xf32>
            %add3A_571 = arith.constant 3 : i32
            %add3A_572 = arith.addi %mul3A_330, %add3A_571 : i32
            %get3A_573 = arith.constant 1 : i32
            %get3A_574 = arith.index_cast %get3A_573 : i32 to index
            %get3A_575 = arith.index_cast %add3A_572 : i32 to index
            %get3A_576 = arith.constant 16 : index
            %get3A_577 = tpu.vector_load %arg9[%get3A_574, %get3A_575, %get3A_576] {strides = array<i32>} : memref<2x512x64xf32, #tpu.memory_space<vmem>>, vector<1x1x16xf32>,
            %get3A_578 = vector.shape_cast %get3A_577 : vector<1x1x16xf32> to vector<16xf32>
            %add3A_579 = arith.addf %add3A_570, %get3A_578 : vector<16xf32>
            %add3A_580 = arith.constant 4 : i32
            %add3A_581 = arith.addi %mul3A_330, %add3A_580 : i32
            %get3A_582 = arith.constant 1 : i32
            %get3A_583 = arith.index_cast %get3A_582 : i32 to index
            %get3A_584 = arith.index_cast %add3A_581 : i32 to index
            %get3A_585 = arith.constant 16 : index
            %get3A_586 = tpu.vector_load %arg9[%get3A_583, %get3A_584, %get3A_585] {strides = array<i32>} : memref<2x512x64xf32, #tpu.memory_space<vmem>>, vector<1x1x16xf32>,
            %get3A_587 = vector.shape_cast %get3A_586 : vector<1x1x16xf32> to vector<16xf32>
            %add3A_588 = arith.addf %add3A_579, %get3A_587 : vector<16xf32>
            %add3A_589 = arith.constant 5 : i32
            %add3A_590 = arith.addi %mul3A_330, %add3A_589 : i32
            %get3A_591 = arith.constant 1 : i32
            %get3A_592 = arith.index_cast %get3A_591 : i32 to index
            %get3A_593 = arith.index_cast %add3A_590 : i32 to index
            %get3A_594 = arith.constant 16 : index
            %get3A_595 = tpu.vector_load %arg9[%get3A_592, %get3A_593, %get3A_594] {strides = array<i32>} : memref<2x512x64xf32, #tpu.memory_space<vmem>>, vector<1x1x16xf32>,
            %get3A_596 = vector.shape_cast %get3A_595 : vector<1x1x16xf32> to vector<16xf32>
            %add3A_597 = arith.addf %add3A_588, %get3A_596 : vector<16xf32>
            %add3A_598 = arith.constant 6 : i32
            %add3A_599 = arith.addi %mul3A_330, %add3A_598 : i32
            %get3A_600 = arith.constant 1 : i32
            %get3A_601 = arith.index_cast %get3A_600 : i32 to index
            %get3A_602 = arith.index_cast %add3A_599 : i32 to index
            %get3A_603 = arith.constant 16 : index
            %get3A_604 = tpu.vector_load %arg9[%get3A_601, %get3A_602, %get3A_603] {strides = array<i32>} : memref<2x512x64xf32, #tpu.memory_space<vmem>>, vector<1x1x16xf32>,
            %get3A_605 = vector.shape_cast %get3A_604 : vector<1x1x16xf32> to vector<16xf32>
            %add3A_606 = arith.addf %add3A_597, %get3A_605 : vector<16xf32>
            %add3A_607 = arith.constant 7 : i32
            %add3A_608 = arith.addi %mul3A_330, %add3A_607 : i32
            %get3A_609 = arith.constant 1 : i32
            %get3A_610 = arith.index_cast %get3A_609 : i32 to index
            %get3A_611 = arith.index_cast %add3A_608 : i32 to index
            %get3A_612 = arith.constant 16 : index
            %get3A_613 = tpu.vector_load %arg9[%get3A_610, %get3A_611, %get3A_612] {strides = array<i32>} : memref<2x512x64xf32, #tpu.memory_space<vmem>>, vector<1x1x16xf32>,
            %get3A_614 = vector.shape_cast %get3A_613 : vector<1x1x16xf32> to vector<16xf32>
            %add3A_615 = arith.addf %add3A_606, %get3A_614 : vector<16xf32>
            %add3A_616 = arith.constant 8 : i32
            %add3A_617 = arith.addi %mul3A_330, %add3A_616 : i32
            %get3A_618 = arith.constant 1 : i32
            %get3A_619 = arith.index_cast %get3A_618 : i32 to index
            %get3A_620 = arith.index_cast %add3A_617 : i32 to index
            %get3A_621 = arith.constant 16 : index
            %get3A_622 = tpu.vector_load %arg9[%get3A_619, %get3A_620, %get3A_621] {strides = array<i32>} : memref<2x512x64xf32, #tpu.memory_space<vmem>>, vector<1x1x16xf32>,
            %get3A_623 = vector.shape_cast %get3A_622 : vector<1x1x16xf32> to vector<16xf32>
            %add3A_624 = arith.addf %add3A_615, %get3A_623 : vector<16xf32>
            %add3A_625 = arith.constant 9 : i32
            %add3A_626 = arith.addi %mul3A_330, %add3A_625 : i32
            %get3A_627 = arith.constant 1 : i32
            %get3A_628 = arith.index_cast %get3A_627 : i32 to index
            %get3A_629 = arith.index_cast %add3A_626 : i32 to index
            %get3A_630 = arith.constant 16 : index
            %get3A_631 = tpu.vector_load %arg9[%get3A_628, %get3A_629, %get3A_630] {strides = array<i32>} : memref<2x512x64xf32, #tpu.memory_space<vmem>>, vector<1x1x16xf32>,
            %get3A_632 = vector.shape_cast %get3A_631 : vector<1x1x16xf32> to vector<16xf32>
            %add3A_633 = arith.addf %add3A_624, %get3A_632 : vector<16xf32>
            %add3A_634 = arith.constant 10 : i32
            %add3A_635 = arith.addi %mul3A_330, %add3A_634 : i32
            %get3A_636 = arith.constant 1 : i32
            %get3A_637 = arith.index_cast %get3A_636 : i32 to index
            %get3A_638 = arith.index_cast %add3A_635 : i32 to index
            %get3A_639 = arith.constant 16 : index
            %get3A_640 = tpu.vector_load %arg9[%get3A_637, %get3A_638, %get3A_639] {strides = array<i32>} : memref<2x512x64xf32, #tpu.memory_space<vmem>>, vector<1x1x16xf32>,
            %get3A_641 = vector.shape_cast %get3A_640 : vector<1x1x16xf32> to vector<16xf32>
            %add3A_642 = arith.addf %add3A_633, %get3A_641 : vector<16xf32>
            %add3A_643 = arith.constant 11 : i32
            %add3A_644 = arith.addi %mul3A_330, %add3A_643 : i32
            %get3A_645 = arith.constant 1 : i32
            %get3A_646 = arith.index_cast %get3A_645 : i32 to index
            %get3A_647 = arith.index_cast %add3A_644 : i32 to index
            %get3A_648 = arith.constant 16 : index
            %get3A_649 = tpu.vector_load %arg9[%get3A_646, %get3A_647, %get3A_648] {strides = array<i32>} : memref<2x512x64xf32, #tpu.memory_space<vmem>>, vector<1x1x16xf32>,
            %get3A_650 = vector.shape_cast %get3A_649 : vector<1x1x16xf32> to vector<16xf32>
            %add3A_651 = arith.addf %add3A_642, %get3A_650 : vector<16xf32>
            %add3A_652 = arith.constant 12 : i32
            %add3A_653 = arith.addi %mul3A_330, %add3A_652 : i32
            %get3A_654 = arith.constant 1 : i32
            %get3A_655 = arith.index_cast %get3A_654 : i32 to index
            %get3A_656 = arith.index_cast %add3A_653 : i32 to index
            %get3A_657 = arith.constant 16 : index
            %get3A_658 = tpu.vector_load %arg9[%get3A_655, %get3A_656, %get3A_657] {strides = array<i32>} : memref<2x512x64xf32, #tpu.memory_space<vmem>>, vector<1x1x16xf32>,
            %get3A_659 = vector.shape_cast %get3A_658 : vector<1x1x16xf32> to vector<16xf32>
            %add3A_660 = arith.addf %add3A_651, %get3A_659 : vector<16xf32>
            %add3A_661 = arith.constant 13 : i32
            %add3A_662 = arith.addi %mul3A_330, %add3A_661 : i32
            %get3A_663 = arith.constant 1 : i32
            %get3A_664 = arith.index_cast %get3A_663 : i32 to index
            %get3A_665 = arith.index_cast %add3A_662 : i32 to index
            %get3A_666 = arith.constant 16 : index
            %get3A_667 = tpu.vector_load %arg9[%get3A_664, %get3A_665, %get3A_666] {strides = array<i32>} : memref<2x512x64xf32, #tpu.memory_space<vmem>>, vector<1x1x16xf32>,
            %get3A_668 = vector.shape_cast %get3A_667 : vector<1x1x16xf32> to vector<16xf32>
            %add3A_669 = arith.addf %add3A_660, %get3A_668 : vector<16xf32>
            %add3A_670 = arith.constant 14 : i32
            %add3A_671 = arith.addi %mul3A_330, %add3A_670 : i32
            %get3A_672 = arith.constant 1 : i32
            %get3A_673 = arith.index_cast %get3A_672 : i32 to index
            %get3A_674 = arith.index_cast %add3A_671 : i32 to index
            %get3A_675 = arith.constant 16 : index
            %get3A_676 = tpu.vector_load %arg9[%get3A_673, %get3A_674, %get3A_675] {strides = array<i32>} : memref<2x512x64xf32, #tpu.memory_space<vmem>>, vector<1x1x16xf32>,
            %get3A_677 = vector.shape_cast %get3A_676 : vector<1x1x16xf32> to vector<16xf32>
            %add3A_678 = arith.addf %add3A_669, %get3A_677 : vector<16xf32>
            %add3A_679 = arith.constant 15 : i32
            %add3A_680 = arith.addi %mul3A_330, %add3A_679 : i32
            %get3A_681 = arith.constant 1 : i32
            %get3A_682 = arith.index_cast %get3A_681 : i32 to index
            %get3A_683 = arith.index_cast %add3A_680 : i32 to index
            %get3A_684 = arith.constant 16 : index
            %get3A_685 = tpu.vector_load %arg9[%get3A_682, %get3A_683, %get3A_684] {strides = array<i32>} : memref<2x512x64xf32, #tpu.memory_space<vmem>>, vector<1x1x16xf32>,
            %get3A_686 = vector.shape_cast %get3A_685 : vector<1x1x16xf32> to vector<16xf32>
            %add3A_687 = arith.addf %add3A_678, %get3A_686 : vector<16xf32>
            %add3A_688 = arith.constant 16 : i32
            %add3A_689 = arith.addi %mul3A_330, %add3A_688 : i32
            %get3A_690 = arith.constant 1 : i32
            %get3A_691 = arith.index_cast %get3A_690 : i32 to index
            %get3A_692 = arith.index_cast %add3A_689 : i32 to index
            %get3A_693 = arith.constant 16 : index
            %get3A_694 = tpu.vector_load %arg9[%get3A_691, %get3A_692, %get3A_693] {strides = array<i32>} : memref<2x512x64xf32, #tpu.memory_space<vmem>>, vector<1x1x16xf32>,
            %get3A_695 = vector.shape_cast %get3A_694 : vector<1x1x16xf32> to vector<16xf32>
            %add3A_696 = arith.addf %add3A_687, %get3A_695 : vector<16xf32>
            %add3A_697 = arith.constant 17 : i32
            %add3A_698 = arith.addi %mul3A_330, %add3A_697 : i32
            %get3A_699 = arith.constant 1 : i32
            %get3A_700 = arith.index_cast %get3A_699 : i32 to index
            %get3A_701 = arith.index_cast %add3A_698 : i32 to index
            %get3A_702 = arith.constant 16 : index
            %get3A_703 = tpu.vector_load %arg9[%get3A_700, %get3A_701, %get3A_702] {strides = array<i32>} : memref<2x512x64xf32, #tpu.memory_space<vmem>>, vector<1x1x16xf32>,
            %get3A_704 = vector.shape_cast %get3A_703 : vector<1x1x16xf32> to vector<16xf32>
            %add3A_705 = arith.addf %add3A_696, %get3A_704 : vector<16xf32>
            %add3A_706 = arith.constant 18 : i32
            %add3A_707 = arith.addi %mul3A_330, %add3A_706 : i32
            %get3A_708 = arith.constant 1 : i32
            %get3A_709 = arith.index_cast %get3A_708 : i32 to index
            %get3A_710 = arith.index_cast %add3A_707 : i32 to index
            %get3A_711 = arith.constant 16 : index
            %get3A_712 = tpu.vector_load %arg9[%get3A_709, %get3A_710, %get3A_711] {strides = array<i32>} : memref<2x512x64xf32, #tpu.memory_space<vmem>>, vector<1x1x16xf32>,
            %get3A_713 = vector.shape_cast %get3A_712 : vector<1x1x16xf32> to vector<16xf32>
            %add3A_714 = arith.addf %add3A_705, %get3A_713 : vector<16xf32>
            %add3A_715 = arith.constant 19 : i32
            %add3A_716 = arith.addi %mul3A_330, %add3A_715 : i32
            %get3A_717 = arith.constant 1 : i32
            %get3A_718 = arith.index_cast %get3A_717 : i32 to index
            %get3A_719 = arith.index_cast %add3A_716 : i32 to index
            %get3A_720 = arith.constant 16 : index
            %get3A_721 = tpu.vector_load %arg9[%get3A_718, %get3A_719, %get3A_720] {strides = array<i32>} : memref<2x512x64xf32, #tpu.memory_space<vmem>>, vector<1x1x16xf32>,
            %get3A_722 = vector.shape_cast %get3A_721 : vector<1x1x16xf32> to vector<16xf32>
            %add3A_723 = arith.addf %add3A_714, %get3A_722 : vector<16xf32>
            %add3A_724 = arith.constant 16 : i32
            %add3A_725 = arith.addi %mul3A_361, %add3A_724 : i32
            %swap3A_726 = arith.constant 0 : i32
            %swap3A_727 = arith.index_cast %rem3A_272 : i32 to index
            %swap3A_728 = arith.index_cast %select_n3A_357 : i32 to index
            %swap3A_729 = arith.index_cast %swap3A_726 : i32 to index
            %swap3A_730 = arith.index_cast %add3A_725 : i32 to index
            %swap3A_731 = tpu.vector_load %arg10[%swap3A_727, %swap3A_728, %swap3A_729, %swap3A_730] {strides = array<i32>} : memref<2x25x1x128xf32, #tpu.memory_space<vmem>>, vector<1x1x1x16xf32>,
            %swap3A_732 = vector.shape_cast %swap3A_731 : vector<1x1x1x16xf32> to vector<16xf32>
            %swap3A_733 = vector.shape_cast %add3A_723 : vector<16xf32> to vector<1x1x1x16xf32>
            tpu.vector_store %arg10[%swap3A_727, %swap3A_728, %swap3A_729, %swap3A_730], %swap3A_733 {strides = array<i32>} : memref<2x25x1x128xf32, #tpu.memory_space<vmem>>, vector<1x1x1x16xf32>,
            %get3A_734 = arith.constant 1 : i32
            %get3A_735 = arith.index_cast %get3A_734 : i32 to index
            %get3A_736 = arith.index_cast %mul3A_330 : i32 to index
            %get3A_737 = arith.constant 32 : index
            %get3A_738 = tpu.vector_load %arg9[%get3A_735, %get3A_736, %get3A_737] {strides = array<i32>} : memref<2x512x64xf32, #tpu.memory_space<vmem>>, vector<1x1x16xf32>,
            %get3A_739 = vector.shape_cast %get3A_738 : vector<1x1x16xf32> to vector<16xf32>
            %add3A_740 = arith.constant 1 : i32
            %add3A_741 = arith.addi %mul3A_330, %add3A_740 : i32
            %get3A_742 = arith.constant 1 : i32
            %get3A_743 = arith.index_cast %get3A_742 : i32 to index
            %get3A_744 = arith.index_cast %add3A_741 : i32 to index
            %get3A_745 = arith.constant 32 : index
            %get3A_746 = tpu.vector_load %arg9[%get3A_743, %get3A_744, %get3A_745] {strides = array<i32>} : memref<2x512x64xf32, #tpu.memory_space<vmem>>, vector<1x1x16xf32>,
            %get3A_747 = vector.shape_cast %get3A_746 : vector<1x1x16xf32> to vector<16xf32>
            %add3A_748 = arith.addf %get3A_739, %get3A_747 : vector<16xf32>
            %add3A_749 = arith.constant 2 : i32
            %add3A_750 = arith.addi %mul3A_330, %add3A_749 : i32
            %get3A_751 = arith.constant 1 : i32
            %get3A_752 = arith.index_cast %get3A_751 : i32 to index
            %get3A_753 = arith.index_cast %add3A_750 : i32 to index
            %get3A_754 = arith.constant 32 : index
            %get3A_755 = tpu.vector_load %arg9[%get3A_752, %get3A_753, %get3A_754] {strides = array<i32>} : memref<2x512x64xf32, #tpu.memory_space<vmem>>, vector<1x1x16xf32>,
            %get3A_756 = vector.shape_cast %get3A_755 : vector<1x1x16xf32> to vector<16xf32>
            %add3A_757 = arith.addf %add3A_748, %get3A_756 : vector<16xf32>
            %add3A_758 = arith.constant 3 : i32
            %add3A_759 = arith.addi %mul3A_330, %add3A_758 : i32
            %get3A_760 = arith.constant 1 : i32
            %get3A_761 = arith.index_cast %get3A_760 : i32 to index
            %get3A_762 = arith.index_cast %add3A_759 : i32 to index
            %get3A_763 = arith.constant 32 : index
            %get3A_764 = tpu.vector_load %arg9[%get3A_761, %get3A_762, %get3A_763] {strides = array<i32>} : memref<2x512x64xf32, #tpu.memory_space<vmem>>, vector<1x1x16xf32>,
            %get3A_765 = vector.shape_cast %get3A_764 : vector<1x1x16xf32> to vector<16xf32>
            %add3A_766 = arith.addf %add3A_757, %get3A_765 : vector<16xf32>
            %add3A_767 = arith.constant 4 : i32
            %add3A_768 = arith.addi %mul3A_330, %add3A_767 : i32
            %get3A_769 = arith.constant 1 : i32
            %get3A_770 = arith.index_cast %get3A_769 : i32 to index
            %get3A_771 = arith.index_cast %add3A_768 : i32 to index
            %get3A_772 = arith.constant 32 : index
            %get3A_773 = tpu.vector_load %arg9[%get3A_770, %get3A_771, %get3A_772] {strides = array<i32>} : memref<2x512x64xf32, #tpu.memory_space<vmem>>, vector<1x1x16xf32>,
            %get3A_774 = vector.shape_cast %get3A_773 : vector<1x1x16xf32> to vector<16xf32>
            %add3A_775 = arith.addf %add3A_766, %get3A_774 : vector<16xf32>
            %add3A_776 = arith.constant 5 : i32
            %add3A_777 = arith.addi %mul3A_330, %add3A_776 : i32
            %get3A_778 = arith.constant 1 : i32
            %get3A_779 = arith.index_cast %get3A_778 : i32 to index
            %get3A_780 = arith.index_cast %add3A_777 : i32 to index
            %get3A_781 = arith.constant 32 : index
            %get3A_782 = tpu.vector_load %arg9[%get3A_779, %get3A_780, %get3A_781] {strides = array<i32>} : memref<2x512x64xf32, #tpu.memory_space<vmem>>, vector<1x1x16xf32>,
            %get3A_783 = vector.shape_cast %get3A_782 : vector<1x1x16xf32> to vector<16xf32>
            %add3A_784 = arith.addf %add3A_775, %get3A_783 : vector<16xf32>
            %add3A_785 = arith.constant 6 : i32
            %add3A_786 = arith.addi %mul3A_330, %add3A_785 : i32
            %get3A_787 = arith.constant 1 : i32
            %get3A_788 = arith.index_cast %get3A_787 : i32 to index
            %get3A_789 = arith.index_cast %add3A_786 : i32 to index
            %get3A_790 = arith.constant 32 : index
            %get3A_791 = tpu.vector_load %arg9[%get3A_788, %get3A_789, %get3A_790] {strides = array<i32>} : memref<2x512x64xf32, #tpu.memory_space<vmem>>, vector<1x1x16xf32>,
            %get3A_792 = vector.shape_cast %get3A_791 : vector<1x1x16xf32> to vector<16xf32>
            %add3A_793 = arith.addf %add3A_784, %get3A_792 : vector<16xf32>
            %add3A_794 = arith.constant 7 : i32
            %add3A_795 = arith.addi %mul3A_330, %add3A_794 : i32
            %get3A_796 = arith.constant 1 : i32
            %get3A_797 = arith.index_cast %get3A_796 : i32 to index
            %get3A_798 = arith.index_cast %add3A_795 : i32 to index
            %get3A_799 = arith.constant 32 : index
            %get3A_800 = tpu.vector_load %arg9[%get3A_797, %get3A_798, %get3A_799] {strides = array<i32>} : memref<2x512x64xf32, #tpu.memory_space<vmem>>, vector<1x1x16xf32>,
            %get3A_801 = vector.shape_cast %get3A_800 : vector<1x1x16xf32> to vector<16xf32>
            %add3A_802 = arith.addf %add3A_793, %get3A_801 : vector<16xf32>
            %add3A_803 = arith.constant 8 : i32
            %add3A_804 = arith.addi %mul3A_330, %add3A_803 : i32
            %get3A_805 = arith.constant 1 : i32
            %get3A_806 = arith.index_cast %get3A_805 : i32 to index
            %get3A_807 = arith.index_cast %add3A_804 : i32 to index
            %get3A_808 = arith.constant 32 : index
            %get3A_809 = tpu.vector_load %arg9[%get3A_806, %get3A_807, %get3A_808] {strides = array<i32>} : memref<2x512x64xf32, #tpu.memory_space<vmem>>, vector<1x1x16xf32>,
            %get3A_810 = vector.shape_cast %get3A_809 : vector<1x1x16xf32> to vector<16xf32>
            %add3A_811 = arith.addf %add3A_802, %get3A_810 : vector<16xf32>
            %add3A_812 = arith.constant 9 : i32
            %add3A_813 = arith.addi %mul3A_330, %add3A_812 : i32
            %get3A_814 = arith.constant 1 : i32
            %get3A_815 = arith.index_cast %get3A_814 : i32 to index
            %get3A_816 = arith.index_cast %add3A_813 : i32 to index
            %get3A_817 = arith.constant 32 : index
            %get3A_818 = tpu.vector_load %arg9[%get3A_815, %get3A_816, %get3A_817] {strides = array<i32>} : memref<2x512x64xf32, #tpu.memory_space<vmem>>, vector<1x1x16xf32>,
            %get3A_819 = vector.shape_cast %get3A_818 : vector<1x1x16xf32> to vector<16xf32>
            %add3A_820 = arith.addf %add3A_811, %get3A_819 : vector<16xf32>
            %add3A_821 = arith.constant 10 : i32
            %add3A_822 = arith.addi %mul3A_330, %add3A_821 : i32
            %get3A_823 = arith.constant 1 : i32
            %get3A_824 = arith.index_cast %get3A_823 : i32 to index
            %get3A_825 = arith.index_cast %add3A_822 : i32 to index
            %get3A_826 = arith.constant 32 : index
            %get3A_827 = tpu.vector_load %arg9[%get3A_824, %get3A_825, %get3A_826] {strides = array<i32>} : memref<2x512x64xf32, #tpu.memory_space<vmem>>, vector<1x1x16xf32>,
            %get3A_828 = vector.shape_cast %get3A_827 : vector<1x1x16xf32> to vector<16xf32>
            %add3A_829 = arith.addf %add3A_820, %get3A_828 : vector<16xf32>
            %add3A_830 = arith.constant 11 : i32
            %add3A_831 = arith.addi %mul3A_330, %add3A_830 : i32
            %get3A_832 = arith.constant 1 : i32
            %get3A_833 = arith.index_cast %get3A_832 : i32 to index
            %get3A_834 = arith.index_cast %add3A_831 : i32 to index
            %get3A_835 = arith.constant 32 : index
            %get3A_836 = tpu.vector_load %arg9[%get3A_833, %get3A_834, %get3A_835] {strides = array<i32>} : memref<2x512x64xf32, #tpu.memory_space<vmem>>, vector<1x1x16xf32>,
            %get3A_837 = vector.shape_cast %get3A_836 : vector<1x1x16xf32> to vector<16xf32>
            %add3A_838 = arith.addf %add3A_829, %get3A_837 : vector<16xf32>
            %add3A_839 = arith.constant 12 : i32
            %add3A_840 = arith.addi %mul3A_330, %add3A_839 : i32
            %get3A_841 = arith.constant 1 : i32
            %get3A_842 = arith.index_cast %get3A_841 : i32 to index
            %get3A_843 = arith.index_cast %add3A_840 : i32 to index
            %get3A_844 = arith.constant 32 : index
            %get3A_845 = tpu.vector_load %arg9[%get3A_842, %get3A_843, %get3A_844] {strides = array<i32>} : memref<2x512x64xf32, #tpu.memory_space<vmem>>, vector<1x1x16xf32>,
            %get3A_846 = vector.shape_cast %get3A_845 : vector<1x1x16xf32> to vector<16xf32>
            %add3A_847 = arith.addf %add3A_838, %get3A_846 : vector<16xf32>
            %add3A_848 = arith.constant 13 : i32
            %add3A_849 = arith.addi %mul3A_330, %add3A_848 : i32
            %get3A_850 = arith.constant 1 : i32
            %get3A_851 = arith.index_cast %get3A_850 : i32 to index
            %get3A_852 = arith.index_cast %add3A_849 : i32 to index
            %get3A_853 = arith.constant 32 : index
            %get3A_854 = tpu.vector_load %arg9[%get3A_851, %get3A_852, %get3A_853] {strides = array<i32>} : memref<2x512x64xf32, #tpu.memory_space<vmem>>, vector<1x1x16xf32>,
            %get3A_855 = vector.shape_cast %get3A_854 : vector<1x1x16xf32> to vector<16xf32>
            %add3A_856 = arith.addf %add3A_847, %get3A_855 : vector<16xf32>
            %add3A_857 = arith.constant 14 : i32
            %add3A_858 = arith.addi %mul3A_330, %add3A_857 : i32
            %get3A_859 = arith.constant 1 : i32
            %get3A_860 = arith.index_cast %get3A_859 : i32 to index
            %get3A_861 = arith.index_cast %add3A_858 : i32 to index
            %get3A_862 = arith.constant 32 : index
            %get3A_863 = tpu.vector_load %arg9[%get3A_860, %get3A_861, %get3A_862] {strides = array<i32>} : memref<2x512x64xf32, #tpu.memory_space<vmem>>, vector<1x1x16xf32>,
            %get3A_864 = vector.shape_cast %get3A_863 : vector<1x1x16xf32> to vector<16xf32>
            %add3A_865 = arith.addf %add3A_856, %get3A_864 : vector<16xf32>
            %add3A_866 = arith.constant 15 : i32
            %add3A_867 = arith.addi %mul3A_330, %add3A_866 : i32
            %get3A_868 = arith.constant 1 : i32
            %get3A_869 = arith.index_cast %get3A_868 : i32 to index
            %get3A_870 = arith.index_cast %add3A_867 : i32 to index
            %get3A_871 = arith.constant 32 : index
            %get3A_872 = tpu.vector_load %arg9[%get3A_869, %get3A_870, %get3A_871] {strides = array<i32>} : memref<2x512x64xf32, #tpu.memory_space<vmem>>, vector<1x1x16xf32>,
            %get3A_873 = vector.shape_cast %get3A_872 : vector<1x1x16xf32> to vector<16xf32>
            %add3A_874 = arith.addf %add3A_865, %get3A_873 : vector<16xf32>
            %add3A_875 = arith.constant 16 : i32
            %add3A_876 = arith.addi %mul3A_330, %add3A_875 : i32
            %get3A_877 = arith.constant 1 : i32
            %get3A_878 = arith.index_cast %get3A_877 : i32 to index
            %get3A_879 = arith.index_cast %add3A_876 : i32 to index
            %get3A_880 = arith.constant 32 : index
            %get3A_881 = tpu.vector_load %arg9[%get3A_878, %get3A_879, %get3A_880] {strides = array<i32>} : memref<2x512x64xf32, #tpu.memory_space<vmem>>, vector<1x1x16xf32>,
            %get3A_882 = vector.shape_cast %get3A_881 : vector<1x1x16xf32> to vector<16xf32>
            %add3A_883 = arith.addf %add3A_874, %get3A_882 : vector<16xf32>
            %add3A_884 = arith.constant 17 : i32
            %add3A_885 = arith.addi %mul3A_330, %add3A_884 : i32
            %get3A_886 = arith.constant 1 : i32
            %get3A_887 = arith.index_cast %get3A_886 : i32 to index
            %get3A_888 = arith.index_cast %add3A_885 : i32 to index
            %get3A_889 = arith.constant 32 : index
            %get3A_890 = tpu.vector_load %arg9[%get3A_887, %get3A_888, %get3A_889] {strides = array<i32>} : memref<2x512x64xf32, #tpu.memory_space<vmem>>, vector<1x1x16xf32>,
            %get3A_891 = vector.shape_cast %get3A_890 : vector<1x1x16xf32> to vector<16xf32>
            %add3A_892 = arith.addf %add3A_883, %get3A_891 : vector<16xf32>
            %add3A_893 = arith.constant 18 : i32
            %add3A_894 = arith.addi %mul3A_330, %add3A_893 : i32
            %get3A_895 = arith.constant 1 : i32
            %get3A_896 = arith.index_cast %get3A_895 : i32 to index
            %get3A_897 = arith.index_cast %add3A_894 : i32 to index
            %get3A_898 = arith.constant 32 : index
            %get3A_899 = tpu.vector_load %arg9[%get3A_896, %get3A_897, %get3A_898] {strides = array<i32>} : memref<2x512x64xf32, #tpu.memory_space<vmem>>, vector<1x1x16xf32>,
            %get3A_900 = vector.shape_cast %get3A_899 : vector<1x1x16xf32> to vector<16xf32>
            %add3A_901 = arith.addf %add3A_892, %get3A_900 : vector<16xf32>
            %add3A_902 = arith.constant 19 : i32
            %add3A_903 = arith.addi %mul3A_330, %add3A_902 : i32
            %get3A_904 = arith.constant 1 : i32
            %get3A_905 = arith.index_cast %get3A_904 : i32 to index
            %get3A_906 = arith.index_cast %add3A_903 : i32 to index
            %get3A_907 = arith.constant 32 : index
            %get3A_908 = tpu.vector_load %arg9[%get3A_905, %get3A_906, %get3A_907] {strides = array<i32>} : memref<2x512x64xf32, #tpu.memory_space<vmem>>, vector<1x1x16xf32>,
            %get3A_909 = vector.shape_cast %get3A_908 : vector<1x1x16xf32> to vector<16xf32>
            %add3A_910 = arith.addf %add3A_901, %get3A_909 : vector<16xf32>
            %add3A_911 = arith.constant 32 : i32
            %add3A_912 = arith.addi %mul3A_361, %add3A_911 : i32
            %swap3A_913 = arith.constant 0 : i32
            %swap3A_914 = arith.index_cast %rem3A_272 : i32 to index
            %swap3A_915 = arith.index_cast %select_n3A_357 : i32 to index
            %swap3A_916 = arith.index_cast %swap3A_913 : i32 to index
            %swap3A_917 = arith.index_cast %add3A_912 : i32 to index
            %swap3A_918 = tpu.vector_load %arg10[%swap3A_914, %swap3A_915, %swap3A_916, %swap3A_917] {strides = array<i32>} : memref<2x25x1x128xf32, #tpu.memory_space<vmem>>, vector<1x1x1x16xf32>,
            %swap3A_919 = vector.shape_cast %swap3A_918 : vector<1x1x1x16xf32> to vector<16xf32>
            %swap3A_920 = vector.shape_cast %add3A_910 : vector<16xf32> to vector<1x1x1x16xf32>
            tpu.vector_store %arg10[%swap3A_914, %swap3A_915, %swap3A_916, %swap3A_917], %swap3A_920 {strides = array<i32>} : memref<2x25x1x128xf32, #tpu.memory_space<vmem>>, vector<1x1x1x16xf32>,
            %get3A_921 = arith.constant 1 : i32
            %get3A_922 = arith.index_cast %get3A_921 : i32 to index
            %get3A_923 = arith.index_cast %mul3A_330 : i32 to index
            %get3A_924 = arith.constant 48 : index
            %get3A_925 = tpu.vector_load %arg9[%get3A_922, %get3A_923, %get3A_924] {strides = array<i32>} : memref<2x512x64xf32, #tpu.memory_space<vmem>>, vector<1x1x16xf32>,
            %get3A_926 = vector.shape_cast %get3A_925 : vector<1x1x16xf32> to vector<16xf32>
            %add3A_927 = arith.constant 1 : i32
            %add3A_928 = arith.addi %mul3A_330, %add3A_927 : i32
            %get3A_929 = arith.constant 1 : i32
            %get3A_930 = arith.index_cast %get3A_929 : i32 to index
            %get3A_931 = arith.index_cast %add3A_928 : i32 to index
            %get3A_932 = arith.constant 48 : index
            %get3A_933 = tpu.vector_load %arg9[%get3A_930, %get3A_931, %get3A_932] {strides = array<i32>} : memref<2x512x64xf32, #tpu.memory_space<vmem>>, vector<1x1x16xf32>,
            %get3A_934 = vector.shape_cast %get3A_933 : vector<1x1x16xf32> to vector<16xf32>
            %add3A_935 = arith.addf %get3A_926, %get3A_934 : vector<16xf32>
            %add3A_936 = arith.constant 2 : i32
            %add3A_937 = arith.addi %mul3A_330, %add3A_936 : i32
            %get3A_938 = arith.constant 1 : i32
            %get3A_939 = arith.index_cast %get3A_938 : i32 to index
            %get3A_940 = arith.index_cast %add3A_937 : i32 to index
            %get3A_941 = arith.constant 48 : index
            %get3A_942 = tpu.vector_load %arg9[%get3A_939, %get3A_940, %get3A_941] {strides = array<i32>} : memref<2x512x64xf32, #tpu.memory_space<vmem>>, vector<1x1x16xf32>,
            %get3A_943 = vector.shape_cast %get3A_942 : vector<1x1x16xf32> to vector<16xf32>
            %add3A_944 = arith.addf %add3A_935, %get3A_943 : vector<16xf32>
            %add3A_945 = arith.constant 3 : i32
            %add3A_946 = arith.addi %mul3A_330, %add3A_945 : i32
            %get3A_947 = arith.constant 1 : i32
            %get3A_948 = arith.index_cast %get3A_947 : i32 to index
            %get3A_949 = arith.index_cast %add3A_946 : i32 to index
            %get3A_950 = arith.constant 48 : index
            %get3A_951 = tpu.vector_load %arg9[%get3A_948, %get3A_949, %get3A_950] {strides = array<i32>} : memref<2x512x64xf32, #tpu.memory_space<vmem>>, vector<1x1x16xf32>,
            %get3A_952 = vector.shape_cast %get3A_951 : vector<1x1x16xf32> to vector<16xf32>
            %add3A_953 = arith.addf %add3A_944, %get3A_952 : vector<16xf32>
            %add3A_954 = arith.constant 4 : i32
            %add3A_955 = arith.addi %mul3A_330, %add3A_954 : i32
            %get3A_956 = arith.constant 1 : i32
            %get3A_957 = arith.index_cast %get3A_956 : i32 to index
            %get3A_958 = arith.index_cast %add3A_955 : i32 to index
            %get3A_959 = arith.constant 48 : index
            %get3A_960 = tpu.vector_load %arg9[%get3A_957, %get3A_958, %get3A_959] {strides = array<i32>} : memref<2x512x64xf32, #tpu.memory_space<vmem>>, vector<1x1x16xf32>,
            %get3A_961 = vector.shape_cast %get3A_960 : vector<1x1x16xf32> to vector<16xf32>
            %add3A_962 = arith.addf %add3A_953, %get3A_961 : vector<16xf32>
            %add3A_963 = arith.constant 5 : i32
            %add3A_964 = arith.addi %mul3A_330, %add3A_963 : i32
            %get3A_965 = arith.constant 1 : i32
            %get3A_966 = arith.index_cast %get3A_965 : i32 to index
            %get3A_967 = arith.index_cast %add3A_964 : i32 to index
            %get3A_968 = arith.constant 48 : index
            %get3A_969 = tpu.vector_load %arg9[%get3A_966, %get3A_967, %get3A_968] {strides = array<i32>} : memref<2x512x64xf32, #tpu.memory_space<vmem>>, vector<1x1x16xf32>,
            %get3A_970 = vector.shape_cast %get3A_969 : vector<1x1x16xf32> to vector<16xf32>
            %add3A_971 = arith.addf %add3A_962, %get3A_970 : vector<16xf32>
            %add3A_972 = arith.constant 6 : i32
            %add3A_973 = arith.addi %mul3A_330, %add3A_972 : i32
            %get3A_974 = arith.constant 1 : i32
            %get3A_975 = arith.index_cast %get3A_974 : i32 to index
            %get3A_976 = arith.index_cast %add3A_973 : i32 to index
            %get3A_977 = arith.constant 48 : index
            %get3A_978 = tpu.vector_load %arg9[%get3A_975, %get3A_976, %get3A_977] {strides = array<i32>} : memref<2x512x64xf32, #tpu.memory_space<vmem>>, vector<1x1x16xf32>,
            %get3A_979 = vector.shape_cast %get3A_978 : vector<1x1x16xf32> to vector<16xf32>
            %add3A_980 = arith.addf %add3A_971, %get3A_979 : vector<16xf32>
            %add3A_981 = arith.constant 7 : i32
            %add3A_982 = arith.addi %mul3A_330, %add3A_981 : i32
            %get3A_983 = arith.constant 1 : i32
            %get3A_984 = arith.index_cast %get3A_983 : i32 to index
            %get3A_985 = arith.index_cast %add3A_982 : i32 to index
            %get3A_986 = arith.constant 48 : index
            %get3A_987 = tpu.vector_load %arg9[%get3A_984, %get3A_985, %get3A_986] {strides = array<i32>} : memref<2x512x64xf32, #tpu.memory_space<vmem>>, vector<1x1x16xf32>,
            %get3A_988 = vector.shape_cast %get3A_987 : vector<1x1x16xf32> to vector<16xf32>
            %add3A_989 = arith.addf %add3A_980, %get3A_988 : vector<16xf32>
            %add3A_990 = arith.constant 8 : i32
            %add3A_991 = arith.addi %mul3A_330, %add3A_990 : i32
            %get3A_992 = arith.constant 1 : i32
            %get3A_993 = arith.index_cast %get3A_992 : i32 to index
            %get3A_994 = arith.index_cast %add3A_991 : i32 to index
            %get3A_995 = arith.constant 48 : index
            %get3A_996 = tpu.vector_load %arg9[%get3A_993, %get3A_994, %get3A_995] {strides = array<i32>} : memref<2x512x64xf32, #tpu.memory_space<vmem>>, vector<1x1x16xf32>,
            %get3A_997 = vector.shape_cast %get3A_996 : vector<1x1x16xf32> to vector<16xf32>
            %add3A_998 = arith.addf %add3A_989, %get3A_997 : vector<16xf32>
            %add3A_999 = arith.constant 9 : i32
            %add3A_1000 = arith.addi %mul3A_330, %add3A_999 : i32
            %get3A_1001 = arith.constant 1 : i32
            %get3A_1002 = arith.index_cast %get3A_1001 : i32 to index
            %get3A_1003 = arith.index_cast %add3A_1000 : i32 to index
            %get3A_1004 = arith.constant 48 : index
            %get3A_1005 = tpu.vector_load %arg9[%get3A_1002, %get3A_1003, %get3A_1004] {strides = array<i32>} : memref<2x512x64xf32, #tpu.memory_space<vmem>>, vector<1x1x16xf32>,
            %get3A_1006 = vector.shape_cast %get3A_1005 : vector<1x1x16xf32> to vector<16xf32>
            %add3A_1007 = arith.addf %add3A_998, %get3A_1006 : vector<16xf32>
            %add3A_1008 = arith.constant 10 : i32
            %add3A_1009 = arith.addi %mul3A_330, %add3A_1008 : i32
            %get3A_1010 = arith.constant 1 : i32
            %get3A_1011 = arith.index_cast %get3A_1010 : i32 to index
            %get3A_1012 = arith.index_cast %add3A_1009 : i32 to index
            %get3A_1013 = arith.constant 48 : index
            %get3A_1014 = tpu.vector_load %arg9[%get3A_1011, %get3A_1012, %get3A_1013] {strides = array<i32>} : memref<2x512x64xf32, #tpu.memory_space<vmem>>, vector<1x1x16xf32>,
            %get3A_1015 = vector.shape_cast %get3A_1014 : vector<1x1x16xf32> to vector<16xf32>
            %add3A_1016 = arith.addf %add3A_1007, %get3A_1015 : vector<16xf32>
            %add3A_1017 = arith.constant 11 : i32
            %add3A_1018 = arith.addi %mul3A_330, %add3A_1017 : i32
            %get3A_1019 = arith.constant 1 : i32
            %get3A_1020 = arith.index_cast %get3A_1019 : i32 to index
            %get3A_1021 = arith.index_cast %add3A_1018 : i32 to index
            %get3A_1022 = arith.constant 48 : index
            %get3A_1023 = tpu.vector_load %arg9[%get3A_1020, %get3A_1021, %get3A_1022] {strides = array<i32>} : memref<2x512x64xf32, #tpu.memory_space<vmem>>, vector<1x1x16xf32>,
            %get3A_1024 = vector.shape_cast %get3A_1023 : vector<1x1x16xf32> to vector<16xf32>
            %add3A_1025 = arith.addf %add3A_1016, %get3A_1024 : vector<16xf32>
            %add3A_1026 = arith.constant 12 : i32
            %add3A_1027 = arith.addi %mul3A_330, %add3A_1026 : i32
            %get3A_1028 = arith.constant 1 : i32
            %get3A_1029 = arith.index_cast %get3A_1028 : i32 to index
            %get3A_1030 = arith.index_cast %add3A_1027 : i32 to index
            %get3A_1031 = arith.constant 48 : index
            %get3A_1032 = tpu.vector_load %arg9[%get3A_1029, %get3A_1030, %get3A_1031] {strides = array<i32>} : memref<2x512x64xf32, #tpu.memory_space<vmem>>, vector<1x1x16xf32>,
            %get3A_1033 = vector.shape_cast %get3A_1032 : vector<1x1x16xf32> to vector<16xf32>
            %add3A_1034 = arith.addf %add3A_1025, %get3A_1033 : vector<16xf32>
            %add3A_1035 = arith.constant 13 : i32
            %add3A_1036 = arith.addi %mul3A_330, %add3A_1035 : i32
            %get3A_1037 = arith.constant 1 : i32
            %get3A_1038 = arith.index_cast %get3A_1037 : i32 to index
            %get3A_1039 = arith.index_cast %add3A_1036 : i32 to index
            %get3A_1040 = arith.constant 48 : index
            %get3A_1041 = tpu.vector_load %arg9[%get3A_1038, %get3A_1039, %get3A_1040] {strides = array<i32>} : memref<2x512x64xf32, #tpu.memory_space<vmem>>, vector<1x1x16xf32>,
            %get3A_1042 = vector.shape_cast %get3A_1041 : vector<1x1x16xf32> to vector<16xf32>
            %add3A_1043 = arith.addf %add3A_1034, %get3A_1042 : vector<16xf32>
            %add3A_1044 = arith.constant 14 : i32
            %add3A_1045 = arith.addi %mul3A_330, %add3A_1044 : i32
            %get3A_1046 = arith.constant 1 : i32
            %get3A_1047 = arith.index_cast %get3A_1046 : i32 to index
            %get3A_1048 = arith.index_cast %add3A_1045 : i32 to index
            %get3A_1049 = arith.constant 48 : index
            %get3A_1050 = tpu.vector_load %arg9[%get3A_1047, %get3A_1048, %get3A_1049] {strides = array<i32>} : memref<2x512x64xf32, #tpu.memory_space<vmem>>, vector<1x1x16xf32>,
            %get3A_1051 = vector.shape_cast %get3A_1050 : vector<1x1x16xf32> to vector<16xf32>
            %add3A_1052 = arith.addf %add3A_1043, %get3A_1051 : vector<16xf32>
            %add3A_1053 = arith.constant 15 : i32
            %add3A_1054 = arith.addi %mul3A_330, %add3A_1053 : i32
            %get3A_1055 = arith.constant 1 : i32
            %get3A_1056 = arith.index_cast %get3A_1055 : i32 to index
            %get3A_1057 = arith.index_cast %add3A_1054 : i32 to index
            %get3A_1058 = arith.constant 48 : index
            %get3A_1059 = tpu.vector_load %arg9[%get3A_1056, %get3A_1057, %get3A_1058] {strides = array<i32>} : memref<2x512x64xf32, #tpu.memory_space<vmem>>, vector<1x1x16xf32>,
            %get3A_1060 = vector.shape_cast %get3A_1059 : vector<1x1x16xf32> to vector<16xf32>
            %add3A_1061 = arith.addf %add3A_1052, %get3A_1060 : vector<16xf32>
            %add3A_1062 = arith.constant 16 : i32
            %add3A_1063 = arith.addi %mul3A_330, %add3A_1062 : i32
            %get3A_1064 = arith.constant 1 : i32
            %get3A_1065 = arith.index_cast %get3A_1064 : i32 to index
            %get3A_1066 = arith.index_cast %add3A_1063 : i32 to index
            %get3A_1067 = arith.constant 48 : index
            %get3A_1068 = tpu.vector_load %arg9[%get3A_1065, %get3A_1066, %get3A_1067] {strides = array<i32>} : memref<2x512x64xf32, #tpu.memory_space<vmem>>, vector<1x1x16xf32>,
            %get3A_1069 = vector.shape_cast %get3A_1068 : vector<1x1x16xf32> to vector<16xf32>
            %add3A_1070 = arith.addf %add3A_1061, %get3A_1069 : vector<16xf32>
            %add3A_1071 = arith.constant 17 : i32
            %add3A_1072 = arith.addi %mul3A_330, %add3A_1071 : i32
            %get3A_1073 = arith.constant 1 : i32
            %get3A_1074 = arith.index_cast %get3A_1073 : i32 to index
            %get3A_1075 = arith.index_cast %add3A_1072 : i32 to index
            %get3A_1076 = arith.constant 48 : index
            %get3A_1077 = tpu.vector_load %arg9[%get3A_1074, %get3A_1075, %get3A_1076] {strides = array<i32>} : memref<2x512x64xf32, #tpu.memory_space<vmem>>, vector<1x1x16xf32>,
            %get3A_1078 = vector.shape_cast %get3A_1077 : vector<1x1x16xf32> to vector<16xf32>
            %add3A_1079 = arith.addf %add3A_1070, %get3A_1078 : vector<16xf32>
            %add3A_1080 = arith.constant 18 : i32
            %add3A_1081 = arith.addi %mul3A_330, %add3A_1080 : i32
            %get3A_1082 = arith.constant 1 : i32
            %get3A_1083 = arith.index_cast %get3A_1082 : i32 to index
            %get3A_1084 = arith.index_cast %add3A_1081 : i32 to index
            %get3A_1085 = arith.constant 48 : index
            %get3A_1086 = tpu.vector_load %arg9[%get3A_1083, %get3A_1084, %get3A_1085] {strides = array<i32>} : memref<2x512x64xf32, #tpu.memory_space<vmem>>, vector<1x1x16xf32>,
            %get3A_1087 = vector.shape_cast %get3A_1086 : vector<1x1x16xf32> to vector<16xf32>
            %add3A_1088 = arith.addf %add3A_1079, %get3A_1087 : vector<16xf32>
            %add3A_1089 = arith.constant 19 : i32
            %add3A_1090 = arith.addi %mul3A_330, %add3A_1089 : i32
            %get3A_1091 = arith.constant 1 : i32
            %get3A_1092 = arith.index_cast %get3A_1091 : i32 to index
            %get3A_1093 = arith.index_cast %add3A_1090 : i32 to index
            %get3A_1094 = arith.constant 48 : index
            %get3A_1095 = tpu.vector_load %arg9[%get3A_1092, %get3A_1093, %get3A_1094] {strides = array<i32>} : memref<2x512x64xf32, #tpu.memory_space<vmem>>, vector<1x1x16xf32>,
            %get3A_1096 = vector.shape_cast %get3A_1095 : vector<1x1x16xf32> to vector<16xf32>
            %add3A_1097 = arith.addf %add3A_1088, %get3A_1096 : vector<16xf32>
            %add3A_1098 = arith.constant 48 : i32
            %add3A_1099 = arith.addi %mul3A_361, %add3A_1098 : i32
            %swap3A_1100 = arith.constant 0 : i32
            %swap3A_1101 = arith.index_cast %rem3A_272 : i32 to index
            %swap3A_1102 = arith.index_cast %select_n3A_357 : i32 to index
            %swap3A_1103 = arith.index_cast %swap3A_1100 : i32 to index
            %swap3A_1104 = arith.index_cast %add3A_1099 : i32 to index
            %swap3A_1105 = tpu.vector_load %arg10[%swap3A_1101, %swap3A_1102, %swap3A_1103, %swap3A_1104] {strides = array<i32>} : memref<2x25x1x128xf32, #tpu.memory_space<vmem>>, vector<1x1x1x16xf32>,
            %swap3A_1106 = vector.shape_cast %swap3A_1105 : vector<1x1x1x16xf32> to vector<16xf32>
            %swap3A_1107 = vector.shape_cast %add3A_1097 : vector<16xf32> to vector<1x1x1x16xf32>
            tpu.vector_store %arg10[%swap3A_1101, %swap3A_1102, %swap3A_1103, %swap3A_1104], %swap3A_1107 {strides = array<i32>} : memref<2x25x1x128xf32, #tpu.memory_space<vmem>>, vector<1x1x1x16xf32>,
          }
          %scan3A_322 = arith.constant 25 : i32
          %eq3A_323 = arith.constant 1 : i32
          %eq3A_324 = arith.cmpi eq, %rem3A_196, %eq3A_323 : i32
          %convert_element_type3A_325 = arith.extui %eq3A_324 : i1 to i32
          %cond3A_326 = arith.constant 0 : i32
          %cond3A_327 = arith.cmpi ne, %convert_element_type3A_325, %cond3A_326 : i32
          scf.if %cond3A_327 {
            %add3A_328 = arith.addi %mul3A_2, %select_n3A_246 : i32
            %dma_start3A_329 = arith.constant 0 : i32
            %dma_start3A_330 = arith.constant 0 : i32
            %dma_start3A_331 = arith.constant 0 : i32
            %dma_start3A_332 = tpu.memref_slice %arg10[%rem3A_272, %dma_start3A_329, %dma_start3A_330, %dma_start3A_331] : memref<2x25x1x128xf32, #tpu.memory_space<vmem>> -> memref<1x25x1x128xf32, #tpu.memory_space<vmem>>
            %dma_start3A_333 = tpu.memref_squeeze %dma_start3A_332 : memref<1x25x1x128xf32, #tpu.memory_space<vmem>> -> memref<25x1x128xf32, #tpu.memory_space<vmem>>
            %dma_start3A_334 = arith.constant 0 : i32
            %dma_start3A_335 = arith.constant 0 : i32
            %dma_start3A_336 = tpu.memref_slice %arg5[%rem3A_222, %dma_start3A_334, %add3A_328, %dma_start3A_335] : memref<4x25x1024x128xf32, #tpu.memory_space<hbm>> -> memref<1x25x1x128xf32, #tpu.memory_space<hbm>>
            %dma_start3A_337 = tpu.memref_squeeze %dma_start3A_336 : memref<1x25x1x128xf32, #tpu.memory_space<hbm>> -> memref<25x1x128xf32, #tpu.memory_space<hbm>>
            %dma_start3A_338 = tpu.memref_slice %arg13[%rem3A_272] : memref<2x!tpu.dma_semaphore, #tpu.memory_space<semaphore_mem>> -> memref<1x!tpu.dma_semaphore, #tpu.memory_space<semaphore_mem>>
            %dma_start3A_339 = tpu.memref_squeeze %dma_start3A_338 : memref<1x!tpu.dma_semaphore, #tpu.memory_space<semaphore_mem>> -> memref<!tpu.dma_semaphore, #tpu.memory_space<semaphore_mem>>
            %dma_start3A_340 = arith.constant 0 : i32
            %dma_start3A_341 = arith.constant 0 : i32
            %dma_start3A_342 = tpu.memref_slice %arg5[%rem3A_222, %dma_start3A_340, %add3A_328, %dma_start3A_341] : memref<4x25x1024x128xf32, #tpu.memory_space<hbm>> -> memref<1x25x1x128xf32, #tpu.memory_space<hbm>>
            %dma_start3A_343 = tpu.memref_squeeze %dma_start3A_342 : memref<1x25x1x128xf32, #tpu.memory_space<hbm>> -> memref<25x1x128xf32, #tpu.memory_space<hbm>>
            %dma_start3A_344 = arith.constant 0 : i32
            %dma_start3A_345 = arith.constant 0 : i32
            %dma_start3A_346 = arith.constant 0 : i32
            %dma_start3A_347 = tpu.memref_slice %arg10[%rem3A_272, %dma_start3A_344, %dma_start3A_345, %dma_start3A_346] : memref<2x25x1x128xf32, #tpu.memory_space<vmem>> -> memref<1x25x1x128xf32, #tpu.memory_space<vmem>>
            %dma_start3A_348 = tpu.memref_squeeze %dma_start3A_347 : memref<1x25x1x128xf32, #tpu.memory_space<vmem>> -> memref<25x1x128xf32, #tpu.memory_space<vmem>>
            tpu.enqueue_dma source(%dma_start3A_348 : memref<25x1x128xf32, #tpu.memory_space<vmem>>) target(%dma_start3A_343 : memref<25x1x128xf32, #tpu.memory_space<hbm>>) target_semaphore(%dma_start3A_339 : memref<!tpu.dma_semaphore, #tpu.memory_space<semaphore_mem>>)
          } else {
          }
        } else {
        }
      } else {
      }
    }
    %scan3A_87 = arith.constant 257 : i32
    %dma_wait3A_88 = arith.constant 0 : i32
    %dma_wait3A_89 = arith.constant 0 : i32
    %dma_wait3A_90 = arith.constant 0 : i32
    %dma_wait3A_91 = arith.constant 0 : i32
    %dma_wait3A_92 = arith.constant 0 : i32
    %dma_wait3A_93 = arith.constant 0 : i32
    %dma_wait3A_94 = tpu.memref_slice %arg10[%dma_wait3A_88, %dma_wait3A_91, %dma_wait3A_92, %dma_wait3A_93] : memref<2x25x1x128xf32, #tpu.memory_space<vmem>> -> memref<1x25x1x128xf32, #tpu.memory_space<vmem>>
    %dma_wait3A_95 = tpu.memref_squeeze %dma_wait3A_94 : memref<1x25x1x128xf32, #tpu.memory_space<vmem>> -> memref<25x1x128xf32, #tpu.memory_space<vmem>>
    %dma_wait3A_96 = arith.constant 0 : i32
    %dma_wait3A_97 = arith.constant 0 : i32
    %dma_wait3A_98 = arith.constant 0 : i32
    %dma_wait3A_99 = tpu.memref_slice %arg5[%dma_wait3A_89, %dma_wait3A_96, %dma_wait3A_97, %dma_wait3A_98] : memref<4x25x1024x128xf32, #tpu.memory_space<hbm>> -> memref<1x25x1x128xf32, #tpu.memory_space<hbm>>
    %dma_wait3A_100 = tpu.memref_squeeze %dma_wait3A_99 : memref<1x25x1x128xf32, #tpu.memory_space<hbm>> -> memref<25x1x128xf32, #tpu.memory_space<hbm>>
    %dma_wait3A_101 = tpu.memref_slice %arg13[%dma_wait3A_90] : memref<2x!tpu.dma_semaphore, #tpu.memory_space<semaphore_mem>> -> memref<1x!tpu.dma_semaphore, #tpu.memory_space<semaphore_mem>>
    %dma_wait3A_102 = tpu.memref_squeeze %dma_wait3A_101 : memref<1x!tpu.dma_semaphore, #tpu.memory_space<semaphore_mem>> -> memref<!tpu.dma_semaphore, #tpu.memory_space<semaphore_mem>>
    %dma_wait3A_103 = arith.constant 0 : i32
    %dma_wait3A_104 = arith.constant 0 : i32
    %dma_wait3A_105 = arith.constant 0 : i32
    %dma_wait3A_106 = tpu.memref_slice %arg5[%dma_wait3A_89, %dma_wait3A_103, %dma_wait3A_104, %dma_wait3A_105] : memref<4x25x1024x128xf32, #tpu.memory_space<hbm>> -> memref<1x25x1x128xf32, #tpu.memory_space<hbm>>
    %dma_wait3A_107 = tpu.memref_squeeze %dma_wait3A_106 : memref<1x25x1x128xf32, #tpu.memory_space<hbm>> -> memref<25x1x128xf32, #tpu.memory_space<hbm>>
    %dma_wait3A_108 = arith.constant 0 : i32
    %dma_wait3A_109 = arith.constant 0 : i32
    %dma_wait3A_110 = arith.constant 0 : i32
    %dma_wait3A_111 = tpu.memref_slice %arg10[%dma_wait3A_88, %dma_wait3A_108, %dma_wait3A_109, %dma_wait3A_110] : memref<2x25x1x128xf32, #tpu.memory_space<vmem>> -> memref<1x25x1x128xf32, #tpu.memory_space<vmem>>
    %dma_wait3A_112 = tpu.memref_squeeze %dma_wait3A_111 : memref<1x25x1x128xf32, #tpu.memory_space<vmem>> -> memref<25x1x128xf32, #tpu.memory_space<vmem>>
    tpu.wait_dma2 semaphore(%dma_wait3A_102 : memref<!tpu.dma_semaphore, #tpu.memory_space<semaphore_mem>>) src(%dma_wait3A_112 : memref<25x1x128xf32, #tpu.memory_space<vmem>>) dst(%dma_wait3A_107 : memref<25x1x128xf32, #tpu.memory_space<hbm>>)
    %dma_wait3A_113 = arith.constant 1 : i32
    %dma_wait3A_114 = arith.constant 0 : i32
    %dma_wait3A_115 = arith.constant 1 : i32
    %dma_wait3A_116 = arith.constant 0 : i32
    %dma_wait3A_117 = arith.constant 0 : i32
    %dma_wait3A_118 = arith.constant 0 : i32
    %dma_wait3A_119 = tpu.memref_slice %arg10[%dma_wait3A_113, %dma_wait3A_116, %dma_wait3A_117, %dma_wait3A_118] : memref<2x25x1x128xf32, #tpu.memory_space<vmem>> -> memref<1x25x1x128xf32, #tpu.memory_space<vmem>>
    %dma_wait3A_120 = tpu.memref_squeeze %dma_wait3A_119 : memref<1x25x1x128xf32, #tpu.memory_space<vmem>> -> memref<25x1x128xf32, #tpu.memory_space<vmem>>
    %dma_wait3A_121 = arith.constant 0 : i32
    %dma_wait3A_122 = arith.constant 0 : i32
    %dma_wait3A_123 = arith.constant 0 : i32
    %dma_wait3A_124 = tpu.memref_slice %arg5[%dma_wait3A_114, %dma_wait3A_121, %dma_wait3A_122, %dma_wait3A_123] : memref<4x25x1024x128xf32, #tpu.memory_space<hbm>> -> memref<1x25x1x128xf32, #tpu.memory_space<hbm>>
    %dma_wait3A_125 = tpu.memref_squeeze %dma_wait3A_124 : memref<1x25x1x128xf32, #tpu.memory_space<hbm>> -> memref<25x1x128xf32, #tpu.memory_space<hbm>>
    %dma_wait3A_126 = tpu.memref_slice %arg13[%dma_wait3A_115] : memref<2x!tpu.dma_semaphore, #tpu.memory_space<semaphore_mem>> -> memref<1x!tpu.dma_semaphore, #tpu.memory_space<semaphore_mem>>
    %dma_wait3A_127 = tpu.memref_squeeze %dma_wait3A_126 : memref<1x!tpu.dma_semaphore, #tpu.memory_space<semaphore_mem>> -> memref<!tpu.dma_semaphore, #tpu.memory_space<semaphore_mem>>
    %dma_wait3A_128 = arith.constant 0 : i32
    %dma_wait3A_129 = arith.constant 0 : i32
    %dma_wait3A_130 = arith.constant 0 : i32
    %dma_wait3A_131 = tpu.memref_slice %arg5[%dma_wait3A_114, %dma_wait3A_128, %dma_wait3A_129, %dma_wait3A_130] : memref<4x25x1024x128xf32, #tpu.memory_space<hbm>> -> memref<1x25x1x128xf32, #tpu.memory_space<hbm>>
    %dma_wait3A_132 = tpu.memref_squeeze %dma_wait3A_131 : memref<1x25x1x128xf32, #tpu.memory_space<hbm>> -> memref<25x1x128xf32, #tpu.memory_space<hbm>>
    %dma_wait3A_133 = arith.constant 0 : i32
    %dma_wait3A_134 = arith.constant 0 : i32
    %dma_wait3A_135 = arith.constant 0 : i32
    %dma_wait3A_136 = tpu.memref_slice %arg10[%dma_wait3A_113, %dma_wait3A_133, %dma_wait3A_134, %dma_wait3A_135] : memref<2x25x1x128xf32, #tpu.memory_space<vmem>> -> memref<1x25x1x128xf32, #tpu.memory_space<vmem>>
    %dma_wait3A_137 = tpu.memref_squeeze %dma_wait3A_136 : memref<1x25x1x128xf32, #tpu.memory_space<vmem>> -> memref<25x1x128xf32, #tpu.memory_space<vmem>>
    tpu.wait_dma2 semaphore(%dma_wait3A_127 : memref<!tpu.dma_semaphore, #tpu.memory_space<semaphore_mem>>) src(%dma_wait3A_137 : memref<25x1x128xf32, #tpu.memory_space<vmem>>) dst(%dma_wait3A_132 : memref<25x1x128xf32, #tpu.memory_space<hbm>>)
    return
  }
}

module attributes {stable_mosaic.version = 14 : i64} {
  func.func @_hops_body(%arg0: i32, %arg1: memref<4x25x64x128xf32, #tpu.memory_space<vmem>>, %arg2: memref<4x25x128xf32, #tpu.memory_space<vmem>>, %arg3: memref<64x64xf32, #tpu.memory_space<vmem>>, %arg4: memref<64x64xf32, #tpu.memory_space<vmem>>) attributes {dimension_semantics = [#tpu.dimension_semantics<arbitrary>], iteration_bounds = array<i64: 16>, scalar_prefetch = 0 : i64, scratch_operands = 0 : i64, tpu.core_type = #tpu.core_type<tc>, window_params = [{transform_indices = @transform_0, window_bounds = array<i64: 4, 25, 64, 128>}, {pipeline_mode = #tpu.pipeline_mode<synchronous>, transform_indices = @transform_1, window_bounds = array<i64: 4, 25, 128>}, {transform_indices = @transform_2, window_bounds = array<i64: 64, 64>}, {transform_indices = @transform_3, window_bounds = array<i64: 64, 64>}]} {
    %get3A = arith.constant 0 : index
    %get3A_0 = arith.constant 0 : index
    %get3A_1 = vector.load %arg3[%get3A, %get3A_0] : memref<64x64xf32, #tpu.memory_space<vmem>>, vector<64x64xf32>
    %concatenate3A = tpu.concatenate %get3A_1, %get3A_1 in 1 : vector<64x64xf32>, vector<64x64xf32> -> vector<64x128xf32>
    %get3A_2 = arith.constant 0 : index
    %get3A_3 = arith.constant 0 : index
    %get3A_4 = arith.constant 0 : index
    %get3A_5 = arith.constant 0 : index
    %get3A_6 = vector.load %arg1[%get3A_2, %get3A_3, %get3A_4, %get3A_5] : memref<4x25x64x128xf32, #tpu.memory_space<vmem>>, vector<1x25x64x128xf32>
    %get3A_7 = vector.shape_cast %get3A_6 : vector<1x25x64x128xf32> to vector<25x64x128xf32>
    %get3A_8 = arith.constant 0 : index
    %get3A_9 = arith.constant 0 : index
    %get3A_10 = arith.constant 0 : index
    %get3A_11 = vector.load %arg2[%get3A_8, %get3A_9, %get3A_10] : memref<4x25x128xf32, #tpu.memory_space<vmem>>, vector<1x25x128xf32>
    %get3A_12 = vector.shape_cast %get3A_11 : vector<1x25x128xf32> to vector<25x128xf32>
    %broadcast_in_dim3A = vector.shape_cast %get3A_12 : vector<25x128xf32> to vector<25x1x128xf32>
    %add3A = vector.broadcast %broadcast_in_dim3A : vector<25x1x128xf32> to vector<25x64x128xf32>
    %add3A_13 = arith.addf %get3A_7, %add3A : vector<25x64x128xf32>
    %broadcast_in_dim3A_14 = vector.shape_cast %concatenate3A : vector<64x128xf32> to vector<1x64x128xf32>
    %mul3A = vector.broadcast %broadcast_in_dim3A_14 : vector<1x64x128xf32> to vector<25x64x128xf32>
    %mul3A_15 = arith.mulf %add3A_13, %mul3A : vector<25x64x128xf32>
    %slice3A = vector.extract_strided_slice %mul3A_15 {offsets = [0, 0, 0], sizes = [25, 64, 64], strides = [1, 1, 1]} : vector<25x64x128xf32> to vector<25x64x64xf32>
    %reduce_sum3A = arith.constant dense<0.000000e+00> : vector<25x64xf32>
    %reduce_sum3A_16 = vector.multi_reduction <add>, %slice3A, %reduce_sum3A [2] : vector<25x64x64xf32> to vector<25x64xf32>
    %slice3A_17 = vector.extract_strided_slice %mul3A_15 {offsets = [0, 0, 64], sizes = [25, 64, 64], strides = [1, 1, 1]} : vector<25x64x128xf32> to vector<25x64x64xf32>
    %reduce_sum3A_18 = arith.constant dense<0.000000e+00> : vector<25x64xf32>
    %reduce_sum3A_19 = vector.multi_reduction <add>, %slice3A_17, %reduce_sum3A_18 [2] : vector<25x64x64xf32> to vector<25x64xf32>
    %reduce_max3A = arith.constant dense<0xFF800000> : vector<64xf32>
    %reduce_max3A_20 = vector.multi_reduction <maximumf>, %reduce_sum3A_16, %reduce_max3A [0] : vector<25x64xf32> to vector<64xf32>
    %reduce_max3A_21 = arith.constant dense<0xFF800000> : vector<64xf32>
    %reduce_max3A_22 = vector.multi_reduction <maximumf>, %reduce_sum3A_19, %reduce_max3A_21 [0] : vector<25x64xf32> to vector<64xf32>
    %max3A = arith.maximumf %reduce_max3A_20, %reduce_max3A_22 : vector<64xf32>
    %broadcast_in_dim3A_23 = vector.shape_cast %max3A : vector<64xf32> to vector<1x64xf32>
    %sub3A = vector.broadcast %broadcast_in_dim3A_23 : vector<1x64xf32> to vector<25x64xf32>
    %sub3A_24 = arith.subf %reduce_sum3A_16, %sub3A : vector<25x64xf32>
    %exp3A = math.exp %sub3A_24 : vector<25x64xf32>
    %broadcast_in_dim3A_25 = vector.shape_cast %max3A : vector<64xf32> to vector<1x64xf32>
    %sub3A_26 = vector.broadcast %broadcast_in_dim3A_25 : vector<1x64xf32> to vector<25x64xf32>
    %sub3A_27 = arith.subf %reduce_sum3A_19, %sub3A_26 : vector<25x64xf32>
    %exp3A_28 = math.exp %sub3A_27 : vector<25x64xf32>
    %reduce_sum3A_29 = arith.constant dense<0.000000e+00> : vector<64xf32>
    %reduce_sum3A_30 = vector.multi_reduction <add>, %exp3A, %reduce_sum3A_29 [0] : vector<25x64xf32> to vector<64xf32>
    %reduce_sum3A_31 = arith.constant dense<0.000000e+00> : vector<64xf32>
    %reduce_sum3A_32 = vector.multi_reduction <add>, %exp3A_28, %reduce_sum3A_31 [0] : vector<25x64xf32> to vector<64xf32>
    %add3A_33 = arith.addf %reduce_sum3A_30, %reduce_sum3A_32 : vector<64xf32>
    %broadcast_in_dim3A_34 = vector.shape_cast %add3A_33 : vector<64xf32> to vector<1x64xf32>
    %div3A = vector.broadcast %broadcast_in_dim3A_34 : vector<1x64xf32> to vector<25x64xf32>
    %div3A_35 = arith.divf %exp3A, %div3A : vector<25x64xf32>
    %broadcast_in_dim3A_36 = vector.shape_cast %add3A_33 : vector<64xf32> to vector<1x64xf32>
    %div3A_37 = vector.broadcast %broadcast_in_dim3A_36 : vector<1x64xf32> to vector<25x64xf32>
    %div3A_38 = arith.divf %exp3A_28, %div3A_37 : vector<25x64xf32>
    %get3A_39 = arith.constant 1 : index
    %get3A_40 = arith.constant 0 : index
    %get3A_41 = arith.constant 0 : index
    %get3A_42 = arith.constant 0 : index
    %get3A_43 = vector.load %arg1[%get3A_39, %get3A_40, %get3A_41, %get3A_42] : memref<4x25x64x128xf32, #tpu.memory_space<vmem>>, vector<1x25x64x128xf32>
    %get3A_44 = vector.shape_cast %get3A_43 : vector<1x25x64x128xf32> to vector<25x64x128xf32>
    %get3A_45 = arith.constant 1 : index
    %get3A_46 = arith.constant 0 : index
    %get3A_47 = arith.constant 0 : index
    %get3A_48 = vector.load %arg2[%get3A_45, %get3A_46, %get3A_47] : memref<4x25x128xf32, #tpu.memory_space<vmem>>, vector<1x25x128xf32>
    %get3A_49 = vector.shape_cast %get3A_48 : vector<1x25x128xf32> to vector<25x128xf32>
    %broadcast_in_dim3A_50 = vector.shape_cast %get3A_49 : vector<25x128xf32> to vector<25x1x128xf32>
    %add3A_51 = vector.broadcast %broadcast_in_dim3A_50 : vector<25x1x128xf32> to vector<25x64x128xf32>
    %add3A_52 = arith.addf %get3A_44, %add3A_51 : vector<25x64x128xf32>
    %broadcast_in_dim3A_53 = vector.shape_cast %div3A_35 : vector<25x64xf32> to vector<25x64x1xf32>
    %slice3A_54 = vector.extract_strided_slice %add3A_52 {offsets = [0, 0, 0], sizes = [25, 64, 64], strides = [1, 1, 1]} : vector<25x64x128xf32> to vector<25x64x64xf32>
    %mul3A_55 = vector.broadcast %broadcast_in_dim3A_53 : vector<25x64x1xf32> to vector<25x64x64xf32>
    %mul3A_56 = arith.mulf %mul3A_55, %slice3A_54 : vector<25x64x64xf32>
    %reduce_sum3A_57 = arith.constant dense<0.000000e+00> : vector<64x64xf32>
    %reduce_sum3A_58 = vector.multi_reduction <add>, %mul3A_56, %reduce_sum3A_57 [0] : vector<25x64x64xf32> to vector<64x64xf32>
    %broadcast_in_dim3A_59 = vector.shape_cast %div3A_38 : vector<25x64xf32> to vector<25x64x1xf32>
    %slice3A_60 = vector.extract_strided_slice %add3A_52 {offsets = [0, 0, 64], sizes = [25, 64, 64], strides = [1, 1, 1]} : vector<25x64x128xf32> to vector<25x64x64xf32>
    %mul3A_61 = vector.broadcast %broadcast_in_dim3A_59 : vector<25x64x1xf32> to vector<25x64x64xf32>
    %mul3A_62 = arith.mulf %mul3A_61, %slice3A_60 : vector<25x64x64xf32>
    %reduce_sum3A_63 = arith.constant dense<0.000000e+00> : vector<64x64xf32>
    %reduce_sum3A_64 = vector.multi_reduction <add>, %mul3A_62, %reduce_sum3A_63 [0] : vector<25x64x64xf32> to vector<64x64xf32>
    %add3A_65 = arith.addf %reduce_sum3A_58, %reduce_sum3A_64 : vector<64x64xf32>
    %add3A_66 = arith.addf %get3A_1, %add3A_65 : vector<64x64xf32>
    %concatenate3A_67 = tpu.concatenate %add3A_66, %add3A_66 in 1 : vector<64x64xf32>, vector<64x64xf32> -> vector<64x128xf32>
    %get3A_68 = arith.constant 1 : index
    %get3A_69 = arith.constant 0 : index
    %get3A_70 = arith.constant 0 : index
    %get3A_71 = arith.constant 0 : index
    %get3A_72 = vector.load %arg1[%get3A_68, %get3A_69, %get3A_70, %get3A_71] : memref<4x25x64x128xf32, #tpu.memory_space<vmem>>, vector<1x25x64x128xf32>
    %get3A_73 = vector.shape_cast %get3A_72 : vector<1x25x64x128xf32> to vector<25x64x128xf32>
    %get3A_74 = arith.constant 1 : index
    %get3A_75 = arith.constant 0 : index
    %get3A_76 = arith.constant 0 : index
    %get3A_77 = vector.load %arg2[%get3A_74, %get3A_75, %get3A_76] : memref<4x25x128xf32, #tpu.memory_space<vmem>>, vector<1x25x128xf32>
    %get3A_78 = vector.shape_cast %get3A_77 : vector<1x25x128xf32> to vector<25x128xf32>
    %broadcast_in_dim3A_79 = vector.shape_cast %get3A_78 : vector<25x128xf32> to vector<25x1x128xf32>
    %add3A_80 = vector.broadcast %broadcast_in_dim3A_79 : vector<25x1x128xf32> to vector<25x64x128xf32>
    %add3A_81 = arith.addf %get3A_73, %add3A_80 : vector<25x64x128xf32>
    %broadcast_in_dim3A_82 = vector.shape_cast %concatenate3A_67 : vector<64x128xf32> to vector<1x64x128xf32>
    %mul3A_83 = vector.broadcast %broadcast_in_dim3A_82 : vector<1x64x128xf32> to vector<25x64x128xf32>
    %mul3A_84 = arith.mulf %add3A_81, %mul3A_83 : vector<25x64x128xf32>
    %slice3A_85 = vector.extract_strided_slice %mul3A_84 {offsets = [0, 0, 0], sizes = [25, 64, 64], strides = [1, 1, 1]} : vector<25x64x128xf32> to vector<25x64x64xf32>
    %reduce_sum3A_86 = arith.constant dense<0.000000e+00> : vector<25x64xf32>
    %reduce_sum3A_87 = vector.multi_reduction <add>, %slice3A_85, %reduce_sum3A_86 [2] : vector<25x64x64xf32> to vector<25x64xf32>
    %slice3A_88 = vector.extract_strided_slice %mul3A_84 {offsets = [0, 0, 64], sizes = [25, 64, 64], strides = [1, 1, 1]} : vector<25x64x128xf32> to vector<25x64x64xf32>
    %reduce_sum3A_89 = arith.constant dense<0.000000e+00> : vector<25x64xf32>
    %reduce_sum3A_90 = vector.multi_reduction <add>, %slice3A_88, %reduce_sum3A_89 [2] : vector<25x64x64xf32> to vector<25x64xf32>
    %reduce_max3A_91 = arith.constant dense<0xFF800000> : vector<64xf32>
    %reduce_max3A_92 = vector.multi_reduction <maximumf>, %reduce_sum3A_87, %reduce_max3A_91 [0] : vector<25x64xf32> to vector<64xf32>
    %reduce_max3A_93 = arith.constant dense<0xFF800000> : vector<64xf32>
    %reduce_max3A_94 = vector.multi_reduction <maximumf>, %reduce_sum3A_90, %reduce_max3A_93 [0] : vector<25x64xf32> to vector<64xf32>
    %max3A_95 = arith.maximumf %reduce_max3A_92, %reduce_max3A_94 : vector<64xf32>
    %broadcast_in_dim3A_96 = vector.shape_cast %max3A_95 : vector<64xf32> to vector<1x64xf32>
    %sub3A_97 = vector.broadcast %broadcast_in_dim3A_96 : vector<1x64xf32> to vector<25x64xf32>
    %sub3A_98 = arith.subf %reduce_sum3A_87, %sub3A_97 : vector<25x64xf32>
    %exp3A_99 = math.exp %sub3A_98 : vector<25x64xf32>
    %broadcast_in_dim3A_100 = vector.shape_cast %max3A_95 : vector<64xf32> to vector<1x64xf32>
    %sub3A_101 = vector.broadcast %broadcast_in_dim3A_100 : vector<1x64xf32> to vector<25x64xf32>
    %sub3A_102 = arith.subf %reduce_sum3A_90, %sub3A_101 : vector<25x64xf32>
    %exp3A_103 = math.exp %sub3A_102 : vector<25x64xf32>
    %reduce_sum3A_104 = arith.constant dense<0.000000e+00> : vector<64xf32>
    %reduce_sum3A_105 = vector.multi_reduction <add>, %exp3A_99, %reduce_sum3A_104 [0] : vector<25x64xf32> to vector<64xf32>
    %reduce_sum3A_106 = arith.constant dense<0.000000e+00> : vector<64xf32>
    %reduce_sum3A_107 = vector.multi_reduction <add>, %exp3A_103, %reduce_sum3A_106 [0] : vector<25x64xf32> to vector<64xf32>
    %add3A_108 = arith.addf %reduce_sum3A_105, %reduce_sum3A_107 : vector<64xf32>
    %broadcast_in_dim3A_109 = vector.shape_cast %add3A_108 : vector<64xf32> to vector<1x64xf32>
    %div3A_110 = vector.broadcast %broadcast_in_dim3A_109 : vector<1x64xf32> to vector<25x64xf32>
    %div3A_111 = arith.divf %exp3A_99, %div3A_110 : vector<25x64xf32>
    %broadcast_in_dim3A_112 = vector.shape_cast %add3A_108 : vector<64xf32> to vector<1x64xf32>
    %div3A_113 = vector.broadcast %broadcast_in_dim3A_112 : vector<1x64xf32> to vector<25x64xf32>
    %div3A_114 = arith.divf %exp3A_103, %div3A_113 : vector<25x64xf32>
    %get3A_115 = arith.constant 2 : index
    %get3A_116 = arith.constant 0 : index
    %get3A_117 = arith.constant 0 : index
    %get3A_118 = arith.constant 0 : index
    %get3A_119 = vector.load %arg1[%get3A_115, %get3A_116, %get3A_117, %get3A_118] : memref<4x25x64x128xf32, #tpu.memory_space<vmem>>, vector<1x25x64x128xf32>
    %get3A_120 = vector.shape_cast %get3A_119 : vector<1x25x64x128xf32> to vector<25x64x128xf32>
    %get3A_121 = arith.constant 2 : index
    %get3A_122 = arith.constant 0 : index
    %get3A_123 = arith.constant 0 : index
    %get3A_124 = vector.load %arg2[%get3A_121, %get3A_122, %get3A_123] : memref<4x25x128xf32, #tpu.memory_space<vmem>>, vector<1x25x128xf32>
    %get3A_125 = vector.shape_cast %get3A_124 : vector<1x25x128xf32> to vector<25x128xf32>
    %broadcast_in_dim3A_126 = vector.shape_cast %get3A_125 : vector<25x128xf32> to vector<25x1x128xf32>
    %add3A_127 = vector.broadcast %broadcast_in_dim3A_126 : vector<25x1x128xf32> to vector<25x64x128xf32>
    %add3A_128 = arith.addf %get3A_120, %add3A_127 : vector<25x64x128xf32>
    %broadcast_in_dim3A_129 = vector.shape_cast %div3A_111 : vector<25x64xf32> to vector<25x64x1xf32>
    %slice3A_130 = vector.extract_strided_slice %add3A_128 {offsets = [0, 0, 0], sizes = [25, 64, 64], strides = [1, 1, 1]} : vector<25x64x128xf32> to vector<25x64x64xf32>
    %mul3A_131 = vector.broadcast %broadcast_in_dim3A_129 : vector<25x64x1xf32> to vector<25x64x64xf32>
    %mul3A_132 = arith.mulf %mul3A_131, %slice3A_130 : vector<25x64x64xf32>
    %reduce_sum3A_133 = arith.constant dense<0.000000e+00> : vector<64x64xf32>
    %reduce_sum3A_134 = vector.multi_reduction <add>, %mul3A_132, %reduce_sum3A_133 [0] : vector<25x64x64xf32> to vector<64x64xf32>
    %broadcast_in_dim3A_135 = vector.shape_cast %div3A_114 : vector<25x64xf32> to vector<25x64x1xf32>
    %slice3A_136 = vector.extract_strided_slice %add3A_128 {offsets = [0, 0, 64], sizes = [25, 64, 64], strides = [1, 1, 1]} : vector<25x64x128xf32> to vector<25x64x64xf32>
    %mul3A_137 = vector.broadcast %broadcast_in_dim3A_135 : vector<25x64x1xf32> to vector<25x64x64xf32>
    %mul3A_138 = arith.mulf %mul3A_137, %slice3A_136 : vector<25x64x64xf32>
    %reduce_sum3A_139 = arith.constant dense<0.000000e+00> : vector<64x64xf32>
    %reduce_sum3A_140 = vector.multi_reduction <add>, %mul3A_138, %reduce_sum3A_139 [0] : vector<25x64x64xf32> to vector<64x64xf32>
    %add3A_141 = arith.addf %reduce_sum3A_134, %reduce_sum3A_140 : vector<64x64xf32>
    %add3A_142 = arith.addf %add3A_66, %add3A_141 : vector<64x64xf32>
    %concatenate3A_143 = tpu.concatenate %add3A_142, %add3A_142 in 1 : vector<64x64xf32>, vector<64x64xf32> -> vector<64x128xf32>
    %get3A_144 = arith.constant 2 : index
    %get3A_145 = arith.constant 0 : index
    %get3A_146 = arith.constant 0 : index
    %get3A_147 = arith.constant 0 : index
    %get3A_148 = vector.load %arg1[%get3A_144, %get3A_145, %get3A_146, %get3A_147] : memref<4x25x64x128xf32, #tpu.memory_space<vmem>>, vector<1x25x64x128xf32>
    %get3A_149 = vector.shape_cast %get3A_148 : vector<1x25x64x128xf32> to vector<25x64x128xf32>
    %get3A_150 = arith.constant 2 : index
    %get3A_151 = arith.constant 0 : index
    %get3A_152 = arith.constant 0 : index
    %get3A_153 = vector.load %arg2[%get3A_150, %get3A_151, %get3A_152] : memref<4x25x128xf32, #tpu.memory_space<vmem>>, vector<1x25x128xf32>
    %get3A_154 = vector.shape_cast %get3A_153 : vector<1x25x128xf32> to vector<25x128xf32>
    %broadcast_in_dim3A_155 = vector.shape_cast %get3A_154 : vector<25x128xf32> to vector<25x1x128xf32>
    %add3A_156 = vector.broadcast %broadcast_in_dim3A_155 : vector<25x1x128xf32> to vector<25x64x128xf32>
    %add3A_157 = arith.addf %get3A_149, %add3A_156 : vector<25x64x128xf32>
    %broadcast_in_dim3A_158 = vector.shape_cast %concatenate3A_143 : vector<64x128xf32> to vector<1x64x128xf32>
    %mul3A_159 = vector.broadcast %broadcast_in_dim3A_158 : vector<1x64x128xf32> to vector<25x64x128xf32>
    %mul3A_160 = arith.mulf %add3A_157, %mul3A_159 : vector<25x64x128xf32>
    %slice3A_161 = vector.extract_strided_slice %mul3A_160 {offsets = [0, 0, 0], sizes = [25, 64, 64], strides = [1, 1, 1]} : vector<25x64x128xf32> to vector<25x64x64xf32>
    %reduce_sum3A_162 = arith.constant dense<0.000000e+00> : vector<25x64xf32>
    %reduce_sum3A_163 = vector.multi_reduction <add>, %slice3A_161, %reduce_sum3A_162 [2] : vector<25x64x64xf32> to vector<25x64xf32>
    %slice3A_164 = vector.extract_strided_slice %mul3A_160 {offsets = [0, 0, 64], sizes = [25, 64, 64], strides = [1, 1, 1]} : vector<25x64x128xf32> to vector<25x64x64xf32>
    %reduce_sum3A_165 = arith.constant dense<0.000000e+00> : vector<25x64xf32>
    %reduce_sum3A_166 = vector.multi_reduction <add>, %slice3A_164, %reduce_sum3A_165 [2] : vector<25x64x64xf32> to vector<25x64xf32>
    %reduce_max3A_167 = arith.constant dense<0xFF800000> : vector<64xf32>
    %reduce_max3A_168 = vector.multi_reduction <maximumf>, %reduce_sum3A_163, %reduce_max3A_167 [0] : vector<25x64xf32> to vector<64xf32>
    %reduce_max3A_169 = arith.constant dense<0xFF800000> : vector<64xf32>
    %reduce_max3A_170 = vector.multi_reduction <maximumf>, %reduce_sum3A_166, %reduce_max3A_169 [0] : vector<25x64xf32> to vector<64xf32>
    %max3A_171 = arith.maximumf %reduce_max3A_168, %reduce_max3A_170 : vector<64xf32>
    %broadcast_in_dim3A_172 = vector.shape_cast %max3A_171 : vector<64xf32> to vector<1x64xf32>
    %sub3A_173 = vector.broadcast %broadcast_in_dim3A_172 : vector<1x64xf32> to vector<25x64xf32>
    %sub3A_174 = arith.subf %reduce_sum3A_163, %sub3A_173 : vector<25x64xf32>
    %exp3A_175 = math.exp %sub3A_174 : vector<25x64xf32>
    %broadcast_in_dim3A_176 = vector.shape_cast %max3A_171 : vector<64xf32> to vector<1x64xf32>
    %sub3A_177 = vector.broadcast %broadcast_in_dim3A_176 : vector<1x64xf32> to vector<25x64xf32>
    %sub3A_178 = arith.subf %reduce_sum3A_166, %sub3A_177 : vector<25x64xf32>
    %exp3A_179 = math.exp %sub3A_178 : vector<25x64xf32>
    %reduce_sum3A_180 = arith.constant dense<0.000000e+00> : vector<64xf32>
    %reduce_sum3A_181 = vector.multi_reduction <add>, %exp3A_175, %reduce_sum3A_180 [0] : vector<25x64xf32> to vector<64xf32>
    %reduce_sum3A_182 = arith.constant dense<0.000000e+00> : vector<64xf32>
    %reduce_sum3A_183 = vector.multi_reduction <add>, %exp3A_179, %reduce_sum3A_182 [0] : vector<25x64xf32> to vector<64xf32>
    %add3A_184 = arith.addf %reduce_sum3A_181, %reduce_sum3A_183 : vector<64xf32>
    %broadcast_in_dim3A_185 = vector.shape_cast %add3A_184 : vector<64xf32> to vector<1x64xf32>
    %div3A_186 = vector.broadcast %broadcast_in_dim3A_185 : vector<1x64xf32> to vector<25x64xf32>
    %div3A_187 = arith.divf %exp3A_175, %div3A_186 : vector<25x64xf32>
    %broadcast_in_dim3A_188 = vector.shape_cast %add3A_184 : vector<64xf32> to vector<1x64xf32>
    %div3A_189 = vector.broadcast %broadcast_in_dim3A_188 : vector<1x64xf32> to vector<25x64xf32>
    %div3A_190 = arith.divf %exp3A_179, %div3A_189 : vector<25x64xf32>
    %get3A_191 = arith.constant 3 : index
    %get3A_192 = arith.constant 0 : index
    %get3A_193 = arith.constant 0 : index
    %get3A_194 = arith.constant 0 : index
    %get3A_195 = vector.load %arg1[%get3A_191, %get3A_192, %get3A_193, %get3A_194] : memref<4x25x64x128xf32, #tpu.memory_space<vmem>>, vector<1x25x64x128xf32>
    %get3A_196 = vector.shape_cast %get3A_195 : vector<1x25x64x128xf32> to vector<25x64x128xf32>
    %get3A_197 = arith.constant 3 : index
    %get3A_198 = arith.constant 0 : index
    %get3A_199 = arith.constant 0 : index
    %get3A_200 = vector.load %arg2[%get3A_197, %get3A_198, %get3A_199] : memref<4x25x128xf32, #tpu.memory_space<vmem>>, vector<1x25x128xf32>
    %get3A_201 = vector.shape_cast %get3A_200 : vector<1x25x128xf32> to vector<25x128xf32>
    %broadcast_in_dim3A_202 = vector.shape_cast %get3A_201 : vector<25x128xf32> to vector<25x1x128xf32>
    %add3A_203 = vector.broadcast %broadcast_in_dim3A_202 : vector<25x1x128xf32> to vector<25x64x128xf32>
    %add3A_204 = arith.addf %get3A_196, %add3A_203 : vector<25x64x128xf32>
    %broadcast_in_dim3A_205 = vector.shape_cast %div3A_187 : vector<25x64xf32> to vector<25x64x1xf32>
    %slice3A_206 = vector.extract_strided_slice %add3A_204 {offsets = [0, 0, 0], sizes = [25, 64, 64], strides = [1, 1, 1]} : vector<25x64x128xf32> to vector<25x64x64xf32>
    %mul3A_207 = vector.broadcast %broadcast_in_dim3A_205 : vector<25x64x1xf32> to vector<25x64x64xf32>
    %mul3A_208 = arith.mulf %mul3A_207, %slice3A_206 : vector<25x64x64xf32>
    %reduce_sum3A_209 = arith.constant dense<0.000000e+00> : vector<64x64xf32>
    %reduce_sum3A_210 = vector.multi_reduction <add>, %mul3A_208, %reduce_sum3A_209 [0] : vector<25x64x64xf32> to vector<64x64xf32>
    %broadcast_in_dim3A_211 = vector.shape_cast %div3A_190 : vector<25x64xf32> to vector<25x64x1xf32>
    %slice3A_212 = vector.extract_strided_slice %add3A_204 {offsets = [0, 0, 64], sizes = [25, 64, 64], strides = [1, 1, 1]} : vector<25x64x128xf32> to vector<25x64x64xf32>
    %mul3A_213 = vector.broadcast %broadcast_in_dim3A_211 : vector<25x64x1xf32> to vector<25x64x64xf32>
    %mul3A_214 = arith.mulf %mul3A_213, %slice3A_212 : vector<25x64x64xf32>
    %reduce_sum3A_215 = arith.constant dense<0.000000e+00> : vector<64x64xf32>
    %reduce_sum3A_216 = vector.multi_reduction <add>, %mul3A_214, %reduce_sum3A_215 [0] : vector<25x64x64xf32> to vector<64x64xf32>
    %add3A_217 = arith.addf %reduce_sum3A_210, %reduce_sum3A_216 : vector<64x64xf32>
    %add3A_218 = arith.addf %add3A_142, %add3A_217 : vector<64x64xf32>
    %swap3A = arith.constant 0 : index
    %swap3A_219 = arith.constant 0 : index
    %swap3A_220 = vector.load %arg4[%swap3A, %swap3A_219] : memref<64x64xf32, #tpu.memory_space<vmem>>, vector<64x64xf32>
    tpu.vector_store %arg4[%swap3A, %swap3A_219], %add3A_218 {strides = array<i32>} : memref<64x64xf32, #tpu.memory_space<vmem>>, vector<64x64xf32>,
    return
  }
  func.func @transform_0(%arg0: i32) -> (i32, i32, i32, i32) {
    %c0_i32 = arith.constant 0 : i32
    %c0_i32_0 = arith.constant 0 : i32
    %c0_i32_1 = arith.constant 0 : i32
    %c0_i32_2 = arith.constant 0 : i32
    return %c0_i32, %c0_i32_0, %arg0, %c0_i32_1 : i32, i32, i32, i32
  }
  func.func @transform_1(%arg0: i32) -> (i32, i32, i32) {
    %c0_i32 = arith.constant 0 : i32
    %c0_i32_0 = arith.constant 0 : i32
    %c0_i32_1 = arith.constant 0 : i32
    %c0_i32_2 = arith.constant 0 : i32
    return %c0_i32, %c0_i32_0, %c0_i32_1 : i32, i32, i32
  }
  func.func @transform_2(%arg0: i32) -> (i32, i32) {
    %c0_i32 = arith.constant 0 : i32
    %c0_i32_0 = arith.constant 0 : i32
    return %arg0, %c0_i32 : i32, i32
  }
  func.func @transform_3(%arg0: i32) -> (i32, i32) {
    %c0_i32 = arith.constant 0 : i32
    %c0_i32_0 = arith.constant 0 : i32
    return %arg0, %c0_i32 : i32, i32
  }
}

module attributes {stable_mosaic.version = 14 : i64} {
  func.func @_stats_body(%arg0: i32, %arg1: memref<1024x64xf32, #tpu.memory_space<vmem>>, %arg2: memref<1x1024x64xf32, #tpu.memory_space<vmem>>, %arg3: memref<672x64xf32, #tpu.memory_space<vmem>>, %arg4: memref<1024x1xf32, #tpu.memory_space<vmem>>, %arg5: memref<1024x1xf32, #tpu.memory_space<vmem>>) attributes {dimension_semantics = [#tpu.dimension_semantics<arbitrary>], iteration_bounds = array<i64: 98>, scalar_prefetch = 0 : i64, scratch_operands = 1 : i64, tpu.core_type = #tpu.core_type<tc>, window_params = [{pipeline_mode = #tpu.pipeline_mode<synchronous>, transform_indices = @transform_0, window_bounds = array<i64: 1024, 64>}, {transform_indices = @transform_1, window_bounds = array<i64: 1, 1024, 64>}, {pipeline_mode = #tpu.pipeline_mode<synchronous>, transform_indices = @transform_2, window_bounds = array<i64: 672, 64>}, {pipeline_mode = #tpu.pipeline_mode<synchronous>, transform_indices = @transform_3, window_bounds = array<i64: 1024, 1>}]} {
    %lt3A = arith.constant 97 : i32
    %lt3A_0 = arith.cmpi slt, %arg0, %lt3A : i32
    %convert_element_type3A = arith.extui %lt3A_0 : i1 to i32
    %cond3A = arith.constant 0 : i32
    %cond3A_1 = arith.cmpi ne, %convert_element_type3A, %cond3A : i32
    scf.if %cond3A_1 {
      %get3A = arith.constant 0 : index
      %get3A_6 = arith.constant 0 : index
      %get3A_7 = vector.load %arg1[%get3A, %get3A_6] : memref<1024x64xf32, #tpu.memory_space<vmem>>, vector<1024x64xf32>
      %get3A_8 = arith.constant 0 : index
      %get3A_9 = arith.constant 0 : index
      %get3A_10 = arith.constant 0 : index
      %get3A_11 = vector.load %arg2[%get3A_8, %get3A_9, %get3A_10] : memref<1x1024x64xf32, #tpu.memory_space<vmem>>, vector<1x1024x64xf32>
      %get3A_12 = vector.shape_cast %get3A_11 : vector<1x1024x64xf32> to vector<1024x64xf32>
      %dot_general3A = arith.constant dense<0.000000e+00> : vector<1024x1024xf32>
      %dot_general3A_13 = tpu.matmul %get3A_7, %get3A_12, %dot_general3A {dimension_numbers = #tpu.dot_dimension_numbers<[1], [1], [0], [0], [0, 0, 1, 0], [], []>, transpose_lhs_hint = false} : vector<1024x64xf32>, vector<1024x64xf32>, vector<1024x1024xf32> -> vector<1024x1024xf32>
      %exp3A = math.exp %dot_general3A_13 : vector<1024x1024xf32>
      %reduce_sum3A = arith.constant dense<0.000000e+00> : vector<1024xf32>
      %reduce_sum3A_14 = vector.multi_reduction <add>, %exp3A, %reduce_sum3A [1] : vector<1024x1024xf32> to vector<1024xf32>
      %broadcast_in_dim3A = vector.shape_cast %reduce_sum3A_14 : vector<1024xf32> to vector<1024x1xf32>
      %eq3A_15 = arith.constant 0 : i32
      %eq3A_16 = arith.cmpi eq, %arg0, %eq3A_15 : i32
      %convert_element_type3A_17 = arith.extui %eq3A_16 : i1 to i32
      %cond3A_18 = arith.constant 0 : i32
      %cond3A_19 = arith.cmpi ne, %convert_element_type3A_17, %cond3A_18 : i32
      scf.if %cond3A_19 {
        %swap3A = arith.constant 0 : index
        %swap3A_24 = arith.constant 0 : index
        %swap3A_25 = vector.load %arg5[%swap3A, %swap3A_24] : memref<1024x1xf32, #tpu.memory_space<vmem>>, vector<1024x1xf32>
        tpu.vector_store %arg5[%swap3A, %swap3A_24], %broadcast_in_dim3A {strides = array<i32>} : memref<1024x1xf32, #tpu.memory_space<vmem>>, vector<1024x1xf32>,
      } else {
      }
      %gt3A = arith.constant 0 : i32
      %gt3A_20 = arith.cmpi sgt, %arg0, %gt3A : i32
      %convert_element_type3A_21 = arith.extui %gt3A_20 : i1 to i32
      %cond3A_22 = arith.constant 0 : i32
      %cond3A_23 = arith.cmpi ne, %convert_element_type3A_21, %cond3A_22 : i32
      scf.if %cond3A_23 {
        %get3A_24 = arith.constant 0 : index
        %get3A_25 = arith.constant 0 : index
        %get3A_26 = vector.load %arg5[%get3A_24, %get3A_25] : memref<1024x1xf32, #tpu.memory_space<vmem>>, vector<1024x1xf32>
        %add3A = arith.addf %get3A_26, %broadcast_in_dim3A : vector<1024x1xf32>
        %swap3A = arith.constant 0 : index
        %swap3A_27 = arith.constant 0 : index
        %swap3A_28 = vector.load %arg5[%swap3A, %swap3A_27] : memref<1024x1xf32, #tpu.memory_space<vmem>>, vector<1024x1xf32>
        tpu.vector_store %arg5[%swap3A, %swap3A_27], %add3A {strides = array<i32>} : memref<1024x1xf32, #tpu.memory_space<vmem>>, vector<1024x1xf32>,
      } else {
      }
    } else {
    }
    %eq3A = arith.constant 97 : i32
    %eq3A_2 = arith.cmpi eq, %arg0, %eq3A : i32
    %convert_element_type3A_3 = arith.extui %eq3A_2 : i1 to i32
    %cond3A_4 = arith.constant 0 : i32
    %cond3A_5 = arith.cmpi ne, %convert_element_type3A_3, %cond3A_4 : i32
    scf.if %cond3A_5 {
      %get3A = arith.constant 0 : index
      %get3A_6 = arith.constant 0 : index
      %get3A_7 = vector.load %arg1[%get3A, %get3A_6] : memref<1024x64xf32, #tpu.memory_space<vmem>>, vector<1024x64xf32>
      %get3A_8 = arith.constant 0 : index
      %get3A_9 = arith.constant 0 : index
      %get3A_10 = vector.load %arg3[%get3A_8, %get3A_9] : memref<672x64xf32, #tpu.memory_space<vmem>>, vector<672x64xf32>
      %dot_general3A = arith.constant dense<0.000000e+00> : vector<1024x672xf32>
      %dot_general3A_11 = tpu.matmul %get3A_7, %get3A_10, %dot_general3A {dimension_numbers = #tpu.dot_dimension_numbers<[1], [1], [0], [0], [0, 0, 1, 0], [], []>, transpose_lhs_hint = false} : vector<1024x64xf32>, vector<672x64xf32>, vector<1024x672xf32> -> vector<1024x672xf32>
      %exp3A = math.exp %dot_general3A_11 : vector<1024x672xf32>
      %reduce_sum3A = arith.constant dense<0.000000e+00> : vector<1024xf32>
      %reduce_sum3A_12 = vector.multi_reduction <add>, %exp3A, %reduce_sum3A [1] : vector<1024x672xf32> to vector<1024xf32>
      %broadcast_in_dim3A = vector.shape_cast %reduce_sum3A_12 : vector<1024xf32> to vector<1024x1xf32>
      %eq3A_13 = arith.constant 0 : i32
      %eq3A_14 = arith.cmpi eq, %arg0, %eq3A_13 : i32
      %convert_element_type3A_15 = arith.extui %eq3A_14 : i1 to i32
      %cond3A_16 = arith.constant 0 : i32
      %cond3A_17 = arith.cmpi ne, %convert_element_type3A_15, %cond3A_16 : i32
      scf.if %cond3A_17 {
        %swap3A_27 = arith.constant 0 : index
        %swap3A_28 = arith.constant 0 : index
        %swap3A_29 = vector.load %arg5[%swap3A_27, %swap3A_28] : memref<1024x1xf32, #tpu.memory_space<vmem>>, vector<1024x1xf32>
        tpu.vector_store %arg5[%swap3A_27, %swap3A_28], %broadcast_in_dim3A {strides = array<i32>} : memref<1024x1xf32, #tpu.memory_space<vmem>>, vector<1024x1xf32>,
      } else {
      }
      %gt3A = arith.constant 0 : i32
      %gt3A_18 = arith.cmpi sgt, %arg0, %gt3A : i32
      %convert_element_type3A_19 = arith.extui %gt3A_18 : i1 to i32
      %cond3A_20 = arith.constant 0 : i32
      %cond3A_21 = arith.cmpi ne, %convert_element_type3A_19, %cond3A_20 : i32
      scf.if %cond3A_21 {
        %get3A_27 = arith.constant 0 : index
        %get3A_28 = arith.constant 0 : index
        %get3A_29 = vector.load %arg5[%get3A_27, %get3A_28] : memref<1024x1xf32, #tpu.memory_space<vmem>>, vector<1024x1xf32>
        %add3A = arith.addf %get3A_29, %broadcast_in_dim3A : vector<1024x1xf32>
        %swap3A_30 = arith.constant 0 : index
        %swap3A_31 = arith.constant 0 : index
        %swap3A_32 = vector.load %arg5[%swap3A_30, %swap3A_31] : memref<1024x1xf32, #tpu.memory_space<vmem>>, vector<1024x1xf32>
        tpu.vector_store %arg5[%swap3A_30, %swap3A_31], %add3A {strides = array<i32>} : memref<1024x1xf32, #tpu.memory_space<vmem>>, vector<1024x1xf32>,
      } else {
      }
      %get3A_22 = arith.constant 0 : index
      %get3A_23 = arith.constant 0 : index
      %get3A_24 = vector.load %arg5[%get3A_22, %get3A_23] : memref<1024x1xf32, #tpu.memory_space<vmem>>, vector<1024x1xf32>
      %swap3A = arith.constant 0 : index
      %swap3A_25 = arith.constant 0 : index
      %swap3A_26 = vector.load %arg4[%swap3A, %swap3A_25] : memref<1024x1xf32, #tpu.memory_space<vmem>>, vector<1024x1xf32>
      tpu.vector_store %arg4[%swap3A, %swap3A_25], %get3A_24 {strides = array<i32>} : memref<1024x1xf32, #tpu.memory_space<vmem>>, vector<1024x1xf32>,
    } else {
    }
    return
  }
  func.func @transform_0(%arg0: i32) -> (i32, i32) {
    %c0_i32 = arith.constant 0 : i32
    %c0_i32_0 = arith.constant 0 : i32
    %c0_i32_1 = arith.constant 0 : i32
    return %c0_i32, %c0_i32_0 : i32, i32
  }
  func.func @transform_1(%arg0: i32) -> (i32, i32, i32) {
    %min3A = arith.constant 96 : i32
    %min3A_0 = arith.minsi %arg0, %min3A : i32
    %c3_i32 = arith.constant 3 : i32
    %c0_i32 = arith.constant 0 : i32
    %c0_i32_1 = arith.constant 0 : i32
    return %c3_i32, %min3A_0, %c0_i32 : i32, i32, i32
  }
  func.func @transform_2(%arg0: i32) -> (i32, i32) {
    %c0_i32 = arith.constant 0 : i32
    %c0_i32_0 = arith.constant 0 : i32
    %c0_i32_1 = arith.constant 0 : i32
    return %c0_i32, %c0_i32_0 : i32, i32
  }
  func.func @transform_3(%arg0: i32) -> (i32, i32) {
    %c0_i32 = arith.constant 0 : i32
    %c0_i32_0 = arith.constant 0 : i32
    %c0_i32_1 = arith.constant 0 : i32
    return %c0_i32, %c0_i32_0 : i32, i32
  }
}

module attributes {stable_mosaic.version = 14 : i64} {
  func.func @_out_body(%arg0: i32, %arg1: memref<1024x64xf32, #tpu.memory_space<vmem>>, %arg2: memref<1x1024x64xf32, #tpu.memory_space<vmem>>, %arg3: memref<672x64xf32, #tpu.memory_space<vmem>>, %arg4: memref<1024x1xf32, #tpu.memory_space<vmem>>, %arg5: memref<1024x100000xf32, #tpu.memory_space<any>>, %arg6: memref<1024x100000xf32, #tpu.memory_space<any>>, %arg7: memref<2x1024x1024xf32, #tpu.memory_space<vmem>>, %arg8: memref<2x1024x1024xf32, #tpu.memory_space<vmem>>, %arg9: memref<1024x672xf32, #tpu.memory_space<vmem>>, %arg10: memref<1024x672xf32, #tpu.memory_space<vmem>>, %arg11: memref<2x!tpu.dma_semaphore, #tpu.memory_space<semaphore_mem>>, %arg12: memref<2x!tpu.dma_semaphore, #tpu.memory_space<semaphore_mem>>, %arg13: memref<!tpu.dma_semaphore, #tpu.memory_space<semaphore_mem>>) attributes {dimension_semantics = [#tpu.dimension_semantics<arbitrary>], iteration_bounds = array<i64: 98>, scalar_prefetch = 0 : i64, scratch_operands = 7 : i64, tpu.core_type = #tpu.core_type<tc>, window_params = [{pipeline_mode = #tpu.pipeline_mode<synchronous>, transform_indices = @transform_0, window_bounds = array<i64: 1024, 64>}, {transform_indices = @transform_1, window_bounds = array<i64: 1, 1024, 64>}, {pipeline_mode = #tpu.pipeline_mode<synchronous>, transform_indices = @transform_2, window_bounds = array<i64: 672, 64>}, {pipeline_mode = #tpu.pipeline_mode<synchronous>, transform_indices = @transform_3, window_bounds = array<i64: 1024, 1>}, {}, {}]} {
    %get3A = arith.constant 0 : index
    %get3A_0 = arith.constant 0 : index
    %get3A_1 = vector.load %arg4[%get3A, %get3A_0] : memref<1024x1xf32, #tpu.memory_space<vmem>>, vector<1024x1xf32>
    %div3A = arith.constant 1.000000e+00 : f32
    %div3A_2 = vector.broadcast %div3A : f32 to vector<1024x1xf32>
    %div3A_3 = arith.divf %div3A_2, %get3A_1 : vector<1024x1xf32>
    %lt3A = arith.constant 97 : i32
    %lt3A_4 = arith.cmpi slt, %arg0, %lt3A : i32
    %convert_element_type3A = arith.extui %lt3A_4 : i1 to i32
    %cond3A = arith.constant 0 : i32
    %cond3A_5 = arith.cmpi ne, %convert_element_type3A, %cond3A : i32
    scf.if %cond3A_5 {
      %get3A_10 = arith.constant 0 : index
      %get3A_11 = arith.constant 0 : index
      %get3A_12 = vector.load %arg1[%get3A_10, %get3A_11] : memref<1024x64xf32, #tpu.memory_space<vmem>>, vector<1024x64xf32>
      %get3A_13 = arith.constant 0 : index
      %get3A_14 = arith.constant 0 : index
      %get3A_15 = arith.constant 0 : index
      %get3A_16 = vector.load %arg2[%get3A_13, %get3A_14, %get3A_15] : memref<1x1024x64xf32, #tpu.memory_space<vmem>>, vector<1x1024x64xf32>
      %get3A_17 = vector.shape_cast %get3A_16 : vector<1x1024x64xf32> to vector<1024x64xf32>
      %dot_general3A = arith.constant dense<0.000000e+00> : vector<1024x1024xf32>
      %dot_general3A_18 = tpu.matmul %get3A_12, %get3A_17, %dot_general3A {dimension_numbers = #tpu.dot_dimension_numbers<[1], [1], [0], [0], [0, 0, 1, 0], [], []>, transpose_lhs_hint = false} : vector<1024x64xf32>, vector<1024x64xf32>, vector<1024x1024xf32> -> vector<1024x1024xf32>
      %exp3A = math.exp %dot_general3A_18 : vector<1024x1024xf32>
      %mul3A = vector.broadcast %div3A_3 : vector<1024x1xf32> to vector<1024x1024xf32>
      %mul3A_19 = arith.mulf %exp3A, %mul3A : vector<1024x1024xf32>
      %jit3A = arith.constant 2 : i32
      %eq3A_20 = arith.constant 0 : i32
      %eq3A_21 = arith.cmpi eq, %jit3A, %eq3A_20 : i32
      %jit3A_22 = arith.constant 1 : i32
      %select_n3A = arith.select %eq3A_21, %jit3A_22, %jit3A : i32
      %rem3A = arith.remsi %arg0, %select_n3A : i32
      %ne3A = arith.constant 0 : i32
      %ne3A_23 = arith.cmpi ne, %rem3A, %ne3A : i32
      %lt3A_24 = arith.constant 0 : i32
      %lt3A_25 = arith.cmpi slt, %rem3A, %lt3A_24 : i32
      %lt3A_26 = arith.constant 0 : i32
      %lt3A_27 = arith.cmpi slt, %select_n3A, %lt3A_26 : i32
      %ne3A_28 = arith.xori %lt3A_25, %lt3A_27 : i1
      %and3A = arith.andi %ne3A_28, %ne3A_23 : i1
      %add3A = arith.addi %rem3A, %select_n3A : i32
      %select_n3A_29 = arith.select %and3A, %add3A, %rem3A : i32
      %eq3A_30 = arith.constant 0 : i32
      %eq3A_31 = arith.cmpi eq, %select_n3A_29, %eq3A_30 : i32
      %convert_element_type3A_32 = arith.extui %eq3A_31 : i1 to i32
      %cond3A_33 = arith.constant 0 : i32
      %cond3A_34 = arith.cmpi ne, %convert_element_type3A_32, %cond3A_33 : i32
      scf.if %cond3A_34 {
        %ge3A = arith.constant 2 : i32
        %ge3A_56 = arith.cmpi sge, %arg0, %ge3A : i32
        %convert_element_type3A_57 = arith.extui %ge3A_56 : i1 to i32
        %cond3A_58 = arith.constant 0 : i32
        %cond3A_59 = arith.cmpi ne, %convert_element_type3A_57, %cond3A_58 : i32
        scf.if %cond3A_59 {
          %sub3A = arith.constant 2 : i32
          %sub3A_92 = arith.subi %arg0, %sub3A : i32
          %mul3A_93 = arith.constant 1024 : i32
          %mul3A_94 = arith.muli %sub3A_92, %mul3A_93 : i32
          %dma_wait3A = arith.constant 0 : i32
          %dma_wait3A_95 = arith.constant 0 : i32
          %dma_wait3A_96 = tpu.memref_slice %arg11[%dma_wait3A_95] : memref<2x!tpu.dma_semaphore, #tpu.memory_space<semaphore_mem>> -> memref<1x!tpu.dma_semaphore, #tpu.memory_space<semaphore_mem>>
          %dma_wait3A_97 = tpu.memref_squeeze %dma_wait3A_96 : memref<1x!tpu.dma_semaphore, #tpu.memory_space<semaphore_mem>> -> memref<!tpu.dma_semaphore, #tpu.memory_space<semaphore_mem>>
          %dma_wait3A_98 = arith.constant 0 : i32
          %dma_wait3A_99 = tpu.memref_slice %arg5[%dma_wait3A_98, %mul3A_94] : memref<1024x100000xf32, #tpu.memory_space<any>> -> memref<1024x1024xf32, #tpu.memory_space<any>>
          %dma_wait3A_100 = arith.constant 0 : i32
          %dma_wait3A_101 = arith.constant 0 : i32
          %dma_wait3A_102 = tpu.memref_slice %arg7[%dma_wait3A, %dma_wait3A_100, %dma_wait3A_101] : memref<2x1024x1024xf32, #tpu.memory_space<vmem>> -> memref<1x1024x1024xf32, #tpu.memory_space<vmem>>
          %dma_wait3A_103 = tpu.memref_squeeze %dma_wait3A_102 : memref<1x1024x1024xf32, #tpu.memory_space<vmem>> -> memref<1024x1024xf32, #tpu.memory_space<vmem>>
          tpu.wait_dma2 semaphore(%dma_wait3A_97 : memref<!tpu.dma_semaphore, #tpu.memory_space<semaphore_mem>>) src(%dma_wait3A_103 : memref<1024x1024xf32, #tpu.memory_space<vmem>>) dst(%dma_wait3A_99 : memref<1024x1024xf32, #tpu.memory_space<any>>)
          %sub3A_104 = arith.constant 2 : i32
          %sub3A_105 = arith.subi %arg0, %sub3A_104 : i32
          %mul3A_106 = arith.constant 1024 : i32
          %mul3A_107 = arith.muli %sub3A_105, %mul3A_106 : i32
          %dma_wait3A_108 = arith.constant 0 : i32
          %dma_wait3A_109 = arith.constant 0 : i32
          %dma_wait3A_110 = tpu.memref_slice %arg12[%dma_wait3A_109] : memref<2x!tpu.dma_semaphore, #tpu.memory_space<semaphore_mem>> -> memref<1x!tpu.dma_semaphore, #tpu.memory_space<semaphore_mem>>
          %dma_wait3A_111 = tpu.memref_squeeze %dma_wait3A_110 : memref<1x!tpu.dma_semaphore, #tpu.memory_space<semaphore_mem>> -> memref<!tpu.dma_semaphore, #tpu.memory_space<semaphore_mem>>
          %dma_wait3A_112 = arith.constant 0 : i32
          %dma_wait3A_113 = tpu.memref_slice %arg6[%dma_wait3A_112, %mul3A_107] : memref<1024x100000xf32, #tpu.memory_space<any>> -> memref<1024x1024xf32, #tpu.memory_space<any>>
          %dma_wait3A_114 = arith.constant 0 : i32
          %dma_wait3A_115 = arith.constant 0 : i32
          %dma_wait3A_116 = tpu.memref_slice %arg8[%dma_wait3A_108, %dma_wait3A_114, %dma_wait3A_115] : memref<2x1024x1024xf32, #tpu.memory_space<vmem>> -> memref<1x1024x1024xf32, #tpu.memory_space<vmem>>
          %dma_wait3A_117 = tpu.memref_squeeze %dma_wait3A_116 : memref<1x1024x1024xf32, #tpu.memory_space<vmem>> -> memref<1024x1024xf32, #tpu.memory_space<vmem>>
          tpu.wait_dma2 semaphore(%dma_wait3A_111 : memref<!tpu.dma_semaphore, #tpu.memory_space<semaphore_mem>>) src(%dma_wait3A_117 : memref<1024x1024xf32, #tpu.memory_space<vmem>>) dst(%dma_wait3A_113 : memref<1024x1024xf32, #tpu.memory_space<any>>)
        } else {
        }
        %swap3A = arith.constant 0 : index
        %swap3A_60 = arith.constant 0 : index
        %swap3A_61 = arith.constant 0 : index
        %swap3A_62 = vector.load %arg7[%swap3A, %swap3A_60, %swap3A_61] : memref<2x1024x1024xf32, #tpu.memory_space<vmem>>, vector<1x1024x1024xf32>
        %swap3A_63 = vector.shape_cast %swap3A_62 : vector<1x1024x1024xf32> to vector<1024x1024xf32>
        %swap3A_64 = vector.shape_cast %dot_general3A_18 : vector<1024x1024xf32> to vector<1x1024x1024xf32>
        tpu.vector_store %arg7[%swap3A, %swap3A_60, %swap3A_61], %swap3A_64 {strides = array<i32>} : memref<2x1024x1024xf32, #tpu.memory_space<vmem>>, vector<1x1024x1024xf32>,
        %swap3A_65 = arith.constant 0 : index
        %swap3A_66 = arith.constant 0 : index
        %swap3A_67 = arith.constant 0 : index
        %swap3A_68 = vector.load %arg8[%swap3A_65, %swap3A_66, %swap3A_67] : memref<2x1024x1024xf32, #tpu.memory_space<vmem>>, vector<1x1024x1024xf32>
        %swap3A_69 = vector.shape_cast %swap3A_68 : vector<1x1024x1024xf32> to vector<1024x1024xf32>
        %swap3A_70 = vector.shape_cast %mul3A_19 : vector<1024x1024xf32> to vector<1x1024x1024xf32>
        tpu.vector_store %arg8[%swap3A_65, %swap3A_66, %swap3A_67], %swap3A_70 {strides = array<i32>} : memref<2x1024x1024xf32, #tpu.memory_space<vmem>>, vector<1x1024x1024xf32>,
        %mul3A_71 = arith.constant 1024 : i32
        %mul3A_72 = arith.muli %arg0, %mul3A_71 : i32
        %multiple_of3A = tpu.assume_multiple %mul3A_72, 128 : i32
        %dma_start3A = arith.constant 0 : i32
        %dma_start3A_73 = arith.constant 0 : i32
        %dma_start3A_74 = tpu.memref_slice %arg11[%dma_start3A_73] : memref<2x!tpu.dma_semaphore, #tpu.memory_space<semaphore_mem>> -> memref<1x!tpu.dma_semaphore, #tpu.memory_space<semaphore_mem>>
        %dma_start3A_75 = tpu.memref_squeeze %dma_start3A_74 : memref<1x!tpu.dma_semaphore, #tpu.memory_space<semaphore_mem>> -> memref<!tpu.dma_semaphore, #tpu.memory_space<semaphore_mem>>
        %dma_start3A_76 = arith.constant 0 : i32
        %dma_start3A_77 = tpu.memref_slice %arg5[%dma_start3A_76, %multiple_of3A] : memref<1024x100000xf32, #tpu.memory_space<any>> -> memref<1024x1024xf32, #tpu.memory_space<any>>
        %dma_start3A_78 = arith.constant 0 : i32
        %dma_start3A_79 = arith.constant 0 : i32
        %dma_start3A_80 = tpu.memref_slice %arg7[%dma_start3A, %dma_start3A_78, %dma_start3A_79] : memref<2x1024x1024xf32, #tpu.memory_space<vmem>> -> memref<1x1024x1024xf32, #tpu.memory_space<vmem>>
        %dma_start3A_81 = tpu.memref_squeeze %dma_start3A_80 : memref<1x1024x1024xf32, #tpu.memory_space<vmem>> -> memref<1024x1024xf32, #tpu.memory_space<vmem>>
        tpu.enqueue_dma source(%dma_start3A_81 : memref<1024x1024xf32, #tpu.memory_space<vmem>>) target(%dma_start3A_77 : memref<1024x1024xf32, #tpu.memory_space<any>>) target_semaphore(%dma_start3A_75 : memref<!tpu.dma_semaphore, #tpu.memory_space<semaphore_mem>>)
        %dma_start3A_82 = arith.constant 0 : i32
        %dma_start3A_83 = arith.constant 0 : i32
        %dma_start3A_84 = tpu.memref_slice %arg12[%dma_start3A_83] : memref<2x!tpu.dma_semaphore, #tpu.memory_space<semaphore_mem>> -> memref<1x!tpu.dma_semaphore, #tpu.memory_space<semaphore_mem>>
        %dma_start3A_85 = tpu.memref_squeeze %dma_start3A_84 : memref<1x!tpu.dma_semaphore, #tpu.memory_space<semaphore_mem>> -> memref<!tpu.dma_semaphore, #tpu.memory_space<semaphore_mem>>
        %dma_start3A_86 = arith.constant 0 : i32
        %dma_start3A_87 = tpu.memref_slice %arg6[%dma_start3A_86, %multiple_of3A] : memref<1024x100000xf32, #tpu.memory_space<any>> -> memref<1024x1024xf32, #tpu.memory_space<any>>
        %dma_start3A_88 = arith.constant 0 : i32
        %dma_start3A_89 = arith.constant 0 : i32
        %dma_start3A_90 = tpu.memref_slice %arg8[%dma_start3A_82, %dma_start3A_88, %dma_start3A_89] : memref<2x1024x1024xf32, #tpu.memory_space<vmem>> -> memref<1x1024x1024xf32, #tpu.memory_space<vmem>>
        %dma_start3A_91 = tpu.memref_squeeze %dma_start3A_90 : memref<1x1024x1024xf32, #tpu.memory_space<vmem>> -> memref<1024x1024xf32, #tpu.memory_space<vmem>>
        tpu.enqueue_dma source(%dma_start3A_91 : memref<1024x1024xf32, #tpu.memory_space<vmem>>) target(%dma_start3A_87 : memref<1024x1024xf32, #tpu.memory_space<any>>) target_semaphore(%dma_start3A_85 : memref<!tpu.dma_semaphore, #tpu.memory_space<semaphore_mem>>)
      } else {
      }
      %jit3A_35 = arith.constant 2 : i32
      %eq3A_36 = arith.constant 0 : i32
      %eq3A_37 = arith.cmpi eq, %jit3A_35, %eq3A_36 : i32
      %jit3A_38 = arith.constant 1 : i32
      %select_n3A_39 = arith.select %eq3A_37, %jit3A_38, %jit3A_35 : i32
      %rem3A_40 = arith.remsi %arg0, %select_n3A_39 : i32
      %ne3A_41 = arith.constant 0 : i32
      %ne3A_42 = arith.cmpi ne, %rem3A_40, %ne3A_41 : i32
      %lt3A_43 = arith.constant 0 : i32
      %lt3A_44 = arith.cmpi slt, %rem3A_40, %lt3A_43 : i32
      %lt3A_45 = arith.constant 0 : i32
      %lt3A_46 = arith.cmpi slt, %select_n3A_39, %lt3A_45 : i32
      %ne3A_47 = arith.xori %lt3A_44, %lt3A_46 : i1
      %and3A_48 = arith.andi %ne3A_47, %ne3A_42 : i1
      %add3A_49 = arith.addi %rem3A_40, %select_n3A_39 : i32
      %select_n3A_50 = arith.select %and3A_48, %add3A_49, %rem3A_40 : i32
      %eq3A_51 = arith.constant 1 : i32
      %eq3A_52 = arith.cmpi eq, %select_n3A_50, %eq3A_51 : i32
      %convert_element_type3A_53 = arith.extui %eq3A_52 : i1 to i32
      %cond3A_54 = arith.constant 0 : i32
      %cond3A_55 = arith.cmpi ne, %convert_element_type3A_53, %cond3A_54 : i32
      scf.if %cond3A_55 {
        %ge3A = arith.constant 2 : i32
        %ge3A_56 = arith.cmpi sge, %arg0, %ge3A : i32
        %convert_element_type3A_57 = arith.extui %ge3A_56 : i1 to i32
        %cond3A_58 = arith.constant 0 : i32
        %cond3A_59 = arith.cmpi ne, %convert_element_type3A_57, %cond3A_58 : i32
        scf.if %cond3A_59 {
          %sub3A = arith.constant 2 : i32
          %sub3A_92 = arith.subi %arg0, %sub3A : i32
          %mul3A_93 = arith.constant 1024 : i32
          %mul3A_94 = arith.muli %sub3A_92, %mul3A_93 : i32
          %dma_wait3A = arith.constant 1 : i32
          %dma_wait3A_95 = arith.constant 1 : i32
          %dma_wait3A_96 = tpu.memref_slice %arg11[%dma_wait3A_95] : memref<2x!tpu.dma_semaphore, #tpu.memory_space<semaphore_mem>> -> memref<1x!tpu.dma_semaphore, #tpu.memory_space<semaphore_mem>>
          %dma_wait3A_97 = tpu.memref_squeeze %dma_wait3A_96 : memref<1x!tpu.dma_semaphore, #tpu.memory_space<semaphore_mem>> -> memref<!tpu.dma_semaphore, #tpu.memory_space<semaphore_mem>>
          %dma_wait3A_98 = arith.constant 0 : i32
          %dma_wait3A_99 = tpu.memref_slice %arg5[%dma_wait3A_98, %mul3A_94] : memref<1024x100000xf32, #tpu.memory_space<any>> -> memref<1024x1024xf32, #tpu.memory_space<any>>
          %dma_wait3A_100 = arith.constant 0 : i32
          %dma_wait3A_101 = arith.constant 0 : i32
          %dma_wait3A_102 = tpu.memref_slice %arg7[%dma_wait3A, %dma_wait3A_100, %dma_wait3A_101] : memref<2x1024x1024xf32, #tpu.memory_space<vmem>> -> memref<1x1024x1024xf32, #tpu.memory_space<vmem>>
          %dma_wait3A_103 = tpu.memref_squeeze %dma_wait3A_102 : memref<1x1024x1024xf32, #tpu.memory_space<vmem>> -> memref<1024x1024xf32, #tpu.memory_space<vmem>>
          tpu.wait_dma2 semaphore(%dma_wait3A_97 : memref<!tpu.dma_semaphore, #tpu.memory_space<semaphore_mem>>) src(%dma_wait3A_103 : memref<1024x1024xf32, #tpu.memory_space<vmem>>) dst(%dma_wait3A_99 : memref<1024x1024xf32, #tpu.memory_space<any>>)
          %sub3A_104 = arith.constant 2 : i32
          %sub3A_105 = arith.subi %arg0, %sub3A_104 : i32
          %mul3A_106 = arith.constant 1024 : i32
          %mul3A_107 = arith.muli %sub3A_105, %mul3A_106 : i32
          %dma_wait3A_108 = arith.constant 1 : i32
          %dma_wait3A_109 = arith.constant 1 : i32
          %dma_wait3A_110 = tpu.memref_slice %arg12[%dma_wait3A_109] : memref<2x!tpu.dma_semaphore, #tpu.memory_space<semaphore_mem>> -> memref<1x!tpu.dma_semaphore, #tpu.memory_space<semaphore_mem>>
          %dma_wait3A_111 = tpu.memref_squeeze %dma_wait3A_110 : memref<1x!tpu.dma_semaphore, #tpu.memory_space<semaphore_mem>> -> memref<!tpu.dma_semaphore, #tpu.memory_space<semaphore_mem>>
          %dma_wait3A_112 = arith.constant 0 : i32
          %dma_wait3A_113 = tpu.memref_slice %arg6[%dma_wait3A_112, %mul3A_107] : memref<1024x100000xf32, #tpu.memory_space<any>> -> memref<1024x1024xf32, #tpu.memory_space<any>>
          %dma_wait3A_114 = arith.constant 0 : i32
          %dma_wait3A_115 = arith.constant 0 : i32
          %dma_wait3A_116 = tpu.memref_slice %arg8[%dma_wait3A_108, %dma_wait3A_114, %dma_wait3A_115] : memref<2x1024x1024xf32, #tpu.memory_space<vmem>> -> memref<1x1024x1024xf32, #tpu.memory_space<vmem>>
          %dma_wait3A_117 = tpu.memref_squeeze %dma_wait3A_116 : memref<1x1024x1024xf32, #tpu.memory_space<vmem>> -> memref<1024x1024xf32, #tpu.memory_space<vmem>>
          tpu.wait_dma2 semaphore(%dma_wait3A_111 : memref<!tpu.dma_semaphore, #tpu.memory_space<semaphore_mem>>) src(%dma_wait3A_117 : memref<1024x1024xf32, #tpu.memory_space<vmem>>) dst(%dma_wait3A_113 : memref<1024x1024xf32, #tpu.memory_space<any>>)
        } else {
        }
        %swap3A = arith.constant 1 : index
        %swap3A_60 = arith.constant 0 : index
        %swap3A_61 = arith.constant 0 : index
        %swap3A_62 = vector.load %arg7[%swap3A, %swap3A_60, %swap3A_61] : memref<2x1024x1024xf32, #tpu.memory_space<vmem>>, vector<1x1024x1024xf32>
        %swap3A_63 = vector.shape_cast %swap3A_62 : vector<1x1024x1024xf32> to vector<1024x1024xf32>
        %swap3A_64 = vector.shape_cast %dot_general3A_18 : vector<1024x1024xf32> to vector<1x1024x1024xf32>
        tpu.vector_store %arg7[%swap3A, %swap3A_60, %swap3A_61], %swap3A_64 {strides = array<i32>} : memref<2x1024x1024xf32, #tpu.memory_space<vmem>>, vector<1x1024x1024xf32>,
        %swap3A_65 = arith.constant 1 : index
        %swap3A_66 = arith.constant 0 : index
        %swap3A_67 = arith.constant 0 : index
        %swap3A_68 = vector.load %arg8[%swap3A_65, %swap3A_66, %swap3A_67] : memref<2x1024x1024xf32, #tpu.memory_space<vmem>>, vector<1x1024x1024xf32>
        %swap3A_69 = vector.shape_cast %swap3A_68 : vector<1x1024x1024xf32> to vector<1024x1024xf32>
        %swap3A_70 = vector.shape_cast %mul3A_19 : vector<1024x1024xf32> to vector<1x1024x1024xf32>
        tpu.vector_store %arg8[%swap3A_65, %swap3A_66, %swap3A_67], %swap3A_70 {strides = array<i32>} : memref<2x1024x1024xf32, #tpu.memory_space<vmem>>, vector<1x1024x1024xf32>,
        %mul3A_71 = arith.constant 1024 : i32
        %mul3A_72 = arith.muli %arg0, %mul3A_71 : i32
        %multiple_of3A = tpu.assume_multiple %mul3A_72, 128 : i32
        %dma_start3A = arith.constant 1 : i32
        %dma_start3A_73 = arith.constant 1 : i32
        %dma_start3A_74 = tpu.memref_slice %arg11[%dma_start3A_73] : memref<2x!tpu.dma_semaphore, #tpu.memory_space<semaphore_mem>> -> memref<1x!tpu.dma_semaphore, #tpu.memory_space<semaphore_mem>>
        %dma_start3A_75 = tpu.memref_squeeze %dma_start3A_74 : memref<1x!tpu.dma_semaphore, #tpu.memory_space<semaphore_mem>> -> memref<!tpu.dma_semaphore, #tpu.memory_space<semaphore_mem>>
        %dma_start3A_76 = arith.constant 0 : i32
        %dma_start3A_77 = tpu.memref_slice %arg5[%dma_start3A_76, %multiple_of3A] : memref<1024x100000xf32, #tpu.memory_space<any>> -> memref<1024x1024xf32, #tpu.memory_space<any>>
        %dma_start3A_78 = arith.constant 0 : i32
        %dma_start3A_79 = arith.constant 0 : i32
        %dma_start3A_80 = tpu.memref_slice %arg7[%dma_start3A, %dma_start3A_78, %dma_start3A_79] : memref<2x1024x1024xf32, #tpu.memory_space<vmem>> -> memref<1x1024x1024xf32, #tpu.memory_space<vmem>>
        %dma_start3A_81 = tpu.memref_squeeze %dma_start3A_80 : memref<1x1024x1024xf32, #tpu.memory_space<vmem>> -> memref<1024x1024xf32, #tpu.memory_space<vmem>>
        tpu.enqueue_dma source(%dma_start3A_81 : memref<1024x1024xf32, #tpu.memory_space<vmem>>) target(%dma_start3A_77 : memref<1024x1024xf32, #tpu.memory_space<any>>) target_semaphore(%dma_start3A_75 : memref<!tpu.dma_semaphore, #tpu.memory_space<semaphore_mem>>)
        %dma_start3A_82 = arith.constant 1 : i32
        %dma_start3A_83 = arith.constant 1 : i32
        %dma_start3A_84 = tpu.memref_slice %arg12[%dma_start3A_83] : memref<2x!tpu.dma_semaphore, #tpu.memory_space<semaphore_mem>> -> memref<1x!tpu.dma_semaphore, #tpu.memory_space<semaphore_mem>>
        %dma_start3A_85 = tpu.memref_squeeze %dma_start3A_84 : memref<1x!tpu.dma_semaphore, #tpu.memory_space<semaphore_mem>> -> memref<!tpu.dma_semaphore, #tpu.memory_space<semaphore_mem>>
        %dma_start3A_86 = arith.constant 0 : i32
        %dma_start3A_87 = tpu.memref_slice %arg6[%dma_start3A_86, %multiple_of3A] : memref<1024x100000xf32, #tpu.memory_space<any>> -> memref<1024x1024xf32, #tpu.memory_space<any>>
        %dma_start3A_88 = arith.constant 0 : i32
        %dma_start3A_89 = arith.constant 0 : i32
        %dma_start3A_90 = tpu.memref_slice %arg8[%dma_start3A_82, %dma_start3A_88, %dma_start3A_89] : memref<2x1024x1024xf32, #tpu.memory_space<vmem>> -> memref<1x1024x1024xf32, #tpu.memory_space<vmem>>
        %dma_start3A_91 = tpu.memref_squeeze %dma_start3A_90 : memref<1x1024x1024xf32, #tpu.memory_space<vmem>> -> memref<1024x1024xf32, #tpu.memory_space<vmem>>
        tpu.enqueue_dma source(%dma_start3A_91 : memref<1024x1024xf32, #tpu.memory_space<vmem>>) target(%dma_start3A_87 : memref<1024x1024xf32, #tpu.memory_space<any>>) target_semaphore(%dma_start3A_85 : memref<!tpu.dma_semaphore, #tpu.memory_space<semaphore_mem>>)
      } else {
      }
    } else {
    }
    %eq3A = arith.constant 97 : i32
    %eq3A_6 = arith.cmpi eq, %arg0, %eq3A : i32
    %convert_element_type3A_7 = arith.extui %eq3A_6 : i1 to i32
    %cond3A_8 = arith.constant 0 : i32
    %cond3A_9 = arith.cmpi ne, %convert_element_type3A_7, %cond3A_8 : i32
    scf.if %cond3A_9 {
      %get3A_10 = arith.constant 0 : index
      %get3A_11 = arith.constant 0 : index
      %get3A_12 = vector.load %arg1[%get3A_10, %get3A_11] : memref<1024x64xf32, #tpu.memory_space<vmem>>, vector<1024x64xf32>
      %get3A_13 = arith.constant 0 : index
      %get3A_14 = arith.constant 0 : index
      %get3A_15 = vector.load %arg3[%get3A_13, %get3A_14] : memref<672x64xf32, #tpu.memory_space<vmem>>, vector<672x64xf32>
      %dot_general3A = arith.constant dense<0.000000e+00> : vector<1024x672xf32>
      %dot_general3A_16 = tpu.matmul %get3A_12, %get3A_15, %dot_general3A {dimension_numbers = #tpu.dot_dimension_numbers<[1], [1], [0], [0], [0, 0, 1, 0], [], []>, transpose_lhs_hint = false} : vector<1024x64xf32>, vector<672x64xf32>, vector<1024x672xf32> -> vector<1024x672xf32>
      %swap3A = arith.constant 0 : index
      %swap3A_17 = arith.constant 0 : index
      %swap3A_18 = vector.load %arg9[%swap3A, %swap3A_17] : memref<1024x672xf32, #tpu.memory_space<vmem>>, vector<1024x672xf32>
      tpu.vector_store %arg9[%swap3A, %swap3A_17], %dot_general3A_16 {strides = array<i32>} : memref<1024x672xf32, #tpu.memory_space<vmem>>, vector<1024x672xf32>,
      %exp3A = math.exp %dot_general3A_16 : vector<1024x672xf32>
      %mul3A = vector.broadcast %div3A_3 : vector<1024x1xf32> to vector<1024x672xf32>
      %mul3A_19 = arith.mulf %exp3A, %mul3A : vector<1024x672xf32>
      %swap3A_20 = arith.constant 0 : index
      %swap3A_21 = arith.constant 0 : index
      %swap3A_22 = vector.load %arg10[%swap3A_20, %swap3A_21] : memref<1024x672xf32, #tpu.memory_space<vmem>>, vector<1024x672xf32>
      tpu.vector_store %arg10[%swap3A_20, %swap3A_21], %mul3A_19 {strides = array<i32>} : memref<1024x672xf32, #tpu.memory_space<vmem>>, vector<1024x672xf32>,
      %dma_start3A = arith.constant 0 : i32
      %dma_start3A_23 = arith.constant 99328 : i32
      %dma_start3A_24 = tpu.memref_slice %arg5[%dma_start3A, %dma_start3A_23] : memref<1024x100000xf32, #tpu.memory_space<any>> -> memref<1024x672xf32, #tpu.memory_space<any>>
      tpu.enqueue_dma source(%arg9 : memref<1024x672xf32, #tpu.memory_space<vmem>>) target(%dma_start3A_24 : memref<1024x672xf32, #tpu.memory_space<any>>) target_semaphore(%arg13 : memref<!tpu.dma_semaphore, #tpu.memory_space<semaphore_mem>>)
      %dma_start3A_25 = arith.constant 0 : i32
      %dma_start3A_26 = arith.constant 99328 : i32
      %dma_start3A_27 = tpu.memref_slice %arg6[%dma_start3A_25, %dma_start3A_26] : memref<1024x100000xf32, #tpu.memory_space<any>> -> memref<1024x672xf32, #tpu.memory_space<any>>
      tpu.enqueue_dma source(%arg10 : memref<1024x672xf32, #tpu.memory_space<vmem>>) target(%dma_start3A_27 : memref<1024x672xf32, #tpu.memory_space<any>>) target_semaphore(%arg13 : memref<!tpu.dma_semaphore, #tpu.memory_space<semaphore_mem>>)
      %sub3A = arith.constant 2 : i32
      %sub3A_28 = arith.subi %arg0, %sub3A : i32
      %sub3A_29 = arith.constant 1 : i32
      %sub3A_30 = arith.subi %arg0, %sub3A_29 : i32
      %jit3A = arith.constant 2 : i32
      %eq3A_31 = arith.constant 0 : i32
      %eq3A_32 = arith.cmpi eq, %jit3A, %eq3A_31 : i32
      %jit3A_33 = arith.constant 1 : i32
      %select_n3A = arith.select %eq3A_32, %jit3A_33, %jit3A : i32
      %rem3A = arith.remsi %sub3A_28, %select_n3A : i32
      %ne3A = arith.constant 0 : i32
      %ne3A_34 = arith.cmpi ne, %rem3A, %ne3A : i32
      %lt3A_35 = arith.constant 0 : i32
      %lt3A_36 = arith.cmpi slt, %rem3A, %lt3A_35 : i32
      %lt3A_37 = arith.constant 0 : i32
      %lt3A_38 = arith.cmpi slt, %select_n3A, %lt3A_37 : i32
      %ne3A_39 = arith.xori %lt3A_36, %lt3A_38 : i1
      %and3A = arith.andi %ne3A_39, %ne3A_34 : i1
      %add3A = arith.addi %rem3A, %select_n3A : i32
      %select_n3A_40 = arith.select %and3A, %add3A, %rem3A : i32
      %mul3A_41 = arith.constant 1024 : i32
      %mul3A_42 = arith.muli %sub3A_28, %mul3A_41 : i32
      %dma_wait3A = tpu.memref_slice %arg11[%select_n3A_40] : memref<2x!tpu.dma_semaphore, #tpu.memory_space<semaphore_mem>> -> memref<1x!tpu.dma_semaphore, #tpu.memory_space<semaphore_mem>>
      %dma_wait3A_43 = tpu.memref_squeeze %dma_wait3A : memref<1x!tpu.dma_semaphore, #tpu.memory_space<semaphore_mem>> -> memref<!tpu.dma_semaphore, #tpu.memory_space<semaphore_mem>>
      %dma_wait3A_44 = arith.constant 0 : i32
      %dma_wait3A_45 = tpu.memref_slice %arg5[%dma_wait3A_44, %mul3A_42] : memref<1024x100000xf32, #tpu.memory_space<any>> -> memref<1024x1024xf32, #tpu.memory_space<any>>
      %dma_wait3A_46 = arith.constant 0 : i32
      %dma_wait3A_47 = arith.constant 0 : i32
      %dma_wait3A_48 = tpu.memref_slice %arg7[%select_n3A_40, %dma_wait3A_46, %dma_wait3A_47] : memref<2x1024x1024xf32, #tpu.memory_space<vmem>> -> memref<1x1024x1024xf32, #tpu.memory_space<vmem>>
      %dma_wait3A_49 = tpu.memref_squeeze %dma_wait3A_48 : memref<1x1024x1024xf32, #tpu.memory_space<vmem>> -> memref<1024x1024xf32, #tpu.memory_space<vmem>>
      tpu.wait_dma2 semaphore(%dma_wait3A_43 : memref<!tpu.dma_semaphore, #tpu.memory_space<semaphore_mem>>) src(%dma_wait3A_49 : memref<1024x1024xf32, #tpu.memory_space<vmem>>) dst(%dma_wait3A_45 : memref<1024x1024xf32, #tpu.memory_space<any>>)
      %mul3A_50 = arith.constant 1024 : i32
      %mul3A_51 = arith.muli %sub3A_28, %mul3A_50 : i32
      %dma_wait3A_52 = tpu.memref_slice %arg12[%select_n3A_40] : memref<2x!tpu.dma_semaphore, #tpu.memory_space<semaphore_mem>> -> memref<1x!tpu.dma_semaphore, #tpu.memory_space<semaphore_mem>>
      %dma_wait3A_53 = tpu.memref_squeeze %dma_wait3A_52 : memref<1x!tpu.dma_semaphore, #tpu.memory_space<semaphore_mem>> -> memref<!tpu.dma_semaphore, #tpu.memory_space<semaphore_mem>>
      %dma_wait3A_54 = arith.constant 0 : i32
      %dma_wait3A_55 = tpu.memref_slice %arg6[%dma_wait3A_54, %mul3A_51] : memref<1024x100000xf32, #tpu.memory_space<any>> -> memref<1024x1024xf32, #tpu.memory_space<any>>
      %dma_wait3A_56 = arith.constant 0 : i32
      %dma_wait3A_57 = arith.constant 0 : i32
      %dma_wait3A_58 = tpu.memref_slice %arg8[%select_n3A_40, %dma_wait3A_56, %dma_wait3A_57] : memref<2x1024x1024xf32, #tpu.memory_space<vmem>> -> memref<1x1024x1024xf32, #tpu.memory_space<vmem>>
      %dma_wait3A_59 = tpu.memref_squeeze %dma_wait3A_58 : memref<1x1024x1024xf32, #tpu.memory_space<vmem>> -> memref<1024x1024xf32, #tpu.memory_space<vmem>>
      tpu.wait_dma2 semaphore(%dma_wait3A_53 : memref<!tpu.dma_semaphore, #tpu.memory_space<semaphore_mem>>) src(%dma_wait3A_59 : memref<1024x1024xf32, #tpu.memory_space<vmem>>) dst(%dma_wait3A_55 : memref<1024x1024xf32, #tpu.memory_space<any>>)
      %jit3A_60 = arith.constant 2 : i32
      %eq3A_61 = arith.constant 0 : i32
      %eq3A_62 = arith.cmpi eq, %jit3A_60, %eq3A_61 : i32
      %jit3A_63 = arith.constant 1 : i32
      %select_n3A_64 = arith.select %eq3A_62, %jit3A_63, %jit3A_60 : i32
      %rem3A_65 = arith.remsi %sub3A_30, %select_n3A_64 : i32
      %ne3A_66 = arith.constant 0 : i32
      %ne3A_67 = arith.cmpi ne, %rem3A_65, %ne3A_66 : i32
      %lt3A_68 = arith.constant 0 : i32
      %lt3A_69 = arith.cmpi slt, %rem3A_65, %lt3A_68 : i32
      %lt3A_70 = arith.constant 0 : i32
      %lt3A_71 = arith.cmpi slt, %select_n3A_64, %lt3A_70 : i32
      %ne3A_72 = arith.xori %lt3A_69, %lt3A_71 : i1
      %and3A_73 = arith.andi %ne3A_72, %ne3A_67 : i1
      %add3A_74 = arith.addi %rem3A_65, %select_n3A_64 : i32
      %select_n3A_75 = arith.select %and3A_73, %add3A_74, %rem3A_65 : i32
      %mul3A_76 = arith.constant 1024 : i32
      %mul3A_77 = arith.muli %sub3A_30, %mul3A_76 : i32
      %dma_wait3A_78 = tpu.memref_slice %arg11[%select_n3A_75] : memref<2x!tpu.dma_semaphore, #tpu.memory_space<semaphore_mem>> -> memref<1x!tpu.dma_semaphore, #tpu.memory_space<semaphore_mem>>
      %dma_wait3A_79 = tpu.memref_squeeze %dma_wait3A_78 : memref<1x!tpu.dma_semaphore, #tpu.memory_space<semaphore_mem>> -> memref<!tpu.dma_semaphore, #tpu.memory_space<semaphore_mem>>
      %dma_wait3A_80 = arith.constant 0 : i32
      %dma_wait3A_81 = tpu.memref_slice %arg5[%dma_wait3A_80, %mul3A_77] : memref<1024x100000xf32, #tpu.memory_space<any>> -> memref<1024x1024xf32, #tpu.memory_space<any>>
      %dma_wait3A_82 = arith.constant 0 : i32
      %dma_wait3A_83 = arith.constant 0 : i32
      %dma_wait3A_84 = tpu.memref_slice %arg7[%select_n3A_75, %dma_wait3A_82, %dma_wait3A_83] : memref<2x1024x1024xf32, #tpu.memory_space<vmem>> -> memref<1x1024x1024xf32, #tpu.memory_space<vmem>>
      %dma_wait3A_85 = tpu.memref_squeeze %dma_wait3A_84 : memref<1x1024x1024xf32, #tpu.memory_space<vmem>> -> memref<1024x1024xf32, #tpu.memory_space<vmem>>
      tpu.wait_dma2 semaphore(%dma_wait3A_79 : memref<!tpu.dma_semaphore, #tpu.memory_space<semaphore_mem>>) src(%dma_wait3A_85 : memref<1024x1024xf32, #tpu.memory_space<vmem>>) dst(%dma_wait3A_81 : memref<1024x1024xf32, #tpu.memory_space<any>>)
      %mul3A_86 = arith.constant 1024 : i32
      %mul3A_87 = arith.muli %sub3A_30, %mul3A_86 : i32
      %dma_wait3A_88 = tpu.memref_slice %arg12[%select_n3A_75] : memref<2x!tpu.dma_semaphore, #tpu.memory_space<semaphore_mem>> -> memref<1x!tpu.dma_semaphore, #tpu.memory_space<semaphore_mem>>
      %dma_wait3A_89 = tpu.memref_squeeze %dma_wait3A_88 : memref<1x!tpu.dma_semaphore, #tpu.memory_space<semaphore_mem>> -> memref<!tpu.dma_semaphore, #tpu.memory_space<semaphore_mem>>
      %dma_wait3A_90 = arith.constant 0 : i32
      %dma_wait3A_91 = tpu.memref_slice %arg6[%dma_wait3A_90, %mul3A_87] : memref<1024x100000xf32, #tpu.memory_space<any>> -> memref<1024x1024xf32, #tpu.memory_space<any>>
      %dma_wait3A_92 = arith.constant 0 : i32
      %dma_wait3A_93 = arith.constant 0 : i32
      %dma_wait3A_94 = tpu.memref_slice %arg8[%select_n3A_75, %dma_wait3A_92, %dma_wait3A_93] : memref<2x1024x1024xf32, #tpu.memory_space<vmem>> -> memref<1x1024x1024xf32, #tpu.memory_space<vmem>>
      %dma_wait3A_95 = tpu.memref_squeeze %dma_wait3A_94 : memref<1x1024x1024xf32, #tpu.memory_space<vmem>> -> memref<1024x1024xf32, #tpu.memory_space<vmem>>
      tpu.wait_dma2 semaphore(%dma_wait3A_89 : memref<!tpu.dma_semaphore, #tpu.memory_space<semaphore_mem>>) src(%dma_wait3A_95 : memref<1024x1024xf32, #tpu.memory_space<vmem>>) dst(%dma_wait3A_91 : memref<1024x1024xf32, #tpu.memory_space<any>>)
      %dma_wait3A_96 = arith.constant 0 : i32
      %dma_wait3A_97 = arith.constant 99328 : i32
      %dma_wait3A_98 = tpu.memref_slice %arg5[%dma_wait3A_96, %dma_wait3A_97] : memref<1024x100000xf32, #tpu.memory_space<any>> -> memref<1024x672xf32, #tpu.memory_space<any>>
      tpu.wait_dma2 semaphore(%arg13 : memref<!tpu.dma_semaphore, #tpu.memory_space<semaphore_mem>>) src(%arg9 : memref<1024x672xf32, #tpu.memory_space<vmem>>) dst(%dma_wait3A_98 : memref<1024x672xf32, #tpu.memory_space<any>>)
      %dma_wait3A_99 = arith.constant 0 : i32
      %dma_wait3A_100 = arith.constant 99328 : i32
      %dma_wait3A_101 = tpu.memref_slice %arg6[%dma_wait3A_99, %dma_wait3A_100] : memref<1024x100000xf32, #tpu.memory_space<any>> -> memref<1024x672xf32, #tpu.memory_space<any>>
      tpu.wait_dma2 semaphore(%arg13 : memref<!tpu.dma_semaphore, #tpu.memory_space<semaphore_mem>>) src(%arg10 : memref<1024x672xf32, #tpu.memory_space<vmem>>) dst(%dma_wait3A_101 : memref<1024x672xf32, #tpu.memory_space<any>>)
    } else {
    }
    return
  }
  func.func @transform_0(%arg0: i32) -> (i32, i32) {
    %c0_i32 = arith.constant 0 : i32
    %c0_i32_0 = arith.constant 0 : i32
    %c0_i32_1 = arith.constant 0 : i32
    return %c0_i32, %c0_i32_0 : i32, i32
  }
  func.func @transform_1(%arg0: i32) -> (i32, i32, i32) {
    %min3A = arith.constant 96 : i32
    %min3A_0 = arith.minsi %arg0, %min3A : i32
    %c3_i32 = arith.constant 3 : i32
    %c0_i32 = arith.constant 0 : i32
    %c0_i32_1 = arith.constant 0 : i32
    return %c3_i32, %min3A_0, %c0_i32 : i32, i32, i32
  }
  func.func @transform_2(%arg0: i32) -> (i32, i32) {
    %c0_i32 = arith.constant 0 : i32
    %c0_i32_0 = arith.constant 0 : i32
    %c0_i32_1 = arith.constant 0 : i32
    return %c0_i32, %c0_i32_0 : i32, i32
  }
  func.func @transform_3(%arg0: i32) -> (i32, i32) {
    %c0_i32 = arith.constant 0 : i32
    %c0_i32_0 = arith.constant 0 : i32
    %c0_i32_1 = arith.constant 0 : i32
    return %c0_i32, %c0_i32_0 : i32, i32
  }
}

</mosaic_0001>

<sc_bundles>
// kernel: kernel.6.cloned.1.call-start
scs
__scs_entry_jumppad:
0x0: {  	(pc) =	sbr.rel $0x88, $3  }
0x1: {  	(tag) =	ssettag $0x0;
	lr =	simm.s32 $0x1  }
0x2: {  	[smem:$0x3F9D] =	sst lr;
	_ =	strace $0xD0000000  }
0x3: {  	_ = 	snop  }
0x4: {  	_ = 	snop  }
0x5: {  	_ = 	snop  }
0x6: {  	_ = 	snop  }
0x7: {  	_ = 	snop  }
__scs_overlays_trampoline_lowered:
0x8: {  	[smem:$0x3FAC] =	sst s0  }
0x9: {  	[smem:$0x3FAD] =	sst s1  }
0xa: {  	[smem:$0x3FAE] =	sst s2  }
0xb: {  	[smem:$0x3FAF] =	sst s3  }
0xc: {  	[smem:$0x3FB0] =	sst s4  }
0xd: {  	[smem:$0x3FB1] =	sst s5  }
0xe: {  	[smem:$0x3FB2] =	sst s6  }
0xf: {  	[smem:$0x3FB3] =	sst s7  }
0x10: {  	[smem:$0x3FB4] =	sst s8  }
0x11: {  	[smem:$0x3FB5] =	sst s9;
	s0 =	simm.s32 @!p0 $0x0  }
0x12: {  	s1 =	sld [smem:$0x3F9B];
	s0 =	simm.s32 @p0 $0x1  }
0x13: {  	[smem:$0x3FB6] =	sst s0;
	s0 =	simm.s32 @!p1 $0x0  }
0x14: {  	s2 =	sld [smem:$0x3F9A];
	s0 =	simm.s32 @p1 $0x1  }
0x15: {  	[smem:$0x3FB7] =	sst s0;
	s0 =	simm.s32 @!p2 $0x0  }
0x16: {  	s3 =	sld [smem:$0x3FDB];
	s0 =	simm.s32 @p2 $0x1  }
0x17: {  	s4 =	simm.s32 $0x1BF5;
	[smem:$0x3FB9] =	sst s0  }
0x18: {  	s0 =	sld [smem:$0x3F9C];
	_ =	swait.ge [sflag:s4], $0x0  }
0x19: {  	s7 =	sld [smem:$0x3F9D]  }
0x1a: {  	s8 =	sadd.s32 $0xFFFFE003, lr  }
0x1b: {  	s9 =	sadd.s32 $0xFFFFFEF7, lr;
	s5 =	simm.s32 $0xFFFFFFFF;
	p2 =	slt.u32 s8, $0xFFFFF086  }
0x1c: {  	p1 =	slt.u32 s9, $0xF7A;
	s5 =	simm.s32 @!p2 $0x0  }
0x1d: {  	s5 =	simm.s32 @p1 $0x1;
	p0 =	seq.s32 s7, s2  }
0x1e: {  	s7 =	smul.u32 @!p0 $0xF7A, s2;
	p2 =	seq.s32 @!p0 s5, $0x0  }
0x1f: {  	s9 =	smul.u32 $0xF7A, s1;
	s8 =	simm.s32 @!p0 $0x1BF5;
	p2 =	por !p2, p0  }
0x20: {  	[sflag:s8] =	ssyncset.s32 @!p0 $0xFFFFF086;
	s6 =	sadd.s32 @!p0 s3, s7;
	s7 =	simm.s32 @!p0 $0x108  }
0x21: {  	s3 =	sadd.s32 s3, s9;
	s6 =	sadd.s32 @!p0 $0x88, s6;
	s7 =	simm.s32 @p2 $0x1082  }
0x22: {  	[simem:s7], [sflag:s8] =	dma.local @!p0 [hbm:s6], $0xF7A  }
0x23: {  	s9 =	sor.u32 $0xD0000000, s2;
	s6 =	simm.s32 $0x108;
	_ =	swait.ge @!p0 [sflag:s8], $0x0  }
0x24: {  	s3 =	sadd.s32 $0x88, s3;
	s6 =	simm.s32 @!p1 $0x1082;
	[sflag:s4] =	ssyncset.s32 $0xFFFFF086  }
0x25: {  	[simem:s6], [sflag:s4] =	dma.local [hbm:s3], $0xF7A  }
0x26: {  	[smem:$0x3F9D] =	sst s1;
	(tag) =	ssettag s2;
	_ =	strace s9  }
0x27: {  	s1 =	sld [smem:$0x3FAD]  }
0x28: {  	s2 =	sld [smem:$0x3FAE]  }
0x29: {  	s4 =	sld [smem:$0x3FB0]  }
0x2a: {  	p0 =	seq.s32 s5, $0x0;
	s5 =	sld [smem:$0x3FB1]  }
0x2b: {  	s6 =	sld [smem:$0x3FB2]  }
0x2c: {  	s7 =	sld [smem:$0x3FB3]  }
0x2d: {  	s3 =	simm.s32 $0x108;
	s8 =	sld [smem:$0x3FB4]  }
0x2e: {  	s3 =	simm.s32 @!p0 $0x1082;
	s9 =	sld [smem:$0x3FB5]  }
0x2f: {  	lr =	sadd.s32 s0, s3;
	s0 =	sld [smem:$0x3FAC]  }
0x30: {  	s3 =	sld [smem:$0x3FAF]  }
0x31: {  	[smem:$0x3FB8] =	sst s10  }
0x32: {  	s10 =	sld [smem:$0x3FB6];
	_ =	sdelay $0x3  }
0x33: {  	p0 =	seq.s32 s10, $0x1;
	s10 =	sld [smem:$0x3FB8];
	_ =	sdelay $0x3  }
0x34: {  	[smem:$0x3FB8] =	sst s10  }
0x35: {  	s10 =	sld [smem:$0x3FB7];
	_ =	sdelay $0x3  }
0x36: {  	p1 =	seq.s32 s10, $0x1;
	s10 =	sld [smem:$0x3FB8];
	_ =	sdelay $0x3  }
0x37: {  	[smem:$0x3FB8] =	sst s10  }
0x38: {  	s10 =	sld [smem:$0x3FB9]  }
0x39: {  	_ = 	snop;
	(pc) =	sbr.ind lr, $3  }
0x3a: {  	_ = 	snop  }
0x3b: {  	_ = 	snop  }
0x3c: {  	p2 =	seq.s32 s10, $0x1;
	s10 =	sld [smem:$0x3FB8]  }
0x3d: {  	_ =	shalt  }
0x3e: {  	_ =	shalt  }
0x3f: {  	_ =	shalt  }
0x40: {  	_ =	shalt  }
0x41: {  	_ =	shalt  }
0x42: {  	_ =	shalt  }
0x43: {  	_ =	shalt  }
0x44: {  	_ =	shalt  }
0x45: {  	_ =	shalt  }
0x46: {  	_ =	shalt  }
0x47: {  	_ =	shalt  }
0x48: {  	_ =	shalt  }
0x49: {  	_ =	shalt  }
0x4a: {  	_ =	shalt  }
0x4b: {  	_ =	shalt  }
0x4c: {  	_ =	shalt  }
0x4d: {  	_ =	shalt  }
0x4e: {  	_ =	shalt  }
0x4f: {  	_ =	shalt  }
0x50: {  	_ =	shalt  }
0x51: {  	_ =	shalt  }
0x52: {  	_ =	shalt  }
0x53: {  	_ =	shalt  }
0x54: {  	_ =	shalt  }
0x55: {  	_ =	shalt  }
0x56: {  	_ =	shalt  }
0x57: {  	_ =	shalt  }
0x58: {  	_ =	shalt  }
0x59: {  	_ =	shalt  }
0x5a: {  	_ =	shalt  }
0x5b: {  	_ =	shalt  }
0x5c: {  	_ =	shalt  }
0x5d: {  	_ =	shalt  }
0x5e: {  	_ =	shalt  }
0x5f: {  	_ =	shalt  }
0x60: {  	_ =	shalt  }
0x61: {  	_ =	shalt  }
0x62: {  	_ =	shalt  }
0x63: {  	_ =	shalt  }
0x64: {  	_ =	shalt  }
0x65: {  	_ =	shalt  }
0x66: {  	_ =	shalt  }
0x67: {  	_ =	shalt  }
0x68: {  	_ =	shalt  }
0x69: {  	_ =	shalt  }
0x6a: {  	_ =	shalt  }
0x6b: {  	_ =	shalt  }
0x6c: {  	_ =	shalt  }
0x6d: {  	_ =	shalt  }
0x6e: {  	_ =	shalt  }
0x6f: {  	_ =	shalt  }
0x70: {  	_ =	shalt  }
0x71: {  	_ =	shalt  }
0x72: {  	_ =	shalt  }
0x73: {  	_ =	shalt  }
0x74: {  	_ =	shalt  }
0x75: {  	_ =	shalt  }
0x76: {  	_ =	shalt  }
0x77: {  	_ =	shalt  }
0x78: {  	_ =	shalt  }
0x79: {  	_ =	shalt  }
0x7a: {  	_ =	shalt  }
0x7b: {  	_ =	shalt  }
0x7c: {  	_ =	shalt  }
0x7d: {  	_ =	shalt  }
0x7e: {  	_ =	shalt  }
0x7f: {  	_ =	shalt  }
0x80: {  	_ =	shalt  }
0x81: {  	_ =	shalt  }
0x82: {  	_ =	shalt  }
0x83: {  	_ =	shalt  }
0x84: {  	_ =	shalt  }
0x85: {  	_ =	shalt  }
0x86: {  	_ =	shalt  }
0x87: {  	_ =	shalt  }
.Lfunc_end0:
.L_simem_size_0:
called_computation_lowered:
.L_overlay_start_0:
0x88: {  	s2 =	sld [smem:$0x3FD9]  }
0x89: {  	s3 =	sld [smem:$0x3FFE];
	_ =	sdelay $0x1  }
0x8a: {  	s1 =	srdreg.scid  }
0x8b: {  	s0 =	sand.u32 $0x1, s1  }
0x8c: {  	s14 =	sshll.u32 s0, $0xA;
	s2 =	sadd.s32 s3, s2  }
0x8d: {  	s2 =	sadd.s32 s2, s14  }
0x8e: {  	[smem:$0x3FC4] =	sst s2  }
0x8f: {  	_ = 	snop  }
0x90: {  	s2 =	sld [smem:$0x3FD0];
	_ =	sdelay $0x2  }
0x91: {  	s15 =	simm.s32 $0xA;
	s4 =	simm.s32 $0x10  }
0x92: {  	[smem:s4], [sflag:s15] =	dma.local [hbm:s2], $0x1  }
0x93: {  	_ =	swait.eq [sflag:s15], $0x1  }
0x94: {  	[sflag:s15] =	ssyncset.done $0x0  }
0x95: {  	[sflag:s15] =	ssyncadd.s32 $0xFFFFFFFF  }
0x96: {  	s16 =	sld [smem:$0x10];
	(tm) =	ssettm $0x1  }
0x97: {  	s17 =	sld [smem:$0x3FFB];
	_ =	sdelay $0x3  }
0x98: {  	_ =	strace s17  }
0x99: {  	s3 =	sld [smem:$0x3FFC];
	_ =	sdelay $0x3  }
0x9a: {  	_ =	strace s3  }
0x9b: {  	s3 =	sld [smem:$0x3FFD];
	_ =	sdelay $0x3  }
0x9c: {  	_ =	strace s3  }
0x9d: {  	_ =	strace $0x8FFFFFFF  }
0x9e: {  	s18 =	sld [smem:$0x3FDB];
	_ =	sdelay $0x1  }
0x9f: {  	s19 =	simm.s32 $_scs_section_size  }
0xa0: {  	s5 =	simm.s32 $_size__tile_overlayer_lowered;
	s6 =	simm.s32 $_tile_overlayer_lowered  }
0xa1: {  	s22 =	simm.s32 $0x1BFF;
	s21 =	sshll.u32 s6, $0x1;
	s3 =	sadd.s32 s19, s18  }
0xa2: {  	s7 =	simm.s32 $0x0;
	s20 =	sshll.u32 s5, $0x1;
	s5 =	sadd.s32 s21, s3  }
0xa3: {  	[timem:s7], [sflag:s22] =	dma.local [hbm:s5], s20  }
0xa4: {  	_ =	swait.ge [sflag:s22], s20  }
0xa5: {  	s4 =	ssub.s32 $0x0, s20;
	[sflag:s22] =	ssyncset.done $0x0  }
0xa6: {  	[sflag:s22] =	ssyncadd.s32 s4;
	_ =	sdelay $0x1  }
0xa7: {  	s23 =	simm.s32 $0x1B8B  }
0xa8: {  	_ =	swait.ge [sflag:s23], $0x1  }
0xa9: {  	[sflag:s23] =	ssyncset.done $0x0  }
0xaa: {  	s25 =	simm.s32 $0x1B8E;
	s24 =	sld [smem:$0x3FFE];
	[sflag:s23] =	ssyncadd.s32 $0xFFFFFFFF  }
0xab: {  	s26 =	simm.s32 $execute0_lowered;
	[smem:$0x3FD2] =	sst s25  }
0xac: {  	s5 =	sshll.u32 s26, $0x1;
	_ =	strace $0x80000046;
	[dreg:$0x1] =	wrdreg $0xFFFFFFFF  }
0xad: {  	s28 =	simm.s32 $_size_execute0_lowered;
	s3 =	sadd.s32 s3, s5;
	[dreg:$0x0] =	wrdreg $0x0  }
0xae: {  	s5 =	sshll.u32 s28, $0x1;
	[dreg:$0x2] =	wrdreg s3  }
0xaf: {  	[dreg:$0x3] =	wrdreg s5  }
0xb0: {  	[dreg:$0x4] =	wrdreg $0xC0  }
0xb1: {  	_ =	task [dreg:s7], $0x5FFFF  }
0xb2: {  	[dreg:$0x1] =	wrdreg $0xFFFFFFFF  }
0xb3: {  	[dreg:$0x0] =	wrdreg $0x60  }
0xb4: {  	[dreg:$0x2] =	wrdreg s24  }
0xb5: {  	[dreg:$0x3] =	wrdreg s16  }
0xb6: {  	[dreg:$0x4] =	wrdreg $0x9  }
0xb7: {  	_ =	task.clear_ibuf [dreg:s7], $0x5FFFF;
	_ =	strace $0x90000046  }
0xb8: {  	s29 =	simm.s32 $0x9;
	_ =	strace $0x80000048  }
0xb9: {  	_ =	swait.ge [sflag:s29], $0x1  }
0xba: {  	[sflag:s29] =	ssyncadd.s32 $0xFFFFFFFF  }
0xbb: {  	_ =	strace $0x90000048  }
0xbc: {  	_ =	sfence  }
0xbd: {  	s30 =	sld [smem:$0x0];
	_ =	sdelay $0x2  }
0xbe: {  	s31 =	sshll.u32 s1, $0xD;
	s1 =	sshrl.u32 s1, $0x2  }
0xbf: {  	s3 =	sand.u32 $0x4000, s31;
	s1 =	sadd.s32 s1, s30  }
0xc0: {  	s0 =	sor.u32 s3, s0;
	s1 =	sshll.u32 s1, $0x11  }
0xc1: {  	s0 =	sor.u32 s1, s0  }
0xc2: {  	s0 =	sadd.s32 $0x8F2B, s0  }
0xc3: {  	[sflag:s0] =	ssyncadd.remote.s32 $0x1  }
0xc4: {  	_ =	sfence.sel $0xFFFF  }
0xc5: {  	[dreg:$0x0] =	wrdreg $0xFFFFFFFF;
	(pc) =	sbr.abs _section_cstart, $3  }
0xc6: {  	[dreg:$0x1] =	wrdreg $0xFFFFFFFF  }
0xc7: {  	_ =	task.clear_ibuf [dreg:s7], $0x2FFFF;
	_ =	strace $0x9FFFFFFF  }
0xc8: {  	(tm) =	ssettm $0x7FFFFFFF  }
0xc9: {  	_ =	shalt  }
tec
execute0_lowered:
.L_overlay_start_1:
0x0: {  	(tag) =	ssettag $0x1  }
0x1: {  	s0 =	rddreg [dreg:$0x0]  }
0x2: {  	s1 =	srdreg.scid;
	s3 =	stileid.u32  }
0x3: {  	s2 =	rddreg [dreg:$0x1];
	s4 =	simm.s32 $0x0;
	s12 =	simm.s32 $0x5  }
0x4: {  	s13 =	simm.s32 $0x8000;
	s15 =	simm.s32 $0x8400;
	s16 =	simm.s32 $0x1  }
0x5: {  	s14 =	simm.s32 $0x19D00;
	s18 =	simm.s32 $0x2;
	s19 =	simm.s32 $0x80  }
0x6: {  	s20 =	simm.s32 $0x20000;
	s21 =	simm.s32 $0x3;
	s22 =	simm.s32 $0x4  }
0x7: {  	s23 =	simm.s32 $0x200;
	s24 =	simm.s32 $0x8200;
	s25 =	simm.s32 $0x10400  }
0x8: {  	s1 =	sand.u32 $0x1, s1;
	s3 =	sshll.u32 s3, $0x1;
	[smem:$0x7FF] =	sst s4  }
0x9: {  	s26 =	simm.s32 $0x0;
	s3 =	sor.u32 s1, s3;
	_ =	strace $0x80000047  }
0xa: {  	s1 =	ssub.s32 $0x2, s1;
	s5 =	smul.u32 $0x280, s3;
	s4 =	sshll.u32 s3, $0xC  }
0xb: {  	s3 =	sshll.u32 s3, $0x8;
	s7 =	sshrl.u32 s1, $0x1;
	s6 =	sadd.s32 s4, s0  }
.Ltmp0:
0xc: {  	s1 =	ssub.s32 s1, s7;
	s7 =	simm.s32 $0x140;
	(pc) =	sbr.rel .LBB2_1-.Ltmp0, $4  }
0xd: {  	s5 =	sshrl.u32 s5, $0x3;
	s30 =	sadd.s32 $0x1600, s6;
	s11 =	smax.u32 s1, $0x1  }
0xe: {  	s9 =	sadd.s32 s5, s0;
	s5 =	sadd.s32 $0x23600, s0;
	s0 =	sadd.s32 s3, s0  }
0xf: {  	[dreg:$0x3] =	wrdreg s30;
	s31 =	sadd.s32 $0xC00, s9;
	s8 =	sadd.s32 $0x21600, s0  }
0x10: {  	s9 =	sadd.s32 $0xC28, s9;
	s10 =	sadd.s32 $0x21680, s0;
	[dreg:$0x4] =	wrdreg s31  }
.LBB2_25:
0x11: {  	s26 =	sadd.s32 $0x1, s26  }
0x12: {  	_ =	swait.ge [sflag:s21], $0xC80;
	p0 =	sne.s32 s26, s11  }
.Ltmp1:
0x13: {  	[sflag:s21] =	ssyncset.done $0x0;
	(pc) =	sbr.rel @!p0 .LBB2_26-.Ltmp1, $4  }
0x14: {  	[sflag:s21] =	ssyncadd.s32 $0xFFFFF380  }
0x15: {  	_ =	swait.ge [sflag:s22], $0xC80  }
0x16: {  	[sflag:s22] =	ssyncset.done $0x0  }
0x17: {  	s7 =	simm.s32 $0x140;
	s14 =	simm.s32 $0x19D00;
	[sflag:s22] =	ssyncadd.s32 $0xFFFFF380  }
.LBB2_1:
0x18: {  	s0 =	simm.s32 $0x0;
	s1 =	rddreg [dreg:$0x3]  }
0x19: {  	[tilespmem:s0], [sflag:$0x5] =	stream.linear.gather [hbm4b:s1+s0], $0x8000, $0x38;
	[tilespmem:$0x1A500] =	vst v63  }
0x1a: {  	_ =	swait.ge [sflag:s12], $0x8000  }
0x1b: {  	[sflag:s12] =	ssyncset.done $0x0  }
0x1c: {  	s31 =	rddreg [dreg:$0x4];
	[sflag:s12] =	ssyncadd.s32 $0xFFFF8000  }
0x1d: {  	[tilespmem:s13], [sflag:$0x5] =	stream.linear.gather [hbm4b:s31+s0], $0x140, $0x38;
	[tilespmem:$0x1A500] =	vst v63  }
0x1e: {  	_ =	swait.ge [sflag:s12], $0x140  }
0x1f: {  	[sflag:s12] =	ssyncset.done $0x0  }
0x20: {  	[sflag:s12] =	ssyncadd.s32 $0xFFFFFEC0  }
0x21: {  	[tilespmem:s15], [sflag:$0x1] =	stream.indirect.gather [hbm4b:s2+s7], $0x40, s13, s7, $0xb8;
	[tilespmem:$0x1A500] =	vst v63  }
0x22: {  	_ =	swait.ge [sflag:s16], $0x5000  }
0x23: {  	[sflag:s16] =	ssyncset.done $0x0  }
0x24: {  	s1 =	simm.s32 $0x8680;
	[sflag:s16] =	ssyncadd.s32 $0xFFFFB000  }
0x25: {  	v0 =	vld [tilespmem:s1+$0xFFFFFDC0]  }
0x26: {  	v1 =	vld [tilespmem:s1+$0xFFFFFD80];
	_ =	sdelay $0x1  }
0x27: {  	v2 =	vld [tilespmem:s1+$0xFFFFFE00];
	_ =	sdelay $0x1  }
0x28: {  	v3 =	vld [tilespmem:s1+$0xFFFFFE40]  }
0x29: {  	v0 =	vadd.f32 v0, v1  }
0x2a: {  	v1 =	vld [tilespmem:s1+$0xFFFFFE80]  }
0x2b: {  	v0 =	vadd.f32 v2, v0  }
0x2c: {  	v2 =	vld [tilespmem:s1+$0xFFFFFEC0]  }
0x2d: {  	v0 =	vadd.f32 v3, v0  }
0x2e: {  	v3 =	vld [tilespmem:s1+$0xFFFFFF00]  }
0x2f: {  	v0 =	vadd.f32 v1, v0  }
0x30: {  	v1 =	vld [tilespmem:s1+$0xFFFFFF40]  }
0x31: {  	v0 =	vadd.f32 v2, v0  }
0x32: {  	v2 =	vld [tilespmem:s1+$0xFFFFFF80]  }
0x33: {  	v0 =	vadd.f32 v3, v0  }
0x34: {  	v3 =	vld [tilespmem:s1+$0xFFFFFFC0]  }
0x35: {  	v0 =	vadd.f32 v1, v0  }
0x36: {  	v1 =	vld [tilespmem:s1+$0x0]  }
0x37: {  	v0 =	vadd.f32 v2, v0  }
0x38: {  	v2 =	vld [tilespmem:s1+$0x40]  }
0x39: {  	v0 =	vadd.f32 v3, v0  }
0x3a: {  	v3 =	vld [tilespmem:s1+$0x80]  }
0x3b: {  	v0 =	vadd.f32 v1, v0  }
0x3c: {  	v1 =	vld [tilespmem:s1+$0xC0]  }
0x3d: {  	v0 =	vadd.f32 v2, v0  }
0x3e: {  	v2 =	vld [tilespmem:s1+$0x100]  }
0x3f: {  	v0 =	vadd.f32 v3, v0  }
0x40: {  	v3 =	vld [tilespmem:s1+$0x140]  }
0x41: {  	v0 =	vadd.f32 v1, v0  }
0x42: {  	v1 =	vld [tilespmem:s1+$0x180]  }
0x43: {  	v0 =	vadd.f32 v2, v0  }
0x44: {  	v2 =	vld [tilespmem:s1+$0x1C0]  }
0x45: {  	v0 =	vadd.f32 v3, v0  }
0x46: {  	v3 =	vld [tilespmem:s1+$0x200]  }
0x47: {  	v0 =	vadd.f32 v1, v0  }
0x48: {  	v1 =	vld [tilespmem:s1+$0x240]  }
0x49: {  	v0 =	vadd.f32 v2, v0;
	_ =	sdelay $0x1  }
0x4a: {  	v0 =	vadd.f32 v3, v0;
	_ =	sdelay $0x1  }
0x4b: {  	v0 =	vadd.f32 v1, v0  }
0x4c: {  	s0 =	simm.s32 $0x0  }
0x4d: {  	[tilespmem:s0+$0x19D00] =	vst v0  }
0x4e: {  	v0 =	vld [tilespmem:s1+$0xFFFFFD90]  }
0x4f: {  	v1 =	vld [tilespmem:s1+$0xFFFFFDD0];
	_ =	sdelay $0x1  }
0x50: {  	v2 =	vld [tilespmem:s1+$0xFFFFFE10];
	_ =	sdelay $0x1  }
0x51: {  	v3 =	vld [tilespmem:s1+$0xFFFFFE50]  }
0x52: {  	v0 =	vadd.f32 v1, v0  }
0x53: {  	v1 =	vld [tilespmem:s1+$0xFFFFFE90]  }
0x54: {  	v0 =	vadd.f32 v2, v0  }
0x55: {  	v2 =	vld [tilespmem:s1+$0xFFFFFED0]  }
0x56: {  	v0 =	vadd.f32 v3, v0  }
0x57: {  	v3 =	vld [tilespmem:s1+$0xFFFFFF10]  }
0x58: {  	v0 =	vadd.f32 v1, v0  }
0x59: {  	v1 =	vld [tilespmem:s1+$0xFFFFFF50]  }
0x5a: {  	v0 =	vadd.f32 v2, v0  }
0x5b: {  	v2 =	vld [tilespmem:s1+$0xFFFFFF90]  }
0x5c: {  	v0 =	vadd.f32 v3, v0  }
0x5d: {  	v3 =	vld [tilespmem:s1+$0xFFFFFFD0]  }
0x5e: {  	v0 =	vadd.f32 v1, v0  }
0x5f: {  	v1 =	vld [tilespmem:s1+$0x10]  }
0x60: {  	v0 =	vadd.f32 v2, v0  }
0x61: {  	v2 =	vld [tilespmem:s1+$0x50]  }
0x62: {  	v0 =	vadd.f32 v3, v0  }
0x63: {  	v3 =	vld [tilespmem:s1+$0x90]  }
0x64: {  	v0 =	vadd.f32 v1, v0  }
0x65: {  	v1 =	vld [tilespmem:s1+$0xD0]  }
0x66: {  	v0 =	vadd.f32 v2, v0  }
0x67: {  	v2 =	vld [tilespmem:s1+$0x110]  }
0x68: {  	v0 =	vadd.f32 v3, v0  }
0x69: {  	v3 =	vld [tilespmem:s1+$0x150]  }
0x6a: {  	v0 =	vadd.f32 v1, v0  }
0x6b: {  	v1 =	vld [tilespmem:s1+$0x190]  }
0x6c: {  	v0 =	vadd.f32 v2, v0  }
0x6d: {  	v2 =	vld [tilespmem:s1+$0x1D0]  }
0x6e: {  	v0 =	vadd.f32 v3, v0  }
0x6f: {  	v3 =	vld [tilespmem:s1+$0x210]  }
0x70: {  	v0 =	vadd.f32 v1, v0  }
0x71: {  	v1 =	vld [tilespmem:s1+$0x250]  }
0x72: {  	v0 =	vadd.f32 v2, v0;
	_ =	sdelay $0x1  }
0x73: {  	v0 =	vadd.f32 v3, v0;
	_ =	sdelay $0x1  }
0x74: {  	v0 =	vadd.f32 v1, v0;
	_ =	sdelay $0x1  }
0x75: {  	[tilespmem:s0+$0x19D10] =	vst v0  }
0x76: {  	v0 =	vld [tilespmem:s1+$0xFFFFFDA0]  }
0x77: {  	v1 =	vld [tilespmem:s1+$0xFFFFFDE0];
	_ =	sdelay $0x1  }
0x78: {  	v2 =	vld [tilespmem:s1+$0xFFFFFE20];
	_ =	sdelay $0x1  }
0x79: {  	v3 =	vld [tilespmem:s1+$0xFFFFFE60]  }
0x7a: {  	v0 =	vadd.f32 v1, v0  }
0x7b: {  	v1 =	vld [tilespmem:s1+$0xFFFFFEA0]  }
0x7c: {  	v0 =	vadd.f32 v2, v0  }
0x7d: {  	v2 =	vld [tilespmem:s1+$0xFFFFFEE0]  }
0x7e: {  	v0 =	vadd.f32 v3, v0  }
0x7f: {  	v3 =	vld [tilespmem:s1+$0xFFFFFF20]  }
0x80: {  	v0 =	vadd.f32 v1, v0  }
0x81: {  	v1 =	vld [tilespmem:s1+$0xFFFFFF60]  }
0x82: {  	v0 =	vadd.f32 v2, v0  }
0x83: {  	v2 =	vld [tilespmem:s1+$0xFFFFFFA0]  }
0x84: {  	v0 =	vadd.f32 v3, v0  }
0x85: {  	v3 =	vld [tilespmem:s1+$0xFFFFFFE0]  }
0x86: {  	v0 =	vadd.f32 v1, v0  }
0x87: {  	v1 =	vld [tilespmem:s1+$0x20]  }
0x88: {  	v0 =	vadd.f32 v2, v0  }
0x89: {  	v2 =	vld [tilespmem:s1+$0x60]  }
0x8a: {  	v0 =	vadd.f32 v3, v0  }
0x8b: {  	v3 =	vld [tilespmem:s1+$0xA0]  }
0x8c: {  	v0 =	vadd.f32 v1, v0  }
0x8d: {  	v1 =	vld [tilespmem:s1+$0xE0]  }
0x8e: {  	v0 =	vadd.f32 v2, v0  }
0x8f: {  	v2 =	vld [tilespmem:s1+$0x120]  }
0x90: {  	v0 =	vadd.f32 v3, v0  }
0x91: {  	v3 =	vld [tilespmem:s1+$0x160]  }
0x92: {  	v0 =	vadd.f32 v1, v0  }
0x93: {  	v1 =	vld [tilespmem:s1+$0x1A0]  }
0x94: {  	v0 =	vadd.f32 v2, v0  }
0x95: {  	v2 =	vld [tilespmem:s1+$0x1E0]  }
0x96: {  	v0 =	vadd.f32 v3, v0  }
0x97: {  	v3 =	vld [tilespmem:s1+$0x220]  }
0x98: {  	v0 =	vadd.f32 v1, v0  }
0x99: {  	v1 =	vld [tilespmem:s1+$0x260]  }
0x9a: {  	v0 =	vadd.f32 v2, v0;
	_ =	sdelay $0x1  }
0x9b: {  	v0 =	vadd.f32 v3, v0;
	_ =	sdelay $0x1  }
0x9c: {  	v0 =	vadd.f32 v1, v0;
	_ =	sdelay $0x1  }
0x9d: {  	[tilespmem:s0+$0x19D20] =	vst v0  }
0x9e: {  	v0 =	vld [tilespmem:s1+$0xFFFFFDB0]  }
0x9f: {  	v1 =	vld [tilespmem:s1+$0xFFFFFDF0];
	_ =	sdelay $0x1  }
0xa0: {  	v2 =	vld [tilespmem:s1+$0xFFFFFE30];
	_ =	sdelay $0x1  }
0xa1: {  	v3 =	vld [tilespmem:s1+$0xFFFFFE70]  }
0xa2: {  	v0 =	vadd.f32 v1, v0  }
0xa3: {  	v1 =	vld [tilespmem:s1+$0xFFFFFEB0]  }
0xa4: {  	v0 =	vadd.f32 v2, v0  }
0xa5: {  	v2 =	vld [tilespmem:s1+$0xFFFFFEF0]  }
0xa6: {  	v0 =	vadd.f32 v3, v0  }
0xa7: {  	v3 =	vld [tilespmem:s1+$0xFFFFFF30]  }
0xa8: {  	v0 =	vadd.f32 v1, v0  }
0xa9: {  	v1 =	vld [tilespmem:s1+$0xFFFFFF70]  }
0xaa: {  	v0 =	vadd.f32 v2, v0  }
0xab: {  	v2 =	vld [tilespmem:s1+$0xFFFFFFB0]  }
0xac: {  	v0 =	vadd.f32 v3, v0  }
0xad: {  	v3 =	vld [tilespmem:s1+$0xFFFFFFF0]  }
0xae: {  	v0 =	vadd.f32 v1, v0  }
0xaf: {  	v1 =	vld [tilespmem:s1+$0x30]  }
0xb0: {  	v0 =	vadd.f32 v2, v0  }
0xb1: {  	v2 =	vld [tilespmem:s1+$0x70]  }
0xb2: {  	v0 =	vadd.f32 v3, v0  }
0xb3: {  	v3 =	vld [tilespmem:s1+$0xB0]  }
0xb4: {  	v0 =	vadd.f32 v1, v0  }
0xb5: {  	v1 =	vld [tilespmem:s1+$0xF0]  }
0xb6: {  	v0 =	vadd.f32 v2, v0  }
0xb7: {  	v2 =	vld [tilespmem:s1+$0x130]  }
0xb8: {  	v0 =	vadd.f32 v3, v0  }
0xb9: {  	v3 =	vld [tilespmem:s1+$0x170]  }
0xba: {  	v0 =	vadd.f32 v1, v0  }
0xbb: {  	v1 =	vld [tilespmem:s1+$0x1B0]  }
0xbc: {  	v0 =	vadd.f32 v2, v0;
	_ =	sdelay $0x1  }
0xbd: {  	v2 =	vld [tilespmem:s1+$0x1F0];
	v0 =	vadd.f32 v3, v0;
	_ =	sdelay $0x1  }
0xbe: {  	v3 =	vadd.f32 v1, v0;
	v1 =	vld [tilespmem:s1+$0x230];
	_ =	sdelay $0x1  }
0xbf: {  	v0 =	vld [tilespmem:s1+$0x270]  }
0xc0: {  	s3 =	simm.s32 $0x100;
	v2 =	vadd.f32 v2, v3  }
.LBB2_2:
0xc1: {  	p0 =	sne.s32 s3, $0xF00  }
0xc2: {  	s1 =	sadd.s32 $0x500, s1;
	s6 =	smov.u32 s3;
	s3 =	sadd.s32 $0x100, s3;
	v1 =	vadd.f32 v1, v2  }
0xc3: {  	_ = 	snop  }
0xc4: {  	v0 =	vadd.f32 v0, v1;
	_ =	sdelay $0x1  }
0xc5: {  	[tilespmem:s0+$0x19D30] =	vst v0  }
0xc6: {  	v0 =	vld [tilespmem:s1+$0xFFFFFDC0]  }
0xc7: {  	v1 =	vld [tilespmem:s1+$0xFFFFFD80];
	_ =	sdelay $0x1  }
0xc8: {  	v2 =	vld [tilespmem:s1+$0xFFFFFE00];
	_ =	sdelay $0x1  }
0xc9: {  	v3 =	vld [tilespmem:s1+$0xFFFFFE40]  }
0xca: {  	v0 =	vadd.f32 v0, v1  }
0xcb: {  	v1 =	vld [tilespmem:s1+$0xFFFFFE80]  }
0xcc: {  	v0 =	vadd.f32 v2, v0  }
0xcd: {  	v2 =	vld [tilespmem:s1+$0xFFFFFEC0]  }
0xce: {  	v0 =	vadd.f32 v3, v0  }
0xcf: {  	v3 =	vld [tilespmem:s1+$0xFFFFFF00]  }
0xd0: {  	v0 =	vadd.f32 v1, v0  }
0xd1: {  	v1 =	vld [tilespmem:s1+$0xFFFFFF40]  }
0xd2: {  	v0 =	vadd.f32 v2, v0  }
0xd3: {  	v2 =	vld [tilespmem:s1+$0xFFFFFF80]  }
0xd4: {  	v0 =	vadd.f32 v3, v0  }
0xd5: {  	v3 =	vld [tilespmem:s1+$0xFFFFFFC0]  }
0xd6: {  	v0 =	vadd.f32 v1, v0  }
0xd7: {  	v1 =	vld [tilespmem:s1+$0x0]  }
0xd8: {  	v0 =	vadd.f32 v2, v0  }
0xd9: {  	v2 =	vld [tilespmem:s1+$0x40]  }
0xda: {  	v0 =	vadd.f32 v3, v0  }
0xdb: {  	v3 =	vld [tilespmem:s1+$0x80]  }
0xdc: {  	v0 =	vadd.f32 v1, v0  }
0xdd: {  	v1 =	vld [tilespmem:s1+$0xC0]  }
0xde: {  	v0 =	vadd.f32 v2, v0  }
0xdf: {  	v2 =	vld [tilespmem:s1+$0x100]  }
0xe0: {  	v0 =	vadd.f32 v3, v0  }
0xe1: {  	v3 =	vld [tilespmem:s1+$0x140]  }
0xe2: {  	v0 =	vadd.f32 v1, v0  }
0xe3: {  	v1 =	vld [tilespmem:s1+$0x180]  }
0xe4: {  	v0 =	vadd.f32 v2, v0  }
0xe5: {  	v2 =	vld [tilespmem:s1+$0x1C0]  }
0xe6: {  	v0 =	vadd.f32 v3, v0  }
0xe7: {  	v3 =	vld [tilespmem:s1+$0x200]  }
0xe8: {  	v0 =	vadd.f32 v1, v0  }
0xe9: {  	v1 =	vld [tilespmem:s1+$0x240]  }
0xea: {  	v0 =	vadd.f32 v2, v0;
	_ =	sdelay $0x1  }
0xeb: {  	v0 =	vadd.f32 v3, v0;
	_ =	sdelay $0x1  }
0xec: {  	v0 =	vadd.f32 v1, v0  }
0xed: {  	s0 =	sshra.s32 s6, $0x2  }
0xee: {  	[tilespmem:s0+$0x19D00] =	vst v0  }
0xef: {  	v0 =	vld [tilespmem:s1+$0xFFFFFD90]  }
0xf0: {  	v1 =	vld [tilespmem:s1+$0xFFFFFDD0];
	_ =	sdelay $0x1  }
0xf1: {  	v2 =	vld [tilespmem:s1+$0xFFFFFE10];
	_ =	sdelay $0x1  }
0xf2: {  	v3 =	vld [tilespmem:s1+$0xFFFFFE50]  }
0xf3: {  	v0 =	vadd.f32 v1, v0  }
0xf4: {  	v1 =	vld [tilespmem:s1+$0xFFFFFE90]  }
0xf5: {  	v0 =	vadd.f32 v2, v0  }
0xf6: {  	v2 =	vld [tilespmem:s1+$0xFFFFFED0]  }
0xf7: {  	v0 =	vadd.f32 v3, v0  }
0xf8: {  	v3 =	vld [tilespmem:s1+$0xFFFFFF10]  }
0xf9: {  	v0 =	vadd.f32 v1, v0  }
0xfa: {  	v1 =	vld [tilespmem:s1+$0xFFFFFF50]  }
0xfb: {  	v0 =	vadd.f32 v2, v0  }
0xfc: {  	v2 =	vld [tilespmem:s1+$0xFFFFFF90]  }
0xfd: {  	v0 =	vadd.f32 v3, v0  }
0xfe: {  	v3 =	vld [tilespmem:s1+$0xFFFFFFD0]  }
0xff: {  	v0 =	vadd.f32 v1, v0  }
0x100: {  	v1 =	vld [tilespmem:s1+$0x10]  }
0x101: {  	v0 =	vadd.f32 v2, v0  }
0x102: {  	v2 =	vld [tilespmem:s1+$0x50]  }
0x103: {  	v0 =	vadd.f32 v3, v0  }
0x104: {  	v3 =	vld [tilespmem:s1+$0x90]  }
0x105: {  	v0 =	vadd.f32 v1, v0  }
0x106: {  	v1 =	vld [tilespmem:s1+$0xD0]  }
0x107: {  	v0 =	vadd.f32 v2, v0  }
0x108: {  	v2 =	vld [tilespmem:s1+$0x110]  }
0x109: {  	v0 =	vadd.f32 v3, v0  }
0x10a: {  	v3 =	vld [tilespmem:s1+$0x150]  }
0x10b: {  	v0 =	vadd.f32 v1, v0  }
0x10c: {  	v1 =	vld [tilespmem:s1+$0x190]  }
0x10d: {  	v0 =	vadd.f32 v2, v0  }
0x10e: {  	v2 =	vld [tilespmem:s1+$0x1D0]  }
0x10f: {  	v0 =	vadd.f32 v3, v0  }
0x110: {  	v3 =	vld [tilespmem:s1+$0x210]  }
0x111: {  	v0 =	vadd.f32 v1, v0  }
0x112: {  	v1 =	vld [tilespmem:s1+$0x250]  }
0x113: {  	v0 =	vadd.f32 v2, v0;
	_ =	sdelay $0x1  }
0x114: {  	v0 =	vadd.f32 v3, v0;
	_ =	sdelay $0x1  }
0x115: {  	v0 =	vadd.f32 v1, v0;
	_ =	sdelay $0x1  }
0x116: {  	[tilespmem:s0+$0x19D10] =	vst v0  }
0x117: {  	v0 =	vld [tilespmem:s1+$0xFFFFFDA0]  }
0x118: {  	v1 =	vld [tilespmem:s1+$0xFFFFFDE0];
	_ =	sdelay $0x1  }
0x119: {  	v2 =	vld [tilespmem:s1+$0xFFFFFE20];
	_ =	sdelay $0x1  }
0x11a: {  	v3 =	vld [tilespmem:s1+$0xFFFFFE60]  }
0x11b: {  	v0 =	vadd.f32 v1, v0  }
0x11c: {  	v1 =	vld [tilespmem:s1+$0xFFFFFEA0]  }
0x11d: {  	v0 =	vadd.f32 v2, v0  }
0x11e: {  	v2 =	vld [tilespmem:s1+$0xFFFFFEE0]  }
0x11f: {  	v0 =	vadd.f32 v3, v0  }
0x120: {  	v3 =	vld [tilespmem:s1+$0xFFFFFF20]  }
0x121: {  	v0 =	vadd.f32 v1, v0  }
0x122: {  	v1 =	vld [tilespmem:s1+$0xFFFFFF60]  }
0x123: {  	v0 =	vadd.f32 v2, v0  }
0x124: {  	v2 =	vld [tilespmem:s1+$0xFFFFFFA0]  }
0x125: {  	v0 =	vadd.f32 v3, v0  }
0x126: {  	v3 =	vld [tilespmem:s1+$0xFFFFFFE0]  }
0x127: {  	v0 =	vadd.f32 v1, v0  }
0x128: {  	v1 =	vld [tilespmem:s1+$0x20]  }
0x129: {  	v0 =	vadd.f32 v2, v0  }
0x12a: {  	v2 =	vld [tilespmem:s1+$0x60]  }
0x12b: {  	v0 =	vadd.f32 v3, v0  }
0x12c: {  	v3 =	vld [tilespmem:s1+$0xA0]  }
0x12d: {  	v0 =	vadd.f32 v1, v0  }
0x12e: {  	v1 =	vld [tilespmem:s1+$0xE0]  }
0x12f: {  	v0 =	vadd.f32 v2, v0  }
0x130: {  	v2 =	vld [tilespmem:s1+$0x120]  }
0x131: {  	v0 =	vadd.f32 v3, v0  }
0x132: {  	v3 =	vld [tilespmem:s1+$0x160]  }
0x133: {  	v0 =	vadd.f32 v1, v0  }
0x134: {  	v1 =	vld [tilespmem:s1+$0x1A0]  }
0x135: {  	v0 =	vadd.f32 v2, v0  }
0x136: {  	v2 =	vld [tilespmem:s1+$0x1E0]  }
0x137: {  	v0 =	vadd.f32 v3, v0  }
0x138: {  	v3 =	vld [tilespmem:s1+$0x220]  }
0x139: {  	v0 =	vadd.f32 v1, v0  }
0x13a: {  	v1 =	vld [tilespmem:s1+$0x260]  }
0x13b: {  	v0 =	vadd.f32 v2, v0;
	_ =	sdelay $0x1  }
0x13c: {  	v0 =	vadd.f32 v3, v0;
	_ =	sdelay $0x1  }
0x13d: {  	v0 =	vadd.f32 v1, v0;
	_ =	sdelay $0x1  }
0x13e: {  	[tilespmem:s0+$0x19D20] =	vst v0  }
0x13f: {  	v0 =	vld [tilespmem:s1+$0xFFFFFDB0]  }
0x140: {  	v1 =	vld [tilespmem:s1+$0xFFFFFDF0]  }
0x141: {  	v2 =	vld [tilespmem:s1+$0xFFFFFE30]  }
0x142: {  	v3 =	vld [tilespmem:s1+$0xFFFFFE70]  }
0x143: {  	v4 =	vld [tilespmem:s1+$0xFFFFFEB0]  }
0x144: {  	v5 =	vld [tilespmem:s1+$0xFFFFFEF0]  }
0x145: {  	v0 =	vadd.f32 v1, v0;
	v1 =	vld [tilespmem:s1+$0xFFFFFF30]  }
0x146: {  	v6 =	vld [tilespmem:s1+$0xFFFFFF70]  }
0x147: {  	v0 =	vadd.f32 v2, v0;
	v2 =	vld [tilespmem:s1+$0xFFFFFFB0]  }
0x148: {  	v7 =	vld [tilespmem:s1+$0xFFFFFFF0]  }
0x149: {  	v0 =	vadd.f32 v3, v0;
	v3 =	vld [tilespmem:s1+$0x30]  }
0x14a: {  	v8 =	vld [tilespmem:s1+$0x70]  }
0x14b: {  	v0 =	vadd.f32 v4, v0;
	v4 =	vld [tilespmem:s1+$0xB0]  }
0x14c: {  	v9 =	vld [tilespmem:s1+$0xF0]  }
0x14d: {  	v0 =	vadd.f32 v5, v0;
	v5 =	vld [tilespmem:s1+$0x130]  }
0x14e: {  	v10 =	vld [tilespmem:s1+$0x170]  }
0x14f: {  	v0 =	vadd.f32 v1, v0;
	v11 =	vld [tilespmem:s1+$0x1B0]  }
0x150: {  	v12 =	vld [tilespmem:s1+$0x1F0]  }
0x151: {  	v6 =	vadd.f32 v6, v0;
	v1 =	vld [tilespmem:s1+$0x230]  }
0x152: {  	v0 =	vld [tilespmem:s1+$0x270]  }
0x153: {  	v2 =	vadd.f32 v2, v6;
	_ =	sdelay $0x1  }
0x154: {  	v2 =	vadd.f32 v7, v2;
	_ =	sdelay $0x1  }
0x155: {  	v2 =	vadd.f32 v3, v2;
	_ =	sdelay $0x1  }
0x156: {  	v2 =	vadd.f32 v8, v2;
	_ =	sdelay $0x1  }
0x157: {  	v2 =	vadd.f32 v4, v2;
	_ =	sdelay $0x1  }
0x158: {  	v2 =	vadd.f32 v9, v2;
	_ =	sdelay $0x1  }
0x159: {  	v2 =	vadd.f32 v5, v2;
	_ =	sdelay $0x1  }
.Ltmp2:
0x15a: {  	v2 =	vadd.f32 v10, v2;
	(pc) =	sbr.rel @p0 .LBB2_2-.Ltmp2, $3  }
0x15b: {  	_ = 	snop  }
0x15c: {  	v2 =	vadd.f32 v11, v2;
	_ =	sdelay $0x1  }
0x15d: {  	v2 =	vadd.f32 v12, v2  }
0x15e: {  	_ = 	snop  }
0x15f: {  	v1 =	vadd.f32 v1, v2;
	_ =	sdelay $0x1  }
0x160: {  	v0 =	vadd.f32 v0, v1;
	_ =	sdelay $0x1  }
0x161: {  	s31 =	simm.s32 $0x0;
	[tilespmem:s0+$0x19D30] =	vst v0  }
0x162: {  	[hbm4b:s8+s31] =	stream.linear.scatter [tilespmem:s14], [sflag:$0x5], $0x400, $0x38;
	[tilespmem:$0x1A500] =	vst v63  }
0x163: {  	_ =	swait.ge [sflag:s12], $0x400  }
0x164: {  	[sflag:s12] =	ssyncset.done $0x0  }
0x165: {  	[sflag:s12] =	ssyncadd.s32 $0xFFFFFC00  }
0x166: {  	[tilespmem:s13], [sflag:$0x5] =	stream.linear.gather [hbm4b:s9+s31], $0x140, $0x38;
	[tilespmem:$0x1A500] =	vst v63  }
0x167: {  	_ =	swait.ge [sflag:s12], $0x140  }
0x168: {  	[sflag:s12] =	ssyncset.done $0x0  }
0x169: {  	[sflag:s12] =	ssyncadd.s32 $0xFFFFFEC0  }
0x16a: {  	[tilespmem:s15], [sflag:$0x1] =	stream.indirect.gather [hbm4b:s2+s7], $0x40, s13, s7, $0xb8;
	[tilespmem:$0x1A500] =	vst v63  }
0x16b: {  	_ =	swait.ge [sflag:s16], $0x5000  }
0x16c: {  	[sflag:s16] =	ssyncset.done $0x0  }
0x16d: {  	s1 =	simm.s32 $0x8680;
	[sflag:s16] =	ssyncadd.s32 $0xFFFFB000  }
0x16e: {  	v0 =	vld [tilespmem:s1+$0xFFFFFDC0]  }
0x16f: {  	v1 =	vld [tilespmem:s1+$0xFFFFFD80];
	_ =	sdelay $0x1  }
0x170: {  	v2 =	vld [tilespmem:s1+$0xFFFFFE00];
	_ =	sdelay $0x1  }
0x171: {  	v3 =	vld [tilespmem:s1+$0xFFFFFE40]  }
0x172: {  	v0 =	vadd.f32 v0, v1  }
0x173: {  	v1 =	vld [tilespmem:s1+$0xFFFFFE80]  }
0x174: {  	v0 =	vadd.f32 v2, v0  }
0x175: {  	v2 =	vld [tilespmem:s1+$0xFFFFFEC0]  }
0x176: {  	v0 =	vadd.f32 v3, v0  }
0x177: {  	v3 =	vld [tilespmem:s1+$0xFFFFFF00]  }
0x178: {  	v0 =	vadd.f32 v1, v0  }
0x179: {  	v1 =	vld [tilespmem:s1+$0xFFFFFF40]  }
0x17a: {  	v0 =	vadd.f32 v2, v0  }
0x17b: {  	v2 =	vld [tilespmem:s1+$0xFFFFFF80]  }
0x17c: {  	v0 =	vadd.f32 v3, v0  }
0x17d: {  	v3 =	vld [tilespmem:s1+$0xFFFFFFC0]  }
0x17e: {  	v0 =	vadd.f32 v1, v0  }
0x17f: {  	v1 =	vld [tilespmem:s1+$0x0]  }
0x180: {  	v0 =	vadd.f32 v2, v0  }
0x181: {  	v2 =	vld [tilespmem:s1+$0x40]  }
0x182: {  	v0 =	vadd.f32 v3, v0  }
0x183: {  	v3 =	vld [tilespmem:s1+$0x80]  }
0x184: {  	v0 =	vadd.f32 v1, v0  }
0x185: {  	v1 =	vld [tilespmem:s1+$0xC0]  }
0x186: {  	v0 =	vadd.f32 v2, v0  }
0x187: {  	v2 =	vld [tilespmem:s1+$0x100]  }
0x188: {  	v0 =	vadd.f32 v3, v0  }
0x189: {  	v3 =	vld [tilespmem:s1+$0x140]  }
0x18a: {  	v0 =	vadd.f32 v1, v0  }
0x18b: {  	v1 =	vld [tilespmem:s1+$0x180]  }
0x18c: {  	v0 =	vadd.f32 v2, v0  }
0x18d: {  	v2 =	vld [tilespmem:s1+$0x1C0]  }
0x18e: {  	v0 =	vadd.f32 v3, v0  }
0x18f: {  	v3 =	vld [tilespmem:s1+$0x200]  }
0x190: {  	v0 =	vadd.f32 v1, v0  }
0x191: {  	v1 =	vld [tilespmem:s1+$0x240]  }
0x192: {  	v0 =	vadd.f32 v2, v0;
	_ =	sdelay $0x1  }
0x193: {  	v0 =	vadd.f32 v3, v0;
	_ =	sdelay $0x1  }
0x194: {  	v0 =	vadd.f32 v1, v0  }
0x195: {  	s0 =	simm.s32 $0x0  }
0x196: {  	[tilespmem:s0+$0x19D00] =	vst v0  }
0x197: {  	v0 =	vld [tilespmem:s1+$0xFFFFFD90]  }
0x198: {  	v1 =	vld [tilespmem:s1+$0xFFFFFDD0];
	_ =	sdelay $0x1  }
0x199: {  	v2 =	vld [tilespmem:s1+$0xFFFFFE10];
	_ =	sdelay $0x1  }
0x19a: {  	v3 =	vld [tilespmem:s1+$0xFFFFFE50]  }
0x19b: {  	v0 =	vadd.f32 v1, v0  }
0x19c: {  	v1 =	vld [tilespmem:s1+$0xFFFFFE90]  }
0x19d: {  	v0 =	vadd.f32 v2, v0  }
0x19e: {  	v2 =	vld [tilespmem:s1+$0xFFFFFED0]  }
0x19f: {  	v0 =	vadd.f32 v3, v0  }
0x1a0: {  	v3 =	vld [tilespmem:s1+$0xFFFFFF10]  }
0x1a1: {  	v0 =	vadd.f32 v1, v0  }
0x1a2: {  	v1 =	vld [tilespmem:s1+$0xFFFFFF50]  }
0x1a3: {  	v0 =	vadd.f32 v2, v0  }
0x1a4: {  	v2 =	vld [tilespmem:s1+$0xFFFFFF90]  }
0x1a5: {  	v0 =	vadd.f32 v3, v0  }
0x1a6: {  	v3 =	vld [tilespmem:s1+$0xFFFFFFD0]  }
0x1a7: {  	v0 =	vadd.f32 v1, v0  }
0x1a8: {  	v1 =	vld [tilespmem:s1+$0x10]  }
0x1a9: {  	v0 =	vadd.f32 v2, v0  }
0x1aa: {  	v2 =	vld [tilespmem:s1+$0x50]  }
0x1ab: {  	v0 =	vadd.f32 v3, v0  }
0x1ac: {  	v3 =	vld [tilespmem:s1+$0x90]  }
0x1ad: {  	v0 =	vadd.f32 v1, v0  }
0x1ae: {  	v1 =	vld [tilespmem:s1+$0xD0]  }
0x1af: {  	v0 =	vadd.f32 v2, v0  }
0x1b0: {  	v2 =	vld [tilespmem:s1+$0x110]  }
0x1b1: {  	v0 =	vadd.f32 v3, v0  }
0x1b2: {  	v3 =	vld [tilespmem:s1+$0x150]  }
0x1b3: {  	v0 =	vadd.f32 v1, v0  }
0x1b4: {  	v1 =	vld [tilespmem:s1+$0x190]  }
0x1b5: {  	v0 =	vadd.f32 v2, v0  }
0x1b6: {  	v2 =	vld [tilespmem:s1+$0x1D0]  }
0x1b7: {  	v0 =	vadd.f32 v3, v0  }
0x1b8: {  	v3 =	vld [tilespmem:s1+$0x210]  }
0x1b9: {  	v0 =	vadd.f32 v1, v0  }
0x1ba: {  	v1 =	vld [tilespmem:s1+$0x250]  }
0x1bb: {  	v0 =	vadd.f32 v2, v0;
	_ =	sdelay $0x1  }
0x1bc: {  	v0 =	vadd.f32 v3, v0;
	_ =	sdelay $0x1  }
0x1bd: {  	v0 =	vadd.f32 v1, v0;
	_ =	sdelay $0x1  }
0x1be: {  	[tilespmem:s0+$0x19D10] =	vst v0  }
0x1bf: {  	v0 =	vld [tilespmem:s1+$0xFFFFFDA0]  }
0x1c0: {  	v1 =	vld [tilespmem:s1+$0xFFFFFDE0];
	_ =	sdelay $0x1  }
0x1c1: {  	v2 =	vld [tilespmem:s1+$0xFFFFFE20];
	_ =	sdelay $0x1  }
0x1c2: {  	v3 =	vld [tilespmem:s1+$0xFFFFFE60]  }
0x1c3: {  	v0 =	vadd.f32 v1, v0  }
0x1c4: {  	v1 =	vld [tilespmem:s1+$0xFFFFFEA0]  }
0x1c5: {  	v0 =	vadd.f32 v2, v0  }
0x1c6: {  	v2 =	vld [tilespmem:s1+$0xFFFFFEE0]  }
0x1c7: {  	v0 =	vadd.f32 v3, v0  }
0x1c8: {  	v3 =	vld [tilespmem:s1+$0xFFFFFF20]  }
0x1c9: {  	v0 =	vadd.f32 v1, v0  }
0x1ca: {  	v1 =	vld [tilespmem:s1+$0xFFFFFF60]  }
0x1cb: {  	v0 =	vadd.f32 v2, v0  }
0x1cc: {  	v2 =	vld [tilespmem:s1+$0xFFFFFFA0]  }
0x1cd: {  	v0 =	vadd.f32 v3, v0  }
0x1ce: {  	v3 =	vld [tilespmem:s1+$0xFFFFFFE0]  }
0x1cf: {  	v0 =	vadd.f32 v1, v0  }
0x1d0: {  	v1 =	vld [tilespmem:s1+$0x20]  }
0x1d1: {  	v0 =	vadd.f32 v2, v0  }
0x1d2: {  	v2 =	vld [tilespmem:s1+$0x60]  }
0x1d3: {  	v0 =	vadd.f32 v3, v0  }
0x1d4: {  	v3 =	vld [tilespmem:s1+$0xA0]  }
0x1d5: {  	v0 =	vadd.f32 v1, v0  }
0x1d6: {  	v1 =	vld [tilespmem:s1+$0xE0]  }
0x1d7: {  	v0 =	vadd.f32 v2, v0  }
0x1d8: {  	v2 =	vld [tilespmem:s1+$0x120]  }
0x1d9: {  	v0 =	vadd.f32 v3, v0  }
0x1da: {  	v3 =	vld [tilespmem:s1+$0x160]  }
0x1db: {  	v0 =	vadd.f32 v1, v0  }
0x1dc: {  	v1 =	vld [tilespmem:s1+$0x1A0]  }
0x1dd: {  	v0 =	vadd.f32 v2, v0  }
0x1de: {  	v2 =	vld [tilespmem:s1+$0x1E0]  }
0x1df: {  	v0 =	vadd.f32 v3, v0  }
0x1e0: {  	v3 =	vld [tilespmem:s1+$0x220]  }
0x1e1: {  	v0 =	vadd.f32 v1, v0  }
0x1e2: {  	v1 =	vld [tilespmem:s1+$0x260]  }
0x1e3: {  	v0 =	vadd.f32 v2, v0;
	_ =	sdelay $0x1  }
0x1e4: {  	v0 =	vadd.f32 v3, v0;
	_ =	sdelay $0x1  }
0x1e5: {  	v0 =	vadd.f32 v1, v0;
	_ =	sdelay $0x1  }
0x1e6: {  	[tilespmem:s0+$0x19D20] =	vst v0  }
0x1e7: {  	v0 =	vld [tilespmem:s1+$0xFFFFFDB0]  }
0x1e8: {  	v1 =	vld [tilespmem:s1+$0xFFFFFDF0];
	_ =	sdelay $0x1  }
0x1e9: {  	v2 =	vld [tilespmem:s1+$0xFFFFFE30];
	_ =	sdelay $0x1  }
0x1ea: {  	v3 =	vld [tilespmem:s1+$0xFFFFFE70]  }
0x1eb: {  	v0 =	vadd.f32 v1, v0  }
0x1ec: {  	v1 =	vld [tilespmem:s1+$0xFFFFFEB0]  }
0x1ed: {  	v0 =	vadd.f32 v2, v0  }
0x1ee: {  	v2 =	vld [tilespmem:s1+$0xFFFFFEF0]  }
0x1ef: {  	v0 =	vadd.f32 v3, v0  }
0x1f0: {  	v3 =	vld [tilespmem:s1+$0xFFFFFF30]  }
0x1f1: {  	v0 =	vadd.f32 v1, v0  }
0x1f2: {  	v1 =	vld [tilespmem:s1+$0xFFFFFF70]  }
0x1f3: {  	v0 =	vadd.f32 v2, v0  }
0x1f4: {  	v2 =	vld [tilespmem:s1+$0xFFFFFFB0]  }
0x1f5: {  	v0 =	vadd.f32 v3, v0  }
0x1f6: {  	v3 =	vld [tilespmem:s1+$0xFFFFFFF0]  }
0x1f7: {  	v0 =	vadd.f32 v1, v0  }
0x1f8: {  	v1 =	vld [tilespmem:s1+$0x30]  }
0x1f9: {  	v0 =	vadd.f32 v2, v0  }
0x1fa: {  	v2 =	vld [tilespmem:s1+$0x70]  }
0x1fb: {  	v0 =	vadd.f32 v3, v0  }
0x1fc: {  	v3 =	vld [tilespmem:s1+$0xB0]  }
0x1fd: {  	v0 =	vadd.f32 v1, v0  }
0x1fe: {  	v1 =	vld [tilespmem:s1+$0xF0]  }
0x1ff: {  	v0 =	vadd.f32 v2, v0  }
0x200: {  	v2 =	vld [tilespmem:s1+$0x130]  }
0x201: {  	v0 =	vadd.f32 v3, v0  }
0x202: {  	v3 =	vld [tilespmem:s1+$0x170]  }
0x203: {  	v0 =	vadd.f32 v1, v0  }
0x204: {  	v1 =	vld [tilespmem:s1+$0x1B0]  }
0x205: {  	v0 =	vadd.f32 v2, v0;
	_ =	sdelay $0x1  }
0x206: {  	v2 =	vld [tilespmem:s1+$0x1F0];
	v0 =	vadd.f32 v3, v0;
	_ =	sdelay $0x1  }
0x207: {  	v3 =	vadd.f32 v1, v0;
	v1 =	vld [tilespmem:s1+$0x230];
	_ =	sdelay $0x1  }
0x208: {  	v0 =	vld [tilespmem:s1+$0x270]  }
0x209: {  	s3 =	simm.s32 $0x100;
	v2 =	vadd.f32 v2, v3  }
.LBB2_4:
0x20a: {  	p0 =	sne.s32 s3, $0xF00  }
0x20b: {  	s1 =	sadd.s32 $0x500, s1;
	s6 =	smov.u32 s3;
	s3 =	sadd.s32 $0x100, s3;
	v1 =	vadd.f32 v1, v2  }
0x20c: {  	_ = 	snop  }
0x20d: {  	v0 =	vadd.f32 v0, v1;
	_ =	sdelay $0x1  }
0x20e: {  	[tilespmem:s0+$0x19D30] =	vst v0  }
0x20f: {  	v0 =	vld [tilespmem:s1+$0xFFFFFDC0]  }
0x210: {  	v1 =	vld [tilespmem:s1+$0xFFFFFD80];
	_ =	sdelay $0x1  }
0x211: {  	v2 =	vld [tilespmem:s1+$0xFFFFFE00];
	_ =	sdelay $0x1  }
0x212: {  	v3 =	vld [tilespmem:s1+$0xFFFFFE40]  }
0x213: {  	v0 =	vadd.f32 v0, v1  }
0x214: {  	v1 =	vld [tilespmem:s1+$0xFFFFFE80]  }
0x215: {  	v0 =	vadd.f32 v2, v0  }
0x216: {  	v2 =	vld [tilespmem:s1+$0xFFFFFEC0]  }
0x217: {  	v0 =	vadd.f32 v3, v0  }
0x218: {  	v3 =	vld [tilespmem:s1+$0xFFFFFF00]  }
0x219: {  	v0 =	vadd.f32 v1, v0  }
0x21a: {  	v1 =	vld [tilespmem:s1+$0xFFFFFF40]  }
0x21b: {  	v0 =	vadd.f32 v2, v0  }
0x21c: {  	v2 =	vld [tilespmem:s1+$0xFFFFFF80]  }
0x21d: {  	v0 =	vadd.f32 v3, v0  }
0x21e: {  	v3 =	vld [tilespmem:s1+$0xFFFFFFC0]  }
0x21f: {  	v0 =	vadd.f32 v1, v0  }
0x220: {  	v1 =	vld [tilespmem:s1+$0x0]  }
0x221: {  	v0 =	vadd.f32 v2, v0  }
0x222: {  	v2 =	vld [tilespmem:s1+$0x40]  }
0x223: {  	v0 =	vadd.f32 v3, v0  }
0x224: {  	v3 =	vld [tilespmem:s1+$0x80]  }
0x225: {  	v0 =	vadd.f32 v1, v0  }
0x226: {  	v1 =	vld [tilespmem:s1+$0xC0]  }
0x227: {  	v0 =	vadd.f32 v2, v0  }
0x228: {  	v2 =	vld [tilespmem:s1+$0x100]  }
0x229: {  	v0 =	vadd.f32 v3, v0  }
0x22a: {  	v3 =	vld [tilespmem:s1+$0x140]  }
0x22b: {  	v0 =	vadd.f32 v1, v0  }
0x22c: {  	v1 =	vld [tilespmem:s1+$0x180]  }
0x22d: {  	v0 =	vadd.f32 v2, v0  }
0x22e: {  	v2 =	vld [tilespmem:s1+$0x1C0]  }
0x22f: {  	v0 =	vadd.f32 v3, v0  }
0x230: {  	v3 =	vld [tilespmem:s1+$0x200]  }
0x231: {  	v0 =	vadd.f32 v1, v0  }
0x232: {  	v1 =	vld [tilespmem:s1+$0x240]  }
0x233: {  	v0 =	vadd.f32 v2, v0;
	_ =	sdelay $0x1  }
0x234: {  	v0 =	vadd.f32 v3, v0;
	_ =	sdelay $0x1  }
0x235: {  	v0 =	vadd.f32 v1, v0  }
0x236: {  	s0 =	sshra.s32 s6, $0x2  }
0x237: {  	[tilespmem:s0+$0x19D00] =	vst v0  }
0x238: {  	v0 =	vld [tilespmem:s1+$0xFFFFFD90]  }
0x239: {  	v1 =	vld [tilespmem:s1+$0xFFFFFDD0];
	_ =	sdelay $0x1  }
0x23a: {  	v2 =	vld [tilespmem:s1+$0xFFFFFE10];
	_ =	sdelay $0x1  }
0x23b: {  	v3 =	vld [tilespmem:s1+$0xFFFFFE50]  }
0x23c: {  	v0 =	vadd.f32 v1, v0  }
0x23d: {  	v1 =	vld [tilespmem:s1+$0xFFFFFE90]  }
0x23e: {  	v0 =	vadd.f32 v2, v0  }
0x23f: {  	v2 =	vld [tilespmem:s1+$0xFFFFFED0]  }
0x240: {  	v0 =	vadd.f32 v3, v0  }
0x241: {  	v3 =	vld [tilespmem:s1+$0xFFFFFF10]  }
0x242: {  	v0 =	vadd.f32 v1, v0  }
0x243: {  	v1 =	vld [tilespmem:s1+$0xFFFFFF50]  }
0x244: {  	v0 =	vadd.f32 v2, v0  }
0x245: {  	v2 =	vld [tilespmem:s1+$0xFFFFFF90]  }
0x246: {  	v0 =	vadd.f32 v3, v0  }
0x247: {  	v3 =	vld [tilespmem:s1+$0xFFFFFFD0]  }
0x248: {  	v0 =	vadd.f32 v1, v0  }
0x249: {  	v1 =	vld [tilespmem:s1+$0x10]  }
0x24a: {  	v0 =	vadd.f32 v2, v0  }
0x24b: {  	v2 =	vld [tilespmem:s1+$0x50]  }
0x24c: {  	v0 =	vadd.f32 v3, v0  }
0x24d: {  	v3 =	vld [tilespmem:s1+$0x90]  }
0x24e: {  	v0 =	vadd.f32 v1, v0  }
0x24f: {  	v1 =	vld [tilespmem:s1+$0xD0]  }
0x250: {  	v0 =	vadd.f32 v2, v0  }
0x251: {  	v2 =	vld [tilespmem:s1+$0x110]  }
0x252: {  	v0 =	vadd.f32 v3, v0  }
0x253: {  	v3 =	vld [tilespmem:s1+$0x150]  }
0x254: {  	v0 =	vadd.f32 v1, v0  }
0x255: {  	v1 =	vld [tilespmem:s1+$0x190]  }
0x256: {  	v0 =	vadd.f32 v2, v0  }
0x257: {  	v2 =	vld [tilespmem:s1+$0x1D0]  }
0x258: {  	v0 =	vadd.f32 v3, v0  }
0x259: {  	v3 =	vld [tilespmem:s1+$0x210]  }
0x25a: {  	v0 =	vadd.f32 v1, v0  }
0x25b: {  	v1 =	vld [tilespmem:s1+$0x250]  }
0x25c: {  	v0 =	vadd.f32 v2, v0;
	_ =	sdelay $0x1  }
0x25d: {  	v0 =	vadd.f32 v3, v0;
	_ =	sdelay $0x1  }
0x25e: {  	v0 =	vadd.f32 v1, v0;
	_ =	sdelay $0x1  }
0x25f: {  	[tilespmem:s0+$0x19D10] =	vst v0  }
0x260: {  	v0 =	vld [tilespmem:s1+$0xFFFFFDA0]  }
0x261: {  	v1 =	vld [tilespmem:s1+$0xFFFFFDE0];
	_ =	sdelay $0x1  }
0x262: {  	v2 =	vld [tilespmem:s1+$0xFFFFFE20];
	_ =	sdelay $0x1  }
0x263: {  	v3 =	vld [tilespmem:s1+$0xFFFFFE60]  }
0x264: {  	v0 =	vadd.f32 v1, v0  }
0x265: {  	v1 =	vld [tilespmem:s1+$0xFFFFFEA0]  }
0x266: {  	v0 =	vadd.f32 v2, v0  }
0x267: {  	v2 =	vld [tilespmem:s1+$0xFFFFFEE0]  }
0x268: {  	v0 =	vadd.f32 v3, v0  }
0x269: {  	v3 =	vld [tilespmem:s1+$0xFFFFFF20]  }
0x26a: {  	v0 =	vadd.f32 v1, v0  }
0x26b: {  	v1 =	vld [tilespmem:s1+$0xFFFFFF60]  }
0x26c: {  	v0 =	vadd.f32 v2, v0  }
0x26d: {  	v2 =	vld [tilespmem:s1+$0xFFFFFFA0]  }
0x26e: {  	v0 =	vadd.f32 v3, v0  }
0x26f: {  	v3 =	vld [tilespmem:s1+$0xFFFFFFE0]  }
0x270: {  	v0 =	vadd.f32 v1, v0  }
0x271: {  	v1 =	vld [tilespmem:s1+$0x20]  }
0x272: {  	v0 =	vadd.f32 v2, v0  }
0x273: {  	v2 =	vld [tilespmem:s1+$0x60]  }
0x274: {  	v0 =	vadd.f32 v3, v0  }
0x275: {  	v3 =	vld [tilespmem:s1+$0xA0]  }
0x276: {  	v0 =	vadd.f32 v1, v0  }
0x277: {  	v1 =	vld [tilespmem:s1+$0xE0]  }
0x278: {  	v0 =	vadd.f32 v2, v0  }
0x279: {  	v2 =	vld [tilespmem:s1+$0x120]  }
0x27a: {  	v0 =	vadd.f32 v3, v0  }
0x27b: {  	v3 =	vld [tilespmem:s1+$0x160]  }
0x27c: {  	v0 =	vadd.f32 v1, v0  }
0x27d: {  	v1 =	vld [tilespmem:s1+$0x1A0]  }
0x27e: {  	v0 =	vadd.f32 v2, v0  }
0x27f: {  	v2 =	vld [tilespmem:s1+$0x1E0]  }
0x280: {  	v0 =	vadd.f32 v3, v0  }
0x281: {  	v3 =	vld [tilespmem:s1+$0x220]  }
0x282: {  	v0 =	vadd.f32 v1, v0  }
0x283: {  	v1 =	vld [tilespmem:s1+$0x260]  }
0x284: {  	v0 =	vadd.f32 v2, v0;
	_ =	sdelay $0x1  }
0x285: {  	v0 =	vadd.f32 v3, v0;
	_ =	sdelay $0x1  }
0x286: {  	v0 =	vadd.f32 v1, v0;
	_ =	sdelay $0x1  }
0x287: {  	[tilespmem:s0+$0x19D20] =	vst v0  }
0x288: {  	v0 =	vld [tilespmem:s1+$0xFFFFFDB0]  }
0x289: {  	v1 =	vld [tilespmem:s1+$0xFFFFFDF0]  }
0x28a: {  	v2 =	vld [tilespmem:s1+$0xFFFFFE30]  }
0x28b: {  	v3 =	vld [tilespmem:s1+$0xFFFFFE70]  }
0x28c: {  	v4 =	vld [tilespmem:s1+$0xFFFFFEB0]  }
0x28d: {  	v5 =	vld [tilespmem:s1+$0xFFFFFEF0]  }
0x28e: {  	v0 =	vadd.f32 v1, v0;
	v1 =	vld [tilespmem:s1+$0xFFFFFF30]  }
0x28f: {  	v6 =	vld [tilespmem:s1+$0xFFFFFF70]  }
0x290: {  	v0 =	vadd.f32 v2, v0;
	v2 =	vld [tilespmem:s1+$0xFFFFFFB0]  }
0x291: {  	v7 =	vld [tilespmem:s1+$0xFFFFFFF0]  }
0x292: {  	v0 =	vadd.f32 v3, v0;
	v3 =	vld [tilespmem:s1+$0x30]  }
0x293: {  	v8 =	vld [tilespmem:s1+$0x70]  }
0x294: {  	v0 =	vadd.f32 v4, v0;
	v4 =	vld [tilespmem:s1+$0xB0]  }
0x295: {  	v9 =	vld [tilespmem:s1+$0xF0]  }
0x296: {  	v0 =	vadd.f32 v5, v0;
	v5 =	vld [tilespmem:s1+$0x130]  }
0x297: {  	v10 =	vld [tilespmem:s1+$0x170]  }
0x298: {  	v0 =	vadd.f32 v1, v0;
	v11 =	vld [tilespmem:s1+$0x1B0]  }
0x299: {  	v12 =	vld [tilespmem:s1+$0x1F0]  }
0x29a: {  	v6 =	vadd.f32 v6, v0;
	v1 =	vld [tilespmem:s1+$0x230]  }
0x29b: {  	v0 =	vld [tilespmem:s1+$0x270]  }
0x29c: {  	v2 =	vadd.f32 v2, v6;
	_ =	sdelay $0x1  }
0x29d: {  	v2 =	vadd.f32 v7, v2;
	_ =	sdelay $0x1  }
0x29e: {  	v2 =	vadd.f32 v3, v2;
	_ =	sdelay $0x1  }
0x29f: {  	v2 =	vadd.f32 v8, v2;
	_ =	sdelay $0x1  }
0x2a0: {  	v2 =	vadd.f32 v4, v2;
	_ =	sdelay $0x1  }
0x2a1: {  	v2 =	vadd.f32 v9, v2;
	_ =	sdelay $0x1  }
0x2a2: {  	v2 =	vadd.f32 v5, v2;
	_ =	sdelay $0x1  }
.Ltmp3:
0x2a3: {  	v2 =	vadd.f32 v10, v2;
	(pc) =	sbr.rel @p0 .LBB2_4-.Ltmp3, $3  }
0x2a4: {  	_ = 	snop  }
0x2a5: {  	v2 =	vadd.f32 v11, v2;
	_ =	sdelay $0x1  }
0x2a6: {  	v2 =	vadd.f32 v12, v2  }
0x2a7: {  	_ = 	snop  }
0x2a8: {  	v1 =	vadd.f32 v1, v2;
	_ =	sdelay $0x1  }
0x2a9: {  	v0 =	vadd.f32 v0, v1;
	_ =	sdelay $0x1  }
.Ltmp4:
0x2aa: {  	s28 =	simm.s32 $0x0;
	[tilespmem:s0+$0x19D30] =	vst v0;
	(pc) =	sbr.rel .LBB2_6-.Ltmp4, $4  }
0x2ab: {  	[hbm4b:s10+s28] =	stream.linear.scatter [tilespmem:s14], [sflag:$0x5], $0x400, $0x38;
	[tilespmem:$0x1A500] =	vst v63  }
0x2ac: {  	_ =	swait.ge [sflag:s12], $0x400  }
0x2ad: {  	[sflag:s12] =	ssyncset.done $0x0  }
0x2ae: {  	s29 =	simm.s32 $0x0;
	[sflag:s12] =	ssyncadd.s32 $0xFFFFFC00  }
.LBB2_24:
0x2af: {  	s29 =	sadd.s32 $0x1, s29  }
0x2b0: {  	p0 =	sne.s32 s29, $0x101  }
.Ltmp5:
0x2b1: {  	_ = 	snop;
	(pc) =	sbr.rel @!p0 .LBB2_25-.Ltmp5, $2  }
0x2b2: {  	_ =	sdelay $0x2  }
0x2b3: {  	s28 =	sadd.s32 $0x200, s28  }
.LBB2_6:
0x2b4: {  	p0 =	seq.s32 s29, $0x100  }
.Ltmp6:
0x2b5: {  	_ = 	snop;
	(pc) =	sbr.rel @!p0 .LBB2_11-.Ltmp6, $1  }
0x2b6: {  	_ =	sdelay $0x3  }
.Ltmp7:
0x2b7: {  	(pc) =	sbr.rel .LBB2_8-.Ltmp7, $2  }
0x2b8: {  	_ =	sdelay $0x2  }
0x2b9: {  	s31 =	simm.s32 $0xFF;
	s1 =	simm.s32 $0x3;
	s30 =	simm.s32 $0x1  }
.LBB2_11:
0x2ba: {  	s1 =	sand.u32 $0x1, s29  }
0x2bb: {  	p0 =	seq.s32 s1, $0x1  }
.Ltmp8:
0x2bc: {  	_ = 	snop;
	(pc) =	sbr.rel @!p0 .LBB2_12-.Ltmp8, $4  }
0x2bd: {  	_ = 	snop  }
0x2be: {  	s0 =	sshrl.u32 s29, $0x1  }
0x2bf: {  	s3 =	sshrl.u32 s28, $0x2;
	s6 =	sand.u32 $0x3, s0  }
0x2c0: {  	s0 =	sand.u32 $0x3FFFFC00, s3;
	s1 =	smul.u32 $0x186A0, s6  }
0x2c1: {  	s0 =	sor.u32 $0x200, s0  }
0x2c2: {  	v1 =	vmov s0;
	_ =	sdelay $0x3  }
0x2c3: {  	v0 =	vmov s1;
	s0 =	simm.s32 $0x0;
	s1 =	simm.s32 $0x40  }
.LBB2_16:
0x2c4: {  	p0 =	sne.s32 s1, $0x7C0;
	v2 =	vld.idx.msk [tilespmem:v1+s0+$0x0 ss:$0x1], $0xffff;
	_ =	sdelay $0x2  }
.Ltmp9:
0x2c5: {  	(pc) =	sbr.rel @p0 .LBB2_16-.Ltmp9, $3  }
0x2c6: {  	_ =	sdelay $0x1  }
0x2c7: {  	v2 =	vadd.s32 v0, v2  }
0x2c8: {  	[tilespmem:s0+$0x8200] =	vst v2;
	s0 =	sshra.s32 s1, $0x2;
	s1 =	sadd.s32 $0x40, s1  }
0x2c9: {  	_ =	sdelay $0x3  }
0x2ca: {  	v1 =	vld.idx.msk [tilespmem:v1+s0+$0x0 ss:$0x1], $0xffff;
	_ =	sdelay $0x2  }
.Ltmp10:
0x2cb: {  	_ = 	snop;
	(pc) =	sbr.rel .LBB2_18-.Ltmp10, $4  }
0x2cc: {  	_ = 	snop  }
0x2cd: {  	v0 =	vadd.s32 v0, v1  }
0x2ce: {  	[tilespmem:s0+$0x8200] =	vst v0  }
0x2cf: {  	[tilespmem:s25], [sflag:$0x2] =	stream.indirect.gather [hbm4b:s2+s23], $0x40, s24, s23, $0xb8;
	[tilespmem:$0x1A500] =	vst v63  }
.LBB2_12:
0x2d0: {  	v1 =	vmov s0;
	_ =	sdelay $0x3  }
0x2d1: {  	s0 =	simm.s32 $0x0;
	v0 =	vmov s1;
	s1 =	simm.s32 $0x40  }
.LBB2_13:
0x2d2: {  	p0 =	sne.s32 s1, $0x7C0;
	v2 =	vld.idx.msk [tilespmem:v1+s0+$0x0 ss:$0x1], $0xffff;
	_ =	sdelay $0x2  }
.Ltmp11:
0x2d3: {  	(pc) =	sbr.rel @p0 .LBB2_13-.Ltmp11, $3  }
0x2d4: {  	_ =	sdelay $0x1  }
0x2d5: {  	v2 =	vadd.s32 v0, v2  }
0x2d6: {  	[tilespmem:s0+$0x8000] =	vst v2;
	s0 =	sshra.s32 s1, $0x2;
	s1 =	sadd.s32 $0x40, s1  }
0x2d7: {  	_ =	sdelay $0x3  }
0x2d8: {  	v1 =	vld.idx.msk [tilespmem:v1+s0+$0x0 ss:$0x1], $0xffff;
	_ =	sdelay $0x4  }
0x2d9: {  	v0 =	vadd.s32 v0, v1  }
0x2da: {  	[tilespmem:s0+$0x8000] =	vst v0  }
0x2db: {  	[tilespmem:s15], [sflag:$0x1] =	stream.indirect.gather [hbm4b:s2+s23], $0x40, s13, s23, $0xb8;
	[tilespmem:$0x1A500] =	vst v63  }
.LBB2_18:
0x2dc: {  	p0 =	seq.s32 s29, $0x0  }
.Ltmp12:
0x2dd: {  	_ = 	snop;
	(pc) =	sbr.rel @p0 .LBB2_24-.Ltmp12, $1  }
0x2de: {  	_ =	sdelay $0x3  }
0x2df: {  	s31 =	sadd.s32 $0xFFFFFFFF, s29  }
0x2e0: {  	s1 =	sand.u32 $0x1, s31  }
0x2e1: {  	p0 =	seq.s32 s1, $0x1  }
.Ltmp13:
0x2e2: {  	_ = 	snop;
	(pc) =	sbr.rel @!p0 .LBB2_21-.Ltmp13, $3  }
0x2e3: {  	_ =	sdelay $0x1  }
0x2e4: {  	s0 =	sshrl.u32 s31, $0x1  }
0x2e5: {  	s30 =	sand.u32 $0x1, s0  }
0x2e6: {  	s1 =	sand.u32 $0x3, s0  }
.LBB2_8:
0x2e7: {  	_ =	swait.ge [sflag:s18], $0x8000  }
0x2e8: {  	[sflag:s18] =	ssyncset.done $0x0  }
0x2e9: {  	s6 =	simm.s32 $0x0;
	[sflag:s18] =	ssyncadd.s32 $0xFFFF8000  }
0x2ea: {  	v0 =	vld [tilespmem:s6+$0x10400]  }
0x2eb: {  	v1 =	vld [tilespmem:s6+$0x10440];
	_ =	sdelay $0x1  }
0x2ec: {  	v2 =	vld [tilespmem:s6+$0x10480];
	_ =	sdelay $0x1  }
0x2ed: {  	v3 =	vld [tilespmem:s6+$0x104C0]  }
0x2ee: {  	v0 =	vadd.f32 v1, v0  }
0x2ef: {  	v1 =	vld [tilespmem:s6+$0x10500]  }
0x2f0: {  	v0 =	vadd.f32 v2, v0  }
0x2f1: {  	v2 =	vld [tilespmem:s6+$0x10540]  }
0x2f2: {  	v0 =	vadd.f32 v3, v0  }
0x2f3: {  	v3 =	vld [tilespmem:s6+$0x10580]  }
0x2f4: {  	v0 =	vadd.f32 v1, v0  }
0x2f5: {  	v1 =	vld [tilespmem:s6+$0x105C0]  }
0x2f6: {  	v0 =	vadd.f32 v2, v0  }
0x2f7: {  	v2 =	vld [tilespmem:s6+$0x10600]  }
0x2f8: {  	v0 =	vadd.f32 v3, v0  }
0x2f9: {  	v3 =	vld [tilespmem:s6+$0x10640]  }
0x2fa: {  	v0 =	vadd.f32 v1, v0  }
0x2fb: {  	v1 =	vld [tilespmem:s6+$0x10680]  }
0x2fc: {  	v0 =	vadd.f32 v2, v0  }
0x2fd: {  	v2 =	vld [tilespmem:s6+$0x106C0]  }
0x2fe: {  	v0 =	vadd.f32 v3, v0  }
0x2ff: {  	v3 =	vld [tilespmem:s6+$0x10700]  }
0x300: {  	v0 =	vadd.f32 v1, v0  }
0x301: {  	v1 =	vld [tilespmem:s6+$0x10740]  }
0x302: {  	v0 =	vadd.f32 v2, v0  }
0x303: {  	v2 =	vld [tilespmem:s6+$0x10780]  }
0x304: {  	v0 =	vadd.f32 v3, v0  }
0x305: {  	v3 =	vld [tilespmem:s6+$0x107C0]  }
0x306: {  	v0 =	vadd.f32 v1, v0  }
0x307: {  	v1 =	vld [tilespmem:s6+$0x10800]  }
0x308: {  	v0 =	vadd.f32 v2, v0  }
0x309: {  	v2 =	vld [tilespmem:s6+$0x10840]  }
0x30a: {  	v0 =	vadd.f32 v3, v0  }
0x30b: {  	v3 =	vld [tilespmem:s6+$0x10880]  }
0x30c: {  	v0 =	vadd.f32 v1, v0  }
0x30d: {  	v1 =	vld [tilespmem:s6+$0x108C0]  }
0x30e: {  	s0 =	smul.u32 $0x3200, s30;
	v0 =	vadd.f32 v2, v0;
	_ =	sdelay $0x1  }
0x30f: {  	s14 =	simm.s32 $0x640;
	s0 =	sshrl.u32 s0, $0x2;
	v0 =	vadd.f32 v3, v0  }
0x310: {  	s3 =	sand.u32 $0xF80, s14;
	s0 =	sadd.s32 $0x18400, s0  }
0x311: {  	s17 =	sand.u32 $0x40, s14;
	s3 =	sadd.s32 s3, s0;
	v0 =	vadd.f32 v1, v0  }
0x312: {  	s17 =	sadd.s32 s17, s3  }
0x313: {  	[tilespmem:s17+$0x0] =	vst v0  }
0x314: {  	v0 =	vld [tilespmem:s6+$0x10410]  }
0x315: {  	v1 =	vld [tilespmem:s6+$0x10450];
	_ =	sdelay $0x1  }
0x316: {  	v2 =	vld [tilespmem:s6+$0x10490];
	_ =	sdelay $0x1  }
0x317: {  	v3 =	vld [tilespmem:s6+$0x104D0]  }
0x318: {  	v0 =	vadd.f32 v1, v0  }
0x319: {  	v1 =	vld [tilespmem:s6+$0x10510]  }
0x31a: {  	v0 =	vadd.f32 v2, v0  }
0x31b: {  	v2 =	vld [tilespmem:s6+$0x10550]  }
0x31c: {  	v0 =	vadd.f32 v3, v0  }
0x31d: {  	v3 =	vld [tilespmem:s6+$0x10590]  }
0x31e: {  	v0 =	vadd.f32 v1, v0  }
0x31f: {  	v1 =	vld [tilespmem:s6+$0x105D0]  }
0x320: {  	v0 =	vadd.f32 v2, v0  }
0x321: {  	v2 =	vld [tilespmem:s6+$0x10610]  }
0x322: {  	v0 =	vadd.f32 v3, v0  }
0x323: {  	v3 =	vld [tilespmem:s6+$0x10650]  }
0x324: {  	v0 =	vadd.f32 v1, v0  }
0x325: {  	v1 =	vld [tilespmem:s6+$0x10690]  }
0x326: {  	v0 =	vadd.f32 v2, v0  }
0x327: {  	v2 =	vld [tilespmem:s6+$0x106D0]  }
0x328: {  	v0 =	vadd.f32 v3, v0  }
0x329: {  	v3 =	vld [tilespmem:s6+$0x10710]  }
0x32a: {  	v0 =	vadd.f32 v1, v0  }
0x32b: {  	v1 =	vld [tilespmem:s6+$0x10750]  }
0x32c: {  	v0 =	vadd.f32 v2, v0  }
0x32d: {  	v2 =	vld [tilespmem:s6+$0x10790]  }
0x32e: {  	v0 =	vadd.f32 v3, v0  }
0x32f: {  	v3 =	vld [tilespmem:s6+$0x107D0]  }
0x330: {  	v0 =	vadd.f32 v1, v0  }
0x331: {  	v1 =	vld [tilespmem:s6+$0x10810]  }
0x332: {  	v0 =	vadd.f32 v2, v0  }
0x333: {  	v2 =	vld [tilespmem:s6+$0x10850]  }
0x334: {  	v0 =	vadd.f32 v3, v0  }
0x335: {  	v3 =	vld [tilespmem:s6+$0x10890]  }
0x336: {  	v0 =	vadd.f32 v1, v0  }
0x337: {  	v1 =	vld [tilespmem:s6+$0x108D0]  }
0x338: {  	v0 =	vadd.f32 v2, v0;
	_ =	sdelay $0x1  }
0x339: {  	v0 =	vadd.f32 v3, v0;
	_ =	sdelay $0x1  }
0x33a: {  	v0 =	vadd.f32 v1, v0;
	_ =	sdelay $0x1  }
0x33b: {  	[tilespmem:s17+$0x10] =	vst v0  }
0x33c: {  	v0 =	vld [tilespmem:s6+$0x10420]  }
0x33d: {  	v1 =	vld [tilespmem:s6+$0x10460];
	_ =	sdelay $0x1  }
0x33e: {  	v2 =	vld [tilespmem:s6+$0x104A0];
	_ =	sdelay $0x1  }
0x33f: {  	v3 =	vld [tilespmem:s6+$0x104E0]  }
0x340: {  	v0 =	vadd.f32 v1, v0  }
0x341: {  	v1 =	vld [tilespmem:s6+$0x10520]  }
0x342: {  	v0 =	vadd.f32 v2, v0  }
0x343: {  	v2 =	vld [tilespmem:s6+$0x10560]  }
0x344: {  	v0 =	vadd.f32 v3, v0  }
0x345: {  	v3 =	vld [tilespmem:s6+$0x105A0]  }
0x346: {  	v0 =	vadd.f32 v1, v0  }
0x347: {  	v1 =	vld [tilespmem:s6+$0x105E0]  }
0x348: {  	v0 =	vadd.f32 v2, v0  }
0x349: {  	v2 =	vld [tilespmem:s6+$0x10620]  }
0x34a: {  	v0 =	vadd.f32 v3, v0  }
0x34b: {  	v3 =	vld [tilespmem:s6+$0x10660]  }
0x34c: {  	v0 =	vadd.f32 v1, v0  }
0x34d: {  	v1 =	vld [tilespmem:s6+$0x106A0]  }
0x34e: {  	v0 =	vadd.f32 v2, v0  }
0x34f: {  	v2 =	vld [tilespmem:s6+$0x106E0]  }
0x350: {  	v0 =	vadd.f32 v3, v0  }
0x351: {  	v3 =	vld [tilespmem:s6+$0x10720]  }
0x352: {  	v0 =	vadd.f32 v1, v0  }
0x353: {  	v1 =	vld [tilespmem:s6+$0x10760]  }
0x354: {  	v0 =	vadd.f32 v2, v0  }
0x355: {  	v2 =	vld [tilespmem:s6+$0x107A0]  }
0x356: {  	v0 =	vadd.f32 v3, v0  }
0x357: {  	v3 =	vld [tilespmem:s6+$0x107E0]  }
0x358: {  	v0 =	vadd.f32 v1, v0  }
0x359: {  	v1 =	vld [tilespmem:s6+$0x10820]  }
0x35a: {  	v0 =	vadd.f32 v2, v0  }
0x35b: {  	v2 =	vld [tilespmem:s6+$0x10860]  }
0x35c: {  	v0 =	vadd.f32 v3, v0  }
0x35d: {  	v3 =	vld [tilespmem:s6+$0x108A0]  }
0x35e: {  	v0 =	vadd.f32 v1, v0  }
0x35f: {  	v1 =	vld [tilespmem:s6+$0x108E0]  }
0x360: {  	v0 =	vadd.f32 v2, v0;
	_ =	sdelay $0x1  }
0x361: {  	v0 =	vadd.f32 v3, v0;
	_ =	sdelay $0x1  }
0x362: {  	v0 =	vadd.f32 v1, v0;
	_ =	sdelay $0x1  }
0x363: {  	[tilespmem:s17+$0x20] =	vst v0  }
0x364: {  	v0 =	vld [tilespmem:s6+$0x10430]  }
0x365: {  	v1 =	vld [tilespmem:s6+$0x10470];
	_ =	sdelay $0x1  }
0x366: {  	v2 =	vld [tilespmem:s6+$0x104B0];
	_ =	sdelay $0x1  }
0x367: {  	v3 =	vld [tilespmem:s6+$0x104F0]  }
0x368: {  	v0 =	vadd.f32 v1, v0  }
0x369: {  	v1 =	vld [tilespmem:s6+$0x10530]  }
0x36a: {  	v0 =	vadd.f32 v2, v0  }
0x36b: {  	v2 =	vld [tilespmem:s6+$0x10570]  }
0x36c: {  	v0 =	vadd.f32 v3, v0  }
0x36d: {  	v3 =	vld [tilespmem:s6+$0x105B0]  }
0x36e: {  	v0 =	vadd.f32 v1, v0  }
0x36f: {  	v1 =	vld [tilespmem:s6+$0x105F0]  }
0x370: {  	v0 =	vadd.f32 v2, v0  }
0x371: {  	v2 =	vld [tilespmem:s6+$0x10630]  }
0x372: {  	v0 =	vadd.f32 v3, v0  }
0x373: {  	v3 =	vld [tilespmem:s6+$0x10670]  }
0x374: {  	v0 =	vadd.f32 v1, v0  }
0x375: {  	v1 =	vld [tilespmem:s6+$0x106B0]  }
0x376: {  	v0 =	vadd.f32 v2, v0  }
0x377: {  	v2 =	vld [tilespmem:s6+$0x106F0]  }
0x378: {  	v0 =	vadd.f32 v3, v0  }
0x379: {  	v3 =	vld [tilespmem:s6+$0x10730]  }
0x37a: {  	v0 =	vadd.f32 v1, v0  }
0x37b: {  	v1 =	vld [tilespmem:s6+$0x10770]  }
0x37c: {  	v0 =	vadd.f32 v2, v0  }
0x37d: {  	v2 =	vld [tilespmem:s6+$0x107B0]  }
0x37e: {  	v0 =	vadd.f32 v3, v0  }
0x37f: {  	v3 =	vld [tilespmem:s6+$0x107F0]  }
0x380: {  	v0 =	vadd.f32 v1, v0  }
0x381: {  	v1 =	vld [tilespmem:s6+$0x10830]  }
0x382: {  	v0 =	vadd.f32 v2, v0  }
0x383: {  	v2 =	vld [tilespmem:s6+$0x10870]  }
0x384: {  	v0 =	vadd.f32 v3, v0;
	_ =	sdelay $0x1  }
0x385: {  	v3 =	vadd.f32 v1, v0;
	v1 =	vld [tilespmem:s6+$0x108B0];
	_ =	sdelay $0x1  }
0x386: {  	s3 =	simm.s32 $0x1400;
	v0 =	vld [tilespmem:s6+$0x108F0];
	v2 =	vadd.f32 v2, v3  }
.LBB2_9:
0x387: {  	p0 =	sne.s32 s3, $0x1E000  }
0x388: {  	s14 =	sadd.s32 $0x40, s14;
	s6 =	smov.u32 s3;
	s3 =	sadd.s32 $0x1400, s3  }
0x389: {  	v1 =	vadd.f32 v1, v2;
	_ =	sdelay $0x1  }
0x38a: {  	v0 =	vadd.f32 v0, v1  }
0x38b: {  	s6 =	sshra.s32 s6, $0x2  }
0x38c: {  	[tilespmem:s17+$0x30] =	vst v0  }
0x38d: {  	v0 =	vld [tilespmem:s6+$0x10400]  }
0x38e: {  	v1 =	vld [tilespmem:s6+$0x10440];
	_ =	sdelay $0x1  }
0x38f: {  	v2 =	vld [tilespmem:s6+$0x10480];
	_ =	sdelay $0x1  }
0x390: {  	v3 =	vld [tilespmem:s6+$0x104C0]  }
0x391: {  	v0 =	vadd.f32 v1, v0  }
0x392: {  	v1 =	vld [tilespmem:s6+$0x10500]  }
0x393: {  	v0 =	vadd.f32 v2, v0  }
0x394: {  	v2 =	vld [tilespmem:s6+$0x10540]  }
0x395: {  	v0 =	vadd.f32 v3, v0  }
0x396: {  	v3 =	vld [tilespmem:s6+$0x10580]  }
0x397: {  	v0 =	vadd.f32 v1, v0  }
0x398: {  	v1 =	vld [tilespmem:s6+$0x105C0]  }
0x399: {  	v0 =	vadd.f32 v2, v0  }
0x39a: {  	v2 =	vld [tilespmem:s6+$0x10600]  }
0x39b: {  	v0 =	vadd.f32 v3, v0  }
0x39c: {  	v3 =	vld [tilespmem:s6+$0x10640]  }
0x39d: {  	v0 =	vadd.f32 v1, v0  }
0x39e: {  	v1 =	vld [tilespmem:s6+$0x10680]  }
0x39f: {  	v0 =	vadd.f32 v2, v0  }
0x3a0: {  	v2 =	vld [tilespmem:s6+$0x106C0]  }
0x3a1: {  	v0 =	vadd.f32 v3, v0  }
0x3a2: {  	v3 =	vld [tilespmem:s6+$0x10700]  }
0x3a3: {  	v0 =	vadd.f32 v1, v0  }
0x3a4: {  	v1 =	vld [tilespmem:s6+$0x10740]  }
0x3a5: {  	v0 =	vadd.f32 v2, v0  }
0x3a6: {  	v2 =	vld [tilespmem:s6+$0x10780]  }
0x3a7: {  	v0 =	vadd.f32 v3, v0  }
0x3a8: {  	v3 =	vld [tilespmem:s6+$0x107C0]  }
0x3a9: {  	v0 =	vadd.f32 v1, v0  }
0x3aa: {  	v1 =	vld [tilespmem:s6+$0x10800]  }
0x3ab: {  	v0 =	vadd.f32 v2, v0  }
0x3ac: {  	v2 =	vld [tilespmem:s6+$0x10840]  }
0x3ad: {  	v0 =	vadd.f32 v3, v0  }
0x3ae: {  	v3 =	vld [tilespmem:s6+$0x10880]  }
0x3af: {  	v0 =	vadd.f32 v1, v0  }
0x3b0: {  	v1 =	vld [tilespmem:s6+$0x108C0]  }
0x3b1: {  	v0 =	vadd.f32 v2, v0;
	_ =	sdelay $0x1  }
0x3b2: {  	v0 =	vadd.f32 v3, v0  }
0x3b3: {  	s17 =	sand.u32 $0xF80, s14  }
0x3b4: {  	s7 =	sand.u32 $0x40, s14;
	s17 =	sadd.s32 s17, s0;
	v0 =	vadd.f32 v1, v0  }
0x3b5: {  	s17 =	sadd.s32 s7, s17  }
0x3b6: {  	[tilespmem:s17+$0x0] =	vst v0  }
0x3b7: {  	v0 =	vld [tilespmem:s6+$0x10410]  }
0x3b8: {  	v1 =	vld [tilespmem:s6+$0x10450];
	_ =	sdelay $0x1  }
0x3b9: {  	v2 =	vld [tilespmem:s6+$0x10490];
	_ =	sdelay $0x1  }
0x3ba: {  	v3 =	vld [tilespmem:s6+$0x104D0]  }
0x3bb: {  	v0 =	vadd.f32 v1, v0  }
0x3bc: {  	v1 =	vld [tilespmem:s6+$0x10510]  }
0x3bd: {  	v0 =	vadd.f32 v2, v0  }
0x3be: {  	v2 =	vld [tilespmem:s6+$0x10550]  }
0x3bf: {  	v0 =	vadd.f32 v3, v0  }
0x3c0: {  	v3 =	vld [tilespmem:s6+$0x10590]  }
0x3c1: {  	v0 =	vadd.f32 v1, v0  }
0x3c2: {  	v1 =	vld [tilespmem:s6+$0x105D0]  }
0x3c3: {  	v0 =	vadd.f32 v2, v0  }
0x3c4: {  	v2 =	vld [tilespmem:s6+$0x10610]  }
0x3c5: {  	v0 =	vadd.f32 v3, v0  }
0x3c6: {  	v3 =	vld [tilespmem:s6+$0x10650]  }
0x3c7: {  	v0 =	vadd.f32 v1, v0  }
0x3c8: {  	v1 =	vld [tilespmem:s6+$0x10690]  }
0x3c9: {  	v0 =	vadd.f32 v2, v0  }
0x3ca: {  	v2 =	vld [tilespmem:s6+$0x106D0]  }
0x3cb: {  	v0 =	vadd.f32 v3, v0  }
0x3cc: {  	v3 =	vld [tilespmem:s6+$0x10710]  }
0x3cd: {  	v0 =	vadd.f32 v1, v0  }
0x3ce: {  	v1 =	vld [tilespmem:s6+$0x10750]  }
0x3cf: {  	v0 =	vadd.f32 v2, v0  }
0x3d0: {  	v2 =	vld [tilespmem:s6+$0x10790]  }
0x3d1: {  	v0 =	vadd.f32 v3, v0  }
0x3d2: {  	v3 =	vld [tilespmem:s6+$0x107D0]  }
0x3d3: {  	v0 =	vadd.f32 v1, v0  }
0x3d4: {  	v1 =	vld [tilespmem:s6+$0x10810]  }
0x3d5: {  	v0 =	vadd.f32 v2, v0  }
0x3d6: {  	v2 =	vld [tilespmem:s6+$0x10850]  }
0x3d7: {  	v0 =	vadd.f32 v3, v0  }
0x3d8: {  	v3 =	vld [tilespmem:s6+$0x10890]  }
0x3d9: {  	v0 =	vadd.f32 v1, v0  }
0x3da: {  	v1 =	vld [tilespmem:s6+$0x108D0]  }
0x3db: {  	v0 =	vadd.f32 v2, v0;
	_ =	sdelay $0x1  }
0x3dc: {  	v0 =	vadd.f32 v3, v0;
	_ =	sdelay $0x1  }
0x3dd: {  	v0 =	vadd.f32 v1, v0;
	_ =	sdelay $0x1  }
0x3de: {  	[tilespmem:s17+$0x10] =	vst v0  }
0x3df: {  	v0 =	vld [tilespmem:s6+$0x10420]  }
0x3e0: {  	v1 =	vld [tilespmem:s6+$0x10460];
	_ =	sdelay $0x1  }
0x3e1: {  	v2 =	vld [tilespmem:s6+$0x104A0];
	_ =	sdelay $0x1  }
0x3e2: {  	v3 =	vld [tilespmem:s6+$0x104E0]  }
0x3e3: {  	v0 =	vadd.f32 v1, v0  }
0x3e4: {  	v1 =	vld [tilespmem:s6+$0x10520]  }
0x3e5: {  	v0 =	vadd.f32 v2, v0  }
0x3e6: {  	v2 =	vld [tilespmem:s6+$0x10560]  }
0x3e7: {  	v0 =	vadd.f32 v3, v0  }
0x3e8: {  	v3 =	vld [tilespmem:s6+$0x105A0]  }
0x3e9: {  	v0 =	vadd.f32 v1, v0  }
0x3ea: {  	v1 =	vld [tilespmem:s6+$0x105E0]  }
0x3eb: {  	v0 =	vadd.f32 v2, v0  }
0x3ec: {  	v2 =	vld [tilespmem:s6+$0x10620]  }
0x3ed: {  	v0 =	vadd.f32 v3, v0  }
0x3ee: {  	v3 =	vld [tilespmem:s6+$0x10660]  }
0x3ef: {  	v0 =	vadd.f32 v1, v0  }
0x3f0: {  	v1 =	vld [tilespmem:s6+$0x106A0]  }
0x3f1: {  	v0 =	vadd.f32 v2, v0  }
0x3f2: {  	v2 =	vld [tilespmem:s6+$0x106E0]  }
0x3f3: {  	v0 =	vadd.f32 v3, v0  }
0x3f4: {  	v3 =	vld [tilespmem:s6+$0x10720]  }
0x3f5: {  	v0 =	vadd.f32 v1, v0  }
0x3f6: {  	v1 =	vld [tilespmem:s6+$0x10760]  }
0x3f7: {  	v0 =	vadd.f32 v2, v0  }
0x3f8: {  	v2 =	vld [tilespmem:s6+$0x107A0]  }
0x3f9: {  	v0 =	vadd.f32 v3, v0  }
0x3fa: {  	v3 =	vld [tilespmem:s6+$0x107E0]  }
0x3fb: {  	v0 =	vadd.f32 v1, v0  }
0x3fc: {  	v1 =	vld [tilespmem:s6+$0x10820]  }
0x3fd: {  	v0 =	vadd.f32 v2, v0  }
0x3fe: {  	v2 =	vld [tilespmem:s6+$0x10860]  }
0x3ff: {  	v0 =	vadd.f32 v3, v0  }
0x400: {  	v3 =	vld [tilespmem:s6+$0x108A0]  }
0x401: {  	v0 =	vadd.f32 v1, v0  }
0x402: {  	v1 =	vld [tilespmem:s6+$0x108E0]  }
0x403: {  	v0 =	vadd.f32 v2, v0;
	_ =	sdelay $0x1  }
0x404: {  	v0 =	vadd.f32 v3, v0;
	_ =	sdelay $0x1  }
0x405: {  	v0 =	vadd.f32 v1, v0;
	_ =	sdelay $0x1  }
0x406: {  	[tilespmem:s17+$0x20] =	vst v0  }
0x407: {  	v0 =	vld [tilespmem:s6+$0x10430]  }
0x408: {  	v1 =	vld [tilespmem:s6+$0x10470]  }
0x409: {  	v2 =	vld [tilespmem:s6+$0x104B0]  }
0x40a: {  	v3 =	vld [tilespmem:s6+$0x104F0]  }
0x40b: {  	v4 =	vld [tilespmem:s6+$0x10530]  }
0x40c: {  	v5 =	vld [tilespmem:s6+$0x10570]  }
0x40d: {  	v0 =	vadd.f32 v1, v0;
	v1 =	vld [tilespmem:s6+$0x105B0]  }
0x40e: {  	v6 =	vld [tilespmem:s6+$0x105F0]  }
0x40f: {  	v0 =	vadd.f32 v2, v0;
	v2 =	vld [tilespmem:s6+$0x10630]  }
0x410: {  	v7 =	vld [tilespmem:s6+$0x10670]  }
0x411: {  	v0 =	vadd.f32 v3, v0;
	v3 =	vld [tilespmem:s6+$0x106B0]  }
0x412: {  	v8 =	vld [tilespmem:s6+$0x106F0]  }
0x413: {  	v0 =	vadd.f32 v4, v0;
	v4 =	vld [tilespmem:s6+$0x10730]  }
0x414: {  	v9 =	vld [tilespmem:s6+$0x10770]  }
0x415: {  	v0 =	vadd.f32 v5, v0;
	v5 =	vld [tilespmem:s6+$0x107B0]  }
0x416: {  	v10 =	vld [tilespmem:s6+$0x107F0]  }
0x417: {  	v0 =	vadd.f32 v1, v0;
	v11 =	vld [tilespmem:s6+$0x10830]  }
0x418: {  	v12 =	vld [tilespmem:s6+$0x10870]  }
0x419: {  	v6 =	vadd.f32 v6, v0;
	v1 =	vld [tilespmem:s6+$0x108B0]  }
0x41a: {  	v0 =	vld [tilespmem:s6+$0x108F0]  }
0x41b: {  	v2 =	vadd.f32 v2, v6;
	_ =	sdelay $0x1  }
0x41c: {  	v2 =	vadd.f32 v7, v2;
	_ =	sdelay $0x1  }
0x41d: {  	v2 =	vadd.f32 v3, v2;
	_ =	sdelay $0x1  }
0x41e: {  	v2 =	vadd.f32 v8, v2;
	_ =	sdelay $0x1  }
0x41f: {  	v2 =	vadd.f32 v4, v2;
	_ =	sdelay $0x1  }
0x420: {  	v2 =	vadd.f32 v9, v2;
	_ =	sdelay $0x1  }
0x421: {  	v2 =	vadd.f32 v5, v2;
	_ =	sdelay $0x1  }
.Ltmp14:
0x422: {  	v2 =	vadd.f32 v10, v2;
	(pc) =	sbr.rel @p0 .LBB2_9-.Ltmp14, $3  }
0x423: {  	_ = 	snop  }
0x424: {  	v2 =	vadd.f32 v11, v2;
	_ =	sdelay $0x1  }
0x425: {  	v2 =	vadd.f32 v12, v2  }
0x426: {  	s1 =	smul.u32 $0x320000, s1  }
0x427: {  	s3 =	sshll.u32 s31, $0x4;
	v1 =	vadd.f32 v1, v2  }
.Ltmp15:
0x428: {  	s3 =	sand.u32 $0xFFFFFF80, s3;
	s1 =	sor.u32 s4, s1;
	(pc) =	sbr.rel .LBB2_24-.Ltmp15, $4  }
0x429: {  	v0 =	vadd.f32 v0, v1;
	s1 =	sadd.s32 s3, s1  }
0x42a: {  	s1 =	sshrl.u32 s1, $0x3  }
0x42b: {  	s31 =	sadd.s32 $0x3, s30;
	[tilespmem:s17+$0x30] =	vst v0;
	s1 =	sadd.s32 s5, s1  }
0x42c: {  	[hbm4b:s1+s19] =	stream.strided.scatter [tilespmem:s0], [sflag:s31], $0xC80, s20, s19, $0x38;
	[tilespmem:$0x1A500] =	vst v63  }
.LBB2_21:
0x42d: {  	p0 =	slt.u32 s29, $0x5  }
0x42e: {  	_ =	swait.ge [sflag:s16], $0x8000;
	p1 =	sne.s32 @!p0 s30, $0x0  }
0x42f: {  	[sflag:s16] =	ssyncset.done $0x0;
	p1 =	por p1, p0  }
0x430: {  	[sflag:s16] =	ssyncadd.s32 $0xFFFF8000;
	s0 =	simm.s32 @!p1 $0x3  }
0x431: {  	p2 =	seq.s32 s30, $0x1;
	_ =	swait.ge @!p1 [sflag:s0], $0xC80  }
0x432: {  	p0 =	por !p2, p0;
	[sflag:s0] =	ssyncset.done @!p1 $0x0  }
0x433: {  	[sflag:s0] =	ssyncadd.s32 @!p1 $0xFFFFF380;
	s0 =	simm.s32 @!p0 $0x4  }
0x434: {  	_ =	swait.ge @!p0 [sflag:s0], $0xC80  }
0x435: {  	[sflag:s0] =	ssyncset.done @!p0 $0x0  }
0x436: {  	s1 =	simm.s32 $0x8680;
	[sflag:s0] =	ssyncadd.s32 @!p0 $0xFFFFF380  }
0x437: {  	v0 =	vld [tilespmem:s1+$0xFFFFFD80]  }
0x438: {  	v1 =	vld [tilespmem:s1+$0xFFFFFDC0];
	_ =	sdelay $0x1  }
0x439: {  	v2 =	vld [tilespmem:s1+$0xFFFFFE00];
	_ =	sdelay $0x1  }
0x43a: {  	v3 =	vld [tilespmem:s1+$0xFFFFFE40]  }
0x43b: {  	v0 =	vadd.f32 v1, v0  }
0x43c: {  	v1 =	vld [tilespmem:s1+$0xFFFFFE80]  }
0x43d: {  	v0 =	vadd.f32 v2, v0  }
0x43e: {  	v2 =	vld [tilespmem:s1+$0xFFFFFEC0]  }
0x43f: {  	v0 =	vadd.f32 v3, v0  }
0x440: {  	v3 =	vld [tilespmem:s1+$0xFFFFFF00]  }
0x441: {  	v0 =	vadd.f32 v1, v0  }
0x442: {  	v1 =	vld [tilespmem:s1+$0xFFFFFF40]  }
0x443: {  	v0 =	vadd.f32 v2, v0  }
0x444: {  	v2 =	vld [tilespmem:s1+$0xFFFFFF80]  }
0x445: {  	v0 =	vadd.f32 v3, v0  }
0x446: {  	v3 =	vld [tilespmem:s1+$0xFFFFFFC0]  }
0x447: {  	v0 =	vadd.f32 v1, v0  }
0x448: {  	v1 =	vld [tilespmem:s1+$0x0]  }
0x449: {  	v0 =	vadd.f32 v2, v0  }
0x44a: {  	v2 =	vld [tilespmem:s1+$0x40]  }
0x44b: {  	v0 =	vadd.f32 v3, v0  }
0x44c: {  	v3 =	vld [tilespmem:s1+$0x80]  }
0x44d: {  	v0 =	vadd.f32 v1, v0  }
0x44e: {  	v1 =	vld [tilespmem:s1+$0xC0]  }
0x44f: {  	v0 =	vadd.f32 v2, v0  }
0x450: {  	v2 =	vld [tilespmem:s1+$0x100]  }
0x451: {  	v0 =	vadd.f32 v3, v0  }
0x452: {  	v3 =	vld [tilespmem:s1+$0x140]  }
0x453: {  	v0 =	vadd.f32 v1, v0  }
0x454: {  	v1 =	vld [tilespmem:s1+$0x180]  }
0x455: {  	v0 =	vadd.f32 v2, v0  }
0x456: {  	v2 =	vld [tilespmem:s1+$0x1C0]  }
0x457: {  	v0 =	vadd.f32 v3, v0  }
0x458: {  	v3 =	vld [tilespmem:s1+$0x200]  }
0x459: {  	v0 =	vadd.f32 v1, v0  }
0x45a: {  	v1 =	vld [tilespmem:s1+$0x240]  }
0x45b: {  	s31 =	smul.u32 $0x3200, s30;
	v0 =	vadd.f32 v2, v0;
	_ =	sdelay $0x1  }
0x45c: {  	s3 =	simm.s32 $0x0;
	s0 =	sshrl.u32 s31, $0x2;
	v0 =	vadd.f32 v3, v0  }
0x45d: {  	s6 =	sand.u32 $0x780, s3;
	s0 =	sadd.s32 $0x18400, s0  }
0x45e: {  	s3 =	sand.u32 $0x40, s3;
	s6 =	sadd.s32 s6, s0;
	v0 =	vadd.f32 v1, v0  }
0x45f: {  	s14 =	sadd.s32 s3, s6  }
0x460: {  	[tilespmem:s14+$0x0] =	vst v0  }
0x461: {  	v0 =	vld [tilespmem:s1+$0xFFFFFD90]  }
0x462: {  	v1 =	vld [tilespmem:s1+$0xFFFFFDD0];
	_ =	sdelay $0x1  }
0x463: {  	v2 =	vld [tilespmem:s1+$0xFFFFFE10];
	_ =	sdelay $0x1  }
0x464: {  	v3 =	vld [tilespmem:s1+$0xFFFFFE50]  }
0x465: {  	v0 =	vadd.f32 v1, v0  }
0x466: {  	v1 =	vld [tilespmem:s1+$0xFFFFFE90]  }
0x467: {  	v0 =	vadd.f32 v2, v0  }
0x468: {  	v2 =	vld [tilespmem:s1+$0xFFFFFED0]  }
0x469: {  	v0 =	vadd.f32 v3, v0  }
0x46a: {  	v3 =	vld [tilespmem:s1+$0xFFFFFF10]  }
0x46b: {  	v0 =	vadd.f32 v1, v0  }
0x46c: {  	v1 =	vld [tilespmem:s1+$0xFFFFFF50]  }
0x46d: {  	v0 =	vadd.f32 v2, v0  }
0x46e: {  	v2 =	vld [tilespmem:s1+$0xFFFFFF90]  }
0x46f: {  	v0 =	vadd.f32 v3, v0  }
0x470: {  	v3 =	vld [tilespmem:s1+$0xFFFFFFD0]  }
0x471: {  	v0 =	vadd.f32 v1, v0  }
0x472: {  	v1 =	vld [tilespmem:s1+$0x10]  }
0x473: {  	v0 =	vadd.f32 v2, v0  }
0x474: {  	v2 =	vld [tilespmem:s1+$0x50]  }
0x475: {  	v0 =	vadd.f32 v3, v0  }
0x476: {  	v3 =	vld [tilespmem:s1+$0x90]  }
0x477: {  	v0 =	vadd.f32 v1, v0  }
0x478: {  	v1 =	vld [tilespmem:s1+$0xD0]  }
0x479: {  	v0 =	vadd.f32 v2, v0  }
0x47a: {  	v2 =	vld [tilespmem:s1+$0x110]  }
0x47b: {  	v0 =	vadd.f32 v3, v0  }
0x47c: {  	v3 =	vld [tilespmem:s1+$0x150]  }
0x47d: {  	v0 =	vadd.f32 v1, v0  }
0x47e: {  	v1 =	vld [tilespmem:s1+$0x190]  }
0x47f: {  	v0 =	vadd.f32 v2, v0  }
0x480: {  	v2 =	vld [tilespmem:s1+$0x1D0]  }
0x481: {  	v0 =	vadd.f32 v3, v0  }
0x482: {  	v3 =	vld [tilespmem:s1+$0x210]  }
0x483: {  	v0 =	vadd.f32 v1, v0  }
0x484: {  	v1 =	vld [tilespmem:s1+$0x250]  }
0x485: {  	v0 =	vadd.f32 v2, v0;
	_ =	sdelay $0x1  }
0x486: {  	v0 =	vadd.f32 v3, v0;
	_ =	sdelay $0x1  }
0x487: {  	v0 =	vadd.f32 v1, v0;
	_ =	sdelay $0x1  }
0x488: {  	[tilespmem:s14+$0x10] =	vst v0  }
0x489: {  	v0 =	vld [tilespmem:s1+$0xFFFFFDA0]  }
0x48a: {  	v1 =	vld [tilespmem:s1+$0xFFFFFDE0];
	_ =	sdelay $0x1  }
0x48b: {  	v2 =	vld [tilespmem:s1+$0xFFFFFE20];
	_ =	sdelay $0x1  }
0x48c: {  	v3 =	vld [tilespmem:s1+$0xFFFFFE60]  }
0x48d: {  	v0 =	vadd.f32 v1, v0  }
0x48e: {  	v1 =	vld [tilespmem:s1+$0xFFFFFEA0]  }
0x48f: {  	v0 =	vadd.f32 v2, v0  }
0x490: {  	v2 =	vld [tilespmem:s1+$0xFFFFFEE0]  }
0x491: {  	v0 =	vadd.f32 v3, v0  }
0x492: {  	v3 =	vld [tilespmem:s1+$0xFFFFFF20]  }
0x493: {  	v0 =	vadd.f32 v1, v0  }
0x494: {  	v1 =	vld [tilespmem:s1+$0xFFFFFF60]  }
0x495: {  	v0 =	vadd.f32 v2, v0  }
0x496: {  	v2 =	vld [tilespmem:s1+$0xFFFFFFA0]  }
0x497: {  	v0 =	vadd.f32 v3, v0  }
0x498: {  	v3 =	vld [tilespmem:s1+$0xFFFFFFE0]  }
0x499: {  	v0 =	vadd.f32 v1, v0  }
0x49a: {  	v1 =	vld [tilespmem:s1+$0x20]  }
0x49b: {  	v0 =	vadd.f32 v2, v0  }
0x49c: {  	v2 =	vld [tilespmem:s1+$0x60]  }
0x49d: {  	v0 =	vadd.f32 v3, v0  }
0x49e: {  	v3 =	vld [tilespmem:s1+$0xA0]  }
0x49f: {  	v0 =	vadd.f32 v1, v0  }
0x4a0: {  	v1 =	vld [tilespmem:s1+$0xE0]  }
0x4a1: {  	v0 =	vadd.f32 v2, v0  }
0x4a2: {  	v2 =	vld [tilespmem:s1+$0x120]  }
0x4a3: {  	v0 =	vadd.f32 v3, v0  }
0x4a4: {  	v3 =	vld [tilespmem:s1+$0x160]  }
0x4a5: {  	v0 =	vadd.f32 v1, v0  }
0x4a6: {  	v1 =	vld [tilespmem:s1+$0x1A0]  }
0x4a7: {  	v0 =	vadd.f32 v2, v0  }
0x4a8: {  	v2 =	vld [tilespmem:s1+$0x1E0]  }
0x4a9: {  	v0 =	vadd.f32 v3, v0  }
0x4aa: {  	v3 =	vld [tilespmem:s1+$0x220]  }
0x4ab: {  	v0 =	vadd.f32 v1, v0  }
0x4ac: {  	v1 =	vld [tilespmem:s1+$0x260]  }
0x4ad: {  	v0 =	vadd.f32 v2, v0;
	_ =	sdelay $0x1  }
0x4ae: {  	v0 =	vadd.f32 v3, v0;
	_ =	sdelay $0x1  }
0x4af: {  	v0 =	vadd.f32 v1, v0;
	_ =	sdelay $0x1  }
0x4b0: {  	[tilespmem:s14+$0x20] =	vst v0  }
0x4b1: {  	v0 =	vld [tilespmem:s1+$0xFFFFFDB0]  }
0x4b2: {  	v1 =	vld [tilespmem:s1+$0xFFFFFDF0];
	_ =	sdelay $0x1  }
0x4b3: {  	v2 =	vld [tilespmem:s1+$0xFFFFFE30];
	_ =	sdelay $0x1  }
0x4b4: {  	v3 =	vld [tilespmem:s1+$0xFFFFFE70]  }
0x4b5: {  	v0 =	vadd.f32 v1, v0  }
0x4b6: {  	v1 =	vld [tilespmem:s1+$0xFFFFFEB0]  }
0x4b7: {  	v0 =	vadd.f32 v2, v0  }
0x4b8: {  	v2 =	vld [tilespmem:s1+$0xFFFFFEF0]  }
0x4b9: {  	v0 =	vadd.f32 v3, v0  }
0x4ba: {  	v3 =	vld [tilespmem:s1+$0xFFFFFF30]  }
0x4bb: {  	v0 =	vadd.f32 v1, v0  }
0x4bc: {  	v1 =	vld [tilespmem:s1+$0xFFFFFF70]  }
0x4bd: {  	v0 =	vadd.f32 v2, v0  }
0x4be: {  	v2 =	vld [tilespmem:s1+$0xFFFFFFB0]  }
0x4bf: {  	v0 =	vadd.f32 v3, v0  }
0x4c0: {  	v3 =	vld [tilespmem:s1+$0xFFFFFFF0]  }
0x4c1: {  	v0 =	vadd.f32 v1, v0  }
0x4c2: {  	v1 =	vld [tilespmem:s1+$0x30]  }
0x4c3: {  	v0 =	vadd.f32 v2, v0  }
0x4c4: {  	v2 =	vld [tilespmem:s1+$0x70]  }
0x4c5: {  	v0 =	vadd.f32 v3, v0  }
0x4c6: {  	v3 =	vld [tilespmem:s1+$0xB0]  }
0x4c7: {  	v0 =	vadd.f32 v1, v0  }
0x4c8: {  	v1 =	vld [tilespmem:s1+$0xF0]  }
0x4c9: {  	v0 =	vadd.f32 v2, v0  }
0x4ca: {  	v2 =	vld [tilespmem:s1+$0x130]  }
0x4cb: {  	v0 =	vadd.f32 v3, v0  }
0x4cc: {  	v3 =	vld [tilespmem:s1+$0x170]  }
0x4cd: {  	v0 =	vadd.f32 v1, v0  }
0x4ce: {  	v1 =	vld [tilespmem:s1+$0x1B0]  }
0x4cf: {  	v0 =	vadd.f32 v2, v0;
	_ =	sdelay $0x1  }
0x4d0: {  	v2 =	vld [tilespmem:s1+$0x1F0];
	v0 =	vadd.f32 v3, v0;
	_ =	sdelay $0x1  }
0x4d1: {  	v3 =	vadd.f32 v1, v0;
	v1 =	vld [tilespmem:s1+$0x230];
	_ =	sdelay $0x1  }
0x4d2: {  	v0 =	vld [tilespmem:s1+$0x270]  }
0x4d3: {  	s3 =	simm.s32 $0x40;
	v2 =	vadd.f32 v2, v3  }
.LBB2_22:
0x4d4: {  	p0 =	seq.s32 s3, $0x600  }
0x4d5: {  	s1 =	sadd.s32 $0x500, s1;
	s6 =	smov.u32 s3;
	s3 =	sadd.s32 $0x40, s3;
	v1 =	vadd.f32 v1, v2  }
0x4d6: {  	_ = 	snop  }
0x4d7: {  	v0 =	vadd.f32 v0, v1;
	_ =	sdelay $0x1  }
0x4d8: {  	[tilespmem:s14+$0x30] =	vst v0  }
0x4d9: {  	v0 =	vld [tilespmem:s1+$0xFFFFFD80]  }
0x4da: {  	v1 =	vld [tilespmem:s1+$0xFFFFFDC0];
	_ =	sdelay $0x1  }
0x4db: {  	v2 =	vld [tilespmem:s1+$0xFFFFFE00];
	_ =	sdelay $0x1  }
0x4dc: {  	v3 =	vld [tilespmem:s1+$0xFFFFFE40]  }
0x4dd: {  	v0 =	vadd.f32 v1, v0  }
0x4de: {  	v1 =	vld [tilespmem:s1+$0xFFFFFE80]  }
0x4df: {  	v0 =	vadd.f32 v2, v0  }
0x4e0: {  	v2 =	vld [tilespmem:s1+$0xFFFFFEC0]  }
0x4e1: {  	v0 =	vadd.f32 v3, v0  }
0x4e2: {  	v3 =	vld [tilespmem:s1+$0xFFFFFF00]  }
0x4e3: {  	v0 =	vadd.f32 v1, v0  }
0x4e4: {  	v1 =	vld [tilespmem:s1+$0xFFFFFF40]  }
0x4e5: {  	v0 =	vadd.f32 v2, v0  }
0x4e6: {  	v2 =	vld [tilespmem:s1+$0xFFFFFF80]  }
0x4e7: {  	v0 =	vadd.f32 v3, v0  }
0x4e8: {  	v3 =	vld [tilespmem:s1+$0xFFFFFFC0]  }
0x4e9: {  	v0 =	vadd.f32 v1, v0  }
0x4ea: {  	v1 =	vld [tilespmem:s1+$0x0]  }
0x4eb: {  	v0 =	vadd.f32 v2, v0  }
0x4ec: {  	v2 =	vld [tilespmem:s1+$0x40]  }
0x4ed: {  	v0 =	vadd.f32 v3, v0  }
0x4ee: {  	v3 =	vld [tilespmem:s1+$0x80]  }
0x4ef: {  	v0 =	vadd.f32 v1, v0  }
0x4f0: {  	v1 =	vld [tilespmem:s1+$0xC0]  }
0x4f1: {  	v0 =	vadd.f32 v2, v0  }
0x4f2: {  	v2 =	vld [tilespmem:s1+$0x100]  }
0x4f3: {  	v0 =	vadd.f32 v3, v0  }
0x4f4: {  	v3 =	vld [tilespmem:s1+$0x140]  }
0x4f5: {  	v0 =	vadd.f32 v1, v0  }
0x4f6: {  	v1 =	vld [tilespmem:s1+$0x180]  }
0x4f7: {  	v0 =	vadd.f32 v2, v0  }
0x4f8: {  	v2 =	vld [tilespmem:s1+$0x1C0]  }
0x4f9: {  	v0 =	vadd.f32 v3, v0  }
0x4fa: {  	v3 =	vld [tilespmem:s1+$0x200]  }
0x4fb: {  	v0 =	vadd.f32 v1, v0  }
0x4fc: {  	v1 =	vld [tilespmem:s1+$0x240]  }
0x4fd: {  	v0 =	vadd.f32 v2, v0;
	_ =	sdelay $0x1  }
0x4fe: {  	v0 =	vadd.f32 v3, v0  }
0x4ff: {  	s14 =	sand.u32 $0x780, s6  }
0x500: {  	s6 =	sand.u32 $0x40, s6;
	s14 =	sadd.s32 s14, s0;
	v0 =	vadd.f32 v1, v0  }
0x501: {  	s14 =	sadd.s32 s6, s14  }
0x502: {  	[tilespmem:s14+$0x0] =	vst v0  }
0x503: {  	v0 =	vld [tilespmem:s1+$0xFFFFFD90]  }
0x504: {  	v1 =	vld [tilespmem:s1+$0xFFFFFDD0];
	_ =	sdelay $0x1  }
0x505: {  	v2 =	vld [tilespmem:s1+$0xFFFFFE10];
	_ =	sdelay $0x1  }
0x506: {  	v3 =	vld [tilespmem:s1+$0xFFFFFE50]  }
0x507: {  	v0 =	vadd.f32 v1, v0  }
0x508: {  	v1 =	vld [tilespmem:s1+$0xFFFFFE90]  }
0x509: {  	v0 =	vadd.f32 v2, v0  }
0x50a: {  	v2 =	vld [tilespmem:s1+$0xFFFFFED0]  }
0x50b: {  	v0 =	vadd.f32 v3, v0  }
0x50c: {  	v3 =	vld [tilespmem:s1+$0xFFFFFF10]  }
0x50d: {  	v0 =	vadd.f32 v1, v0  }
0x50e: {  	v1 =	vld [tilespmem:s1+$0xFFFFFF50]  }
0x50f: {  	v0 =	vadd.f32 v2, v0  }
0x510: {  	v2 =	vld [tilespmem:s1+$0xFFFFFF90]  }
0x511: {  	v0 =	vadd.f32 v3, v0  }
0x512: {  	v3 =	vld [tilespmem:s1+$0xFFFFFFD0]  }
0x513: {  	v0 =	vadd.f32 v1, v0  }
0x514: {  	v1 =	vld [tilespmem:s1+$0x10]  }
0x515: {  	v0 =	vadd.f32 v2, v0  }
0x516: {  	v2 =	vld [tilespmem:s1+$0x50]  }
0x517: {  	v0 =	vadd.f32 v3, v0  }
0x518: {  	v3 =	vld [tilespmem:s1+$0x90]  }
0x519: {  	v0 =	vadd.f32 v1, v0  }
0x51a: {  	v1 =	vld [tilespmem:s1+$0xD0]  }
0x51b: {  	v0 =	vadd.f32 v2, v0  }
0x51c: {  	v2 =	vld [tilespmem:s1+$0x110]  }
0x51d: {  	v0 =	vadd.f32 v3, v0  }
0x51e: {  	v3 =	vld [tilespmem:s1+$0x150]  }
0x51f: {  	v0 =	vadd.f32 v1, v0  }
0x520: {  	v1 =	vld [tilespmem:s1+$0x190]  }
0x521: {  	v0 =	vadd.f32 v2, v0  }
0x522: {  	v2 =	vld [tilespmem:s1+$0x1D0]  }
0x523: {  	v0 =	vadd.f32 v3, v0  }
0x524: {  	v3 =	vld [tilespmem:s1+$0x210]  }
0x525: {  	v0 =	vadd.f32 v1, v0  }
0x526: {  	v1 =	vld [tilespmem:s1+$0x250]  }
0x527: {  	v0 =	vadd.f32 v2, v0;
	_ =	sdelay $0x1  }
0x528: {  	v0 =	vadd.f32 v3, v0;
	_ =	sdelay $0x1  }
0x529: {  	v0 =	vadd.f32 v1, v0;
	_ =	sdelay $0x1  }
0x52a: {  	[tilespmem:s14+$0x10] =	vst v0  }
0x52b: {  	v0 =	vld [tilespmem:s1+$0xFFFFFDA0]  }
0x52c: {  	v1 =	vld [tilespmem:s1+$0xFFFFFDE0];
	_ =	sdelay $0x1  }
0x52d: {  	v2 =	vld [tilespmem:s1+$0xFFFFFE20];
	_ =	sdelay $0x1  }
0x52e: {  	v3 =	vld [tilespmem:s1+$0xFFFFFE60]  }
0x52f: {  	v0 =	vadd.f32 v1, v0  }
0x530: {  	v1 =	vld [tilespmem:s1+$0xFFFFFEA0]  }
0x531: {  	v0 =	vadd.f32 v2, v0  }
0x532: {  	v2 =	vld [tilespmem:s1+$0xFFFFFEE0]  }
0x533: {  	v0 =	vadd.f32 v3, v0  }
0x534: {  	v3 =	vld [tilespmem:s1+$0xFFFFFF20]  }
0x535: {  	v0 =	vadd.f32 v1, v0  }
0x536: {  	v1 =	vld [tilespmem:s1+$0xFFFFFF60]  }
0x537: {  	v0 =	vadd.f32 v2, v0  }
0x538: {  	v2 =	vld [tilespmem:s1+$0xFFFFFFA0]  }
0x539: {  	v0 =	vadd.f32 v3, v0  }
0x53a: {  	v3 =	vld [tilespmem:s1+$0xFFFFFFE0]  }
0x53b: {  	v0 =	vadd.f32 v1, v0  }
0x53c: {  	v1 =	vld [tilespmem:s1+$0x20]  }
0x53d: {  	v0 =	vadd.f32 v2, v0  }
0x53e: {  	v2 =	vld [tilespmem:s1+$0x60]  }
0x53f: {  	v0 =	vadd.f32 v3, v0  }
0x540: {  	v3 =	vld [tilespmem:s1+$0xA0]  }
0x541: {  	v0 =	vadd.f32 v1, v0  }
0x542: {  	v1 =	vld [tilespmem:s1+$0xE0]  }
0x543: {  	v0 =	vadd.f32 v2, v0  }
0x544: {  	v2 =	vld [tilespmem:s1+$0x120]  }
0x545: {  	v0 =	vadd.f32 v3, v0  }
0x546: {  	v3 =	vld [tilespmem:s1+$0x160]  }
0x547: {  	v0 =	vadd.f32 v1, v0  }
0x548: {  	v1 =	vld [tilespmem:s1+$0x1A0]  }
0x549: {  	v0 =	vadd.f32 v2, v0  }
0x54a: {  	v2 =	vld [tilespmem:s1+$0x1E0]  }
0x54b: {  	v0 =	vadd.f32 v3, v0  }
0x54c: {  	v3 =	vld [tilespmem:s1+$0x220]  }
0x54d: {  	v0 =	vadd.f32 v1, v0  }
0x54e: {  	v1 =	vld [tilespmem:s1+$0x260]  }
0x54f: {  	v0 =	vadd.f32 v2, v0;
	_ =	sdelay $0x1  }
0x550: {  	v0 =	vadd.f32 v3, v0;
	_ =	sdelay $0x1  }
0x551: {  	v0 =	vadd.f32 v1, v0;
	_ =	sdelay $0x1  }
0x552: {  	[tilespmem:s14+$0x20] =	vst v0  }
0x553: {  	v0 =	vld [tilespmem:s1+$0xFFFFFDB0]  }
0x554: {  	v1 =	vld [tilespmem:s1+$0xFFFFFDF0]  }
0x555: {  	v2 =	vld [tilespmem:s1+$0xFFFFFE30]  }
0x556: {  	v3 =	vld [tilespmem:s1+$0xFFFFFE70]  }
0x557: {  	v4 =	vld [tilespmem:s1+$0xFFFFFEB0]  }
0x558: {  	v5 =	vld [tilespmem:s1+$0xFFFFFEF0]  }
0x559: {  	v0 =	vadd.f32 v1, v0;
	v1 =	vld [tilespmem:s1+$0xFFFFFF30]  }
0x55a: {  	v6 =	vld [tilespmem:s1+$0xFFFFFF70]  }
0x55b: {  	v0 =	vadd.f32 v2, v0;
	v2 =	vld [tilespmem:s1+$0xFFFFFFB0]  }
0x55c: {  	v7 =	vld [tilespmem:s1+$0xFFFFFFF0]  }
0x55d: {  	v0 =	vadd.f32 v3, v0;
	v3 =	vld [tilespmem:s1+$0x30]  }
0x55e: {  	v8 =	vld [tilespmem:s1+$0x70]  }
0x55f: {  	v0 =	vadd.f32 v4, v0;
	v4 =	vld [tilespmem:s1+$0xB0]  }
0x560: {  	v9 =	vld [tilespmem:s1+$0xF0]  }
0x561: {  	v0 =	vadd.f32 v5, v0;
	v5 =	vld [tilespmem:s1+$0x130]  }
0x562: {  	v10 =	vld [tilespmem:s1+$0x170]  }
0x563: {  	v0 =	vadd.f32 v1, v0;
	v11 =	vld [tilespmem:s1+$0x1B0]  }
0x564: {  	v12 =	vld [tilespmem:s1+$0x1F0]  }
0x565: {  	v6 =	vadd.f32 v6, v0;
	v1 =	vld [tilespmem:s1+$0x230]  }
0x566: {  	v0 =	vld [tilespmem:s1+$0x270]  }
0x567: {  	v2 =	vadd.f32 v2, v6;
	_ =	sdelay $0x1  }
0x568: {  	v2 =	vadd.f32 v7, v2;
	_ =	sdelay $0x1  }
0x569: {  	v2 =	vadd.f32 v3, v2;
	_ =	sdelay $0x1  }
0x56a: {  	v2 =	vadd.f32 v8, v2;
	_ =	sdelay $0x1  }
0x56b: {  	v2 =	vadd.f32 v4, v2;
	_ =	sdelay $0x1  }
0x56c: {  	v2 =	vadd.f32 v9, v2;
	_ =	sdelay $0x1  }
0x56d: {  	v2 =	vadd.f32 v5, v2;
	_ =	sdelay $0x1  }
.Ltmp16:
0x56e: {  	v2 =	vadd.f32 v10, v2;
	(pc) =	sbr.rel @!p0 .LBB2_22-.Ltmp16, $3  }
0x56f: {  	_ = 	snop  }
0x570: {  	v2 =	vadd.f32 v11, v2;
	_ =	sdelay $0x1  }
0x571: {  	v2 =	vadd.f32 v12, v2  }
0x572: {  	_ = 	snop  }
.Ltmp17:
0x573: {  	v1 =	vadd.f32 v1, v2;
	(pc) =	sbr.rel .LBB2_24-.Ltmp17, $3  }
0x574: {  	_ = 	snop  }
0x575: {  	v0 =	vadd.f32 v0, v1;
	_ =	sdelay $0x1  }
0x576: {  	[tilespmem:s14+$0x30] =	vst v0  }
.LBB2_26:
0x577: {  	_ =	sfence.sel $0x180000  }
0x578: {  	[bflag:$0x0] =	sbarrier.arrive $0xFFFF  }
0x579: {  	_ =	strace $0x90000047  }
0x57a: {  	s0 =	stileid.u32;
	[bflag:$0x2] =	sbarrier.arrive $0xFFFF  }
0x57b: {  	p0 =	sne.s32 s0, $0x0;
	s0 =	rddreg [dreg:$0x2]  }
0x57c: {  	s0 =	sadd.s32 @!p0 $0x100000, s0  }
0x57d: {  	[sflag:s0] =	ssyncadd.tile.s32 @!p0 $0x1;
	_ =	shalt  }
.Lfunc_end2:
_tile_overlayer_lowered:
.L_overlay_start_2:
0x57e: {  	(tag) =	ssettag $0x2  }
0x57f: {  	s0 =	rddreg [dreg:$0x0];
	s2 =	stileid.u32  }
0x580: {  	s1 =	rddreg [dreg:$0x1];
	p0 =	sne.s32 s2, $0x0  }
0x581: {  	s3 =	rddreg [dreg:$0x2];
	[bflag:$0x3] =	sbarrier.arrive $0xFFFF;
	s2 =	simm.s32 @!p0 $0x1C05  }
0x582: {  	[timem:s3], [sflag:s2] =	dma.local @!p0 [hbm:s0], s1  }
0x583: {  	s0 =	simm.s32 @!p0 $0x5  }
0x584: {  	_ =	swait.ge @!p0 [sflag:s0], s1  }
0x585: {  	s1 =	ssub.s32 @!p0 $0x0, s1;
	[sflag:s0] =	ssyncset.done @!p0 $0x0  }
0x586: {  	[sflag:s0] =	ssyncadd.s32 @!p0 s1  }
0x587: {  	[bflag:$0x3] =	sbarrier.arrive $0xFFFF  }
0x588: {  	_ =	shalt  }

</sc_bundles>
